<compile_context>
chip_gen: v7x
topology: tpu7x:2x2x1
jax: 0.10.2.dev20260603
libtpu: 0.0.44.dev20260713+nightly
codegen_flags: <defaults>
</compile_context>

<pallas_src>
import functools

import jax
import jax.numpy as jnp
from jax import lax
from jax.experimental import pallas as pl
from jax.experimental.pallas import tpu as pltpu
from jax.experimental.pallas import tpu_sc as plsc

_NC, _NS, _L = 2, 16, 16
_NW = _NC * _NS
_CHUNK = 32
_NBUF = 3


def _sc_shift_gather(rows_hbm, evicts_hbm, lens_hbm, sink_hbm, *, n_rows, d, bsz):
    rows_per_w = n_rows // _NW
    n_chunks = rows_per_w // _CHUNK
    w_per_b = _NW // bsz
    mesh = plsc.VectorSubcoreMesh(core_axis_name="c", subcore_axis_name="s")

    @functools.partial(
        pl.kernel,
        mesh=mesh,
        out_type=jax.ShapeDtypeStruct((n_rows, 8, d // 8), jnp.float32),
        scratch_types=(
            [pltpu.VMEM((_L,), jnp.int32) for _ in range(3)]
            + [pltpu.VMEM((_CHUNK,), jnp.int32) for _ in range(_NBUF)]
            + [pltpu.VMEM((_CHUNK, 8, d // 8), jnp.float32) for _ in range(_NBUF)]
            + [pltpu.SemaphoreType.DMA for _ in range(2 * _NBUF)]
        ),
    )
    def k(rows, evicts_h, lens_h, sink_h, out, ne_v, cl_v, sk_v, *ring):
        idx_slots = ring[:_NBUF]
        buf_slots = ring[_NBUF:2 * _NBUF]
        gsem = ring[2 * _NBUF:3 * _NBUF]
        ssem = ring[3 * _NBUF:]
        wid = lax.axis_index("s") * _NC + lax.axis_index("c")
        b = wid // w_per_b
        row_base = wid * rows_per_w

        pltpu.sync_copy(evicts_h, ne_v.at[pl.ds(0, bsz)])
        pltpu.sync_copy(lens_h, cl_v.at[pl.ds(0, bsz)])
        pltpu.sync_copy(sink_h, sk_v.at[pl.ds(0, 1)])
        lane = lax.iota(jnp.int32, _L)
        bvec = jnp.full((_L,), b, jnp.int32)
        zvec = jnp.zeros((_L,), jnp.int32)

        def take(vec, idx):
            return lax.gather(
                vec, idx[:, None],
                lax.GatherDimensionNumbers(
                    offset_dims=(), collapsed_slice_dims=(0,),
                    start_index_map=(0,)),
                slice_sizes=(1,),
                mode=lax.GatherScatterMode.PROMISE_IN_BOUNDS)

        evict = take(ne_v[...], bvec)
        target = take(cl_v[...], bvec) - evict
        sink = take(sk_v[...], zvec)

        def fill_idx(j, slot):
            for g in range(_CHUNK // _L):
                r = row_base + j * _CHUNK + g * _L + lane
                tok = r & 15
                plane = (r >> 4) & 1
                t = ((r >> 5) & 127) * 16 + tok
                in_region = (t >= sink) & (t < target)
                src_t = jnp.where(in_region, t + evict, t)
                src_r = ((b * 4096)
                         + ((src_t >> 4) << 5)
                         + (plane << 4)
                         + (src_t & 15))
                idx_slots[slot][pl.ds(g * _L, _L)] = src_r

        def g_start(j, slot):
            return pltpu.async_copy(
                rows.at[idx_slots[slot]], buf_slots[slot], gsem[slot])

        def s_start(j, slot):
            return pltpu.async_copy(
                buf_slots[slot],
                out.at[pl.ds(row_base + j * _CHUNK, _CHUNK)],
                ssem[slot])

        g_pend = [None] * _NBUF
        s_pend = [None] * _NBUF
        for j in range(min(_NBUF, n_chunks)):
            fill_idx(j, j)
            g_pend[j] = g_start(j, j)
        for j in range(n_chunks):
            slot = j % _NBUF
            g_pend[slot].wait()
            s_pend[slot] = s_start(j, slot)
            jn = j + _NBUF
            if jn < n_chunks:
                s_pend[slot].wait()
                s_pend[slot] = None
                fill_idx(jn, slot)
                g_pend[slot] = g_start(jn, slot)
        for p in s_pend:
            if p is not None:
                p.wait()

    return k(rows_hbm, evicts_hbm, lens_hbm, sink_hbm)


def kernel(kv_cache, num_evicts, cachelens, num_sink_tokens, n_local_heads, head_dim):
    P, two, S, H, Dh = kv_cache.shape
    bsz = num_evicts.shape[0]
    n_rows = P * two * S
    d = H * Dh

    rows = kv_cache.reshape(n_rows, H, Dh)
    evicts = num_evicts.astype(jnp.int32)
    lens = cachelens.astype(jnp.int32)
    sink1 = jnp.asarray(num_sink_tokens, jnp.int32).reshape(1)

    out = _sc_shift_gather(rows, evicts, lens, sink1,
                           n_rows=n_rows, d=d, bsz=bsz)
    return out.reshape(P, two, S, H, Dh)

# --- scband reference (transcript-rebuilt; emitter-appended) ---
"""Pipeline reference for scband-streaming-kvcache-87857851007393 (READ-ONLY COPY).

The authoritative reference and input builder live on the scoring server;
editing this copy changes nothing except your own understanding.
"""

import jax, jax.numpy as jnp
import numpy as np


def setup_inputs(seed: int = 0) -> dict:
    key = jax.random.key(seed)
    k1, k2, k3 = jax.random.split(key, 3)
    max_num_pages, page_size, n_heads, head_dim = 1024, 16, 8, 128
    bsz = 8
    # kv_cache buffer: (max_num_pages, 2, page_size, n_heads, head_dim)
    kv_cache = jax.random.normal(k1, (max_num_pages, 2, page_size, n_heads, head_dim), dtype=jnp.float32)
    num_evicts = jax.random.randint(k2, (bsz,), 0, 16, dtype=jnp.int32)
    # cachelens must satisfy cachelens - num_evicts >= num_sink_tokens and cachelens <= L (=2048)
    cachelens = jax.random.randint(k3, (bsz,), 1024, 2048, dtype=jnp.int32)
    return {
        "kv_cache": kv_cache,
        "num_evicts": num_evicts,
        "cachelens": cachelens,
        "num_sink_tokens": 4,
        "n_local_heads": n_heads,
        "head_dim": head_dim,
    }


def reference(kv_cache, num_evicts, cachelens, num_sink_tokens, n_local_heads, head_dim):
    bsz = num_evicts.shape[0]
    page_size = kv_cache.shape[2]
    n_h = kv_cache.shape[3]
    h_d = kv_cache.shape[4]
    dep = (jnp.asarray(n_local_heads, jnp.int32) - n_h) + (jnp.asarray(head_dim, jnp.int32) - h_d)
    key_states = kv_cache[:, 0].reshape(bsz, -1, n_h, h_d)
    value_states = kv_cache[:, 1].reshape(bsz, -1, n_h, h_d)
    L = key_states.shape[1]
    positions = jnp.arange(L, dtype=jnp.int32)[None, :]  # (1, L) broadcast over batch
    target_cachelens = cachelens - num_evicts
    # write region: [num_sink_tokens, target_cachelens)
    mask_write = (positions >= num_sink_tokens) & (positions < target_cachelens[:, None])  # (bsz, L)
    # the boolean-masked copy key[mask_write] = key[mask_read] is equivalent to, per batch b,
    # for p in [sink, target_b): key[b, p] = key[b, p + num_evicts[b]]
    src = jnp.clip(positions + num_evicts[:, None] + dep, 0, L - 1)  # (bsz, L)
    idx = jnp.broadcast_to(src[:, :, None, None], (bsz, L, n_h, h_d))
    gathered_k = jnp.take_along_axis(key_states, idx, axis=1)
    gathered_v = jnp.take_along_axis(value_states, idx, axis=1)
    mw = mask_write[:, :, None, None]
    new_k = jnp.where(mw, gathered_k, key_states)
    new_v = jnp.where(mw, gathered_v, value_states)
    kv0 = new_k.reshape(-1, page_size, n_h, h_d)
    kv1 = new_v.reshape(-1, page_size, n_h, h_d)
    out = jnp.stack([kv0, kv1], axis=1)  # (max_num_pages, 2, page_size, n_heads, head_dim)
    return out

if __name__ == "__main__":
    import jax
    _d = setup_inputs()
    print(jax.jit(kernel)(*tuple(_d.values())))

</pallas_src>

<mosaic_0001>
#map = affine_map<(d0, d1) -> (0, 0, 0)>
#map1 = affine_map<(d0, d1) -> (0)>
module attributes {stable_mosaic.version = 14 : i64} {
  func.func @k(%arg0: i32, %arg1: i32, %arg2: memref<32768x8x128xf32, #tpu.memory_space<hbm>>, %arg3: memref<8xi32, #tpu.memory_space<hbm>>, %arg4: memref<8xi32, #tpu.memory_space<hbm>>, %arg5: memref<1xi32, #tpu.memory_space<hbm>>, %arg6: memref<32768x8x128xf32, #tpu.memory_space<hbm>>, %arg7: memref<16xi32, #tpu.memory_space<vmem>>, %arg8: memref<16xi32, #tpu.memory_space<vmem>>, %arg9: memref<16xi32, #tpu.memory_space<vmem>>, %arg10: memref<32xi32, #tpu.memory_space<vmem>>, %arg11: memref<32xi32, #tpu.memory_space<vmem>>, %arg12: memref<32xi32, #tpu.memory_space<vmem>>, %arg13: memref<32x8x128xf32, #tpu.memory_space<vmem>>, %arg14: memref<32x8x128xf32, #tpu.memory_space<vmem>>, %arg15: memref<32x8x128xf32, #tpu.memory_space<vmem>>, %arg16: memref<!tpu.dma_semaphore, #tpu.memory_space<semaphore_mem>>, %arg17: memref<!tpu.dma_semaphore, #tpu.memory_space<semaphore_mem>>, %arg18: memref<!tpu.dma_semaphore, #tpu.memory_space<semaphore_mem>>, %arg19: memref<!tpu.dma_semaphore, #tpu.memory_space<semaphore_mem>>, %arg20: memref<!tpu.dma_semaphore, #tpu.memory_space<semaphore_mem>>, %arg21: memref<!tpu.dma_semaphore, #tpu.memory_space<semaphore_mem>>) attributes {dimension_semantics = [#tpu.dimension_semantics<core_parallel>, #tpu.dimension_semantics<subcore_parallel>], iteration_bounds = array<i64: 2, 16>, scalar_prefetch = 0 : i64, scratch_operands = 15 : i64, tpu.core_type = #tpu.core_type<sc_vector_subcore>, window_params = [{transform_indices = #map}, {transform_indices = #map1}, {transform_indices = #map1}, {transform_indices = #map1}, {transform_indices = #map}]} {
    %mul3A = arith.constant 2 : i32
    %mul3A_0 = arith.muli %arg1, %mul3A : i32
    %add3A = arith.addi %mul3A_0, %arg0 : i32
    %jit3A = arith.constant 4 : i32
    %div3A = arith.divsi %add3A, %jit3A : i32
    %sign3A = arith.constant 0 : i32
    %sign3A_1 = arith.cmpi sgt, %add3A, %sign3A : i32
    %sign3A_2 = arith.extui %sign3A_1 : i1 to i32
    %sign3A_3 = arith.constant 0 : i32
    %sign3A_4 = arith.cmpi slt, %add3A, %sign3A_3 : i32
    %sign3A_5 = arith.extui %sign3A_4 : i1 to i32
    %sign3A_6 = arith.subi %sign3A_2, %sign3A_5 : i32
    %sign3A_7 = arith.constant 0 : i32
    %sign3A_8 = arith.cmpi sgt, %jit3A, %sign3A_7 : i32
    %sign3A_9 = arith.extui %sign3A_8 : i1 to i32
    %sign3A_10 = arith.constant 0 : i32
    %sign3A_11 = arith.cmpi slt, %jit3A, %sign3A_10 : i32
    %sign3A_12 = arith.extui %sign3A_11 : i1 to i32
    %sign3A_13 = arith.subi %sign3A_9, %sign3A_12 : i32
    %ne3A = arith.cmpi ne, %sign3A_6, %sign3A_13 : i32
    %rem3A = arith.remsi %add3A, %jit3A : i32
    %ne3A_14 = arith.constant 0 : i32
    %ne3A_15 = arith.cmpi ne, %rem3A, %ne3A_14 : i32
    %and3A = arith.andi %ne3A, %ne3A_15 : i1
    %sub3A = arith.constant 1 : i32
    %sub3A_16 = arith.subi %div3A, %sub3A : i32
    %select_n3A = arith.select %and3A, %sub3A_16, %div3A : i32
    %mul3A_17 = arith.constant 1024 : i32
    %mul3A_18 = arith.muli %add3A, %mul3A_17 : i32
    "tpu.region"() ({
      %run_scoped3A = tpu.sem_alloc : memref<!tpu.dma_semaphore, #tpu.memory_space<semaphore_mem>>
      %dma_start3A_4063 = arith.constant 0 : i32
      %dma_start3A_4064 = tpu.memref_slice %arg7[%dma_start3A_4063] : memref<16xi32, #tpu.memory_space<vmem>> -> memref<8xi32, #tpu.memory_space<vmem>>
      %dma_start3A_4065 = arith.constant 0 : i32
      %dma_start3A_4066 = tpu.memref_slice %arg7[%dma_start3A_4065] : memref<16xi32, #tpu.memory_space<vmem>> -> memref<8xi32, #tpu.memory_space<vmem>>
      tpu.enqueue_dma source(%arg3 : memref<8xi32, #tpu.memory_space<hbm>>) target(%dma_start3A_4066 : memref<8xi32, #tpu.memory_space<vmem>>) target_semaphore(%run_scoped3A : memref<!tpu.dma_semaphore, #tpu.memory_space<semaphore_mem>>)
      %dma_wait3A_4067 = arith.constant 0 : i32
      %dma_wait3A_4068 = tpu.memref_slice %arg7[%dma_wait3A_4067] : memref<16xi32, #tpu.memory_space<vmem>> -> memref<8xi32, #tpu.memory_space<vmem>>
      %dma_wait3A_4069 = arith.constant 0 : i32
      %dma_wait3A_4070 = tpu.memref_slice %arg7[%dma_wait3A_4069] : memref<16xi32, #tpu.memory_space<vmem>> -> memref<8xi32, #tpu.memory_space<vmem>>
      tpu.wait_dma2 semaphore(%run_scoped3A : memref<!tpu.dma_semaphore, #tpu.memory_space<semaphore_mem>>) src(%arg3 : memref<8xi32, #tpu.memory_space<hbm>>) dst(%dma_wait3A_4070 : memref<8xi32, #tpu.memory_space<vmem>>)
      tpu.yield
    }) : () -> ()
    "tpu.region"() ({
      %run_scoped3A = tpu.sem_alloc : memref<!tpu.dma_semaphore, #tpu.memory_space<semaphore_mem>>
      %dma_start3A_4063 = arith.constant 0 : i32
      %dma_start3A_4064 = tpu.memref_slice %arg8[%dma_start3A_4063] : memref<16xi32, #tpu.memory_space<vmem>> -> memref<8xi32, #tpu.memory_space<vmem>>
      %dma_start3A_4065 = arith.constant 0 : i32
      %dma_start3A_4066 = tpu.memref_slice %arg8[%dma_start3A_4065] : memref<16xi32, #tpu.memory_space<vmem>> -> memref<8xi32, #tpu.memory_space<vmem>>
      tpu.enqueue_dma source(%arg4 : memref<8xi32, #tpu.memory_space<hbm>>) target(%dma_start3A_4066 : memref<8xi32, #tpu.memory_space<vmem>>) target_semaphore(%run_scoped3A : memref<!tpu.dma_semaphore, #tpu.memory_space<semaphore_mem>>)
      %dma_wait3A_4067 = arith.constant 0 : i32
      %dma_wait3A_4068 = tpu.memref_slice %arg8[%dma_wait3A_4067] : memref<16xi32, #tpu.memory_space<vmem>> -> memref<8xi32, #tpu.memory_space<vmem>>
      %dma_wait3A_4069 = arith.constant 0 : i32
      %dma_wait3A_4070 = tpu.memref_slice %arg8[%dma_wait3A_4069] : memref<16xi32, #tpu.memory_space<vmem>> -> memref<8xi32, #tpu.memory_space<vmem>>
      tpu.wait_dma2 semaphore(%run_scoped3A : memref<!tpu.dma_semaphore, #tpu.memory_space<semaphore_mem>>) src(%arg4 : memref<8xi32, #tpu.memory_space<hbm>>) dst(%dma_wait3A_4070 : memref<8xi32, #tpu.memory_space<vmem>>)
      tpu.yield
    }) : () -> ()
    "tpu.region"() ({
      %run_scoped3A = tpu.sem_alloc : memref<!tpu.dma_semaphore, #tpu.memory_space<semaphore_mem>>
      %dma_start3A_4063 = arith.constant 0 : i32
      %dma_start3A_4064 = tpu.memref_slice %arg9[%dma_start3A_4063] : memref<16xi32, #tpu.memory_space<vmem>> -> memref<1xi32, #tpu.memory_space<vmem>>
      %dma_start3A_4065 = arith.constant 0 : i32
      %dma_start3A_4066 = tpu.memref_slice %arg9[%dma_start3A_4065] : memref<16xi32, #tpu.memory_space<vmem>> -> memref<1xi32, #tpu.memory_space<vmem>>
      tpu.enqueue_dma source(%arg5 : memref<1xi32, #tpu.memory_space<hbm>>) target(%dma_start3A_4066 : memref<1xi32, #tpu.memory_space<vmem>>) target_semaphore(%run_scoped3A : memref<!tpu.dma_semaphore, #tpu.memory_space<semaphore_mem>>)
      %dma_wait3A_4067 = arith.constant 0 : i32
      %dma_wait3A_4068 = tpu.memref_slice %arg9[%dma_wait3A_4067] : memref<16xi32, #tpu.memory_space<vmem>> -> memref<1xi32, #tpu.memory_space<vmem>>
      %dma_wait3A_4069 = arith.constant 0 : i32
      %dma_wait3A_4070 = tpu.memref_slice %arg9[%dma_wait3A_4069] : memref<16xi32, #tpu.memory_space<vmem>> -> memref<1xi32, #tpu.memory_space<vmem>>
      tpu.wait_dma2 semaphore(%run_scoped3A : memref<!tpu.dma_semaphore, #tpu.memory_space<semaphore_mem>>) src(%arg5 : memref<1xi32, #tpu.memory_space<hbm>>) dst(%dma_wait3A_4070 : memref<1xi32, #tpu.memory_space<vmem>>)
      tpu.yield
    }) : () -> ()
    %iota3A = tpu.iota {dimensions = array<i32: 0>} : vector<16xi32>
    %broadcast_in_dim3A = vector.broadcast %select_n3A : i32 to vector<16xi32>
    %broadcast_in_dim3A_19 = arith.constant 0 : i32
    %broadcast_in_dim3A_20 = vector.broadcast %broadcast_in_dim3A_19 : i32 to vector<16xi32>
    %get3A = arith.constant 0 : index
    %get3A_21 = tpu.vector_load %arg7[%get3A] {strides = array<i32>} : memref<16xi32, #tpu.memory_space<vmem>>, vector<16xi32>,
    %get3A_22 = vector.shape_cast %get3A_21 : vector<16xi32> to vector<16xi32>
    %broadcast_in_dim3A_23 = vector.shape_cast %broadcast_in_dim3A : vector<16xi32> to vector<16x1xi32>
    %gather3A = vector.shape_cast %broadcast_in_dim3A_23 : vector<16x1xi32> to vector<16xi32>
    %gather3A_24 = tpu.dynamic_gather %get3A_22[%gather3A] in [0] : vector<16xi32>, vector<16xi32> -> vector<16xi32>
    %get3A_25 = arith.constant 0 : index
    %get3A_26 = tpu.vector_load %arg8[%get3A_25] {strides = array<i32>} : memref<16xi32, #tpu.memory_space<vmem>>, vector<16xi32>,
    %get3A_27 = vector.shape_cast %get3A_26 : vector<16xi32> to vector<16xi32>
    %broadcast_in_dim3A_28 = vector.shape_cast %broadcast_in_dim3A : vector<16xi32> to vector<16x1xi32>
    %gather3A_29 = vector.shape_cast %broadcast_in_dim3A_28 : vector<16x1xi32> to vector<16xi32>
    %gather3A_30 = tpu.dynamic_gather %get3A_27[%gather3A_29] in [0] : vector<16xi32>, vector<16xi32> -> vector<16xi32>
    %sub3A_31 = arith.subi %gather3A_30, %gather3A_24 : vector<16xi32>
    %get3A_32 = arith.constant 0 : index
    %get3A_33 = tpu.vector_load %arg9[%get3A_32] {strides = array<i32>} : memref<16xi32, #tpu.memory_space<vmem>>, vector<16xi32>,
    %get3A_34 = vector.shape_cast %get3A_33 : vector<16xi32> to vector<16xi32>
    %broadcast_in_dim3A_35 = vector.shape_cast %broadcast_in_dim3A_20 : vector<16xi32> to vector<16x1xi32>
    %gather3A_36 = vector.shape_cast %broadcast_in_dim3A_35 : vector<16x1xi32> to vector<16xi32>
    %gather3A_37 = tpu.dynamic_gather %get3A_34[%gather3A_36] in [0] : vector<16xi32>, vector<16xi32> -> vector<16xi32>
    %add3A_38 = arith.constant 0 : i32
    %add3A_39 = arith.addi %mul3A_18, %add3A_38 : i32
    %add3A_40 = arith.constant 0 : i32
    %add3A_41 = arith.addi %add3A_39, %add3A_40 : i32
    %add3A_42 = vector.broadcast %add3A_41 : i32 to vector<16xi32>
    %add3A_43 = arith.addi %add3A_42, %iota3A : vector<16xi32>
    %and3A_44 = arith.constant 15 : i32
    %and3A_45 = vector.broadcast %and3A_44 : i32 to vector<16xi32>
    %and3A_46 = arith.andi %add3A_43, %and3A_45 : vector<16xi32>
    %shift_right_arithmetic3A = arith.constant 4 : i32
    %shift_right_arithmetic3A_47 = vector.broadcast %shift_right_arithmetic3A : i32 to vector<16xi32>
    %shift_right_arithmetic3A_48 = arith.shrsi %add3A_43, %shift_right_arithmetic3A_47 : vector<16xi32>
    %and3A_49 = arith.constant 1 : i32
    %and3A_50 = vector.broadcast %and3A_49 : i32 to vector<16xi32>
    %and3A_51 = arith.andi %shift_right_arithmetic3A_48, %and3A_50 : vector<16xi32>
    %shift_right_arithmetic3A_52 = arith.constant 5 : i32
    %shift_right_arithmetic3A_53 = vector.broadcast %shift_right_arithmetic3A_52 : i32 to vector<16xi32>
    %shift_right_arithmetic3A_54 = arith.shrsi %add3A_43, %shift_right_arithmetic3A_53 : vector<16xi32>
    %and3A_55 = arith.constant 127 : i32
    %and3A_56 = vector.broadcast %and3A_55 : i32 to vector<16xi32>
    %and3A_57 = arith.andi %shift_right_arithmetic3A_54, %and3A_56 : vector<16xi32>
    %mul3A_58 = arith.constant 16 : i32
    %mul3A_59 = vector.broadcast %mul3A_58 : i32 to vector<16xi32>
    %mul3A_60 = arith.muli %and3A_57, %mul3A_59 : vector<16xi32>
    %add3A_61 = arith.addi %mul3A_60, %and3A_46 : vector<16xi32>
    %ge3A = arith.cmpi sge, %add3A_61, %gather3A_37 : vector<16xi32>
    %lt3A = arith.cmpi slt, %add3A_61, %sub3A_31 : vector<16xi32>
    %and3A_62 = arith.andi %ge3A, %lt3A : vector<16xi1>
    %add3A_63 = arith.addi %add3A_61, %gather3A_24 : vector<16xi32>
    %select_n3A_64 = arith.select %and3A_62, %add3A_63, %add3A_61 : vector<16xi1>, vector<16xi32>
    %mul3A_65 = arith.constant 4096 : i32
    %mul3A_66 = arith.muli %select_n3A, %mul3A_65 : i32
    %shift_right_arithmetic3A_67 = arith.constant 4 : i32
    %shift_right_arithmetic3A_68 = vector.broadcast %shift_right_arithmetic3A_67 : i32 to vector<16xi32>
    %shift_right_arithmetic3A_69 = arith.shrsi %select_n3A_64, %shift_right_arithmetic3A_68 : vector<16xi32>
    %shift_left3A = arith.constant 5 : i32
    %shift_left3A_70 = vector.broadcast %shift_left3A : i32 to vector<16xi32>
    %shift_left3A_71 = arith.shli %shift_right_arithmetic3A_69, %shift_left3A_70 : vector<16xi32>
    %add3A_72 = vector.broadcast %mul3A_66 : i32 to vector<16xi32>
    %add3A_73 = arith.addi %add3A_72, %shift_left3A_71 : vector<16xi32>
    %shift_left3A_74 = arith.constant 4 : i32
    %shift_left3A_75 = vector.broadcast %shift_left3A_74 : i32 to vector<16xi32>
    %shift_left3A_76 = arith.shli %and3A_51, %shift_left3A_75 : vector<16xi32>
    %add3A_77 = arith.addi %add3A_73, %shift_left3A_76 : vector<16xi32>
    %and3A_78 = arith.constant 15 : i32
    %and3A_79 = vector.broadcast %and3A_78 : i32 to vector<16xi32>
    %and3A_80 = arith.andi %select_n3A_64, %and3A_79 : vector<16xi32>
    %add3A_81 = arith.addi %add3A_77, %and3A_80 : vector<16xi32>
    %swap3A = arith.constant 0 : index
    %swap3A_82 = tpu.vector_load %arg10[%swap3A] {strides = array<i32>} : memref<32xi32, #tpu.memory_space<vmem>>, vector<16xi32>,
    %swap3A_83 = vector.shape_cast %swap3A_82 : vector<16xi32> to vector<16xi32>
    %swap3A_84 = vector.shape_cast %add3A_81 : vector<16xi32> to vector<16xi32>
    tpu.vector_store %arg10[%swap3A], %swap3A_84 {strides = array<i32>} : memref<32xi32, #tpu.memory_space<vmem>>, vector<16xi32>,
    %add3A_85 = arith.constant 0 : i32
    %add3A_86 = arith.addi %mul3A_18, %add3A_85 : i32
    %add3A_87 = arith.constant 16 : i32
    %add3A_88 = arith.addi %add3A_86, %add3A_87 : i32
    %add3A_89 = vector.broadcast %add3A_88 : i32 to vector<16xi32>
    %add3A_90 = arith.addi %add3A_89, %iota3A : vector<16xi32>
    %and3A_91 = arith.constant 15 : i32
    %and3A_92 = vector.broadcast %and3A_91 : i32 to vector<16xi32>
    %and3A_93 = arith.andi %add3A_90, %and3A_92 : vector<16xi32>
    %shift_right_arithmetic3A_94 = arith.constant 4 : i32
    %shift_right_arithmetic3A_95 = vector.broadcast %shift_right_arithmetic3A_94 : i32 to vector<16xi32>
    %shift_right_arithmetic3A_96 = arith.shrsi %add3A_90, %shift_right_arithmetic3A_95 : vector<16xi32>
    %and3A_97 = arith.constant 1 : i32
    %and3A_98 = vector.broadcast %and3A_97 : i32 to vector<16xi32>
    %and3A_99 = arith.andi %shift_right_arithmetic3A_96, %and3A_98 : vector<16xi32>
    %shift_right_arithmetic3A_100 = arith.constant 5 : i32
    %shift_right_arithmetic3A_101 = vector.broadcast %shift_right_arithmetic3A_100 : i32 to vector<16xi32>
    %shift_right_arithmetic3A_102 = arith.shrsi %add3A_90, %shift_right_arithmetic3A_101 : vector<16xi32>
    %and3A_103 = arith.constant 127 : i32
    %and3A_104 = vector.broadcast %and3A_103 : i32 to vector<16xi32>
    %and3A_105 = arith.andi %shift_right_arithmetic3A_102, %and3A_104 : vector<16xi32>
    %mul3A_106 = arith.constant 16 : i32
    %mul3A_107 = vector.broadcast %mul3A_106 : i32 to vector<16xi32>
    %mul3A_108 = arith.muli %and3A_105, %mul3A_107 : vector<16xi32>
    %add3A_109 = arith.addi %mul3A_108, %and3A_93 : vector<16xi32>
    %ge3A_110 = arith.cmpi sge, %add3A_109, %gather3A_37 : vector<16xi32>
    %lt3A_111 = arith.cmpi slt, %add3A_109, %sub3A_31 : vector<16xi32>
    %and3A_112 = arith.andi %ge3A_110, %lt3A_111 : vector<16xi1>
    %add3A_113 = arith.addi %add3A_109, %gather3A_24 : vector<16xi32>
    %select_n3A_114 = arith.select %and3A_112, %add3A_113, %add3A_109 : vector<16xi1>, vector<16xi32>
    %mul3A_115 = arith.constant 4096 : i32
    %mul3A_116 = arith.muli %select_n3A, %mul3A_115 : i32
    %shift_right_arithmetic3A_117 = arith.constant 4 : i32
    %shift_right_arithmetic3A_118 = vector.broadcast %shift_right_arithmetic3A_117 : i32 to vector<16xi32>
    %shift_right_arithmetic3A_119 = arith.shrsi %select_n3A_114, %shift_right_arithmetic3A_118 : vector<16xi32>
    %shift_left3A_120 = arith.constant 5 : i32
    %shift_left3A_121 = vector.broadcast %shift_left3A_120 : i32 to vector<16xi32>
    %shift_left3A_122 = arith.shli %shift_right_arithmetic3A_119, %shift_left3A_121 : vector<16xi32>
    %add3A_123 = vector.broadcast %mul3A_116 : i32 to vector<16xi32>
    %add3A_124 = arith.addi %add3A_123, %shift_left3A_122 : vector<16xi32>
    %shift_left3A_125 = arith.constant 4 : i32
    %shift_left3A_126 = vector.broadcast %shift_left3A_125 : i32 to vector<16xi32>
    %shift_left3A_127 = arith.shli %and3A_99, %shift_left3A_126 : vector<16xi32>
    %add3A_128 = arith.addi %add3A_124, %shift_left3A_127 : vector<16xi32>
    %and3A_129 = arith.constant 15 : i32
    %and3A_130 = vector.broadcast %and3A_129 : i32 to vector<16xi32>
    %and3A_131 = arith.andi %select_n3A_114, %and3A_130 : vector<16xi32>
    %add3A_132 = arith.addi %add3A_128, %and3A_131 : vector<16xi32>
    %swap3A_133 = arith.constant 16 : index
    %swap3A_134 = tpu.vector_load %arg10[%swap3A_133] {strides = array<i32>} : memref<32xi32, #tpu.memory_space<vmem>>, vector<16xi32>,
    %swap3A_135 = vector.shape_cast %swap3A_134 : vector<16xi32> to vector<16xi32>
    %swap3A_136 = vector.shape_cast %add3A_132 : vector<16xi32> to vector<16xi32>
    tpu.vector_store %arg10[%swap3A_133], %swap3A_136 {strides = array<i32>} : memref<32xi32, #tpu.memory_space<vmem>>, vector<16xi32>,
    %dma_start3A = arith.constant 0 : i32
    %dma_start3A_137 = arith.constant 0 : i32
    %dma_start3A_138 = arith.constant 0 : i32
    %dma_start3A_139 = tpu.memref_slice %arg2[%dma_start3A, %dma_start3A_137, %dma_start3A_138] : memref<32768x8x128xf32, #tpu.memory_space<hbm>> -> memref<32768x8x128xf32, #tpu.memory_space<hbm>>
    tpu.enqueue_indirect_dma source(%dma_start3A_139 : memref<32768x8x128xf32, #tpu.memory_space<hbm>>) target(%arg13 : memref<32x8x128xf32, #tpu.memory_space<vmem>>) offsets(%arg10 : memref<32xi32, #tpu.memory_space<vmem>>) semaphore(%arg16 : memref<!tpu.dma_semaphore, #tpu.memory_space<semaphore_mem>>)
    %add3A_140 = arith.constant 32 : i32
    %add3A_141 = arith.addi %mul3A_18, %add3A_140 : i32
    %add3A_142 = arith.constant 0 : i32
    %add3A_143 = arith.addi %add3A_141, %add3A_142 : i32
    %add3A_144 = vector.broadcast %add3A_143 : i32 to vector<16xi32>
    %add3A_145 = arith.addi %add3A_144, %iota3A : vector<16xi32>
    %and3A_146 = arith.constant 15 : i32
    %and3A_147 = vector.broadcast %and3A_146 : i32 to vector<16xi32>
    %and3A_148 = arith.andi %add3A_145, %and3A_147 : vector<16xi32>
    %shift_right_arithmetic3A_149 = arith.constant 4 : i32
    %shift_right_arithmetic3A_150 = vector.broadcast %shift_right_arithmetic3A_149 : i32 to vector<16xi32>
    %shift_right_arithmetic3A_151 = arith.shrsi %add3A_145, %shift_right_arithmetic3A_150 : vector<16xi32>
    %and3A_152 = arith.constant 1 : i32
    %and3A_153 = vector.broadcast %and3A_152 : i32 to vector<16xi32>
    %and3A_154 = arith.andi %shift_right_arithmetic3A_151, %and3A_153 : vector<16xi32>
    %shift_right_arithmetic3A_155 = arith.constant 5 : i32
    %shift_right_arithmetic3A_156 = vector.broadcast %shift_right_arithmetic3A_155 : i32 to vector<16xi32>
    %shift_right_arithmetic3A_157 = arith.shrsi %add3A_145, %shift_right_arithmetic3A_156 : vector<16xi32>
    %and3A_158 = arith.constant 127 : i32
    %and3A_159 = vector.broadcast %and3A_158 : i32 to vector<16xi32>
    %and3A_160 = arith.andi %shift_right_arithmetic3A_157, %and3A_159 : vector<16xi32>
    %mul3A_161 = arith.constant 16 : i32
    %mul3A_162 = vector.broadcast %mul3A_161 : i32 to vector<16xi32>
    %mul3A_163 = arith.muli %and3A_160, %mul3A_162 : vector<16xi32>
    %add3A_164 = arith.addi %mul3A_163, %and3A_148 : vector<16xi32>
    %ge3A_165 = arith.cmpi sge, %add3A_164, %gather3A_37 : vector<16xi32>
    %lt3A_166 = arith.cmpi slt, %add3A_164, %sub3A_31 : vector<16xi32>
    %and3A_167 = arith.andi %ge3A_165, %lt3A_166 : vector<16xi1>
    %add3A_168 = arith.addi %add3A_164, %gather3A_24 : vector<16xi32>
    %select_n3A_169 = arith.select %and3A_167, %add3A_168, %add3A_164 : vector<16xi1>, vector<16xi32>
    %mul3A_170 = arith.constant 4096 : i32
    %mul3A_171 = arith.muli %select_n3A, %mul3A_170 : i32
    %shift_right_arithmetic3A_172 = arith.constant 4 : i32
    %shift_right_arithmetic3A_173 = vector.broadcast %shift_right_arithmetic3A_172 : i32 to vector<16xi32>
    %shift_right_arithmetic3A_174 = arith.shrsi %select_n3A_169, %shift_right_arithmetic3A_173 : vector<16xi32>
    %shift_left3A_175 = arith.constant 5 : i32
    %shift_left3A_176 = vector.broadcast %shift_left3A_175 : i32 to vector<16xi32>
    %shift_left3A_177 = arith.shli %shift_right_arithmetic3A_174, %shift_left3A_176 : vector<16xi32>
    %add3A_178 = vector.broadcast %mul3A_171 : i32 to vector<16xi32>
    %add3A_179 = arith.addi %add3A_178, %shift_left3A_177 : vector<16xi32>
    %shift_left3A_180 = arith.constant 4 : i32
    %shift_left3A_181 = vector.broadcast %shift_left3A_180 : i32 to vector<16xi32>
    %shift_left3A_182 = arith.shli %and3A_154, %shift_left3A_181 : vector<16xi32>
    %add3A_183 = arith.addi %add3A_179, %shift_left3A_182 : vector<16xi32>
    %and3A_184 = arith.constant 15 : i32
    %and3A_185 = vector.broadcast %and3A_184 : i32 to vector<16xi32>
    %and3A_186 = arith.andi %select_n3A_169, %and3A_185 : vector<16xi32>
    %add3A_187 = arith.addi %add3A_183, %and3A_186 : vector<16xi32>
    %swap3A_188 = arith.constant 0 : index
    %swap3A_189 = tpu.vector_load %arg11[%swap3A_188] {strides = array<i32>} : memref<32xi32, #tpu.memory_space<vmem>>, vector<16xi32>,
    %swap3A_190 = vector.shape_cast %swap3A_189 : vector<16xi32> to vector<16xi32>
    %swap3A_191 = vector.shape_cast %add3A_187 : vector<16xi32> to vector<16xi32>
    tpu.vector_store %arg11[%swap3A_188], %swap3A_191 {strides = array<i32>} : memref<32xi32, #tpu.memory_space<vmem>>, vector<16xi32>,
    %add3A_192 = arith.constant 32 : i32
    %add3A_193 = arith.addi %mul3A_18, %add3A_192 : i32
    %add3A_194 = arith.constant 16 : i32
    %add3A_195 = arith.addi %add3A_193, %add3A_194 : i32
    %add3A_196 = vector.broadcast %add3A_195 : i32 to vector<16xi32>
    %add3A_197 = arith.addi %add3A_196, %iota3A : vector<16xi32>
    %and3A_198 = arith.constant 15 : i32
    %and3A_199 = vector.broadcast %and3A_198 : i32 to vector<16xi32>
    %and3A_200 = arith.andi %add3A_197, %and3A_199 : vector<16xi32>
    %shift_right_arithmetic3A_201 = arith.constant 4 : i32
    %shift_right_arithmetic3A_202 = vector.broadcast %shift_right_arithmetic3A_201 : i32 to vector<16xi32>
    %shift_right_arithmetic3A_203 = arith.shrsi %add3A_197, %shift_right_arithmetic3A_202 : vector<16xi32>
    %and3A_204 = arith.constant 1 : i32
    %and3A_205 = vector.broadcast %and3A_204 : i32 to vector<16xi32>
    %and3A_206 = arith.andi %shift_right_arithmetic3A_203, %and3A_205 : vector<16xi32>
    %shift_right_arithmetic3A_207 = arith.constant 5 : i32
    %shift_right_arithmetic3A_208 = vector.broadcast %shift_right_arithmetic3A_207 : i32 to vector<16xi32>
    %shift_right_arithmetic3A_209 = arith.shrsi %add3A_197, %shift_right_arithmetic3A_208 : vector<16xi32>
    %and3A_210 = arith.constant 127 : i32
    %and3A_211 = vector.broadcast %and3A_210 : i32 to vector<16xi32>
    %and3A_212 = arith.andi %shift_right_arithmetic3A_209, %and3A_211 : vector<16xi32>
    %mul3A_213 = arith.constant 16 : i32
    %mul3A_214 = vector.broadcast %mul3A_213 : i32 to vector<16xi32>
    %mul3A_215 = arith.muli %and3A_212, %mul3A_214 : vector<16xi32>
    %add3A_216 = arith.addi %mul3A_215, %and3A_200 : vector<16xi32>
    %ge3A_217 = arith.cmpi sge, %add3A_216, %gather3A_37 : vector<16xi32>
    %lt3A_218 = arith.cmpi slt, %add3A_216, %sub3A_31 : vector<16xi32>
    %and3A_219 = arith.andi %ge3A_217, %lt3A_218 : vector<16xi1>
    %add3A_220 = arith.addi %add3A_216, %gather3A_24 : vector<16xi32>
    %select_n3A_221 = arith.select %and3A_219, %add3A_220, %add3A_216 : vector<16xi1>, vector<16xi32>
    %mul3A_222 = arith.constant 4096 : i32
    %mul3A_223 = arith.muli %select_n3A, %mul3A_222 : i32
    %shift_right_arithmetic3A_224 = arith.constant 4 : i32
    %shift_right_arithmetic3A_225 = vector.broadcast %shift_right_arithmetic3A_224 : i32 to vector<16xi32>
    %shift_right_arithmetic3A_226 = arith.shrsi %select_n3A_221, %shift_right_arithmetic3A_225 : vector<16xi32>
    %shift_left3A_227 = arith.constant 5 : i32
    %shift_left3A_228 = vector.broadcast %shift_left3A_227 : i32 to vector<16xi32>
    %shift_left3A_229 = arith.shli %shift_right_arithmetic3A_226, %shift_left3A_228 : vector<16xi32>
    %add3A_230 = vector.broadcast %mul3A_223 : i32 to vector<16xi32>
    %add3A_231 = arith.addi %add3A_230, %shift_left3A_229 : vector<16xi32>
    %shift_left3A_232 = arith.constant 4 : i32
    %shift_left3A_233 = vector.broadcast %shift_left3A_232 : i32 to vector<16xi32>
    %shift_left3A_234 = arith.shli %and3A_206, %shift_left3A_233 : vector<16xi32>
    %add3A_235 = arith.addi %add3A_231, %shift_left3A_234 : vector<16xi32>
    %and3A_236 = arith.constant 15 : i32
    %and3A_237 = vector.broadcast %and3A_236 : i32 to vector<16xi32>
    %and3A_238 = arith.andi %select_n3A_221, %and3A_237 : vector<16xi32>
    %add3A_239 = arith.addi %add3A_235, %and3A_238 : vector<16xi32>
    %swap3A_240 = arith.constant 16 : index
    %swap3A_241 = tpu.vector_load %arg11[%swap3A_240] {strides = array<i32>} : memref<32xi32, #tpu.memory_space<vmem>>, vector<16xi32>,
    %swap3A_242 = vector.shape_cast %swap3A_241 : vector<16xi32> to vector<16xi32>
    %swap3A_243 = vector.shape_cast %add3A_239 : vector<16xi32> to vector<16xi32>
    tpu.vector_store %arg11[%swap3A_240], %swap3A_243 {strides = array<i32>} : memref<32xi32, #tpu.memory_space<vmem>>, vector<16xi32>,
    %dma_start3A_244 = arith.constant 0 : i32
    %dma_start3A_245 = arith.constant 0 : i32
    %dma_start3A_246 = arith.constant 0 : i32
    %dma_start3A_247 = tpu.memref_slice %arg2[%dma_start3A_244, %dma_start3A_245, %dma_start3A_246] : memref<32768x8x128xf32, #tpu.memory_space<hbm>> -> memref<32768x8x128xf32, #tpu.memory_space<hbm>>
    tpu.enqueue_indirect_dma source(%dma_start3A_247 : memref<32768x8x128xf32, #tpu.memory_space<hbm>>) target(%arg14 : memref<32x8x128xf32, #tpu.memory_space<vmem>>) offsets(%arg11 : memref<32xi32, #tpu.memory_space<vmem>>) semaphore(%arg17 : memref<!tpu.dma_semaphore, #tpu.memory_space<semaphore_mem>>)
    %add3A_248 = arith.constant 64 : i32
    %add3A_249 = arith.addi %mul3A_18, %add3A_248 : i32
    %add3A_250 = arith.constant 0 : i32
    %add3A_251 = arith.addi %add3A_249, %add3A_250 : i32
    %add3A_252 = vector.broadcast %add3A_251 : i32 to vector<16xi32>
    %add3A_253 = arith.addi %add3A_252, %iota3A : vector<16xi32>
    %and3A_254 = arith.constant 15 : i32
    %and3A_255 = vector.broadcast %and3A_254 : i32 to vector<16xi32>
    %and3A_256 = arith.andi %add3A_253, %and3A_255 : vector<16xi32>
    %shift_right_arithmetic3A_257 = arith.constant 4 : i32
    %shift_right_arithmetic3A_258 = vector.broadcast %shift_right_arithmetic3A_257 : i32 to vector<16xi32>
    %shift_right_arithmetic3A_259 = arith.shrsi %add3A_253, %shift_right_arithmetic3A_258 : vector<16xi32>
    %and3A_260 = arith.constant 1 : i32
    %and3A_261 = vector.broadcast %and3A_260 : i32 to vector<16xi32>
    %and3A_262 = arith.andi %shift_right_arithmetic3A_259, %and3A_261 : vector<16xi32>
    %shift_right_arithmetic3A_263 = arith.constant 5 : i32
    %shift_right_arithmetic3A_264 = vector.broadcast %shift_right_arithmetic3A_263 : i32 to vector<16xi32>
    %shift_right_arithmetic3A_265 = arith.shrsi %add3A_253, %shift_right_arithmetic3A_264 : vector<16xi32>
    %and3A_266 = arith.constant 127 : i32
    %and3A_267 = vector.broadcast %and3A_266 : i32 to vector<16xi32>
    %and3A_268 = arith.andi %shift_right_arithmetic3A_265, %and3A_267 : vector<16xi32>
    %mul3A_269 = arith.constant 16 : i32
    %mul3A_270 = vector.broadcast %mul3A_269 : i32 to vector<16xi32>
    %mul3A_271 = arith.muli %and3A_268, %mul3A_270 : vector<16xi32>
    %add3A_272 = arith.addi %mul3A_271, %and3A_256 : vector<16xi32>
    %ge3A_273 = arith.cmpi sge, %add3A_272, %gather3A_37 : vector<16xi32>
    %lt3A_274 = arith.cmpi slt, %add3A_272, %sub3A_31 : vector<16xi32>
    %and3A_275 = arith.andi %ge3A_273, %lt3A_274 : vector<16xi1>
    %add3A_276 = arith.addi %add3A_272, %gather3A_24 : vector<16xi32>
    %select_n3A_277 = arith.select %and3A_275, %add3A_276, %add3A_272 : vector<16xi1>, vector<16xi32>
    %mul3A_278 = arith.constant 4096 : i32
    %mul3A_279 = arith.muli %select_n3A, %mul3A_278 : i32
    %shift_right_arithmetic3A_280 = arith.constant 4 : i32
    %shift_right_arithmetic3A_281 = vector.broadcast %shift_right_arithmetic3A_280 : i32 to vector<16xi32>
    %shift_right_arithmetic3A_282 = arith.shrsi %select_n3A_277, %shift_right_arithmetic3A_281 : vector<16xi32>
    %shift_left3A_283 = arith.constant 5 : i32
    %shift_left3A_284 = vector.broadcast %shift_left3A_283 : i32 to vector<16xi32>
    %shift_left3A_285 = arith.shli %shift_right_arithmetic3A_282, %shift_left3A_284 : vector<16xi32>
    %add3A_286 = vector.broadcast %mul3A_279 : i32 to vector<16xi32>
    %add3A_287 = arith.addi %add3A_286, %shift_left3A_285 : vector<16xi32>
    %shift_left3A_288 = arith.constant 4 : i32
    %shift_left3A_289 = vector.broadcast %shift_left3A_288 : i32 to vector<16xi32>
    %shift_left3A_290 = arith.shli %and3A_262, %shift_left3A_289 : vector<16xi32>
    %add3A_291 = arith.addi %add3A_287, %shift_left3A_290 : vector<16xi32>
    %and3A_292 = arith.constant 15 : i32
    %and3A_293 = vector.broadcast %and3A_292 : i32 to vector<16xi32>
    %and3A_294 = arith.andi %select_n3A_277, %and3A_293 : vector<16xi32>
    %add3A_295 = arith.addi %add3A_291, %and3A_294 : vector<16xi32>
    %swap3A_296 = arith.constant 0 : index
    %swap3A_297 = tpu.vector_load %arg12[%swap3A_296] {strides = array<i32>} : memref<32xi32, #tpu.memory_space<vmem>>, vector<16xi32>,
    %swap3A_298 = vector.shape_cast %swap3A_297 : vector<16xi32> to vector<16xi32>
    %swap3A_299 = vector.shape_cast %add3A_295 : vector<16xi32> to vector<16xi32>
    tpu.vector_store %arg12[%swap3A_296], %swap3A_299 {strides = array<i32>} : memref<32xi32, #tpu.memory_space<vmem>>, vector<16xi32>,
    %add3A_300 = arith.constant 64 : i32
    %add3A_301 = arith.addi %mul3A_18, %add3A_300 : i32
    %add3A_302 = arith.constant 16 : i32
    %add3A_303 = arith.addi %add3A_301, %add3A_302 : i32
    %add3A_304 = vector.broadcast %add3A_303 : i32 to vector<16xi32>
    %add3A_305 = arith.addi %add3A_304, %iota3A : vector<16xi32>
    %and3A_306 = arith.constant 15 : i32
    %and3A_307 = vector.broadcast %and3A_306 : i32 to vector<16xi32>
    %and3A_308 = arith.andi %add3A_305, %and3A_307 : vector<16xi32>
    %shift_right_arithmetic3A_309 = arith.constant 4 : i32
    %shift_right_arithmetic3A_310 = vector.broadcast %shift_right_arithmetic3A_309 : i32 to vector<16xi32>
    %shift_right_arithmetic3A_311 = arith.shrsi %add3A_305, %shift_right_arithmetic3A_310 : vector<16xi32>
    %and3A_312 = arith.constant 1 : i32
    %and3A_313 = vector.broadcast %and3A_312 : i32 to vector<16xi32>
    %and3A_314 = arith.andi %shift_right_arithmetic3A_311, %and3A_313 : vector<16xi32>
    %shift_right_arithmetic3A_315 = arith.constant 5 : i32
    %shift_right_arithmetic3A_316 = vector.broadcast %shift_right_arithmetic3A_315 : i32 to vector<16xi32>
    %shift_right_arithmetic3A_317 = arith.shrsi %add3A_305, %shift_right_arithmetic3A_316 : vector<16xi32>
    %and3A_318 = arith.constant 127 : i32
    %and3A_319 = vector.broadcast %and3A_318 : i32 to vector<16xi32>
    %and3A_320 = arith.andi %shift_right_arithmetic3A_317, %and3A_319 : vector<16xi32>
    %mul3A_321 = arith.constant 16 : i32
    %mul3A_322 = vector.broadcast %mul3A_321 : i32 to vector<16xi32>
    %mul3A_323 = arith.muli %and3A_320, %mul3A_322 : vector<16xi32>
    %add3A_324 = arith.addi %mul3A_323, %and3A_308 : vector<16xi32>
    %ge3A_325 = arith.cmpi sge, %add3A_324, %gather3A_37 : vector<16xi32>
    %lt3A_326 = arith.cmpi slt, %add3A_324, %sub3A_31 : vector<16xi32>
    %and3A_327 = arith.andi %ge3A_325, %lt3A_326 : vector<16xi1>
    %add3A_328 = arith.addi %add3A_324, %gather3A_24 : vector<16xi32>
    %select_n3A_329 = arith.select %and3A_327, %add3A_328, %add3A_324 : vector<16xi1>, vector<16xi32>
    %mul3A_330 = arith.constant 4096 : i32
    %mul3A_331 = arith.muli %select_n3A, %mul3A_330 : i32
    %shift_right_arithmetic3A_332 = arith.constant 4 : i32
    %shift_right_arithmetic3A_333 = vector.broadcast %shift_right_arithmetic3A_332 : i32 to vector<16xi32>
    %shift_right_arithmetic3A_334 = arith.shrsi %select_n3A_329, %shift_right_arithmetic3A_333 : vector<16xi32>
    %shift_left3A_335 = arith.constant 5 : i32
    %shift_left3A_336 = vector.broadcast %shift_left3A_335 : i32 to vector<16xi32>
    %shift_left3A_337 = arith.shli %shift_right_arithmetic3A_334, %shift_left3A_336 : vector<16xi32>
    %add3A_338 = vector.broadcast %mul3A_331 : i32 to vector<16xi32>
    %add3A_339 = arith.addi %add3A_338, %shift_left3A_337 : vector<16xi32>
    %shift_left3A_340 = arith.constant 4 : i32
    %shift_left3A_341 = vector.broadcast %shift_left3A_340 : i32 to vector<16xi32>
    %shift_left3A_342 = arith.shli %and3A_314, %shift_left3A_341 : vector<16xi32>
    %add3A_343 = arith.addi %add3A_339, %shift_left3A_342 : vector<16xi32>
    %and3A_344 = arith.constant 15 : i32
    %and3A_345 = vector.broadcast %and3A_344 : i32 to vector<16xi32>
    %and3A_346 = arith.andi %select_n3A_329, %and3A_345 : vector<16xi32>
    %add3A_347 = arith.addi %add3A_343, %and3A_346 : vector<16xi32>
    %swap3A_348 = arith.constant 16 : index
    %swap3A_349 = tpu.vector_load %arg12[%swap3A_348] {strides = array<i32>} : memref<32xi32, #tpu.memory_space<vmem>>, vector<16xi32>,
    %swap3A_350 = vector.shape_cast %swap3A_349 : vector<16xi32> to vector<16xi32>
    %swap3A_351 = vector.shape_cast %add3A_347 : vector<16xi32> to vector<16xi32>
    tpu.vector_store %arg12[%swap3A_348], %swap3A_351 {strides = array<i32>} : memref<32xi32, #tpu.memory_space<vmem>>, vector<16xi32>,
    %dma_start3A_352 = arith.constant 0 : i32
    %dma_start3A_353 = arith.constant 0 : i32
    %dma_start3A_354 = arith.constant 0 : i32
    %dma_start3A_355 = tpu.memref_slice %arg2[%dma_start3A_352, %dma_start3A_353, %dma_start3A_354] : memref<32768x8x128xf32, #tpu.memory_space<hbm>> -> memref<32768x8x128xf32, #tpu.memory_space<hbm>>
    tpu.enqueue_indirect_dma source(%dma_start3A_355 : memref<32768x8x128xf32, #tpu.memory_space<hbm>>) target(%arg15 : memref<32x8x128xf32, #tpu.memory_space<vmem>>) offsets(%arg12 : memref<32xi32, #tpu.memory_space<vmem>>) semaphore(%arg18 : memref<!tpu.dma_semaphore, #tpu.memory_space<semaphore_mem>>)
    %dma_wait3A = arith.constant 0 : i32
    %dma_wait3A_356 = arith.constant 0 : i32
    %dma_wait3A_357 = arith.constant 0 : i32
    %dma_wait3A_358 = tpu.memref_slice %arg2[%dma_wait3A, %dma_wait3A_356, %dma_wait3A_357] : memref<32768x8x128xf32, #tpu.memory_space<hbm>> -> memref<32768x8x128xf32, #tpu.memory_space<hbm>>
    tpu.wait_indirect_dma semaphore(%arg16 : memref<!tpu.dma_semaphore, #tpu.memory_space<semaphore_mem>>) src(%dma_wait3A_358 : memref<32768x8x128xf32, #tpu.memory_space<hbm>>) dst(%arg13 : memref<32x8x128xf32, #tpu.memory_space<vmem>>)
    %add3A_359 = arith.constant 0 : i32
    %add3A_360 = arith.addi %mul3A_18, %add3A_359 : i32
    %dma_start3A_361 = arith.constant 0 : i32
    %dma_start3A_362 = arith.constant 0 : i32
    %dma_start3A_363 = tpu.memref_slice %arg6[%add3A_360, %dma_start3A_361, %dma_start3A_362] : memref<32768x8x128xf32, #tpu.memory_space<hbm>> -> memref<32x8x128xf32, #tpu.memory_space<hbm>>
    %dma_start3A_364 = arith.constant 0 : i32
    %dma_start3A_365 = arith.constant 0 : i32
    %dma_start3A_366 = tpu.memref_slice %arg6[%add3A_360, %dma_start3A_364, %dma_start3A_365] : memref<32768x8x128xf32, #tpu.memory_space<hbm>> -> memref<32x8x128xf32, #tpu.memory_space<hbm>>
    tpu.enqueue_dma source(%arg13 : memref<32x8x128xf32, #tpu.memory_space<vmem>>) target(%dma_start3A_366 : memref<32x8x128xf32, #tpu.memory_space<hbm>>) target_semaphore(%arg19 : memref<!tpu.dma_semaphore, #tpu.memory_space<semaphore_mem>>)
    %dma_wait3A_367 = arith.constant 0 : i32
    %dma_wait3A_368 = arith.constant 0 : i32
    %dma_wait3A_369 = tpu.memref_slice %arg6[%add3A_360, %dma_wait3A_367, %dma_wait3A_368] : memref<32768x8x128xf32, #tpu.memory_space<hbm>> -> memref<32x8x128xf32, #tpu.memory_space<hbm>>
    %dma_wait3A_370 = arith.constant 0 : i32
    %dma_wait3A_371 = arith.constant 0 : i32
    %dma_wait3A_372 = tpu.memref_slice %arg6[%add3A_360, %dma_wait3A_370, %dma_wait3A_371] : memref<32768x8x128xf32, #tpu.memory_space<hbm>> -> memref<32x8x128xf32, #tpu.memory_space<hbm>>
    tpu.wait_dma2 semaphore(%arg19 : memref<!tpu.dma_semaphore, #tpu.memory_space<semaphore_mem>>) src(%arg13 : memref<32x8x128xf32, #tpu.memory_space<vmem>>) dst(%dma_wait3A_372 : memref<32x8x128xf32, #tpu.memory_space<hbm>>)
    %add3A_373 = arith.constant 96 : i32
    %add3A_374 = arith.addi %mul3A_18, %add3A_373 : i32
    %add3A_375 = arith.constant 0 : i32
    %add3A_376 = arith.addi %add3A_374, %add3A_375 : i32
    %add3A_377 = vector.broadcast %add3A_376 : i32 to vector<16xi32>
    %add3A_378 = arith.addi %add3A_377, %iota3A : vector<16xi32>
    %and3A_379 = arith.constant 15 : i32
    %and3A_380 = vector.broadcast %and3A_379 : i32 to vector<16xi32>
    %and3A_381 = arith.andi %add3A_378, %and3A_380 : vector<16xi32>
    %shift_right_arithmetic3A_382 = arith.constant 4 : i32
    %shift_right_arithmetic3A_383 = vector.broadcast %shift_right_arithmetic3A_382 : i32 to vector<16xi32>
    %shift_right_arithmetic3A_384 = arith.shrsi %add3A_378, %shift_right_arithmetic3A_383 : vector<16xi32>
    %and3A_385 = arith.constant 1 : i32
    %and3A_386 = vector.broadcast %and3A_385 : i32 to vector<16xi32>
    %and3A_387 = arith.andi %shift_right_arithmetic3A_384, %and3A_386 : vector<16xi32>
    %shift_right_arithmetic3A_388 = arith.constant 5 : i32
    %shift_right_arithmetic3A_389 = vector.broadcast %shift_right_arithmetic3A_388 : i32 to vector<16xi32>
    %shift_right_arithmetic3A_390 = arith.shrsi %add3A_378, %shift_right_arithmetic3A_389 : vector<16xi32>
    %and3A_391 = arith.constant 127 : i32
    %and3A_392 = vector.broadcast %and3A_391 : i32 to vector<16xi32>
    %and3A_393 = arith.andi %shift_right_arithmetic3A_390, %and3A_392 : vector<16xi32>
    %mul3A_394 = arith.constant 16 : i32
    %mul3A_395 = vector.broadcast %mul3A_394 : i32 to vector<16xi32>
    %mul3A_396 = arith.muli %and3A_393, %mul3A_395 : vector<16xi32>
    %add3A_397 = arith.addi %mul3A_396, %and3A_381 : vector<16xi32>
    %ge3A_398 = arith.cmpi sge, %add3A_397, %gather3A_37 : vector<16xi32>
    %lt3A_399 = arith.cmpi slt, %add3A_397, %sub3A_31 : vector<16xi32>
    %and3A_400 = arith.andi %ge3A_398, %lt3A_399 : vector<16xi1>
    %add3A_401 = arith.addi %add3A_397, %gather3A_24 : vector<16xi32>
    %select_n3A_402 = arith.select %and3A_400, %add3A_401, %add3A_397 : vector<16xi1>, vector<16xi32>
    %mul3A_403 = arith.constant 4096 : i32
    %mul3A_404 = arith.muli %select_n3A, %mul3A_403 : i32
    %shift_right_arithmetic3A_405 = arith.constant 4 : i32
    %shift_right_arithmetic3A_406 = vector.broadcast %shift_right_arithmetic3A_405 : i32 to vector<16xi32>
    %shift_right_arithmetic3A_407 = arith.shrsi %select_n3A_402, %shift_right_arithmetic3A_406 : vector<16xi32>
    %shift_left3A_408 = arith.constant 5 : i32
    %shift_left3A_409 = vector.broadcast %shift_left3A_408 : i32 to vector<16xi32>
    %shift_left3A_410 = arith.shli %shift_right_arithmetic3A_407, %shift_left3A_409 : vector<16xi32>
    %add3A_411 = vector.broadcast %mul3A_404 : i32 to vector<16xi32>
    %add3A_412 = arith.addi %add3A_411, %shift_left3A_410 : vector<16xi32>
    %shift_left3A_413 = arith.constant 4 : i32
    %shift_left3A_414 = vector.broadcast %shift_left3A_413 : i32 to vector<16xi32>
    %shift_left3A_415 = arith.shli %and3A_387, %shift_left3A_414 : vector<16xi32>
    %add3A_416 = arith.addi %add3A_412, %shift_left3A_415 : vector<16xi32>
    %and3A_417 = arith.constant 15 : i32
    %and3A_418 = vector.broadcast %and3A_417 : i32 to vector<16xi32>
    %and3A_419 = arith.andi %select_n3A_402, %and3A_418 : vector<16xi32>
    %add3A_420 = arith.addi %add3A_416, %and3A_419 : vector<16xi32>
    %swap3A_421 = arith.constant 0 : index
    %swap3A_422 = tpu.vector_load %arg10[%swap3A_421] {strides = array<i32>} : memref<32xi32, #tpu.memory_space<vmem>>, vector<16xi32>,
    %swap3A_423 = vector.shape_cast %swap3A_422 : vector<16xi32> to vector<16xi32>
    %swap3A_424 = vector.shape_cast %add3A_420 : vector<16xi32> to vector<16xi32>
    tpu.vector_store %arg10[%swap3A_421], %swap3A_424 {strides = array<i32>} : memref<32xi32, #tpu.memory_space<vmem>>, vector<16xi32>,
    %add3A_425 = arith.constant 96 : i32
    %add3A_426 = arith.addi %mul3A_18, %add3A_425 : i32
    %add3A_427 = arith.constant 16 : i32
    %add3A_428 = arith.addi %add3A_426, %add3A_427 : i32
    %add3A_429 = vector.broadcast %add3A_428 : i32 to vector<16xi32>
    %add3A_430 = arith.addi %add3A_429, %iota3A : vector<16xi32>
    %and3A_431 = arith.constant 15 : i32
    %and3A_432 = vector.broadcast %and3A_431 : i32 to vector<16xi32>
    %and3A_433 = arith.andi %add3A_430, %and3A_432 : vector<16xi32>
    %shift_right_arithmetic3A_434 = arith.constant 4 : i32
    %shift_right_arithmetic3A_435 = vector.broadcast %shift_right_arithmetic3A_434 : i32 to vector<16xi32>
    %shift_right_arithmetic3A_436 = arith.shrsi %add3A_430, %shift_right_arithmetic3A_435 : vector<16xi32>
    %and3A_437 = arith.constant 1 : i32
    %and3A_438 = vector.broadcast %and3A_437 : i32 to vector<16xi32>
    %and3A_439 = arith.andi %shift_right_arithmetic3A_436, %and3A_438 : vector<16xi32>
    %shift_right_arithmetic3A_440 = arith.constant 5 : i32
    %shift_right_arithmetic3A_441 = vector.broadcast %shift_right_arithmetic3A_440 : i32 to vector<16xi32>
    %shift_right_arithmetic3A_442 = arith.shrsi %add3A_430, %shift_right_arithmetic3A_441 : vector<16xi32>
    %and3A_443 = arith.constant 127 : i32
    %and3A_444 = vector.broadcast %and3A_443 : i32 to vector<16xi32>
    %and3A_445 = arith.andi %shift_right_arithmetic3A_442, %and3A_444 : vector<16xi32>
    %mul3A_446 = arith.constant 16 : i32
    %mul3A_447 = vector.broadcast %mul3A_446 : i32 to vector<16xi32>
    %mul3A_448 = arith.muli %and3A_445, %mul3A_447 : vector<16xi32>
    %add3A_449 = arith.addi %mul3A_448, %and3A_433 : vector<16xi32>
    %ge3A_450 = arith.cmpi sge, %add3A_449, %gather3A_37 : vector<16xi32>
    %lt3A_451 = arith.cmpi slt, %add3A_449, %sub3A_31 : vector<16xi32>
    %and3A_452 = arith.andi %ge3A_450, %lt3A_451 : vector<16xi1>
    %add3A_453 = arith.addi %add3A_449, %gather3A_24 : vector<16xi32>
    %select_n3A_454 = arith.select %and3A_452, %add3A_453, %add3A_449 : vector<16xi1>, vector<16xi32>
    %mul3A_455 = arith.constant 4096 : i32
    %mul3A_456 = arith.muli %select_n3A, %mul3A_455 : i32
    %shift_right_arithmetic3A_457 = arith.constant 4 : i32
    %shift_right_arithmetic3A_458 = vector.broadcast %shift_right_arithmetic3A_457 : i32 to vector<16xi32>
    %shift_right_arithmetic3A_459 = arith.shrsi %select_n3A_454, %shift_right_arithmetic3A_458 : vector<16xi32>
    %shift_left3A_460 = arith.constant 5 : i32
    %shift_left3A_461 = vector.broadcast %shift_left3A_460 : i32 to vector<16xi32>
    %shift_left3A_462 = arith.shli %shift_right_arithmetic3A_459, %shift_left3A_461 : vector<16xi32>
    %add3A_463 = vector.broadcast %mul3A_456 : i32 to vector<16xi32>
    %add3A_464 = arith.addi %add3A_463, %shift_left3A_462 : vector<16xi32>
    %shift_left3A_465 = arith.constant 4 : i32
    %shift_left3A_466 = vector.broadcast %shift_left3A_465 : i32 to vector<16xi32>
    %shift_left3A_467 = arith.shli %and3A_439, %shift_left3A_466 : vector<16xi32>
    %add3A_468 = arith.addi %add3A_464, %shift_left3A_467 : vector<16xi32>
    %and3A_469 = arith.constant 15 : i32
    %and3A_470 = vector.broadcast %and3A_469 : i32 to vector<16xi32>
    %and3A_471 = arith.andi %select_n3A_454, %and3A_470 : vector<16xi32>
    %add3A_472 = arith.addi %add3A_468, %and3A_471 : vector<16xi32>
    %swap3A_473 = arith.constant 16 : index
    %swap3A_474 = tpu.vector_load %arg10[%swap3A_473] {strides = array<i32>} : memref<32xi32, #tpu.memory_space<vmem>>, vector<16xi32>,
    %swap3A_475 = vector.shape_cast %swap3A_474 : vector<16xi32> to vector<16xi32>
    %swap3A_476 = vector.shape_cast %add3A_472 : vector<16xi32> to vector<16xi32>
    tpu.vector_store %arg10[%swap3A_473], %swap3A_476 {strides = array<i32>} : memref<32xi32, #tpu.memory_space<vmem>>, vector<16xi32>,
    %dma_start3A_477 = arith.constant 0 : i32
    %dma_start3A_478 = arith.constant 0 : i32
    %dma_start3A_479 = arith.constant 0 : i32
    %dma_start3A_480 = tpu.memref_slice %arg2[%dma_start3A_477, %dma_start3A_478, %dma_start3A_479] : memref<32768x8x128xf32, #tpu.memory_space<hbm>> -> memref<32768x8x128xf32, #tpu.memory_space<hbm>>
    tpu.enqueue_indirect_dma source(%dma_start3A_480 : memref<32768x8x128xf32, #tpu.memory_space<hbm>>) target(%arg13 : memref<32x8x128xf32, #tpu.memory_space<vmem>>) offsets(%arg10 : memref<32xi32, #tpu.memory_space<vmem>>) semaphore(%arg16 : memref<!tpu.dma_semaphore, #tpu.memory_space<semaphore_mem>>)
    %dma_wait3A_481 = arith.constant 0 : i32
    %dma_wait3A_482 = arith.constant 0 : i32
    %dma_wait3A_483 = arith.constant 0 : i32
    %dma_wait3A_484 = tpu.memref_slice %arg2[%dma_wait3A_481, %dma_wait3A_482, %dma_wait3A_483] : memref<32768x8x128xf32, #tpu.memory_space<hbm>> -> memref<32768x8x128xf32, #tpu.memory_space<hbm>>
    tpu.wait_indirect_dma semaphore(%arg17 : memref<!tpu.dma_semaphore, #tpu.memory_space<semaphore_mem>>) src(%dma_wait3A_484 : memref<32768x8x128xf32, #tpu.memory_space<hbm>>) dst(%arg14 : memref<32x8x128xf32, #tpu.memory_space<vmem>>)
    %add3A_485 = arith.constant 32 : i32
    %add3A_486 = arith.addi %mul3A_18, %add3A_485 : i32
    %dma_start3A_487 = arith.constant 0 : i32
    %dma_start3A_488 = arith.constant 0 : i32
    %dma_start3A_489 = tpu.memref_slice %arg6[%add3A_486, %dma_start3A_487, %dma_start3A_488] : memref<32768x8x128xf32, #tpu.memory_space<hbm>> -> memref<32x8x128xf32, #tpu.memory_space<hbm>>
    %dma_start3A_490 = arith.constant 0 : i32
    %dma_start3A_491 = arith.constant 0 : i32
    %dma_start3A_492 = tpu.memref_slice %arg6[%add3A_486, %dma_start3A_490, %dma_start3A_491] : memref<32768x8x128xf32, #tpu.memory_space<hbm>> -> memref<32x8x128xf32, #tpu.memory_space<hbm>>
    tpu.enqueue_dma source(%arg14 : memref<32x8x128xf32, #tpu.memory_space<vmem>>) target(%dma_start3A_492 : memref<32x8x128xf32, #tpu.memory_space<hbm>>) target_semaphore(%arg20 : memref<!tpu.dma_semaphore, #tpu.memory_space<semaphore_mem>>)
    %dma_wait3A_493 = arith.constant 0 : i32
    %dma_wait3A_494 = arith.constant 0 : i32
    %dma_wait3A_495 = tpu.memref_slice %arg6[%add3A_486, %dma_wait3A_493, %dma_wait3A_494] : memref<32768x8x128xf32, #tpu.memory_space<hbm>> -> memref<32x8x128xf32, #tpu.memory_space<hbm>>
    %dma_wait3A_496 = arith.constant 0 : i32
    %dma_wait3A_497 = arith.constant 0 : i32
    %dma_wait3A_498 = tpu.memref_slice %arg6[%add3A_486, %dma_wait3A_496, %dma_wait3A_497] : memref<32768x8x128xf32, #tpu.memory_space<hbm>> -> memref<32x8x128xf32, #tpu.memory_space<hbm>>
    tpu.wait_dma2 semaphore(%arg20 : memref<!tpu.dma_semaphore, #tpu.memory_space<semaphore_mem>>) src(%arg14 : memref<32x8x128xf32, #tpu.memory_space<vmem>>) dst(%dma_wait3A_498 : memref<32x8x128xf32, #tpu.memory_space<hbm>>)
    %add3A_499 = arith.constant 128 : i32
    %add3A_500 = arith.addi %mul3A_18, %add3A_499 : i32
    %add3A_501 = arith.constant 0 : i32
    %add3A_502 = arith.addi %add3A_500, %add3A_501 : i32
    %add3A_503 = vector.broadcast %add3A_502 : i32 to vector<16xi32>
    %add3A_504 = arith.addi %add3A_503, %iota3A : vector<16xi32>
    %and3A_505 = arith.constant 15 : i32
    %and3A_506 = vector.broadcast %and3A_505 : i32 to vector<16xi32>
    %and3A_507 = arith.andi %add3A_504, %and3A_506 : vector<16xi32>
    %shift_right_arithmetic3A_508 = arith.constant 4 : i32
    %shift_right_arithmetic3A_509 = vector.broadcast %shift_right_arithmetic3A_508 : i32 to vector<16xi32>
    %shift_right_arithmetic3A_510 = arith.shrsi %add3A_504, %shift_right_arithmetic3A_509 : vector<16xi32>
    %and3A_511 = arith.constant 1 : i32
    %and3A_512 = vector.broadcast %and3A_511 : i32 to vector<16xi32>
    %and3A_513 = arith.andi %shift_right_arithmetic3A_510, %and3A_512 : vector<16xi32>
    %shift_right_arithmetic3A_514 = arith.constant 5 : i32
    %shift_right_arithmetic3A_515 = vector.broadcast %shift_right_arithmetic3A_514 : i32 to vector<16xi32>
    %shift_right_arithmetic3A_516 = arith.shrsi %add3A_504, %shift_right_arithmetic3A_515 : vector<16xi32>
    %and3A_517 = arith.constant 127 : i32
    %and3A_518 = vector.broadcast %and3A_517 : i32 to vector<16xi32>
    %and3A_519 = arith.andi %shift_right_arithmetic3A_516, %and3A_518 : vector<16xi32>
    %mul3A_520 = arith.constant 16 : i32
    %mul3A_521 = vector.broadcast %mul3A_520 : i32 to vector<16xi32>
    %mul3A_522 = arith.muli %and3A_519, %mul3A_521 : vector<16xi32>
    %add3A_523 = arith.addi %mul3A_522, %and3A_507 : vector<16xi32>
    %ge3A_524 = arith.cmpi sge, %add3A_523, %gather3A_37 : vector<16xi32>
    %lt3A_525 = arith.cmpi slt, %add3A_523, %sub3A_31 : vector<16xi32>
    %and3A_526 = arith.andi %ge3A_524, %lt3A_525 : vector<16xi1>
    %add3A_527 = arith.addi %add3A_523, %gather3A_24 : vector<16xi32>
    %select_n3A_528 = arith.select %and3A_526, %add3A_527, %add3A_523 : vector<16xi1>, vector<16xi32>
    %mul3A_529 = arith.constant 4096 : i32
    %mul3A_530 = arith.muli %select_n3A, %mul3A_529 : i32
    %shift_right_arithmetic3A_531 = arith.constant 4 : i32
    %shift_right_arithmetic3A_532 = vector.broadcast %shift_right_arithmetic3A_531 : i32 to vector<16xi32>
    %shift_right_arithmetic3A_533 = arith.shrsi %select_n3A_528, %shift_right_arithmetic3A_532 : vector<16xi32>
    %shift_left3A_534 = arith.constant 5 : i32
    %shift_left3A_535 = vector.broadcast %shift_left3A_534 : i32 to vector<16xi32>
    %shift_left3A_536 = arith.shli %shift_right_arithmetic3A_533, %shift_left3A_535 : vector<16xi32>
    %add3A_537 = vector.broadcast %mul3A_530 : i32 to vector<16xi32>
    %add3A_538 = arith.addi %add3A_537, %shift_left3A_536 : vector<16xi32>
    %shift_left3A_539 = arith.constant 4 : i32
    %shift_left3A_540 = vector.broadcast %shift_left3A_539 : i32 to vector<16xi32>
    %shift_left3A_541 = arith.shli %and3A_513, %shift_left3A_540 : vector<16xi32>
    %add3A_542 = arith.addi %add3A_538, %shift_left3A_541 : vector<16xi32>
    %and3A_543 = arith.constant 15 : i32
    %and3A_544 = vector.broadcast %and3A_543 : i32 to vector<16xi32>
    %and3A_545 = arith.andi %select_n3A_528, %and3A_544 : vector<16xi32>
    %add3A_546 = arith.addi %add3A_542, %and3A_545 : vector<16xi32>
    %swap3A_547 = arith.constant 0 : index
    %swap3A_548 = tpu.vector_load %arg11[%swap3A_547] {strides = array<i32>} : memref<32xi32, #tpu.memory_space<vmem>>, vector<16xi32>,
    %swap3A_549 = vector.shape_cast %swap3A_548 : vector<16xi32> to vector<16xi32>
    %swap3A_550 = vector.shape_cast %add3A_546 : vector<16xi32> to vector<16xi32>
    tpu.vector_store %arg11[%swap3A_547], %swap3A_550 {strides = array<i32>} : memref<32xi32, #tpu.memory_space<vmem>>, vector<16xi32>,
    %add3A_551 = arith.constant 128 : i32
    %add3A_552 = arith.addi %mul3A_18, %add3A_551 : i32
    %add3A_553 = arith.constant 16 : i32
    %add3A_554 = arith.addi %add3A_552, %add3A_553 : i32
    %add3A_555 = vector.broadcast %add3A_554 : i32 to vector<16xi32>
    %add3A_556 = arith.addi %add3A_555, %iota3A : vector<16xi32>
    %and3A_557 = arith.constant 15 : i32
    %and3A_558 = vector.broadcast %and3A_557 : i32 to vector<16xi32>
    %and3A_559 = arith.andi %add3A_556, %and3A_558 : vector<16xi32>
    %shift_right_arithmetic3A_560 = arith.constant 4 : i32
    %shift_right_arithmetic3A_561 = vector.broadcast %shift_right_arithmetic3A_560 : i32 to vector<16xi32>
    %shift_right_arithmetic3A_562 = arith.shrsi %add3A_556, %shift_right_arithmetic3A_561 : vector<16xi32>
    %and3A_563 = arith.constant 1 : i32
    %and3A_564 = vector.broadcast %and3A_563 : i32 to vector<16xi32>
    %and3A_565 = arith.andi %shift_right_arithmetic3A_562, %and3A_564 : vector<16xi32>
    %shift_right_arithmetic3A_566 = arith.constant 5 : i32
    %shift_right_arithmetic3A_567 = vector.broadcast %shift_right_arithmetic3A_566 : i32 to vector<16xi32>
    %shift_right_arithmetic3A_568 = arith.shrsi %add3A_556, %shift_right_arithmetic3A_567 : vector<16xi32>
    %and3A_569 = arith.constant 127 : i32
    %and3A_570 = vector.broadcast %and3A_569 : i32 to vector<16xi32>
    %and3A_571 = arith.andi %shift_right_arithmetic3A_568, %and3A_570 : vector<16xi32>
    %mul3A_572 = arith.constant 16 : i32
    %mul3A_573 = vector.broadcast %mul3A_572 : i32 to vector<16xi32>
    %mul3A_574 = arith.muli %and3A_571, %mul3A_573 : vector<16xi32>
    %add3A_575 = arith.addi %mul3A_574, %and3A_559 : vector<16xi32>
    %ge3A_576 = arith.cmpi sge, %add3A_575, %gather3A_37 : vector<16xi32>
    %lt3A_577 = arith.cmpi slt, %add3A_575, %sub3A_31 : vector<16xi32>
    %and3A_578 = arith.andi %ge3A_576, %lt3A_577 : vector<16xi1>
    %add3A_579 = arith.addi %add3A_575, %gather3A_24 : vector<16xi32>
    %select_n3A_580 = arith.select %and3A_578, %add3A_579, %add3A_575 : vector<16xi1>, vector<16xi32>
    %mul3A_581 = arith.constant 4096 : i32
    %mul3A_582 = arith.muli %select_n3A, %mul3A_581 : i32
    %shift_right_arithmetic3A_583 = arith.constant 4 : i32
    %shift_right_arithmetic3A_584 = vector.broadcast %shift_right_arithmetic3A_583 : i32 to vector<16xi32>
    %shift_right_arithmetic3A_585 = arith.shrsi %select_n3A_580, %shift_right_arithmetic3A_584 : vector<16xi32>
    %shift_left3A_586 = arith.constant 5 : i32
    %shift_left3A_587 = vector.broadcast %shift_left3A_586 : i32 to vector<16xi32>
    %shift_left3A_588 = arith.shli %shift_right_arithmetic3A_585, %shift_left3A_587 : vector<16xi32>
    %add3A_589 = vector.broadcast %mul3A_582 : i32 to vector<16xi32>
    %add3A_590 = arith.addi %add3A_589, %shift_left3A_588 : vector<16xi32>
    %shift_left3A_591 = arith.constant 4 : i32
    %shift_left3A_592 = vector.broadcast %shift_left3A_591 : i32 to vector<16xi32>
    %shift_left3A_593 = arith.shli %and3A_565, %shift_left3A_592 : vector<16xi32>
    %add3A_594 = arith.addi %add3A_590, %shift_left3A_593 : vector<16xi32>
    %and3A_595 = arith.constant 15 : i32
    %and3A_596 = vector.broadcast %and3A_595 : i32 to vector<16xi32>
    %and3A_597 = arith.andi %select_n3A_580, %and3A_596 : vector<16xi32>
    %add3A_598 = arith.addi %add3A_594, %and3A_597 : vector<16xi32>
    %swap3A_599 = arith.constant 16 : index
    %swap3A_600 = tpu.vector_load %arg11[%swap3A_599] {strides = array<i32>} : memref<32xi32, #tpu.memory_space<vmem>>, vector<16xi32>,
    %swap3A_601 = vector.shape_cast %swap3A_600 : vector<16xi32> to vector<16xi32>
    %swap3A_602 = vector.shape_cast %add3A_598 : vector<16xi32> to vector<16xi32>
    tpu.vector_store %arg11[%swap3A_599], %swap3A_602 {strides = array<i32>} : memref<32xi32, #tpu.memory_space<vmem>>, vector<16xi32>,
    %dma_start3A_603 = arith.constant 0 : i32
    %dma_start3A_604 = arith.constant 0 : i32
    %dma_start3A_605 = arith.constant 0 : i32
    %dma_start3A_606 = tpu.memref_slice %arg2[%dma_start3A_603, %dma_start3A_604, %dma_start3A_605] : memref<32768x8x128xf32, #tpu.memory_space<hbm>> -> memref<32768x8x128xf32, #tpu.memory_space<hbm>>
    tpu.enqueue_indirect_dma source(%dma_start3A_606 : memref<32768x8x128xf32, #tpu.memory_space<hbm>>) target(%arg14 : memref<32x8x128xf32, #tpu.memory_space<vmem>>) offsets(%arg11 : memref<32xi32, #tpu.memory_space<vmem>>) semaphore(%arg17 : memref<!tpu.dma_semaphore, #tpu.memory_space<semaphore_mem>>)
    %dma_wait3A_607 = arith.constant 0 : i32
    %dma_wait3A_608 = arith.constant 0 : i32
    %dma_wait3A_609 = arith.constant 0 : i32
    %dma_wait3A_610 = tpu.memref_slice %arg2[%dma_wait3A_607, %dma_wait3A_608, %dma_wait3A_609] : memref<32768x8x128xf32, #tpu.memory_space<hbm>> -> memref<32768x8x128xf32, #tpu.memory_space<hbm>>
    tpu.wait_indirect_dma semaphore(%arg18 : memref<!tpu.dma_semaphore, #tpu.memory_space<semaphore_mem>>) src(%dma_wait3A_610 : memref<32768x8x128xf32, #tpu.memory_space<hbm>>) dst(%arg15 : memref<32x8x128xf32, #tpu.memory_space<vmem>>)
    %add3A_611 = arith.constant 64 : i32
    %add3A_612 = arith.addi %mul3A_18, %add3A_611 : i32
    %dma_start3A_613 = arith.constant 0 : i32
    %dma_start3A_614 = arith.constant 0 : i32
    %dma_start3A_615 = tpu.memref_slice %arg6[%add3A_612, %dma_start3A_613, %dma_start3A_614] : memref<32768x8x128xf32, #tpu.memory_space<hbm>> -> memref<32x8x128xf32, #tpu.memory_space<hbm>>
    %dma_start3A_616 = arith.constant 0 : i32
    %dma_start3A_617 = arith.constant 0 : i32
    %dma_start3A_618 = tpu.memref_slice %arg6[%add3A_612, %dma_start3A_616, %dma_start3A_617] : memref<32768x8x128xf32, #tpu.memory_space<hbm>> -> memref<32x8x128xf32, #tpu.memory_space<hbm>>
    tpu.enqueue_dma source(%arg15 : memref<32x8x128xf32, #tpu.memory_space<vmem>>) target(%dma_start3A_618 : memref<32x8x128xf32, #tpu.memory_space<hbm>>) target_semaphore(%arg21 : memref<!tpu.dma_semaphore, #tpu.memory_space<semaphore_mem>>)
    %dma_wait3A_619 = arith.constant 0 : i32
    %dma_wait3A_620 = arith.constant 0 : i32
    %dma_wait3A_621 = tpu.memref_slice %arg6[%add3A_612, %dma_wait3A_619, %dma_wait3A_620] : memref<32768x8x128xf32, #tpu.memory_space<hbm>> -> memref<32x8x128xf32, #tpu.memory_space<hbm>>
    %dma_wait3A_622 = arith.constant 0 : i32
    %dma_wait3A_623 = arith.constant 0 : i32
    %dma_wait3A_624 = tpu.memref_slice %arg6[%add3A_612, %dma_wait3A_622, %dma_wait3A_623] : memref<32768x8x128xf32, #tpu.memory_space<hbm>> -> memref<32x8x128xf32, #tpu.memory_space<hbm>>
    tpu.wait_dma2 semaphore(%arg21 : memref<!tpu.dma_semaphore, #tpu.memory_space<semaphore_mem>>) src(%arg15 : memref<32x8x128xf32, #tpu.memory_space<vmem>>) dst(%dma_wait3A_624 : memref<32x8x128xf32, #tpu.memory_space<hbm>>)
    %add3A_625 = arith.constant 160 : i32
    %add3A_626 = arith.addi %mul3A_18, %add3A_625 : i32
    %add3A_627 = arith.constant 0 : i32
    %add3A_628 = arith.addi %add3A_626, %add3A_627 : i32
    %add3A_629 = vector.broadcast %add3A_628 : i32 to vector<16xi32>
    %add3A_630 = arith.addi %add3A_629, %iota3A : vector<16xi32>
    %and3A_631 = arith.constant 15 : i32
    %and3A_632 = vector.broadcast %and3A_631 : i32 to vector<16xi32>
    %and3A_633 = arith.andi %add3A_630, %and3A_632 : vector<16xi32>
    %shift_right_arithmetic3A_634 = arith.constant 4 : i32
    %shift_right_arithmetic3A_635 = vector.broadcast %shift_right_arithmetic3A_634 : i32 to vector<16xi32>
    %shift_right_arithmetic3A_636 = arith.shrsi %add3A_630, %shift_right_arithmetic3A_635 : vector<16xi32>
    %and3A_637 = arith.constant 1 : i32
    %and3A_638 = vector.broadcast %and3A_637 : i32 to vector<16xi32>
    %and3A_639 = arith.andi %shift_right_arithmetic3A_636, %and3A_638 : vector<16xi32>
    %shift_right_arithmetic3A_640 = arith.constant 5 : i32
    %shift_right_arithmetic3A_641 = vector.broadcast %shift_right_arithmetic3A_640 : i32 to vector<16xi32>
    %shift_right_arithmetic3A_642 = arith.shrsi %add3A_630, %shift_right_arithmetic3A_641 : vector<16xi32>
    %and3A_643 = arith.constant 127 : i32
    %and3A_644 = vector.broadcast %and3A_643 : i32 to vector<16xi32>
    %and3A_645 = arith.andi %shift_right_arithmetic3A_642, %and3A_644 : vector<16xi32>
    %mul3A_646 = arith.constant 16 : i32
    %mul3A_647 = vector.broadcast %mul3A_646 : i32 to vector<16xi32>
    %mul3A_648 = arith.muli %and3A_645, %mul3A_647 : vector<16xi32>
    %add3A_649 = arith.addi %mul3A_648, %and3A_633 : vector<16xi32>
    %ge3A_650 = arith.cmpi sge, %add3A_649, %gather3A_37 : vector<16xi32>
    %lt3A_651 = arith.cmpi slt, %add3A_649, %sub3A_31 : vector<16xi32>
    %and3A_652 = arith.andi %ge3A_650, %lt3A_651 : vector<16xi1>
    %add3A_653 = arith.addi %add3A_649, %gather3A_24 : vector<16xi32>
    %select_n3A_654 = arith.select %and3A_652, %add3A_653, %add3A_649 : vector<16xi1>, vector<16xi32>
    %mul3A_655 = arith.constant 4096 : i32
    %mul3A_656 = arith.muli %select_n3A, %mul3A_655 : i32
    %shift_right_arithmetic3A_657 = arith.constant 4 : i32
    %shift_right_arithmetic3A_658 = vector.broadcast %shift_right_arithmetic3A_657 : i32 to vector<16xi32>
    %shift_right_arithmetic3A_659 = arith.shrsi %select_n3A_654, %shift_right_arithmetic3A_658 : vector<16xi32>
    %shift_left3A_660 = arith.constant 5 : i32
    %shift_left3A_661 = vector.broadcast %shift_left3A_660 : i32 to vector<16xi32>
    %shift_left3A_662 = arith.shli %shift_right_arithmetic3A_659, %shift_left3A_661 : vector<16xi32>
    %add3A_663 = vector.broadcast %mul3A_656 : i32 to vector<16xi32>
    %add3A_664 = arith.addi %add3A_663, %shift_left3A_662 : vector<16xi32>
    %shift_left3A_665 = arith.constant 4 : i32
    %shift_left3A_666 = vector.broadcast %shift_left3A_665 : i32 to vector<16xi32>
    %shift_left3A_667 = arith.shli %and3A_639, %shift_left3A_666 : vector<16xi32>
    %add3A_668 = arith.addi %add3A_664, %shift_left3A_667 : vector<16xi32>
    %and3A_669 = arith.constant 15 : i32
    %and3A_670 = vector.broadcast %and3A_669 : i32 to vector<16xi32>
    %and3A_671 = arith.andi %select_n3A_654, %and3A_670 : vector<16xi32>
    %add3A_672 = arith.addi %add3A_668, %and3A_671 : vector<16xi32>
    %swap3A_673 = arith.constant 0 : index
    %swap3A_674 = tpu.vector_load %arg12[%swap3A_673] {strides = array<i32>} : memref<32xi32, #tpu.memory_space<vmem>>, vector<16xi32>,
    %swap3A_675 = vector.shape_cast %swap3A_674 : vector<16xi32> to vector<16xi32>
    %swap3A_676 = vector.shape_cast %add3A_672 : vector<16xi32> to vector<16xi32>
    tpu.vector_store %arg12[%swap3A_673], %swap3A_676 {strides = array<i32>} : memref<32xi32, #tpu.memory_space<vmem>>, vector<16xi32>,
    %add3A_677 = arith.constant 160 : i32
    %add3A_678 = arith.addi %mul3A_18, %add3A_677 : i32
    %add3A_679 = arith.constant 16 : i32
    %add3A_680 = arith.addi %add3A_678, %add3A_679 : i32
    %add3A_681 = vector.broadcast %add3A_680 : i32 to vector<16xi32>
    %add3A_682 = arith.addi %add3A_681, %iota3A : vector<16xi32>
    %and3A_683 = arith.constant 15 : i32
    %and3A_684 = vector.broadcast %and3A_683 : i32 to vector<16xi32>
    %and3A_685 = arith.andi %add3A_682, %and3A_684 : vector<16xi32>
    %shift_right_arithmetic3A_686 = arith.constant 4 : i32
    %shift_right_arithmetic3A_687 = vector.broadcast %shift_right_arithmetic3A_686 : i32 to vector<16xi32>
    %shift_right_arithmetic3A_688 = arith.shrsi %add3A_682, %shift_right_arithmetic3A_687 : vector<16xi32>
    %and3A_689 = arith.constant 1 : i32
    %and3A_690 = vector.broadcast %and3A_689 : i32 to vector<16xi32>
    %and3A_691 = arith.andi %shift_right_arithmetic3A_688, %and3A_690 : vector<16xi32>
    %shift_right_arithmetic3A_692 = arith.constant 5 : i32
    %shift_right_arithmetic3A_693 = vector.broadcast %shift_right_arithmetic3A_692 : i32 to vector<16xi32>
    %shift_right_arithmetic3A_694 = arith.shrsi %add3A_682, %shift_right_arithmetic3A_693 : vector<16xi32>
    %and3A_695 = arith.constant 127 : i32
    %and3A_696 = vector.broadcast %and3A_695 : i32 to vector<16xi32>
    %and3A_697 = arith.andi %shift_right_arithmetic3A_694, %and3A_696 : vector<16xi32>
    %mul3A_698 = arith.constant 16 : i32
    %mul3A_699 = vector.broadcast %mul3A_698 : i32 to vector<16xi32>
    %mul3A_700 = arith.muli %and3A_697, %mul3A_699 : vector<16xi32>
    %add3A_701 = arith.addi %mul3A_700, %and3A_685 : vector<16xi32>
    %ge3A_702 = arith.cmpi sge, %add3A_701, %gather3A_37 : vector<16xi32>
    %lt3A_703 = arith.cmpi slt, %add3A_701, %sub3A_31 : vector<16xi32>
    %and3A_704 = arith.andi %ge3A_702, %lt3A_703 : vector<16xi1>
    %add3A_705 = arith.addi %add3A_701, %gather3A_24 : vector<16xi32>
    %select_n3A_706 = arith.select %and3A_704, %add3A_705, %add3A_701 : vector<16xi1>, vector<16xi32>
    %mul3A_707 = arith.constant 4096 : i32
    %mul3A_708 = arith.muli %select_n3A, %mul3A_707 : i32
    %shift_right_arithmetic3A_709 = arith.constant 4 : i32
    %shift_right_arithmetic3A_710 = vector.broadcast %shift_right_arithmetic3A_709 : i32 to vector<16xi32>
    %shift_right_arithmetic3A_711 = arith.shrsi %select_n3A_706, %shift_right_arithmetic3A_710 : vector<16xi32>
    %shift_left3A_712 = arith.constant 5 : i32
    %shift_left3A_713 = vector.broadcast %shift_left3A_712 : i32 to vector<16xi32>
    %shift_left3A_714 = arith.shli %shift_right_arithmetic3A_711, %shift_left3A_713 : vector<16xi32>
    %add3A_715 = vector.broadcast %mul3A_708 : i32 to vector<16xi32>
    %add3A_716 = arith.addi %add3A_715, %shift_left3A_714 : vector<16xi32>
    %shift_left3A_717 = arith.constant 4 : i32
    %shift_left3A_718 = vector.broadcast %shift_left3A_717 : i32 to vector<16xi32>
    %shift_left3A_719 = arith.shli %and3A_691, %shift_left3A_718 : vector<16xi32>
    %add3A_720 = arith.addi %add3A_716, %shift_left3A_719 : vector<16xi32>
    %and3A_721 = arith.constant 15 : i32
    %and3A_722 = vector.broadcast %and3A_721 : i32 to vector<16xi32>
    %and3A_723 = arith.andi %select_n3A_706, %and3A_722 : vector<16xi32>
    %add3A_724 = arith.addi %add3A_720, %and3A_723 : vector<16xi32>
    %swap3A_725 = arith.constant 16 : index
    %swap3A_726 = tpu.vector_load %arg12[%swap3A_725] {strides = array<i32>} : memref<32xi32, #tpu.memory_space<vmem>>, vector<16xi32>,
    %swap3A_727 = vector.shape_cast %swap3A_726 : vector<16xi32> to vector<16xi32>
    %swap3A_728 = vector.shape_cast %add3A_724 : vector<16xi32> to vector<16xi32>
    tpu.vector_store %arg12[%swap3A_725], %swap3A_728 {strides = array<i32>} : memref<32xi32, #tpu.memory_space<vmem>>, vector<16xi32>,
    %dma_start3A_729 = arith.constant 0 : i32
    %dma_start3A_730 = arith.constant 0 : i32
    %dma_start3A_731 = arith.constant 0 : i32
    %dma_start3A_732 = tpu.memref_slice %arg2[%dma_start3A_729, %dma_start3A_730, %dma_start3A_731] : memref<32768x8x128xf32, #tpu.memory_space<hbm>> -> memref<32768x8x128xf32, #tpu.memory_space<hbm>>
    tpu.enqueue_indirect_dma source(%dma_start3A_732 : memref<32768x8x128xf32, #tpu.memory_space<hbm>>) target(%arg15 : memref<32x8x128xf32, #tpu.memory_space<vmem>>) offsets(%arg12 : memref<32xi32, #tpu.memory_space<vmem>>) semaphore(%arg18 : memref<!tpu.dma_semaphore, #tpu.memory_space<semaphore_mem>>)
    %dma_wait3A_733 = arith.constant 0 : i32
    %dma_wait3A_734 = arith.constant 0 : i32
    %dma_wait3A_735 = arith.constant 0 : i32
    %dma_wait3A_736 = tpu.memref_slice %arg2[%dma_wait3A_733, %dma_wait3A_734, %dma_wait3A_735] : memref<32768x8x128xf32, #tpu.memory_space<hbm>> -> memref<32768x8x128xf32, #tpu.memory_space<hbm>>
    tpu.wait_indirect_dma semaphore(%arg16 : memref<!tpu.dma_semaphore, #tpu.memory_space<semaphore_mem>>) src(%dma_wait3A_736 : memref<32768x8x128xf32, #tpu.memory_space<hbm>>) dst(%arg13 : memref<32x8x128xf32, #tpu.memory_space<vmem>>)
    %add3A_737 = arith.constant 96 : i32
    %add3A_738 = arith.addi %mul3A_18, %add3A_737 : i32
    %dma_start3A_739 = arith.constant 0 : i32
    %dma_start3A_740 = arith.constant 0 : i32
    %dma_start3A_741 = tpu.memref_slice %arg6[%add3A_738, %dma_start3A_739, %dma_start3A_740] : memref<32768x8x128xf32, #tpu.memory_space<hbm>> -> memref<32x8x128xf32, #tpu.memory_space<hbm>>
    %dma_start3A_742 = arith.constant 0 : i32
    %dma_start3A_743 = arith.constant 0 : i32
    %dma_start3A_744 = tpu.memref_slice %arg6[%add3A_738, %dma_start3A_742, %dma_start3A_743] : memref<32768x8x128xf32, #tpu.memory_space<hbm>> -> memref<32x8x128xf32, #tpu.memory_space<hbm>>
    tpu.enqueue_dma source(%arg13 : memref<32x8x128xf32, #tpu.memory_space<vmem>>) target(%dma_start3A_744 : memref<32x8x128xf32, #tpu.memory_space<hbm>>) target_semaphore(%arg19 : memref<!tpu.dma_semaphore, #tpu.memory_space<semaphore_mem>>)
    %dma_wait3A_745 = arith.constant 0 : i32
    %dma_wait3A_746 = arith.constant 0 : i32
    %dma_wait3A_747 = tpu.memref_slice %arg6[%add3A_738, %dma_wait3A_745, %dma_wait3A_746] : memref<32768x8x128xf32, #tpu.memory_space<hbm>> -> memref<32x8x128xf32, #tpu.memory_space<hbm>>
    %dma_wait3A_748 = arith.constant 0 : i32
    %dma_wait3A_749 = arith.constant 0 : i32
    %dma_wait3A_750 = tpu.memref_slice %arg6[%add3A_738, %dma_wait3A_748, %dma_wait3A_749] : memref<32768x8x128xf32, #tpu.memory_space<hbm>> -> memref<32x8x128xf32, #tpu.memory_space<hbm>>
    tpu.wait_dma2 semaphore(%arg19 : memref<!tpu.dma_semaphore, #tpu.memory_space<semaphore_mem>>) src(%arg13 : memref<32x8x128xf32, #tpu.memory_space<vmem>>) dst(%dma_wait3A_750 : memref<32x8x128xf32, #tpu.memory_space<hbm>>)
    %add3A_751 = arith.constant 192 : i32
    %add3A_752 = arith.addi %mul3A_18, %add3A_751 : i32
    %add3A_753 = arith.constant 0 : i32
    %add3A_754 = arith.addi %add3A_752, %add3A_753 : i32
    %add3A_755 = vector.broadcast %add3A_754 : i32 to vector<16xi32>
    %add3A_756 = arith.addi %add3A_755, %iota3A : vector<16xi32>
    %and3A_757 = arith.constant 15 : i32
    %and3A_758 = vector.broadcast %and3A_757 : i32 to vector<16xi32>
    %and3A_759 = arith.andi %add3A_756, %and3A_758 : vector<16xi32>
    %shift_right_arithmetic3A_760 = arith.constant 4 : i32
    %shift_right_arithmetic3A_761 = vector.broadcast %shift_right_arithmetic3A_760 : i32 to vector<16xi32>
    %shift_right_arithmetic3A_762 = arith.shrsi %add3A_756, %shift_right_arithmetic3A_761 : vector<16xi32>
    %and3A_763 = arith.constant 1 : i32
    %and3A_764 = vector.broadcast %and3A_763 : i32 to vector<16xi32>
    %and3A_765 = arith.andi %shift_right_arithmetic3A_762, %and3A_764 : vector<16xi32>
    %shift_right_arithmetic3A_766 = arith.constant 5 : i32
    %shift_right_arithmetic3A_767 = vector.broadcast %shift_right_arithmetic3A_766 : i32 to vector<16xi32>
    %shift_right_arithmetic3A_768 = arith.shrsi %add3A_756, %shift_right_arithmetic3A_767 : vector<16xi32>
    %and3A_769 = arith.constant 127 : i32
    %and3A_770 = vector.broadcast %and3A_769 : i32 to vector<16xi32>
    %and3A_771 = arith.andi %shift_right_arithmetic3A_768, %and3A_770 : vector<16xi32>
    %mul3A_772 = arith.constant 16 : i32
    %mul3A_773 = vector.broadcast %mul3A_772 : i32 to vector<16xi32>
    %mul3A_774 = arith.muli %and3A_771, %mul3A_773 : vector<16xi32>
    %add3A_775 = arith.addi %mul3A_774, %and3A_759 : vector<16xi32>
    %ge3A_776 = arith.cmpi sge, %add3A_775, %gather3A_37 : vector<16xi32>
    %lt3A_777 = arith.cmpi slt, %add3A_775, %sub3A_31 : vector<16xi32>
    %and3A_778 = arith.andi %ge3A_776, %lt3A_777 : vector<16xi1>
    %add3A_779 = arith.addi %add3A_775, %gather3A_24 : vector<16xi32>
    %select_n3A_780 = arith.select %and3A_778, %add3A_779, %add3A_775 : vector<16xi1>, vector<16xi32>
    %mul3A_781 = arith.constant 4096 : i32
    %mul3A_782 = arith.muli %select_n3A, %mul3A_781 : i32
    %shift_right_arithmetic3A_783 = arith.constant 4 : i32
    %shift_right_arithmetic3A_784 = vector.broadcast %shift_right_arithmetic3A_783 : i32 to vector<16xi32>
    %shift_right_arithmetic3A_785 = arith.shrsi %select_n3A_780, %shift_right_arithmetic3A_784 : vector<16xi32>
    %shift_left3A_786 = arith.constant 5 : i32
    %shift_left3A_787 = vector.broadcast %shift_left3A_786 : i32 to vector<16xi32>
    %shift_left3A_788 = arith.shli %shift_right_arithmetic3A_785, %shift_left3A_787 : vector<16xi32>
    %add3A_789 = vector.broadcast %mul3A_782 : i32 to vector<16xi32>
    %add3A_790 = arith.addi %add3A_789, %shift_left3A_788 : vector<16xi32>
    %shift_left3A_791 = arith.constant 4 : i32
    %shift_left3A_792 = vector.broadcast %shift_left3A_791 : i32 to vector<16xi32>
    %shift_left3A_793 = arith.shli %and3A_765, %shift_left3A_792 : vector<16xi32>
    %add3A_794 = arith.addi %add3A_790, %shift_left3A_793 : vector<16xi32>
    %and3A_795 = arith.constant 15 : i32
    %and3A_796 = vector.broadcast %and3A_795 : i32 to vector<16xi32>
    %and3A_797 = arith.andi %select_n3A_780, %and3A_796 : vector<16xi32>
    %add3A_798 = arith.addi %add3A_794, %and3A_797 : vector<16xi32>
    %swap3A_799 = arith.constant 0 : index
    %swap3A_800 = tpu.vector_load %arg10[%swap3A_799] {strides = array<i32>} : memref<32xi32, #tpu.memory_space<vmem>>, vector<16xi32>,
    %swap3A_801 = vector.shape_cast %swap3A_800 : vector<16xi32> to vector<16xi32>
    %swap3A_802 = vector.shape_cast %add3A_798 : vector<16xi32> to vector<16xi32>
    tpu.vector_store %arg10[%swap3A_799], %swap3A_802 {strides = array<i32>} : memref<32xi32, #tpu.memory_space<vmem>>, vector<16xi32>,
    %add3A_803 = arith.constant 192 : i32
    %add3A_804 = arith.addi %mul3A_18, %add3A_803 : i32
    %add3A_805 = arith.constant 16 : i32
    %add3A_806 = arith.addi %add3A_804, %add3A_805 : i32
    %add3A_807 = vector.broadcast %add3A_806 : i32 to vector<16xi32>
    %add3A_808 = arith.addi %add3A_807, %iota3A : vector<16xi32>
    %and3A_809 = arith.constant 15 : i32
    %and3A_810 = vector.broadcast %and3A_809 : i32 to vector<16xi32>
    %and3A_811 = arith.andi %add3A_808, %and3A_810 : vector<16xi32>
    %shift_right_arithmetic3A_812 = arith.constant 4 : i32
    %shift_right_arithmetic3A_813 = vector.broadcast %shift_right_arithmetic3A_812 : i32 to vector<16xi32>
    %shift_right_arithmetic3A_814 = arith.shrsi %add3A_808, %shift_right_arithmetic3A_813 : vector<16xi32>
    %and3A_815 = arith.constant 1 : i32
    %and3A_816 = vector.broadcast %and3A_815 : i32 to vector<16xi32>
    %and3A_817 = arith.andi %shift_right_arithmetic3A_814, %and3A_816 : vector<16xi32>
    %shift_right_arithmetic3A_818 = arith.constant 5 : i32
    %shift_right_arithmetic3A_819 = vector.broadcast %shift_right_arithmetic3A_818 : i32 to vector<16xi32>
    %shift_right_arithmetic3A_820 = arith.shrsi %add3A_808, %shift_right_arithmetic3A_819 : vector<16xi32>
    %and3A_821 = arith.constant 127 : i32
    %and3A_822 = vector.broadcast %and3A_821 : i32 to vector<16xi32>
    %and3A_823 = arith.andi %shift_right_arithmetic3A_820, %and3A_822 : vector<16xi32>
    %mul3A_824 = arith.constant 16 : i32
    %mul3A_825 = vector.broadcast %mul3A_824 : i32 to vector<16xi32>
    %mul3A_826 = arith.muli %and3A_823, %mul3A_825 : vector<16xi32>
    %add3A_827 = arith.addi %mul3A_826, %and3A_811 : vector<16xi32>
    %ge3A_828 = arith.cmpi sge, %add3A_827, %gather3A_37 : vector<16xi32>
    %lt3A_829 = arith.cmpi slt, %add3A_827, %sub3A_31 : vector<16xi32>
    %and3A_830 = arith.andi %ge3A_828, %lt3A_829 : vector<16xi1>
    %add3A_831 = arith.addi %add3A_827, %gather3A_24 : vector<16xi32>
    %select_n3A_832 = arith.select %and3A_830, %add3A_831, %add3A_827 : vector<16xi1>, vector<16xi32>
    %mul3A_833 = arith.constant 4096 : i32
    %mul3A_834 = arith.muli %select_n3A, %mul3A_833 : i32
    %shift_right_arithmetic3A_835 = arith.constant 4 : i32
    %shift_right_arithmetic3A_836 = vector.broadcast %shift_right_arithmetic3A_835 : i32 to vector<16xi32>
    %shift_right_arithmetic3A_837 = arith.shrsi %select_n3A_832, %shift_right_arithmetic3A_836 : vector<16xi32>
    %shift_left3A_838 = arith.constant 5 : i32
    %shift_left3A_839 = vector.broadcast %shift_left3A_838 : i32 to vector<16xi32>
    %shift_left3A_840 = arith.shli %shift_right_arithmetic3A_837, %shift_left3A_839 : vector<16xi32>
    %add3A_841 = vector.broadcast %mul3A_834 : i32 to vector<16xi32>
    %add3A_842 = arith.addi %add3A_841, %shift_left3A_840 : vector<16xi32>
    %shift_left3A_843 = arith.constant 4 : i32
    %shift_left3A_844 = vector.broadcast %shift_left3A_843 : i32 to vector<16xi32>
    %shift_left3A_845 = arith.shli %and3A_817, %shift_left3A_844 : vector<16xi32>
    %add3A_846 = arith.addi %add3A_842, %shift_left3A_845 : vector<16xi32>
    %and3A_847 = arith.constant 15 : i32
    %and3A_848 = vector.broadcast %and3A_847 : i32 to vector<16xi32>
    %and3A_849 = arith.andi %select_n3A_832, %and3A_848 : vector<16xi32>
    %add3A_850 = arith.addi %add3A_846, %and3A_849 : vector<16xi32>
    %swap3A_851 = arith.constant 16 : index
    %swap3A_852 = tpu.vector_load %arg10[%swap3A_851] {strides = array<i32>} : memref<32xi32, #tpu.memory_space<vmem>>, vector<16xi32>,
    %swap3A_853 = vector.shape_cast %swap3A_852 : vector<16xi32> to vector<16xi32>
    %swap3A_854 = vector.shape_cast %add3A_850 : vector<16xi32> to vector<16xi32>
    tpu.vector_store %arg10[%swap3A_851], %swap3A_854 {strides = array<i32>} : memref<32xi32, #tpu.memory_space<vmem>>, vector<16xi32>,
    %dma_start3A_855 = arith.constant 0 : i32
    %dma_start3A_856 = arith.constant 0 : i32
    %dma_start3A_857 = arith.constant 0 : i32
    %dma_start3A_858 = tpu.memref_slice %arg2[%dma_start3A_855, %dma_start3A_856, %dma_start3A_857] : memref<32768x8x128xf32, #tpu.memory_space<hbm>> -> memref<32768x8x128xf32, #tpu.memory_space<hbm>>
    tpu.enqueue_indirect_dma source(%dma_start3A_858 : memref<32768x8x128xf32, #tpu.memory_space<hbm>>) target(%arg13 : memref<32x8x128xf32, #tpu.memory_space<vmem>>) offsets(%arg10 : memref<32xi32, #tpu.memory_space<vmem>>) semaphore(%arg16 : memref<!tpu.dma_semaphore, #tpu.memory_space<semaphore_mem>>)
    %dma_wait3A_859 = arith.constant 0 : i32
    %dma_wait3A_860 = arith.constant 0 : i32
    %dma_wait3A_861 = arith.constant 0 : i32
    %dma_wait3A_862 = tpu.memref_slice %arg2[%dma_wait3A_859, %dma_wait3A_860, %dma_wait3A_861] : memref<32768x8x128xf32, #tpu.memory_space<hbm>> -> memref<32768x8x128xf32, #tpu.memory_space<hbm>>
    tpu.wait_indirect_dma semaphore(%arg17 : memref<!tpu.dma_semaphore, #tpu.memory_space<semaphore_mem>>) src(%dma_wait3A_862 : memref<32768x8x128xf32, #tpu.memory_space<hbm>>) dst(%arg14 : memref<32x8x128xf32, #tpu.memory_space<vmem>>)
    %add3A_863 = arith.constant 128 : i32
    %add3A_864 = arith.addi %mul3A_18, %add3A_863 : i32
    %dma_start3A_865 = arith.constant 0 : i32
    %dma_start3A_866 = arith.constant 0 : i32
    %dma_start3A_867 = tpu.memref_slice %arg6[%add3A_864, %dma_start3A_865, %dma_start3A_866] : memref<32768x8x128xf32, #tpu.memory_space<hbm>> -> memref<32x8x128xf32, #tpu.memory_space<hbm>>
    %dma_start3A_868 = arith.constant 0 : i32
    %dma_start3A_869 = arith.constant 0 : i32
    %dma_start3A_870 = tpu.memref_slice %arg6[%add3A_864, %dma_start3A_868, %dma_start3A_869] : memref<32768x8x128xf32, #tpu.memory_space<hbm>> -> memref<32x8x128xf32, #tpu.memory_space<hbm>>
    tpu.enqueue_dma source(%arg14 : memref<32x8x128xf32, #tpu.memory_space<vmem>>) target(%dma_start3A_870 : memref<32x8x128xf32, #tpu.memory_space<hbm>>) target_semaphore(%arg20 : memref<!tpu.dma_semaphore, #tpu.memory_space<semaphore_mem>>)
    %dma_wait3A_871 = arith.constant 0 : i32
    %dma_wait3A_872 = arith.constant 0 : i32
    %dma_wait3A_873 = tpu.memref_slice %arg6[%add3A_864, %dma_wait3A_871, %dma_wait3A_872] : memref<32768x8x128xf32, #tpu.memory_space<hbm>> -> memref<32x8x128xf32, #tpu.memory_space<hbm>>
    %dma_wait3A_874 = arith.constant 0 : i32
    %dma_wait3A_875 = arith.constant 0 : i32
    %dma_wait3A_876 = tpu.memref_slice %arg6[%add3A_864, %dma_wait3A_874, %dma_wait3A_875] : memref<32768x8x128xf32, #tpu.memory_space<hbm>> -> memref<32x8x128xf32, #tpu.memory_space<hbm>>
    tpu.wait_dma2 semaphore(%arg20 : memref<!tpu.dma_semaphore, #tpu.memory_space<semaphore_mem>>) src(%arg14 : memref<32x8x128xf32, #tpu.memory_space<vmem>>) dst(%dma_wait3A_876 : memref<32x8x128xf32, #tpu.memory_space<hbm>>)
    %add3A_877 = arith.constant 224 : i32
    %add3A_878 = arith.addi %mul3A_18, %add3A_877 : i32
    %add3A_879 = arith.constant 0 : i32
    %add3A_880 = arith.addi %add3A_878, %add3A_879 : i32
    %add3A_881 = vector.broadcast %add3A_880 : i32 to vector<16xi32>
    %add3A_882 = arith.addi %add3A_881, %iota3A : vector<16xi32>
    %and3A_883 = arith.constant 15 : i32
    %and3A_884 = vector.broadcast %and3A_883 : i32 to vector<16xi32>
    %and3A_885 = arith.andi %add3A_882, %and3A_884 : vector<16xi32>
    %shift_right_arithmetic3A_886 = arith.constant 4 : i32
    %shift_right_arithmetic3A_887 = vector.broadcast %shift_right_arithmetic3A_886 : i32 to vector<16xi32>
    %shift_right_arithmetic3A_888 = arith.shrsi %add3A_882, %shift_right_arithmetic3A_887 : vector<16xi32>
    %and3A_889 = arith.constant 1 : i32
    %and3A_890 = vector.broadcast %and3A_889 : i32 to vector<16xi32>
    %and3A_891 = arith.andi %shift_right_arithmetic3A_888, %and3A_890 : vector<16xi32>
    %shift_right_arithmetic3A_892 = arith.constant 5 : i32
    %shift_right_arithmetic3A_893 = vector.broadcast %shift_right_arithmetic3A_892 : i32 to vector<16xi32>
    %shift_right_arithmetic3A_894 = arith.shrsi %add3A_882, %shift_right_arithmetic3A_893 : vector<16xi32>
    %and3A_895 = arith.constant 127 : i32
    %and3A_896 = vector.broadcast %and3A_895 : i32 to vector<16xi32>
    %and3A_897 = arith.andi %shift_right_arithmetic3A_894, %and3A_896 : vector<16xi32>
    %mul3A_898 = arith.constant 16 : i32
    %mul3A_899 = vector.broadcast %mul3A_898 : i32 to vector<16xi32>
    %mul3A_900 = arith.muli %and3A_897, %mul3A_899 : vector<16xi32>
    %add3A_901 = arith.addi %mul3A_900, %and3A_885 : vector<16xi32>
    %ge3A_902 = arith.cmpi sge, %add3A_901, %gather3A_37 : vector<16xi32>
    %lt3A_903 = arith.cmpi slt, %add3A_901, %sub3A_31 : vector<16xi32>
    %and3A_904 = arith.andi %ge3A_902, %lt3A_903 : vector<16xi1>
    %add3A_905 = arith.addi %add3A_901, %gather3A_24 : vector<16xi32>
    %select_n3A_906 = arith.select %and3A_904, %add3A_905, %add3A_901 : vector<16xi1>, vector<16xi32>
    %mul3A_907 = arith.constant 4096 : i32
    %mul3A_908 = arith.muli %select_n3A, %mul3A_907 : i32
    %shift_right_arithmetic3A_909 = arith.constant 4 : i32
    %shift_right_arithmetic3A_910 = vector.broadcast %shift_right_arithmetic3A_909 : i32 to vector<16xi32>
    %shift_right_arithmetic3A_911 = arith.shrsi %select_n3A_906, %shift_right_arithmetic3A_910 : vector<16xi32>
    %shift_left3A_912 = arith.constant 5 : i32
    %shift_left3A_913 = vector.broadcast %shift_left3A_912 : i32 to vector<16xi32>
    %shift_left3A_914 = arith.shli %shift_right_arithmetic3A_911, %shift_left3A_913 : vector<16xi32>
    %add3A_915 = vector.broadcast %mul3A_908 : i32 to vector<16xi32>
    %add3A_916 = arith.addi %add3A_915, %shift_left3A_914 : vector<16xi32>
    %shift_left3A_917 = arith.constant 4 : i32
    %shift_left3A_918 = vector.broadcast %shift_left3A_917 : i32 to vector<16xi32>
    %shift_left3A_919 = arith.shli %and3A_891, %shift_left3A_918 : vector<16xi32>
    %add3A_920 = arith.addi %add3A_916, %shift_left3A_919 : vector<16xi32>
    %and3A_921 = arith.constant 15 : i32
    %and3A_922 = vector.broadcast %and3A_921 : i32 to vector<16xi32>
    %and3A_923 = arith.andi %select_n3A_906, %and3A_922 : vector<16xi32>
    %add3A_924 = arith.addi %add3A_920, %and3A_923 : vector<16xi32>
    %swap3A_925 = arith.constant 0 : index
    %swap3A_926 = tpu.vector_load %arg11[%swap3A_925] {strides = array<i32>} : memref<32xi32, #tpu.memory_space<vmem>>, vector<16xi32>,
    %swap3A_927 = vector.shape_cast %swap3A_926 : vector<16xi32> to vector<16xi32>
    %swap3A_928 = vector.shape_cast %add3A_924 : vector<16xi32> to vector<16xi32>
    tpu.vector_store %arg11[%swap3A_925], %swap3A_928 {strides = array<i32>} : memref<32xi32, #tpu.memory_space<vmem>>, vector<16xi32>,
    %add3A_929 = arith.constant 224 : i32
    %add3A_930 = arith.addi %mul3A_18, %add3A_929 : i32
    %add3A_931 = arith.constant 16 : i32
    %add3A_932 = arith.addi %add3A_930, %add3A_931 : i32
    %add3A_933 = vector.broadcast %add3A_932 : i32 to vector<16xi32>
    %add3A_934 = arith.addi %add3A_933, %iota3A : vector<16xi32>
    %and3A_935 = arith.constant 15 : i32
    %and3A_936 = vector.broadcast %and3A_935 : i32 to vector<16xi32>
    %and3A_937 = arith.andi %add3A_934, %and3A_936 : vector<16xi32>
    %shift_right_arithmetic3A_938 = arith.constant 4 : i32
    %shift_right_arithmetic3A_939 = vector.broadcast %shift_right_arithmetic3A_938 : i32 to vector<16xi32>
    %shift_right_arithmetic3A_940 = arith.shrsi %add3A_934, %shift_right_arithmetic3A_939 : vector<16xi32>
    %and3A_941 = arith.constant 1 : i32
    %and3A_942 = vector.broadcast %and3A_941 : i32 to vector<16xi32>
    %and3A_943 = arith.andi %shift_right_arithmetic3A_940, %and3A_942 : vector<16xi32>
    %shift_right_arithmetic3A_944 = arith.constant 5 : i32
    %shift_right_arithmetic3A_945 = vector.broadcast %shift_right_arithmetic3A_944 : i32 to vector<16xi32>
    %shift_right_arithmetic3A_946 = arith.shrsi %add3A_934, %shift_right_arithmetic3A_945 : vector<16xi32>
    %and3A_947 = arith.constant 127 : i32
    %and3A_948 = vector.broadcast %and3A_947 : i32 to vector<16xi32>
    %and3A_949 = arith.andi %shift_right_arithmetic3A_946, %and3A_948 : vector<16xi32>
    %mul3A_950 = arith.constant 16 : i32
    %mul3A_951 = vector.broadcast %mul3A_950 : i32 to vector<16xi32>
    %mul3A_952 = arith.muli %and3A_949, %mul3A_951 : vector<16xi32>
    %add3A_953 = arith.addi %mul3A_952, %and3A_937 : vector<16xi32>
    %ge3A_954 = arith.cmpi sge, %add3A_953, %gather3A_37 : vector<16xi32>
    %lt3A_955 = arith.cmpi slt, %add3A_953, %sub3A_31 : vector<16xi32>
    %and3A_956 = arith.andi %ge3A_954, %lt3A_955 : vector<16xi1>
    %add3A_957 = arith.addi %add3A_953, %gather3A_24 : vector<16xi32>
    %select_n3A_958 = arith.select %and3A_956, %add3A_957, %add3A_953 : vector<16xi1>, vector<16xi32>
    %mul3A_959 = arith.constant 4096 : i32
    %mul3A_960 = arith.muli %select_n3A, %mul3A_959 : i32
    %shift_right_arithmetic3A_961 = arith.constant 4 : i32
    %shift_right_arithmetic3A_962 = vector.broadcast %shift_right_arithmetic3A_961 : i32 to vector<16xi32>
    %shift_right_arithmetic3A_963 = arith.shrsi %select_n3A_958, %shift_right_arithmetic3A_962 : vector<16xi32>
    %shift_left3A_964 = arith.constant 5 : i32
    %shift_left3A_965 = vector.broadcast %shift_left3A_964 : i32 to vector<16xi32>
    %shift_left3A_966 = arith.shli %shift_right_arithmetic3A_963, %shift_left3A_965 : vector<16xi32>
    %add3A_967 = vector.broadcast %mul3A_960 : i32 to vector<16xi32>
    %add3A_968 = arith.addi %add3A_967, %shift_left3A_966 : vector<16xi32>
    %shift_left3A_969 = arith.constant 4 : i32
    %shift_left3A_970 = vector.broadcast %shift_left3A_969 : i32 to vector<16xi32>
    %shift_left3A_971 = arith.shli %and3A_943, %shift_left3A_970 : vector<16xi32>
    %add3A_972 = arith.addi %add3A_968, %shift_left3A_971 : vector<16xi32>
    %and3A_973 = arith.constant 15 : i32
    %and3A_974 = vector.broadcast %and3A_973 : i32 to vector<16xi32>
    %and3A_975 = arith.andi %select_n3A_958, %and3A_974 : vector<16xi32>
    %add3A_976 = arith.addi %add3A_972, %and3A_975 : vector<16xi32>
    %swap3A_977 = arith.constant 16 : index
    %swap3A_978 = tpu.vector_load %arg11[%swap3A_977] {strides = array<i32>} : memref<32xi32, #tpu.memory_space<vmem>>, vector<16xi32>,
    %swap3A_979 = vector.shape_cast %swap3A_978 : vector<16xi32> to vector<16xi32>
    %swap3A_980 = vector.shape_cast %add3A_976 : vector<16xi32> to vector<16xi32>
    tpu.vector_store %arg11[%swap3A_977], %swap3A_980 {strides = array<i32>} : memref<32xi32, #tpu.memory_space<vmem>>, vector<16xi32>,
    %dma_start3A_981 = arith.constant 0 : i32
    %dma_start3A_982 = arith.constant 0 : i32
    %dma_start3A_983 = arith.constant 0 : i32
    %dma_start3A_984 = tpu.memref_slice %arg2[%dma_start3A_981, %dma_start3A_982, %dma_start3A_983] : memref<32768x8x128xf32, #tpu.memory_space<hbm>> -> memref<32768x8x128xf32, #tpu.memory_space<hbm>>
    tpu.enqueue_indirect_dma source(%dma_start3A_984 : memref<32768x8x128xf32, #tpu.memory_space<hbm>>) target(%arg14 : memref<32x8x128xf32, #tpu.memory_space<vmem>>) offsets(%arg11 : memref<32xi32, #tpu.memory_space<vmem>>) semaphore(%arg17 : memref<!tpu.dma_semaphore, #tpu.memory_space<semaphore_mem>>)
    %dma_wait3A_985 = arith.constant 0 : i32
    %dma_wait3A_986 = arith.constant 0 : i32
    %dma_wait3A_987 = arith.constant 0 : i32
    %dma_wait3A_988 = tpu.memref_slice %arg2[%dma_wait3A_985, %dma_wait3A_986, %dma_wait3A_987] : memref<32768x8x128xf32, #tpu.memory_space<hbm>> -> memref<32768x8x128xf32, #tpu.memory_space<hbm>>
    tpu.wait_indirect_dma semaphore(%arg18 : memref<!tpu.dma_semaphore, #tpu.memory_space<semaphore_mem>>) src(%dma_wait3A_988 : memref<32768x8x128xf32, #tpu.memory_space<hbm>>) dst(%arg15 : memref<32x8x128xf32, #tpu.memory_space<vmem>>)
    %add3A_989 = arith.constant 160 : i32
    %add3A_990 = arith.addi %mul3A_18, %add3A_989 : i32
    %dma_start3A_991 = arith.constant 0 : i32
    %dma_start3A_992 = arith.constant 0 : i32
    %dma_start3A_993 = tpu.memref_slice %arg6[%add3A_990, %dma_start3A_991, %dma_start3A_992] : memref<32768x8x128xf32, #tpu.memory_space<hbm>> -> memref<32x8x128xf32, #tpu.memory_space<hbm>>
    %dma_start3A_994 = arith.constant 0 : i32
    %dma_start3A_995 = arith.constant 0 : i32
    %dma_start3A_996 = tpu.memref_slice %arg6[%add3A_990, %dma_start3A_994, %dma_start3A_995] : memref<32768x8x128xf32, #tpu.memory_space<hbm>> -> memref<32x8x128xf32, #tpu.memory_space<hbm>>
    tpu.enqueue_dma source(%arg15 : memref<32x8x128xf32, #tpu.memory_space<vmem>>) target(%dma_start3A_996 : memref<32x8x128xf32, #tpu.memory_space<hbm>>) target_semaphore(%arg21 : memref<!tpu.dma_semaphore, #tpu.memory_space<semaphore_mem>>)
    %dma_wait3A_997 = arith.constant 0 : i32
    %dma_wait3A_998 = arith.constant 0 : i32
    %dma_wait3A_999 = tpu.memref_slice %arg6[%add3A_990, %dma_wait3A_997, %dma_wait3A_998] : memref<32768x8x128xf32, #tpu.memory_space<hbm>> -> memref<32x8x128xf32, #tpu.memory_space<hbm>>
    %dma_wait3A_1000 = arith.constant 0 : i32
    %dma_wait3A_1001 = arith.constant 0 : i32
    %dma_wait3A_1002 = tpu.memref_slice %arg6[%add3A_990, %dma_wait3A_1000, %dma_wait3A_1001] : memref<32768x8x128xf32, #tpu.memory_space<hbm>> -> memref<32x8x128xf32, #tpu.memory_space<hbm>>
    tpu.wait_dma2 semaphore(%arg21 : memref<!tpu.dma_semaphore, #tpu.memory_space<semaphore_mem>>) src(%arg15 : memref<32x8x128xf32, #tpu.memory_space<vmem>>) dst(%dma_wait3A_1002 : memref<32x8x128xf32, #tpu.memory_space<hbm>>)
    %add3A_1003 = arith.constant 256 : i32
    %add3A_1004 = arith.addi %mul3A_18, %add3A_1003 : i32
    %add3A_1005 = arith.constant 0 : i32
    %add3A_1006 = arith.addi %add3A_1004, %add3A_1005 : i32
    %add3A_1007 = vector.broadcast %add3A_1006 : i32 to vector<16xi32>
    %add3A_1008 = arith.addi %add3A_1007, %iota3A : vector<16xi32>
    %and3A_1009 = arith.constant 15 : i32
    %and3A_1010 = vector.broadcast %and3A_1009 : i32 to vector<16xi32>
    %and3A_1011 = arith.andi %add3A_1008, %and3A_1010 : vector<16xi32>
    %shift_right_arithmetic3A_1012 = arith.constant 4 : i32
    %shift_right_arithmetic3A_1013 = vector.broadcast %shift_right_arithmetic3A_1012 : i32 to vector<16xi32>
    %shift_right_arithmetic3A_1014 = arith.shrsi %add3A_1008, %shift_right_arithmetic3A_1013 : vector<16xi32>
    %and3A_1015 = arith.constant 1 : i32
    %and3A_1016 = vector.broadcast %and3A_1015 : i32 to vector<16xi32>
    %and3A_1017 = arith.andi %shift_right_arithmetic3A_1014, %and3A_1016 : vector<16xi32>
    %shift_right_arithmetic3A_1018 = arith.constant 5 : i32
    %shift_right_arithmetic3A_1019 = vector.broadcast %shift_right_arithmetic3A_1018 : i32 to vector<16xi32>
    %shift_right_arithmetic3A_1020 = arith.shrsi %add3A_1008, %shift_right_arithmetic3A_1019 : vector<16xi32>
    %and3A_1021 = arith.constant 127 : i32
    %and3A_1022 = vector.broadcast %and3A_1021 : i32 to vector<16xi32>
    %and3A_1023 = arith.andi %shift_right_arithmetic3A_1020, %and3A_1022 : vector<16xi32>
    %mul3A_1024 = arith.constant 16 : i32
    %mul3A_1025 = vector.broadcast %mul3A_1024 : i32 to vector<16xi32>
    %mul3A_1026 = arith.muli %and3A_1023, %mul3A_1025 : vector<16xi32>
    %add3A_1027 = arith.addi %mul3A_1026, %and3A_1011 : vector<16xi32>
    %ge3A_1028 = arith.cmpi sge, %add3A_1027, %gather3A_37 : vector<16xi32>
    %lt3A_1029 = arith.cmpi slt, %add3A_1027, %sub3A_31 : vector<16xi32>
    %and3A_1030 = arith.andi %ge3A_1028, %lt3A_1029 : vector<16xi1>
    %add3A_1031 = arith.addi %add3A_1027, %gather3A_24 : vector<16xi32>
    %select_n3A_1032 = arith.select %and3A_1030, %add3A_1031, %add3A_1027 : vector<16xi1>, vector<16xi32>
    %mul3A_1033 = arith.constant 4096 : i32
    %mul3A_1034 = arith.muli %select_n3A, %mul3A_1033 : i32
    %shift_right_arithmetic3A_1035 = arith.constant 4 : i32
    %shift_right_arithmetic3A_1036 = vector.broadcast %shift_right_arithmetic3A_1035 : i32 to vector<16xi32>
    %shift_right_arithmetic3A_1037 = arith.shrsi %select_n3A_1032, %shift_right_arithmetic3A_1036 : vector<16xi32>
    %shift_left3A_1038 = arith.constant 5 : i32
    %shift_left3A_1039 = vector.broadcast %shift_left3A_1038 : i32 to vector<16xi32>
    %shift_left3A_1040 = arith.shli %shift_right_arithmetic3A_1037, %shift_left3A_1039 : vector<16xi32>
    %add3A_1041 = vector.broadcast %mul3A_1034 : i32 to vector<16xi32>
    %add3A_1042 = arith.addi %add3A_1041, %shift_left3A_1040 : vector<16xi32>
    %shift_left3A_1043 = arith.constant 4 : i32
    %shift_left3A_1044 = vector.broadcast %shift_left3A_1043 : i32 to vector<16xi32>
    %shift_left3A_1045 = arith.shli %and3A_1017, %shift_left3A_1044 : vector<16xi32>
    %add3A_1046 = arith.addi %add3A_1042, %shift_left3A_1045 : vector<16xi32>
    %and3A_1047 = arith.constant 15 : i32
    %and3A_1048 = vector.broadcast %and3A_1047 : i32 to vector<16xi32>
    %and3A_1049 = arith.andi %select_n3A_1032, %and3A_1048 : vector<16xi32>
    %add3A_1050 = arith.addi %add3A_1046, %and3A_1049 : vector<16xi32>
    %swap3A_1051 = arith.constant 0 : index
    %swap3A_1052 = tpu.vector_load %arg12[%swap3A_1051] {strides = array<i32>} : memref<32xi32, #tpu.memory_space<vmem>>, vector<16xi32>,
    %swap3A_1053 = vector.shape_cast %swap3A_1052 : vector<16xi32> to vector<16xi32>
    %swap3A_1054 = vector.shape_cast %add3A_1050 : vector<16xi32> to vector<16xi32>
    tpu.vector_store %arg12[%swap3A_1051], %swap3A_1054 {strides = array<i32>} : memref<32xi32, #tpu.memory_space<vmem>>, vector<16xi32>,
    %add3A_1055 = arith.constant 256 : i32
    %add3A_1056 = arith.addi %mul3A_18, %add3A_1055 : i32
    %add3A_1057 = arith.constant 16 : i32
    %add3A_1058 = arith.addi %add3A_1056, %add3A_1057 : i32
    %add3A_1059 = vector.broadcast %add3A_1058 : i32 to vector<16xi32>
    %add3A_1060 = arith.addi %add3A_1059, %iota3A : vector<16xi32>
    %and3A_1061 = arith.constant 15 : i32
    %and3A_1062 = vector.broadcast %and3A_1061 : i32 to vector<16xi32>
    %and3A_1063 = arith.andi %add3A_1060, %and3A_1062 : vector<16xi32>
    %shift_right_arithmetic3A_1064 = arith.constant 4 : i32
    %shift_right_arithmetic3A_1065 = vector.broadcast %shift_right_arithmetic3A_1064 : i32 to vector<16xi32>
    %shift_right_arithmetic3A_1066 = arith.shrsi %add3A_1060, %shift_right_arithmetic3A_1065 : vector<16xi32>
    %and3A_1067 = arith.constant 1 : i32
    %and3A_1068 = vector.broadcast %and3A_1067 : i32 to vector<16xi32>
    %and3A_1069 = arith.andi %shift_right_arithmetic3A_1066, %and3A_1068 : vector<16xi32>
    %shift_right_arithmetic3A_1070 = arith.constant 5 : i32
    %shift_right_arithmetic3A_1071 = vector.broadcast %shift_right_arithmetic3A_1070 : i32 to vector<16xi32>
    %shift_right_arithmetic3A_1072 = arith.shrsi %add3A_1060, %shift_right_arithmetic3A_1071 : vector<16xi32>
    %and3A_1073 = arith.constant 127 : i32
    %and3A_1074 = vector.broadcast %and3A_1073 : i32 to vector<16xi32>
    %and3A_1075 = arith.andi %shift_right_arithmetic3A_1072, %and3A_1074 : vector<16xi32>
    %mul3A_1076 = arith.constant 16 : i32
    %mul3A_1077 = vector.broadcast %mul3A_1076 : i32 to vector<16xi32>
    %mul3A_1078 = arith.muli %and3A_1075, %mul3A_1077 : vector<16xi32>
    %add3A_1079 = arith.addi %mul3A_1078, %and3A_1063 : vector<16xi32>
    %ge3A_1080 = arith.cmpi sge, %add3A_1079, %gather3A_37 : vector<16xi32>
    %lt3A_1081 = arith.cmpi slt, %add3A_1079, %sub3A_31 : vector<16xi32>
    %and3A_1082 = arith.andi %ge3A_1080, %lt3A_1081 : vector<16xi1>
    %add3A_1083 = arith.addi %add3A_1079, %gather3A_24 : vector<16xi32>
    %select_n3A_1084 = arith.select %and3A_1082, %add3A_1083, %add3A_1079 : vector<16xi1>, vector<16xi32>
    %mul3A_1085 = arith.constant 4096 : i32
    %mul3A_1086 = arith.muli %select_n3A, %mul3A_1085 : i32
    %shift_right_arithmetic3A_1087 = arith.constant 4 : i32
    %shift_right_arithmetic3A_1088 = vector.broadcast %shift_right_arithmetic3A_1087 : i32 to vector<16xi32>
    %shift_right_arithmetic3A_1089 = arith.shrsi %select_n3A_1084, %shift_right_arithmetic3A_1088 : vector<16xi32>
    %shift_left3A_1090 = arith.constant 5 : i32
    %shift_left3A_1091 = vector.broadcast %shift_left3A_1090 : i32 to vector<16xi32>
    %shift_left3A_1092 = arith.shli %shift_right_arithmetic3A_1089, %shift_left3A_1091 : vector<16xi32>
    %add3A_1093 = vector.broadcast %mul3A_1086 : i32 to vector<16xi32>
    %add3A_1094 = arith.addi %add3A_1093, %shift_left3A_1092 : vector<16xi32>
    %shift_left3A_1095 = arith.constant 4 : i32
    %shift_left3A_1096 = vector.broadcast %shift_left3A_1095 : i32 to vector<16xi32>
    %shift_left3A_1097 = arith.shli %and3A_1069, %shift_left3A_1096 : vector<16xi32>
    %add3A_1098 = arith.addi %add3A_1094, %shift_left3A_1097 : vector<16xi32>
    %and3A_1099 = arith.constant 15 : i32
    %and3A_1100 = vector.broadcast %and3A_1099 : i32 to vector<16xi32>
    %and3A_1101 = arith.andi %select_n3A_1084, %and3A_1100 : vector<16xi32>
    %add3A_1102 = arith.addi %add3A_1098, %and3A_1101 : vector<16xi32>
    %swap3A_1103 = arith.constant 16 : index
    %swap3A_1104 = tpu.vector_load %arg12[%swap3A_1103] {strides = array<i32>} : memref<32xi32, #tpu.memory_space<vmem>>, vector<16xi32>,
    %swap3A_1105 = vector.shape_cast %swap3A_1104 : vector<16xi32> to vector<16xi32>
    %swap3A_1106 = vector.shape_cast %add3A_1102 : vector<16xi32> to vector<16xi32>
    tpu.vector_store %arg12[%swap3A_1103], %swap3A_1106 {strides = array<i32>} : memref<32xi32, #tpu.memory_space<vmem>>, vector<16xi32>,
    %dma_start3A_1107 = arith.constant 0 : i32
    %dma_start3A_1108 = arith.constant 0 : i32
    %dma_start3A_1109 = arith.constant 0 : i32
    %dma_start3A_1110 = tpu.memref_slice %arg2[%dma_start3A_1107, %dma_start3A_1108, %dma_start3A_1109] : memref<32768x8x128xf32, #tpu.memory_space<hbm>> -> memref<32768x8x128xf32, #tpu.memory_space<hbm>>
    tpu.enqueue_indirect_dma source(%dma_start3A_1110 : memref<32768x8x128xf32, #tpu.memory_space<hbm>>) target(%arg15 : memref<32x8x128xf32, #tpu.memory_space<vmem>>) offsets(%arg12 : memref<32xi32, #tpu.memory_space<vmem>>) semaphore(%arg18 : memref<!tpu.dma_semaphore, #tpu.memory_space<semaphore_mem>>)
    %dma_wait3A_1111 = arith.constant 0 : i32
    %dma_wait3A_1112 = arith.constant 0 : i32
    %dma_wait3A_1113 = arith.constant 0 : i32
    %dma_wait3A_1114 = tpu.memref_slice %arg2[%dma_wait3A_1111, %dma_wait3A_1112, %dma_wait3A_1113] : memref<32768x8x128xf32, #tpu.memory_space<hbm>> -> memref<32768x8x128xf32, #tpu.memory_space<hbm>>
    tpu.wait_indirect_dma semaphore(%arg16 : memref<!tpu.dma_semaphore, #tpu.memory_space<semaphore_mem>>) src(%dma_wait3A_1114 : memref<32768x8x128xf32, #tpu.memory_space<hbm>>) dst(%arg13 : memref<32x8x128xf32, #tpu.memory_space<vmem>>)
    %add3A_1115 = arith.constant 192 : i32
    %add3A_1116 = arith.addi %mul3A_18, %add3A_1115 : i32
    %dma_start3A_1117 = arith.constant 0 : i32
    %dma_start3A_1118 = arith.constant 0 : i32
    %dma_start3A_1119 = tpu.memref_slice %arg6[%add3A_1116, %dma_start3A_1117, %dma_start3A_1118] : memref<32768x8x128xf32, #tpu.memory_space<hbm>> -> memref<32x8x128xf32, #tpu.memory_space<hbm>>
    %dma_start3A_1120 = arith.constant 0 : i32
    %dma_start3A_1121 = arith.constant 0 : i32
    %dma_start3A_1122 = tpu.memref_slice %arg6[%add3A_1116, %dma_start3A_1120, %dma_start3A_1121] : memref<32768x8x128xf32, #tpu.memory_space<hbm>> -> memref<32x8x128xf32, #tpu.memory_space<hbm>>
    tpu.enqueue_dma source(%arg13 : memref<32x8x128xf32, #tpu.memory_space<vmem>>) target(%dma_start3A_1122 : memref<32x8x128xf32, #tpu.memory_space<hbm>>) target_semaphore(%arg19 : memref<!tpu.dma_semaphore, #tpu.memory_space<semaphore_mem>>)
    %dma_wait3A_1123 = arith.constant 0 : i32
    %dma_wait3A_1124 = arith.constant 0 : i32
    %dma_wait3A_1125 = tpu.memref_slice %arg6[%add3A_1116, %dma_wait3A_1123, %dma_wait3A_1124] : memref<32768x8x128xf32, #tpu.memory_space<hbm>> -> memref<32x8x128xf32, #tpu.memory_space<hbm>>
    %dma_wait3A_1126 = arith.constant 0 : i32
    %dma_wait3A_1127 = arith.constant 0 : i32
    %dma_wait3A_1128 = tpu.memref_slice %arg6[%add3A_1116, %dma_wait3A_1126, %dma_wait3A_1127] : memref<32768x8x128xf32, #tpu.memory_space<hbm>> -> memref<32x8x128xf32, #tpu.memory_space<hbm>>
    tpu.wait_dma2 semaphore(%arg19 : memref<!tpu.dma_semaphore, #tpu.memory_space<semaphore_mem>>) src(%arg13 : memref<32x8x128xf32, #tpu.memory_space<vmem>>) dst(%dma_wait3A_1128 : memref<32x8x128xf32, #tpu.memory_space<hbm>>)
    %add3A_1129 = arith.constant 288 : i32
    %add3A_1130 = arith.addi %mul3A_18, %add3A_1129 : i32
    %add3A_1131 = arith.constant 0 : i32
    %add3A_1132 = arith.addi %add3A_1130, %add3A_1131 : i32
    %add3A_1133 = vector.broadcast %add3A_1132 : i32 to vector<16xi32>
    %add3A_1134 = arith.addi %add3A_1133, %iota3A : vector<16xi32>
    %and3A_1135 = arith.constant 15 : i32
    %and3A_1136 = vector.broadcast %and3A_1135 : i32 to vector<16xi32>
    %and3A_1137 = arith.andi %add3A_1134, %and3A_1136 : vector<16xi32>
    %shift_right_arithmetic3A_1138 = arith.constant 4 : i32
    %shift_right_arithmetic3A_1139 = vector.broadcast %shift_right_arithmetic3A_1138 : i32 to vector<16xi32>
    %shift_right_arithmetic3A_1140 = arith.shrsi %add3A_1134, %shift_right_arithmetic3A_1139 : vector<16xi32>
    %and3A_1141 = arith.constant 1 : i32
    %and3A_1142 = vector.broadcast %and3A_1141 : i32 to vector<16xi32>
    %and3A_1143 = arith.andi %shift_right_arithmetic3A_1140, %and3A_1142 : vector<16xi32>
    %shift_right_arithmetic3A_1144 = arith.constant 5 : i32
    %shift_right_arithmetic3A_1145 = vector.broadcast %shift_right_arithmetic3A_1144 : i32 to vector<16xi32>
    %shift_right_arithmetic3A_1146 = arith.shrsi %add3A_1134, %shift_right_arithmetic3A_1145 : vector<16xi32>
    %and3A_1147 = arith.constant 127 : i32
    %and3A_1148 = vector.broadcast %and3A_1147 : i32 to vector<16xi32>
    %and3A_1149 = arith.andi %shift_right_arithmetic3A_1146, %and3A_1148 : vector<16xi32>
    %mul3A_1150 = arith.constant 16 : i32
    %mul3A_1151 = vector.broadcast %mul3A_1150 : i32 to vector<16xi32>
    %mul3A_1152 = arith.muli %and3A_1149, %mul3A_1151 : vector<16xi32>
    %add3A_1153 = arith.addi %mul3A_1152, %and3A_1137 : vector<16xi32>
    %ge3A_1154 = arith.cmpi sge, %add3A_1153, %gather3A_37 : vector<16xi32>
    %lt3A_1155 = arith.cmpi slt, %add3A_1153, %sub3A_31 : vector<16xi32>
    %and3A_1156 = arith.andi %ge3A_1154, %lt3A_1155 : vector<16xi1>
    %add3A_1157 = arith.addi %add3A_1153, %gather3A_24 : vector<16xi32>
    %select_n3A_1158 = arith.select %and3A_1156, %add3A_1157, %add3A_1153 : vector<16xi1>, vector<16xi32>
    %mul3A_1159 = arith.constant 4096 : i32
    %mul3A_1160 = arith.muli %select_n3A, %mul3A_1159 : i32
    %shift_right_arithmetic3A_1161 = arith.constant 4 : i32
    %shift_right_arithmetic3A_1162 = vector.broadcast %shift_right_arithmetic3A_1161 : i32 to vector<16xi32>
    %shift_right_arithmetic3A_1163 = arith.shrsi %select_n3A_1158, %shift_right_arithmetic3A_1162 : vector<16xi32>
    %shift_left3A_1164 = arith.constant 5 : i32
    %shift_left3A_1165 = vector.broadcast %shift_left3A_1164 : i32 to vector<16xi32>
    %shift_left3A_1166 = arith.shli %shift_right_arithmetic3A_1163, %shift_left3A_1165 : vector<16xi32>
    %add3A_1167 = vector.broadcast %mul3A_1160 : i32 to vector<16xi32>
    %add3A_1168 = arith.addi %add3A_1167, %shift_left3A_1166 : vector<16xi32>
    %shift_left3A_1169 = arith.constant 4 : i32
    %shift_left3A_1170 = vector.broadcast %shift_left3A_1169 : i32 to vector<16xi32>
    %shift_left3A_1171 = arith.shli %and3A_1143, %shift_left3A_1170 : vector<16xi32>
    %add3A_1172 = arith.addi %add3A_1168, %shift_left3A_1171 : vector<16xi32>
    %and3A_1173 = arith.constant 15 : i32
    %and3A_1174 = vector.broadcast %and3A_1173 : i32 to vector<16xi32>
    %and3A_1175 = arith.andi %select_n3A_1158, %and3A_1174 : vector<16xi32>
    %add3A_1176 = arith.addi %add3A_1172, %and3A_1175 : vector<16xi32>
    %swap3A_1177 = arith.constant 0 : index
    %swap3A_1178 = tpu.vector_load %arg10[%swap3A_1177] {strides = array<i32>} : memref<32xi32, #tpu.memory_space<vmem>>, vector<16xi32>,
    %swap3A_1179 = vector.shape_cast %swap3A_1178 : vector<16xi32> to vector<16xi32>
    %swap3A_1180 = vector.shape_cast %add3A_1176 : vector<16xi32> to vector<16xi32>
    tpu.vector_store %arg10[%swap3A_1177], %swap3A_1180 {strides = array<i32>} : memref<32xi32, #tpu.memory_space<vmem>>, vector<16xi32>,
    %add3A_1181 = arith.constant 288 : i32
    %add3A_1182 = arith.addi %mul3A_18, %add3A_1181 : i32
    %add3A_1183 = arith.constant 16 : i32
    %add3A_1184 = arith.addi %add3A_1182, %add3A_1183 : i32
    %add3A_1185 = vector.broadcast %add3A_1184 : i32 to vector<16xi32>
    %add3A_1186 = arith.addi %add3A_1185, %iota3A : vector<16xi32>
    %and3A_1187 = arith.constant 15 : i32
    %and3A_1188 = vector.broadcast %and3A_1187 : i32 to vector<16xi32>
    %and3A_1189 = arith.andi %add3A_1186, %and3A_1188 : vector<16xi32>
    %shift_right_arithmetic3A_1190 = arith.constant 4 : i32
    %shift_right_arithmetic3A_1191 = vector.broadcast %shift_right_arithmetic3A_1190 : i32 to vector<16xi32>
    %shift_right_arithmetic3A_1192 = arith.shrsi %add3A_1186, %shift_right_arithmetic3A_1191 : vector<16xi32>
    %and3A_1193 = arith.constant 1 : i32
    %and3A_1194 = vector.broadcast %and3A_1193 : i32 to vector<16xi32>
    %and3A_1195 = arith.andi %shift_right_arithmetic3A_1192, %and3A_1194 : vector<16xi32>
    %shift_right_arithmetic3A_1196 = arith.constant 5 : i32
    %shift_right_arithmetic3A_1197 = vector.broadcast %shift_right_arithmetic3A_1196 : i32 to vector<16xi32>
    %shift_right_arithmetic3A_1198 = arith.shrsi %add3A_1186, %shift_right_arithmetic3A_1197 : vector<16xi32>
    %and3A_1199 = arith.constant 127 : i32
    %and3A_1200 = vector.broadcast %and3A_1199 : i32 to vector<16xi32>
    %and3A_1201 = arith.andi %shift_right_arithmetic3A_1198, %and3A_1200 : vector<16xi32>
    %mul3A_1202 = arith.constant 16 : i32
    %mul3A_1203 = vector.broadcast %mul3A_1202 : i32 to vector<16xi32>
    %mul3A_1204 = arith.muli %and3A_1201, %mul3A_1203 : vector<16xi32>
    %add3A_1205 = arith.addi %mul3A_1204, %and3A_1189 : vector<16xi32>
    %ge3A_1206 = arith.cmpi sge, %add3A_1205, %gather3A_37 : vector<16xi32>
    %lt3A_1207 = arith.cmpi slt, %add3A_1205, %sub3A_31 : vector<16xi32>
    %and3A_1208 = arith.andi %ge3A_1206, %lt3A_1207 : vector<16xi1>
    %add3A_1209 = arith.addi %add3A_1205, %gather3A_24 : vector<16xi32>
    %select_n3A_1210 = arith.select %and3A_1208, %add3A_1209, %add3A_1205 : vector<16xi1>, vector<16xi32>
    %mul3A_1211 = arith.constant 4096 : i32
    %mul3A_1212 = arith.muli %select_n3A, %mul3A_1211 : i32
    %shift_right_arithmetic3A_1213 = arith.constant 4 : i32
    %shift_right_arithmetic3A_1214 = vector.broadcast %shift_right_arithmetic3A_1213 : i32 to vector<16xi32>
    %shift_right_arithmetic3A_1215 = arith.shrsi %select_n3A_1210, %shift_right_arithmetic3A_1214 : vector<16xi32>
    %shift_left3A_1216 = arith.constant 5 : i32
    %shift_left3A_1217 = vector.broadcast %shift_left3A_1216 : i32 to vector<16xi32>
    %shift_left3A_1218 = arith.shli %shift_right_arithmetic3A_1215, %shift_left3A_1217 : vector<16xi32>
    %add3A_1219 = vector.broadcast %mul3A_1212 : i32 to vector<16xi32>
    %add3A_1220 = arith.addi %add3A_1219, %shift_left3A_1218 : vector<16xi32>
    %shift_left3A_1221 = arith.constant 4 : i32
    %shift_left3A_1222 = vector.broadcast %shift_left3A_1221 : i32 to vector<16xi32>
    %shift_left3A_1223 = arith.shli %and3A_1195, %shift_left3A_1222 : vector<16xi32>
    %add3A_1224 = arith.addi %add3A_1220, %shift_left3A_1223 : vector<16xi32>
    %and3A_1225 = arith.constant 15 : i32
    %and3A_1226 = vector.broadcast %and3A_1225 : i32 to vector<16xi32>
    %and3A_1227 = arith.andi %select_n3A_1210, %and3A_1226 : vector<16xi32>
    %add3A_1228 = arith.addi %add3A_1224, %and3A_1227 : vector<16xi32>
    %swap3A_1229 = arith.constant 16 : index
    %swap3A_1230 = tpu.vector_load %arg10[%swap3A_1229] {strides = array<i32>} : memref<32xi32, #tpu.memory_space<vmem>>, vector<16xi32>,
    %swap3A_1231 = vector.shape_cast %swap3A_1230 : vector<16xi32> to vector<16xi32>
    %swap3A_1232 = vector.shape_cast %add3A_1228 : vector<16xi32> to vector<16xi32>
    tpu.vector_store %arg10[%swap3A_1229], %swap3A_1232 {strides = array<i32>} : memref<32xi32, #tpu.memory_space<vmem>>, vector<16xi32>,
    %dma_start3A_1233 = arith.constant 0 : i32
    %dma_start3A_1234 = arith.constant 0 : i32
    %dma_start3A_1235 = arith.constant 0 : i32
    %dma_start3A_1236 = tpu.memref_slice %arg2[%dma_start3A_1233, %dma_start3A_1234, %dma_start3A_1235] : memref<32768x8x128xf32, #tpu.memory_space<hbm>> -> memref<32768x8x128xf32, #tpu.memory_space<hbm>>
    tpu.enqueue_indirect_dma source(%dma_start3A_1236 : memref<32768x8x128xf32, #tpu.memory_space<hbm>>) target(%arg13 : memref<32x8x128xf32, #tpu.memory_space<vmem>>) offsets(%arg10 : memref<32xi32, #tpu.memory_space<vmem>>) semaphore(%arg16 : memref<!tpu.dma_semaphore, #tpu.memory_space<semaphore_mem>>)
    %dma_wait3A_1237 = arith.constant 0 : i32
    %dma_wait3A_1238 = arith.constant 0 : i32
    %dma_wait3A_1239 = arith.constant 0 : i32
    %dma_wait3A_1240 = tpu.memref_slice %arg2[%dma_wait3A_1237, %dma_wait3A_1238, %dma_wait3A_1239] : memref<32768x8x128xf32, #tpu.memory_space<hbm>> -> memref<32768x8x128xf32, #tpu.memory_space<hbm>>
    tpu.wait_indirect_dma semaphore(%arg17 : memref<!tpu.dma_semaphore, #tpu.memory_space<semaphore_mem>>) src(%dma_wait3A_1240 : memref<32768x8x128xf32, #tpu.memory_space<hbm>>) dst(%arg14 : memref<32x8x128xf32, #tpu.memory_space<vmem>>)
    %add3A_1241 = arith.constant 224 : i32
    %add3A_1242 = arith.addi %mul3A_18, %add3A_1241 : i32
    %dma_start3A_1243 = arith.constant 0 : i32
    %dma_start3A_1244 = arith.constant 0 : i32
    %dma_start3A_1245 = tpu.memref_slice %arg6[%add3A_1242, %dma_start3A_1243, %dma_start3A_1244] : memref<32768x8x128xf32, #tpu.memory_space<hbm>> -> memref<32x8x128xf32, #tpu.memory_space<hbm>>
    %dma_start3A_1246 = arith.constant 0 : i32
    %dma_start3A_1247 = arith.constant 0 : i32
    %dma_start3A_1248 = tpu.memref_slice %arg6[%add3A_1242, %dma_start3A_1246, %dma_start3A_1247] : memref<32768x8x128xf32, #tpu.memory_space<hbm>> -> memref<32x8x128xf32, #tpu.memory_space<hbm>>
    tpu.enqueue_dma source(%arg14 : memref<32x8x128xf32, #tpu.memory_space<vmem>>) target(%dma_start3A_1248 : memref<32x8x128xf32, #tpu.memory_space<hbm>>) target_semaphore(%arg20 : memref<!tpu.dma_semaphore, #tpu.memory_space<semaphore_mem>>)
    %dma_wait3A_1249 = arith.constant 0 : i32
    %dma_wait3A_1250 = arith.constant 0 : i32
    %dma_wait3A_1251 = tpu.memref_slice %arg6[%add3A_1242, %dma_wait3A_1249, %dma_wait3A_1250] : memref<32768x8x128xf32, #tpu.memory_space<hbm>> -> memref<32x8x128xf32, #tpu.memory_space<hbm>>
    %dma_wait3A_1252 = arith.constant 0 : i32
    %dma_wait3A_1253 = arith.constant 0 : i32
    %dma_wait3A_1254 = tpu.memref_slice %arg6[%add3A_1242, %dma_wait3A_1252, %dma_wait3A_1253] : memref<32768x8x128xf32, #tpu.memory_space<hbm>> -> memref<32x8x128xf32, #tpu.memory_space<hbm>>
    tpu.wait_dma2 semaphore(%arg20 : memref<!tpu.dma_semaphore, #tpu.memory_space<semaphore_mem>>) src(%arg14 : memref<32x8x128xf32, #tpu.memory_space<vmem>>) dst(%dma_wait3A_1254 : memref<32x8x128xf32, #tpu.memory_space<hbm>>)
    %add3A_1255 = arith.constant 320 : i32
    %add3A_1256 = arith.addi %mul3A_18, %add3A_1255 : i32
    %add3A_1257 = arith.constant 0 : i32
    %add3A_1258 = arith.addi %add3A_1256, %add3A_1257 : i32
    %add3A_1259 = vector.broadcast %add3A_1258 : i32 to vector<16xi32>
    %add3A_1260 = arith.addi %add3A_1259, %iota3A : vector<16xi32>
    %and3A_1261 = arith.constant 15 : i32
    %and3A_1262 = vector.broadcast %and3A_1261 : i32 to vector<16xi32>
    %and3A_1263 = arith.andi %add3A_1260, %and3A_1262 : vector<16xi32>
    %shift_right_arithmetic3A_1264 = arith.constant 4 : i32
    %shift_right_arithmetic3A_1265 = vector.broadcast %shift_right_arithmetic3A_1264 : i32 to vector<16xi32>
    %shift_right_arithmetic3A_1266 = arith.shrsi %add3A_1260, %shift_right_arithmetic3A_1265 : vector<16xi32>
    %and3A_1267 = arith.constant 1 : i32
    %and3A_1268 = vector.broadcast %and3A_1267 : i32 to vector<16xi32>
    %and3A_1269 = arith.andi %shift_right_arithmetic3A_1266, %and3A_1268 : vector<16xi32>
    %shift_right_arithmetic3A_1270 = arith.constant 5 : i32
    %shift_right_arithmetic3A_1271 = vector.broadcast %shift_right_arithmetic3A_1270 : i32 to vector<16xi32>
    %shift_right_arithmetic3A_1272 = arith.shrsi %add3A_1260, %shift_right_arithmetic3A_1271 : vector<16xi32>
    %and3A_1273 = arith.constant 127 : i32
    %and3A_1274 = vector.broadcast %and3A_1273 : i32 to vector<16xi32>
    %and3A_1275 = arith.andi %shift_right_arithmetic3A_1272, %and3A_1274 : vector<16xi32>
    %mul3A_1276 = arith.constant 16 : i32
    %mul3A_1277 = vector.broadcast %mul3A_1276 : i32 to vector<16xi32>
    %mul3A_1278 = arith.muli %and3A_1275, %mul3A_1277 : vector<16xi32>
    %add3A_1279 = arith.addi %mul3A_1278, %and3A_1263 : vector<16xi32>
    %ge3A_1280 = arith.cmpi sge, %add3A_1279, %gather3A_37 : vector<16xi32>
    %lt3A_1281 = arith.cmpi slt, %add3A_1279, %sub3A_31 : vector<16xi32>
    %and3A_1282 = arith.andi %ge3A_1280, %lt3A_1281 : vector<16xi1>
    %add3A_1283 = arith.addi %add3A_1279, %gather3A_24 : vector<16xi32>
    %select_n3A_1284 = arith.select %and3A_1282, %add3A_1283, %add3A_1279 : vector<16xi1>, vector<16xi32>
    %mul3A_1285 = arith.constant 4096 : i32
    %mul3A_1286 = arith.muli %select_n3A, %mul3A_1285 : i32
    %shift_right_arithmetic3A_1287 = arith.constant 4 : i32
    %shift_right_arithmetic3A_1288 = vector.broadcast %shift_right_arithmetic3A_1287 : i32 to vector<16xi32>
    %shift_right_arithmetic3A_1289 = arith.shrsi %select_n3A_1284, %shift_right_arithmetic3A_1288 : vector<16xi32>
    %shift_left3A_1290 = arith.constant 5 : i32
    %shift_left3A_1291 = vector.broadcast %shift_left3A_1290 : i32 to vector<16xi32>
    %shift_left3A_1292 = arith.shli %shift_right_arithmetic3A_1289, %shift_left3A_1291 : vector<16xi32>
    %add3A_1293 = vector.broadcast %mul3A_1286 : i32 to vector<16xi32>
    %add3A_1294 = arith.addi %add3A_1293, %shift_left3A_1292 : vector<16xi32>
    %shift_left3A_1295 = arith.constant 4 : i32
    %shift_left3A_1296 = vector.broadcast %shift_left3A_1295 : i32 to vector<16xi32>
    %shift_left3A_1297 = arith.shli %and3A_1269, %shift_left3A_1296 : vector<16xi32>
    %add3A_1298 = arith.addi %add3A_1294, %shift_left3A_1297 : vector<16xi32>
    %and3A_1299 = arith.constant 15 : i32
    %and3A_1300 = vector.broadcast %and3A_1299 : i32 to vector<16xi32>
    %and3A_1301 = arith.andi %select_n3A_1284, %and3A_1300 : vector<16xi32>
    %add3A_1302 = arith.addi %add3A_1298, %and3A_1301 : vector<16xi32>
    %swap3A_1303 = arith.constant 0 : index
    %swap3A_1304 = tpu.vector_load %arg11[%swap3A_1303] {strides = array<i32>} : memref<32xi32, #tpu.memory_space<vmem>>, vector<16xi32>,
    %swap3A_1305 = vector.shape_cast %swap3A_1304 : vector<16xi32> to vector<16xi32>
    %swap3A_1306 = vector.shape_cast %add3A_1302 : vector<16xi32> to vector<16xi32>
    tpu.vector_store %arg11[%swap3A_1303], %swap3A_1306 {strides = array<i32>} : memref<32xi32, #tpu.memory_space<vmem>>, vector<16xi32>,
    %add3A_1307 = arith.constant 320 : i32
    %add3A_1308 = arith.addi %mul3A_18, %add3A_1307 : i32
    %add3A_1309 = arith.constant 16 : i32
    %add3A_1310 = arith.addi %add3A_1308, %add3A_1309 : i32
    %add3A_1311 = vector.broadcast %add3A_1310 : i32 to vector<16xi32>
    %add3A_1312 = arith.addi %add3A_1311, %iota3A : vector<16xi32>
    %and3A_1313 = arith.constant 15 : i32
    %and3A_1314 = vector.broadcast %and3A_1313 : i32 to vector<16xi32>
    %and3A_1315 = arith.andi %add3A_1312, %and3A_1314 : vector<16xi32>
    %shift_right_arithmetic3A_1316 = arith.constant 4 : i32
    %shift_right_arithmetic3A_1317 = vector.broadcast %shift_right_arithmetic3A_1316 : i32 to vector<16xi32>
    %shift_right_arithmetic3A_1318 = arith.shrsi %add3A_1312, %shift_right_arithmetic3A_1317 : vector<16xi32>
    %and3A_1319 = arith.constant 1 : i32
    %and3A_1320 = vector.broadcast %and3A_1319 : i32 to vector<16xi32>
    %and3A_1321 = arith.andi %shift_right_arithmetic3A_1318, %and3A_1320 : vector<16xi32>
    %shift_right_arithmetic3A_1322 = arith.constant 5 : i32
    %shift_right_arithmetic3A_1323 = vector.broadcast %shift_right_arithmetic3A_1322 : i32 to vector<16xi32>
    %shift_right_arithmetic3A_1324 = arith.shrsi %add3A_1312, %shift_right_arithmetic3A_1323 : vector<16xi32>
    %and3A_1325 = arith.constant 127 : i32
    %and3A_1326 = vector.broadcast %and3A_1325 : i32 to vector<16xi32>
    %and3A_1327 = arith.andi %shift_right_arithmetic3A_1324, %and3A_1326 : vector<16xi32>
    %mul3A_1328 = arith.constant 16 : i32
    %mul3A_1329 = vector.broadcast %mul3A_1328 : i32 to vector<16xi32>
    %mul3A_1330 = arith.muli %and3A_1327, %mul3A_1329 : vector<16xi32>
    %add3A_1331 = arith.addi %mul3A_1330, %and3A_1315 : vector<16xi32>
    %ge3A_1332 = arith.cmpi sge, %add3A_1331, %gather3A_37 : vector<16xi32>
    %lt3A_1333 = arith.cmpi slt, %add3A_1331, %sub3A_31 : vector<16xi32>
    %and3A_1334 = arith.andi %ge3A_1332, %lt3A_1333 : vector<16xi1>
    %add3A_1335 = arith.addi %add3A_1331, %gather3A_24 : vector<16xi32>
    %select_n3A_1336 = arith.select %and3A_1334, %add3A_1335, %add3A_1331 : vector<16xi1>, vector<16xi32>
    %mul3A_1337 = arith.constant 4096 : i32
    %mul3A_1338 = arith.muli %select_n3A, %mul3A_1337 : i32
    %shift_right_arithmetic3A_1339 = arith.constant 4 : i32
    %shift_right_arithmetic3A_1340 = vector.broadcast %shift_right_arithmetic3A_1339 : i32 to vector<16xi32>
    %shift_right_arithmetic3A_1341 = arith.shrsi %select_n3A_1336, %shift_right_arithmetic3A_1340 : vector<16xi32>
    %shift_left3A_1342 = arith.constant 5 : i32
    %shift_left3A_1343 = vector.broadcast %shift_left3A_1342 : i32 to vector<16xi32>
    %shift_left3A_1344 = arith.shli %shift_right_arithmetic3A_1341, %shift_left3A_1343 : vector<16xi32>
    %add3A_1345 = vector.broadcast %mul3A_1338 : i32 to vector<16xi32>
    %add3A_1346 = arith.addi %add3A_1345, %shift_left3A_1344 : vector<16xi32>
    %shift_left3A_1347 = arith.constant 4 : i32
    %shift_left3A_1348 = vector.broadcast %shift_left3A_1347 : i32 to vector<16xi32>
    %shift_left3A_1349 = arith.shli %and3A_1321, %shift_left3A_1348 : vector<16xi32>
    %add3A_1350 = arith.addi %add3A_1346, %shift_left3A_1349 : vector<16xi32>
    %and3A_1351 = arith.constant 15 : i32
    %and3A_1352 = vector.broadcast %and3A_1351 : i32 to vector<16xi32>
    %and3A_1353 = arith.andi %select_n3A_1336, %and3A_1352 : vector<16xi32>
    %add3A_1354 = arith.addi %add3A_1350, %and3A_1353 : vector<16xi32>
    %swap3A_1355 = arith.constant 16 : index
    %swap3A_1356 = tpu.vector_load %arg11[%swap3A_1355] {strides = array<i32>} : memref<32xi32, #tpu.memory_space<vmem>>, vector<16xi32>,
    %swap3A_1357 = vector.shape_cast %swap3A_1356 : vector<16xi32> to vector<16xi32>
    %swap3A_1358 = vector.shape_cast %add3A_1354 : vector<16xi32> to vector<16xi32>
    tpu.vector_store %arg11[%swap3A_1355], %swap3A_1358 {strides = array<i32>} : memref<32xi32, #tpu.memory_space<vmem>>, vector<16xi32>,
    %dma_start3A_1359 = arith.constant 0 : i32
    %dma_start3A_1360 = arith.constant 0 : i32
    %dma_start3A_1361 = arith.constant 0 : i32
    %dma_start3A_1362 = tpu.memref_slice %arg2[%dma_start3A_1359, %dma_start3A_1360, %dma_start3A_1361] : memref<32768x8x128xf32, #tpu.memory_space<hbm>> -> memref<32768x8x128xf32, #tpu.memory_space<hbm>>
    tpu.enqueue_indirect_dma source(%dma_start3A_1362 : memref<32768x8x128xf32, #tpu.memory_space<hbm>>) target(%arg14 : memref<32x8x128xf32, #tpu.memory_space<vmem>>) offsets(%arg11 : memref<32xi32, #tpu.memory_space<vmem>>) semaphore(%arg17 : memref<!tpu.dma_semaphore, #tpu.memory_space<semaphore_mem>>)
    %dma_wait3A_1363 = arith.constant 0 : i32
    %dma_wait3A_1364 = arith.constant 0 : i32
    %dma_wait3A_1365 = arith.constant 0 : i32
    %dma_wait3A_1366 = tpu.memref_slice %arg2[%dma_wait3A_1363, %dma_wait3A_1364, %dma_wait3A_1365] : memref<32768x8x128xf32, #tpu.memory_space<hbm>> -> memref<32768x8x128xf32, #tpu.memory_space<hbm>>
    tpu.wait_indirect_dma semaphore(%arg18 : memref<!tpu.dma_semaphore, #tpu.memory_space<semaphore_mem>>) src(%dma_wait3A_1366 : memref<32768x8x128xf32, #tpu.memory_space<hbm>>) dst(%arg15 : memref<32x8x128xf32, #tpu.memory_space<vmem>>)
    %add3A_1367 = arith.constant 256 : i32
    %add3A_1368 = arith.addi %mul3A_18, %add3A_1367 : i32
    %dma_start3A_1369 = arith.constant 0 : i32
    %dma_start3A_1370 = arith.constant 0 : i32
    %dma_start3A_1371 = tpu.memref_slice %arg6[%add3A_1368, %dma_start3A_1369, %dma_start3A_1370] : memref<32768x8x128xf32, #tpu.memory_space<hbm>> -> memref<32x8x128xf32, #tpu.memory_space<hbm>>
    %dma_start3A_1372 = arith.constant 0 : i32
    %dma_start3A_1373 = arith.constant 0 : i32
    %dma_start3A_1374 = tpu.memref_slice %arg6[%add3A_1368, %dma_start3A_1372, %dma_start3A_1373] : memref<32768x8x128xf32, #tpu.memory_space<hbm>> -> memref<32x8x128xf32, #tpu.memory_space<hbm>>
    tpu.enqueue_dma source(%arg15 : memref<32x8x128xf32, #tpu.memory_space<vmem>>) target(%dma_start3A_1374 : memref<32x8x128xf32, #tpu.memory_space<hbm>>) target_semaphore(%arg21 : memref<!tpu.dma_semaphore, #tpu.memory_space<semaphore_mem>>)
    %dma_wait3A_1375 = arith.constant 0 : i32
    %dma_wait3A_1376 = arith.constant 0 : i32
    %dma_wait3A_1377 = tpu.memref_slice %arg6[%add3A_1368, %dma_wait3A_1375, %dma_wait3A_1376] : memref<32768x8x128xf32, #tpu.memory_space<hbm>> -> memref<32x8x128xf32, #tpu.memory_space<hbm>>
    %dma_wait3A_1378 = arith.constant 0 : i32
    %dma_wait3A_1379 = arith.constant 0 : i32
    %dma_wait3A_1380 = tpu.memref_slice %arg6[%add3A_1368, %dma_wait3A_1378, %dma_wait3A_1379] : memref<32768x8x128xf32, #tpu.memory_space<hbm>> -> memref<32x8x128xf32, #tpu.memory_space<hbm>>
    tpu.wait_dma2 semaphore(%arg21 : memref<!tpu.dma_semaphore, #tpu.memory_space<semaphore_mem>>) src(%arg15 : memref<32x8x128xf32, #tpu.memory_space<vmem>>) dst(%dma_wait3A_1380 : memref<32x8x128xf32, #tpu.memory_space<hbm>>)
    %add3A_1381 = arith.constant 352 : i32
    %add3A_1382 = arith.addi %mul3A_18, %add3A_1381 : i32
    %add3A_1383 = arith.constant 0 : i32
    %add3A_1384 = arith.addi %add3A_1382, %add3A_1383 : i32
    %add3A_1385 = vector.broadcast %add3A_1384 : i32 to vector<16xi32>
    %add3A_1386 = arith.addi %add3A_1385, %iota3A : vector<16xi32>
    %and3A_1387 = arith.constant 15 : i32
    %and3A_1388 = vector.broadcast %and3A_1387 : i32 to vector<16xi32>
    %and3A_1389 = arith.andi %add3A_1386, %and3A_1388 : vector<16xi32>
    %shift_right_arithmetic3A_1390 = arith.constant 4 : i32
    %shift_right_arithmetic3A_1391 = vector.broadcast %shift_right_arithmetic3A_1390 : i32 to vector<16xi32>
    %shift_right_arithmetic3A_1392 = arith.shrsi %add3A_1386, %shift_right_arithmetic3A_1391 : vector<16xi32>
    %and3A_1393 = arith.constant 1 : i32
    %and3A_1394 = vector.broadcast %and3A_1393 : i32 to vector<16xi32>
    %and3A_1395 = arith.andi %shift_right_arithmetic3A_1392, %and3A_1394 : vector<16xi32>
    %shift_right_arithmetic3A_1396 = arith.constant 5 : i32
    %shift_right_arithmetic3A_1397 = vector.broadcast %shift_right_arithmetic3A_1396 : i32 to vector<16xi32>
    %shift_right_arithmetic3A_1398 = arith.shrsi %add3A_1386, %shift_right_arithmetic3A_1397 : vector<16xi32>
    %and3A_1399 = arith.constant 127 : i32
    %and3A_1400 = vector.broadcast %and3A_1399 : i32 to vector<16xi32>
    %and3A_1401 = arith.andi %shift_right_arithmetic3A_1398, %and3A_1400 : vector<16xi32>
    %mul3A_1402 = arith.constant 16 : i32
    %mul3A_1403 = vector.broadcast %mul3A_1402 : i32 to vector<16xi32>
    %mul3A_1404 = arith.muli %and3A_1401, %mul3A_1403 : vector<16xi32>
    %add3A_1405 = arith.addi %mul3A_1404, %and3A_1389 : vector<16xi32>
    %ge3A_1406 = arith.cmpi sge, %add3A_1405, %gather3A_37 : vector<16xi32>
    %lt3A_1407 = arith.cmpi slt, %add3A_1405, %sub3A_31 : vector<16xi32>
    %and3A_1408 = arith.andi %ge3A_1406, %lt3A_1407 : vector<16xi1>
    %add3A_1409 = arith.addi %add3A_1405, %gather3A_24 : vector<16xi32>
    %select_n3A_1410 = arith.select %and3A_1408, %add3A_1409, %add3A_1405 : vector<16xi1>, vector<16xi32>
    %mul3A_1411 = arith.constant 4096 : i32
    %mul3A_1412 = arith.muli %select_n3A, %mul3A_1411 : i32
    %shift_right_arithmetic3A_1413 = arith.constant 4 : i32
    %shift_right_arithmetic3A_1414 = vector.broadcast %shift_right_arithmetic3A_1413 : i32 to vector<16xi32>
    %shift_right_arithmetic3A_1415 = arith.shrsi %select_n3A_1410, %shift_right_arithmetic3A_1414 : vector<16xi32>
    %shift_left3A_1416 = arith.constant 5 : i32
    %shift_left3A_1417 = vector.broadcast %shift_left3A_1416 : i32 to vector<16xi32>
    %shift_left3A_1418 = arith.shli %shift_right_arithmetic3A_1415, %shift_left3A_1417 : vector<16xi32>
    %add3A_1419 = vector.broadcast %mul3A_1412 : i32 to vector<16xi32>
    %add3A_1420 = arith.addi %add3A_1419, %shift_left3A_1418 : vector<16xi32>
    %shift_left3A_1421 = arith.constant 4 : i32
    %shift_left3A_1422 = vector.broadcast %shift_left3A_1421 : i32 to vector<16xi32>
    %shift_left3A_1423 = arith.shli %and3A_1395, %shift_left3A_1422 : vector<16xi32>
    %add3A_1424 = arith.addi %add3A_1420, %shift_left3A_1423 : vector<16xi32>
    %and3A_1425 = arith.constant 15 : i32
    %and3A_1426 = vector.broadcast %and3A_1425 : i32 to vector<16xi32>
    %and3A_1427 = arith.andi %select_n3A_1410, %and3A_1426 : vector<16xi32>
    %add3A_1428 = arith.addi %add3A_1424, %and3A_1427 : vector<16xi32>
    %swap3A_1429 = arith.constant 0 : index
    %swap3A_1430 = tpu.vector_load %arg12[%swap3A_1429] {strides = array<i32>} : memref<32xi32, #tpu.memory_space<vmem>>, vector<16xi32>,
    %swap3A_1431 = vector.shape_cast %swap3A_1430 : vector<16xi32> to vector<16xi32>
    %swap3A_1432 = vector.shape_cast %add3A_1428 : vector<16xi32> to vector<16xi32>
    tpu.vector_store %arg12[%swap3A_1429], %swap3A_1432 {strides = array<i32>} : memref<32xi32, #tpu.memory_space<vmem>>, vector<16xi32>,
    %add3A_1433 = arith.constant 352 : i32
    %add3A_1434 = arith.addi %mul3A_18, %add3A_1433 : i32
    %add3A_1435 = arith.constant 16 : i32
    %add3A_1436 = arith.addi %add3A_1434, %add3A_1435 : i32
    %add3A_1437 = vector.broadcast %add3A_1436 : i32 to vector<16xi32>
    %add3A_1438 = arith.addi %add3A_1437, %iota3A : vector<16xi32>
    %and3A_1439 = arith.constant 15 : i32
    %and3A_1440 = vector.broadcast %and3A_1439 : i32 to vector<16xi32>
    %and3A_1441 = arith.andi %add3A_1438, %and3A_1440 : vector<16xi32>
    %shift_right_arithmetic3A_1442 = arith.constant 4 : i32
    %shift_right_arithmetic3A_1443 = vector.broadcast %shift_right_arithmetic3A_1442 : i32 to vector<16xi32>
    %shift_right_arithmetic3A_1444 = arith.shrsi %add3A_1438, %shift_right_arithmetic3A_1443 : vector<16xi32>
    %and3A_1445 = arith.constant 1 : i32
    %and3A_1446 = vector.broadcast %and3A_1445 : i32 to vector<16xi32>
    %and3A_1447 = arith.andi %shift_right_arithmetic3A_1444, %and3A_1446 : vector<16xi32>
    %shift_right_arithmetic3A_1448 = arith.constant 5 : i32
    %shift_right_arithmetic3A_1449 = vector.broadcast %shift_right_arithmetic3A_1448 : i32 to vector<16xi32>
    %shift_right_arithmetic3A_1450 = arith.shrsi %add3A_1438, %shift_right_arithmetic3A_1449 : vector<16xi32>
    %and3A_1451 = arith.constant 127 : i32
    %and3A_1452 = vector.broadcast %and3A_1451 : i32 to vector<16xi32>
    %and3A_1453 = arith.andi %shift_right_arithmetic3A_1450, %and3A_1452 : vector<16xi32>
    %mul3A_1454 = arith.constant 16 : i32
    %mul3A_1455 = vector.broadcast %mul3A_1454 : i32 to vector<16xi32>
    %mul3A_1456 = arith.muli %and3A_1453, %mul3A_1455 : vector<16xi32>
    %add3A_1457 = arith.addi %mul3A_1456, %and3A_1441 : vector<16xi32>
    %ge3A_1458 = arith.cmpi sge, %add3A_1457, %gather3A_37 : vector<16xi32>
    %lt3A_1459 = arith.cmpi slt, %add3A_1457, %sub3A_31 : vector<16xi32>
    %and3A_1460 = arith.andi %ge3A_1458, %lt3A_1459 : vector<16xi1>
    %add3A_1461 = arith.addi %add3A_1457, %gather3A_24 : vector<16xi32>
    %select_n3A_1462 = arith.select %and3A_1460, %add3A_1461, %add3A_1457 : vector<16xi1>, vector<16xi32>
    %mul3A_1463 = arith.constant 4096 : i32
    %mul3A_1464 = arith.muli %select_n3A, %mul3A_1463 : i32
    %shift_right_arithmetic3A_1465 = arith.constant 4 : i32
    %shift_right_arithmetic3A_1466 = vector.broadcast %shift_right_arithmetic3A_1465 : i32 to vector<16xi32>
    %shift_right_arithmetic3A_1467 = arith.shrsi %select_n3A_1462, %shift_right_arithmetic3A_1466 : vector<16xi32>
    %shift_left3A_1468 = arith.constant 5 : i32
    %shift_left3A_1469 = vector.broadcast %shift_left3A_1468 : i32 to vector<16xi32>
    %shift_left3A_1470 = arith.shli %shift_right_arithmetic3A_1467, %shift_left3A_1469 : vector<16xi32>
    %add3A_1471 = vector.broadcast %mul3A_1464 : i32 to vector<16xi32>
    %add3A_1472 = arith.addi %add3A_1471, %shift_left3A_1470 : vector<16xi32>
    %shift_left3A_1473 = arith.constant 4 : i32
    %shift_left3A_1474 = vector.broadcast %shift_left3A_1473 : i32 to vector<16xi32>
    %shift_left3A_1475 = arith.shli %and3A_1447, %shift_left3A_1474 : vector<16xi32>
    %add3A_1476 = arith.addi %add3A_1472, %shift_left3A_1475 : vector<16xi32>
    %and3A_1477 = arith.constant 15 : i32
    %and3A_1478 = vector.broadcast %and3A_1477 : i32 to vector<16xi32>
    %and3A_1479 = arith.andi %select_n3A_1462, %and3A_1478 : vector<16xi32>
    %add3A_1480 = arith.addi %add3A_1476, %and3A_1479 : vector<16xi32>
    %swap3A_1481 = arith.constant 16 : index
    %swap3A_1482 = tpu.vector_load %arg12[%swap3A_1481] {strides = array<i32>} : memref<32xi32, #tpu.memory_space<vmem>>, vector<16xi32>,
    %swap3A_1483 = vector.shape_cast %swap3A_1482 : vector<16xi32> to vector<16xi32>
    %swap3A_1484 = vector.shape_cast %add3A_1480 : vector<16xi32> to vector<16xi32>
    tpu.vector_store %arg12[%swap3A_1481], %swap3A_1484 {strides = array<i32>} : memref<32xi32, #tpu.memory_space<vmem>>, vector<16xi32>,
    %dma_start3A_1485 = arith.constant 0 : i32
    %dma_start3A_1486 = arith.constant 0 : i32
    %dma_start3A_1487 = arith.constant 0 : i32
    %dma_start3A_1488 = tpu.memref_slice %arg2[%dma_start3A_1485, %dma_start3A_1486, %dma_start3A_1487] : memref<32768x8x128xf32, #tpu.memory_space<hbm>> -> memref<32768x8x128xf32, #tpu.memory_space<hbm>>
    tpu.enqueue_indirect_dma source(%dma_start3A_1488 : memref<32768x8x128xf32, #tpu.memory_space<hbm>>) target(%arg15 : memref<32x8x128xf32, #tpu.memory_space<vmem>>) offsets(%arg12 : memref<32xi32, #tpu.memory_space<vmem>>) semaphore(%arg18 : memref<!tpu.dma_semaphore, #tpu.memory_space<semaphore_mem>>)
    %dma_wait3A_1489 = arith.constant 0 : i32
    %dma_wait3A_1490 = arith.constant 0 : i32
    %dma_wait3A_1491 = arith.constant 0 : i32
    %dma_wait3A_1492 = tpu.memref_slice %arg2[%dma_wait3A_1489, %dma_wait3A_1490, %dma_wait3A_1491] : memref<32768x8x128xf32, #tpu.memory_space<hbm>> -> memref<32768x8x128xf32, #tpu.memory_space<hbm>>
    tpu.wait_indirect_dma semaphore(%arg16 : memref<!tpu.dma_semaphore, #tpu.memory_space<semaphore_mem>>) src(%dma_wait3A_1492 : memref<32768x8x128xf32, #tpu.memory_space<hbm>>) dst(%arg13 : memref<32x8x128xf32, #tpu.memory_space<vmem>>)
    %add3A_1493 = arith.constant 288 : i32
    %add3A_1494 = arith.addi %mul3A_18, %add3A_1493 : i32
    %dma_start3A_1495 = arith.constant 0 : i32
    %dma_start3A_1496 = arith.constant 0 : i32
    %dma_start3A_1497 = tpu.memref_slice %arg6[%add3A_1494, %dma_start3A_1495, %dma_start3A_1496] : memref<32768x8x128xf32, #tpu.memory_space<hbm>> -> memref<32x8x128xf32, #tpu.memory_space<hbm>>
    %dma_start3A_1498 = arith.constant 0 : i32
    %dma_start3A_1499 = arith.constant 0 : i32
    %dma_start3A_1500 = tpu.memref_slice %arg6[%add3A_1494, %dma_start3A_1498, %dma_start3A_1499] : memref<32768x8x128xf32, #tpu.memory_space<hbm>> -> memref<32x8x128xf32, #tpu.memory_space<hbm>>
    tpu.enqueue_dma source(%arg13 : memref<32x8x128xf32, #tpu.memory_space<vmem>>) target(%dma_start3A_1500 : memref<32x8x128xf32, #tpu.memory_space<hbm>>) target_semaphore(%arg19 : memref<!tpu.dma_semaphore, #tpu.memory_space<semaphore_mem>>)
    %dma_wait3A_1501 = arith.constant 0 : i32
    %dma_wait3A_1502 = arith.constant 0 : i32
    %dma_wait3A_1503 = tpu.memref_slice %arg6[%add3A_1494, %dma_wait3A_1501, %dma_wait3A_1502] : memref<32768x8x128xf32, #tpu.memory_space<hbm>> -> memref<32x8x128xf32, #tpu.memory_space<hbm>>
    %dma_wait3A_1504 = arith.constant 0 : i32
    %dma_wait3A_1505 = arith.constant 0 : i32
    %dma_wait3A_1506 = tpu.memref_slice %arg6[%add3A_1494, %dma_wait3A_1504, %dma_wait3A_1505] : memref<32768x8x128xf32, #tpu.memory_space<hbm>> -> memref<32x8x128xf32, #tpu.memory_space<hbm>>
    tpu.wait_dma2 semaphore(%arg19 : memref<!tpu.dma_semaphore, #tpu.memory_space<semaphore_mem>>) src(%arg13 : memref<32x8x128xf32, #tpu.memory_space<vmem>>) dst(%dma_wait3A_1506 : memref<32x8x128xf32, #tpu.memory_space<hbm>>)
    %add3A_1507 = arith.constant 384 : i32
    %add3A_1508 = arith.addi %mul3A_18, %add3A_1507 : i32
    %add3A_1509 = arith.constant 0 : i32
    %add3A_1510 = arith.addi %add3A_1508, %add3A_1509 : i32
    %add3A_1511 = vector.broadcast %add3A_1510 : i32 to vector<16xi32>
    %add3A_1512 = arith.addi %add3A_1511, %iota3A : vector<16xi32>
    %and3A_1513 = arith.constant 15 : i32
    %and3A_1514 = vector.broadcast %and3A_1513 : i32 to vector<16xi32>
    %and3A_1515 = arith.andi %add3A_1512, %and3A_1514 : vector<16xi32>
    %shift_right_arithmetic3A_1516 = arith.constant 4 : i32
    %shift_right_arithmetic3A_1517 = vector.broadcast %shift_right_arithmetic3A_1516 : i32 to vector<16xi32>
    %shift_right_arithmetic3A_1518 = arith.shrsi %add3A_1512, %shift_right_arithmetic3A_1517 : vector<16xi32>
    %and3A_1519 = arith.constant 1 : i32
    %and3A_1520 = vector.broadcast %and3A_1519 : i32 to vector<16xi32>
    %and3A_1521 = arith.andi %shift_right_arithmetic3A_1518, %and3A_1520 : vector<16xi32>
    %shift_right_arithmetic3A_1522 = arith.constant 5 : i32
    %shift_right_arithmetic3A_1523 = vector.broadcast %shift_right_arithmetic3A_1522 : i32 to vector<16xi32>
    %shift_right_arithmetic3A_1524 = arith.shrsi %add3A_1512, %shift_right_arithmetic3A_1523 : vector<16xi32>
    %and3A_1525 = arith.constant 127 : i32
    %and3A_1526 = vector.broadcast %and3A_1525 : i32 to vector<16xi32>
    %and3A_1527 = arith.andi %shift_right_arithmetic3A_1524, %and3A_1526 : vector<16xi32>
    %mul3A_1528 = arith.constant 16 : i32
    %mul3A_1529 = vector.broadcast %mul3A_1528 : i32 to vector<16xi32>
    %mul3A_1530 = arith.muli %and3A_1527, %mul3A_1529 : vector<16xi32>
    %add3A_1531 = arith.addi %mul3A_1530, %and3A_1515 : vector<16xi32>
    %ge3A_1532 = arith.cmpi sge, %add3A_1531, %gather3A_37 : vector<16xi32>
    %lt3A_1533 = arith.cmpi slt, %add3A_1531, %sub3A_31 : vector<16xi32>
    %and3A_1534 = arith.andi %ge3A_1532, %lt3A_1533 : vector<16xi1>
    %add3A_1535 = arith.addi %add3A_1531, %gather3A_24 : vector<16xi32>
    %select_n3A_1536 = arith.select %and3A_1534, %add3A_1535, %add3A_1531 : vector<16xi1>, vector<16xi32>
    %mul3A_1537 = arith.constant 4096 : i32
    %mul3A_1538 = arith.muli %select_n3A, %mul3A_1537 : i32
    %shift_right_arithmetic3A_1539 = arith.constant 4 : i32
    %shift_right_arithmetic3A_1540 = vector.broadcast %shift_right_arithmetic3A_1539 : i32 to vector<16xi32>
    %shift_right_arithmetic3A_1541 = arith.shrsi %select_n3A_1536, %shift_right_arithmetic3A_1540 : vector<16xi32>
    %shift_left3A_1542 = arith.constant 5 : i32
    %shift_left3A_1543 = vector.broadcast %shift_left3A_1542 : i32 to vector<16xi32>
    %shift_left3A_1544 = arith.shli %shift_right_arithmetic3A_1541, %shift_left3A_1543 : vector<16xi32>
    %add3A_1545 = vector.broadcast %mul3A_1538 : i32 to vector<16xi32>
    %add3A_1546 = arith.addi %add3A_1545, %shift_left3A_1544 : vector<16xi32>
    %shift_left3A_1547 = arith.constant 4 : i32
    %shift_left3A_1548 = vector.broadcast %shift_left3A_1547 : i32 to vector<16xi32>
    %shift_left3A_1549 = arith.shli %and3A_1521, %shift_left3A_1548 : vector<16xi32>
    %add3A_1550 = arith.addi %add3A_1546, %shift_left3A_1549 : vector<16xi32>
    %and3A_1551 = arith.constant 15 : i32
    %and3A_1552 = vector.broadcast %and3A_1551 : i32 to vector<16xi32>
    %and3A_1553 = arith.andi %select_n3A_1536, %and3A_1552 : vector<16xi32>
    %add3A_1554 = arith.addi %add3A_1550, %and3A_1553 : vector<16xi32>
    %swap3A_1555 = arith.constant 0 : index
    %swap3A_1556 = tpu.vector_load %arg10[%swap3A_1555] {strides = array<i32>} : memref<32xi32, #tpu.memory_space<vmem>>, vector<16xi32>,
    %swap3A_1557 = vector.shape_cast %swap3A_1556 : vector<16xi32> to vector<16xi32>
    %swap3A_1558 = vector.shape_cast %add3A_1554 : vector<16xi32> to vector<16xi32>
    tpu.vector_store %arg10[%swap3A_1555], %swap3A_1558 {strides = array<i32>} : memref<32xi32, #tpu.memory_space<vmem>>, vector<16xi32>,
    %add3A_1559 = arith.constant 384 : i32
    %add3A_1560 = arith.addi %mul3A_18, %add3A_1559 : i32
    %add3A_1561 = arith.constant 16 : i32
    %add3A_1562 = arith.addi %add3A_1560, %add3A_1561 : i32
    %add3A_1563 = vector.broadcast %add3A_1562 : i32 to vector<16xi32>
    %add3A_1564 = arith.addi %add3A_1563, %iota3A : vector<16xi32>
    %and3A_1565 = arith.constant 15 : i32
    %and3A_1566 = vector.broadcast %and3A_1565 : i32 to vector<16xi32>
    %and3A_1567 = arith.andi %add3A_1564, %and3A_1566 : vector<16xi32>
    %shift_right_arithmetic3A_1568 = arith.constant 4 : i32
    %shift_right_arithmetic3A_1569 = vector.broadcast %shift_right_arithmetic3A_1568 : i32 to vector<16xi32>
    %shift_right_arithmetic3A_1570 = arith.shrsi %add3A_1564, %shift_right_arithmetic3A_1569 : vector<16xi32>
    %and3A_1571 = arith.constant 1 : i32
    %and3A_1572 = vector.broadcast %and3A_1571 : i32 to vector<16xi32>
    %and3A_1573 = arith.andi %shift_right_arithmetic3A_1570, %and3A_1572 : vector<16xi32>
    %shift_right_arithmetic3A_1574 = arith.constant 5 : i32
    %shift_right_arithmetic3A_1575 = vector.broadcast %shift_right_arithmetic3A_1574 : i32 to vector<16xi32>
    %shift_right_arithmetic3A_1576 = arith.shrsi %add3A_1564, %shift_right_arithmetic3A_1575 : vector<16xi32>
    %and3A_1577 = arith.constant 127 : i32
    %and3A_1578 = vector.broadcast %and3A_1577 : i32 to vector<16xi32>
    %and3A_1579 = arith.andi %shift_right_arithmetic3A_1576, %and3A_1578 : vector<16xi32>
    %mul3A_1580 = arith.constant 16 : i32
    %mul3A_1581 = vector.broadcast %mul3A_1580 : i32 to vector<16xi32>
    %mul3A_1582 = arith.muli %and3A_1579, %mul3A_1581 : vector<16xi32>
    %add3A_1583 = arith.addi %mul3A_1582, %and3A_1567 : vector<16xi32>
    %ge3A_1584 = arith.cmpi sge, %add3A_1583, %gather3A_37 : vector<16xi32>
    %lt3A_1585 = arith.cmpi slt, %add3A_1583, %sub3A_31 : vector<16xi32>
    %and3A_1586 = arith.andi %ge3A_1584, %lt3A_1585 : vector<16xi1>
    %add3A_1587 = arith.addi %add3A_1583, %gather3A_24 : vector<16xi32>
    %select_n3A_1588 = arith.select %and3A_1586, %add3A_1587, %add3A_1583 : vector<16xi1>, vector<16xi32>
    %mul3A_1589 = arith.constant 4096 : i32
    %mul3A_1590 = arith.muli %select_n3A, %mul3A_1589 : i32
    %shift_right_arithmetic3A_1591 = arith.constant 4 : i32
    %shift_right_arithmetic3A_1592 = vector.broadcast %shift_right_arithmetic3A_1591 : i32 to vector<16xi32>
    %shift_right_arithmetic3A_1593 = arith.shrsi %select_n3A_1588, %shift_right_arithmetic3A_1592 : vector<16xi32>
    %shift_left3A_1594 = arith.constant 5 : i32
    %shift_left3A_1595 = vector.broadcast %shift_left3A_1594 : i32 to vector<16xi32>
    %shift_left3A_1596 = arith.shli %shift_right_arithmetic3A_1593, %shift_left3A_1595 : vector<16xi32>
    %add3A_1597 = vector.broadcast %mul3A_1590 : i32 to vector<16xi32>
    %add3A_1598 = arith.addi %add3A_1597, %shift_left3A_1596 : vector<16xi32>
    %shift_left3A_1599 = arith.constant 4 : i32
    %shift_left3A_1600 = vector.broadcast %shift_left3A_1599 : i32 to vector<16xi32>
    %shift_left3A_1601 = arith.shli %and3A_1573, %shift_left3A_1600 : vector<16xi32>
    %add3A_1602 = arith.addi %add3A_1598, %shift_left3A_1601 : vector<16xi32>
    %and3A_1603 = arith.constant 15 : i32
    %and3A_1604 = vector.broadcast %and3A_1603 : i32 to vector<16xi32>
    %and3A_1605 = arith.andi %select_n3A_1588, %and3A_1604 : vector<16xi32>
    %add3A_1606 = arith.addi %add3A_1602, %and3A_1605 : vector<16xi32>
    %swap3A_1607 = arith.constant 16 : index
    %swap3A_1608 = tpu.vector_load %arg10[%swap3A_1607] {strides = array<i32>} : memref<32xi32, #tpu.memory_space<vmem>>, vector<16xi32>,
    %swap3A_1609 = vector.shape_cast %swap3A_1608 : vector<16xi32> to vector<16xi32>
    %swap3A_1610 = vector.shape_cast %add3A_1606 : vector<16xi32> to vector<16xi32>
    tpu.vector_store %arg10[%swap3A_1607], %swap3A_1610 {strides = array<i32>} : memref<32xi32, #tpu.memory_space<vmem>>, vector<16xi32>,
    %dma_start3A_1611 = arith.constant 0 : i32
    %dma_start3A_1612 = arith.constant 0 : i32
    %dma_start3A_1613 = arith.constant 0 : i32
    %dma_start3A_1614 = tpu.memref_slice %arg2[%dma_start3A_1611, %dma_start3A_1612, %dma_start3A_1613] : memref<32768x8x128xf32, #tpu.memory_space<hbm>> -> memref<32768x8x128xf32, #tpu.memory_space<hbm>>
    tpu.enqueue_indirect_dma source(%dma_start3A_1614 : memref<32768x8x128xf32, #tpu.memory_space<hbm>>) target(%arg13 : memref<32x8x128xf32, #tpu.memory_space<vmem>>) offsets(%arg10 : memref<32xi32, #tpu.memory_space<vmem>>) semaphore(%arg16 : memref<!tpu.dma_semaphore, #tpu.memory_space<semaphore_mem>>)
    %dma_wait3A_1615 = arith.constant 0 : i32
    %dma_wait3A_1616 = arith.constant 0 : i32
    %dma_wait3A_1617 = arith.constant 0 : i32
    %dma_wait3A_1618 = tpu.memref_slice %arg2[%dma_wait3A_1615, %dma_wait3A_1616, %dma_wait3A_1617] : memref<32768x8x128xf32, #tpu.memory_space<hbm>> -> memref<32768x8x128xf32, #tpu.memory_space<hbm>>
    tpu.wait_indirect_dma semaphore(%arg17 : memref<!tpu.dma_semaphore, #tpu.memory_space<semaphore_mem>>) src(%dma_wait3A_1618 : memref<32768x8x128xf32, #tpu.memory_space<hbm>>) dst(%arg14 : memref<32x8x128xf32, #tpu.memory_space<vmem>>)
    %add3A_1619 = arith.constant 320 : i32
    %add3A_1620 = arith.addi %mul3A_18, %add3A_1619 : i32
    %dma_start3A_1621 = arith.constant 0 : i32
    %dma_start3A_1622 = arith.constant 0 : i32
    %dma_start3A_1623 = tpu.memref_slice %arg6[%add3A_1620, %dma_start3A_1621, %dma_start3A_1622] : memref<32768x8x128xf32, #tpu.memory_space<hbm>> -> memref<32x8x128xf32, #tpu.memory_space<hbm>>
    %dma_start3A_1624 = arith.constant 0 : i32
    %dma_start3A_1625 = arith.constant 0 : i32
    %dma_start3A_1626 = tpu.memref_slice %arg6[%add3A_1620, %dma_start3A_1624, %dma_start3A_1625] : memref<32768x8x128xf32, #tpu.memory_space<hbm>> -> memref<32x8x128xf32, #tpu.memory_space<hbm>>
    tpu.enqueue_dma source(%arg14 : memref<32x8x128xf32, #tpu.memory_space<vmem>>) target(%dma_start3A_1626 : memref<32x8x128xf32, #tpu.memory_space<hbm>>) target_semaphore(%arg20 : memref<!tpu.dma_semaphore, #tpu.memory_space<semaphore_mem>>)
    %dma_wait3A_1627 = arith.constant 0 : i32
    %dma_wait3A_1628 = arith.constant 0 : i32
    %dma_wait3A_1629 = tpu.memref_slice %arg6[%add3A_1620, %dma_wait3A_1627, %dma_wait3A_1628] : memref<32768x8x128xf32, #tpu.memory_space<hbm>> -> memref<32x8x128xf32, #tpu.memory_space<hbm>>
    %dma_wait3A_1630 = arith.constant 0 : i32
    %dma_wait3A_1631 = arith.constant 0 : i32
    %dma_wait3A_1632 = tpu.memref_slice %arg6[%add3A_1620, %dma_wait3A_1630, %dma_wait3A_1631] : memref<32768x8x128xf32, #tpu.memory_space<hbm>> -> memref<32x8x128xf32, #tpu.memory_space<hbm>>
    tpu.wait_dma2 semaphore(%arg20 : memref<!tpu.dma_semaphore, #tpu.memory_space<semaphore_mem>>) src(%arg14 : memref<32x8x128xf32, #tpu.memory_space<vmem>>) dst(%dma_wait3A_1632 : memref<32x8x128xf32, #tpu.memory_space<hbm>>)
    %add3A_1633 = arith.constant 416 : i32
    %add3A_1634 = arith.addi %mul3A_18, %add3A_1633 : i32
    %add3A_1635 = arith.constant 0 : i32
    %add3A_1636 = arith.addi %add3A_1634, %add3A_1635 : i32
    %add3A_1637 = vector.broadcast %add3A_1636 : i32 to vector<16xi32>
    %add3A_1638 = arith.addi %add3A_1637, %iota3A : vector<16xi32>
    %and3A_1639 = arith.constant 15 : i32
    %and3A_1640 = vector.broadcast %and3A_1639 : i32 to vector<16xi32>
    %and3A_1641 = arith.andi %add3A_1638, %and3A_1640 : vector<16xi32>
    %shift_right_arithmetic3A_1642 = arith.constant 4 : i32
    %shift_right_arithmetic3A_1643 = vector.broadcast %shift_right_arithmetic3A_1642 : i32 to vector<16xi32>
    %shift_right_arithmetic3A_1644 = arith.shrsi %add3A_1638, %shift_right_arithmetic3A_1643 : vector<16xi32>
    %and3A_1645 = arith.constant 1 : i32
    %and3A_1646 = vector.broadcast %and3A_1645 : i32 to vector<16xi32>
    %and3A_1647 = arith.andi %shift_right_arithmetic3A_1644, %and3A_1646 : vector<16xi32>
    %shift_right_arithmetic3A_1648 = arith.constant 5 : i32
    %shift_right_arithmetic3A_1649 = vector.broadcast %shift_right_arithmetic3A_1648 : i32 to vector<16xi32>
    %shift_right_arithmetic3A_1650 = arith.shrsi %add3A_1638, %shift_right_arithmetic3A_1649 : vector<16xi32>
    %and3A_1651 = arith.constant 127 : i32
    %and3A_1652 = vector.broadcast %and3A_1651 : i32 to vector<16xi32>
    %and3A_1653 = arith.andi %shift_right_arithmetic3A_1650, %and3A_1652 : vector<16xi32>
    %mul3A_1654 = arith.constant 16 : i32
    %mul3A_1655 = vector.broadcast %mul3A_1654 : i32 to vector<16xi32>
    %mul3A_1656 = arith.muli %and3A_1653, %mul3A_1655 : vector<16xi32>
    %add3A_1657 = arith.addi %mul3A_1656, %and3A_1641 : vector<16xi32>
    %ge3A_1658 = arith.cmpi sge, %add3A_1657, %gather3A_37 : vector<16xi32>
    %lt3A_1659 = arith.cmpi slt, %add3A_1657, %sub3A_31 : vector<16xi32>
    %and3A_1660 = arith.andi %ge3A_1658, %lt3A_1659 : vector<16xi1>
    %add3A_1661 = arith.addi %add3A_1657, %gather3A_24 : vector<16xi32>
    %select_n3A_1662 = arith.select %and3A_1660, %add3A_1661, %add3A_1657 : vector<16xi1>, vector<16xi32>
    %mul3A_1663 = arith.constant 4096 : i32
    %mul3A_1664 = arith.muli %select_n3A, %mul3A_1663 : i32
    %shift_right_arithmetic3A_1665 = arith.constant 4 : i32
    %shift_right_arithmetic3A_1666 = vector.broadcast %shift_right_arithmetic3A_1665 : i32 to vector<16xi32>
    %shift_right_arithmetic3A_1667 = arith.shrsi %select_n3A_1662, %shift_right_arithmetic3A_1666 : vector<16xi32>
    %shift_left3A_1668 = arith.constant 5 : i32
    %shift_left3A_1669 = vector.broadcast %shift_left3A_1668 : i32 to vector<16xi32>
    %shift_left3A_1670 = arith.shli %shift_right_arithmetic3A_1667, %shift_left3A_1669 : vector<16xi32>
    %add3A_1671 = vector.broadcast %mul3A_1664 : i32 to vector<16xi32>
    %add3A_1672 = arith.addi %add3A_1671, %shift_left3A_1670 : vector<16xi32>
    %shift_left3A_1673 = arith.constant 4 : i32
    %shift_left3A_1674 = vector.broadcast %shift_left3A_1673 : i32 to vector<16xi32>
    %shift_left3A_1675 = arith.shli %and3A_1647, %shift_left3A_1674 : vector<16xi32>
    %add3A_1676 = arith.addi %add3A_1672, %shift_left3A_1675 : vector<16xi32>
    %and3A_1677 = arith.constant 15 : i32
    %and3A_1678 = vector.broadcast %and3A_1677 : i32 to vector<16xi32>
    %and3A_1679 = arith.andi %select_n3A_1662, %and3A_1678 : vector<16xi32>
    %add3A_1680 = arith.addi %add3A_1676, %and3A_1679 : vector<16xi32>
    %swap3A_1681 = arith.constant 0 : index
    %swap3A_1682 = tpu.vector_load %arg11[%swap3A_1681] {strides = array<i32>} : memref<32xi32, #tpu.memory_space<vmem>>, vector<16xi32>,
    %swap3A_1683 = vector.shape_cast %swap3A_1682 : vector<16xi32> to vector<16xi32>
    %swap3A_1684 = vector.shape_cast %add3A_1680 : vector<16xi32> to vector<16xi32>
    tpu.vector_store %arg11[%swap3A_1681], %swap3A_1684 {strides = array<i32>} : memref<32xi32, #tpu.memory_space<vmem>>, vector<16xi32>,
    %add3A_1685 = arith.constant 416 : i32
    %add3A_1686 = arith.addi %mul3A_18, %add3A_1685 : i32
    %add3A_1687 = arith.constant 16 : i32
    %add3A_1688 = arith.addi %add3A_1686, %add3A_1687 : i32
    %add3A_1689 = vector.broadcast %add3A_1688 : i32 to vector<16xi32>
    %add3A_1690 = arith.addi %add3A_1689, %iota3A : vector<16xi32>
    %and3A_1691 = arith.constant 15 : i32
    %and3A_1692 = vector.broadcast %and3A_1691 : i32 to vector<16xi32>
    %and3A_1693 = arith.andi %add3A_1690, %and3A_1692 : vector<16xi32>
    %shift_right_arithmetic3A_1694 = arith.constant 4 : i32
    %shift_right_arithmetic3A_1695 = vector.broadcast %shift_right_arithmetic3A_1694 : i32 to vector<16xi32>
    %shift_right_arithmetic3A_1696 = arith.shrsi %add3A_1690, %shift_right_arithmetic3A_1695 : vector<16xi32>
    %and3A_1697 = arith.constant 1 : i32
    %and3A_1698 = vector.broadcast %and3A_1697 : i32 to vector<16xi32>
    %and3A_1699 = arith.andi %shift_right_arithmetic3A_1696, %and3A_1698 : vector<16xi32>
    %shift_right_arithmetic3A_1700 = arith.constant 5 : i32
    %shift_right_arithmetic3A_1701 = vector.broadcast %shift_right_arithmetic3A_1700 : i32 to vector<16xi32>
    %shift_right_arithmetic3A_1702 = arith.shrsi %add3A_1690, %shift_right_arithmetic3A_1701 : vector<16xi32>
    %and3A_1703 = arith.constant 127 : i32
    %and3A_1704 = vector.broadcast %and3A_1703 : i32 to vector<16xi32>
    %and3A_1705 = arith.andi %shift_right_arithmetic3A_1702, %and3A_1704 : vector<16xi32>
    %mul3A_1706 = arith.constant 16 : i32
    %mul3A_1707 = vector.broadcast %mul3A_1706 : i32 to vector<16xi32>
    %mul3A_1708 = arith.muli %and3A_1705, %mul3A_1707 : vector<16xi32>
    %add3A_1709 = arith.addi %mul3A_1708, %and3A_1693 : vector<16xi32>
    %ge3A_1710 = arith.cmpi sge, %add3A_1709, %gather3A_37 : vector<16xi32>
    %lt3A_1711 = arith.cmpi slt, %add3A_1709, %sub3A_31 : vector<16xi32>
    %and3A_1712 = arith.andi %ge3A_1710, %lt3A_1711 : vector<16xi1>
    %add3A_1713 = arith.addi %add3A_1709, %gather3A_24 : vector<16xi32>
    %select_n3A_1714 = arith.select %and3A_1712, %add3A_1713, %add3A_1709 : vector<16xi1>, vector<16xi32>
    %mul3A_1715 = arith.constant 4096 : i32
    %mul3A_1716 = arith.muli %select_n3A, %mul3A_1715 : i32
    %shift_right_arithmetic3A_1717 = arith.constant 4 : i32
    %shift_right_arithmetic3A_1718 = vector.broadcast %shift_right_arithmetic3A_1717 : i32 to vector<16xi32>
    %shift_right_arithmetic3A_1719 = arith.shrsi %select_n3A_1714, %shift_right_arithmetic3A_1718 : vector<16xi32>
    %shift_left3A_1720 = arith.constant 5 : i32
    %shift_left3A_1721 = vector.broadcast %shift_left3A_1720 : i32 to vector<16xi32>
    %shift_left3A_1722 = arith.shli %shift_right_arithmetic3A_1719, %shift_left3A_1721 : vector<16xi32>
    %add3A_1723 = vector.broadcast %mul3A_1716 : i32 to vector<16xi32>
    %add3A_1724 = arith.addi %add3A_1723, %shift_left3A_1722 : vector<16xi32>
    %shift_left3A_1725 = arith.constant 4 : i32
    %shift_left3A_1726 = vector.broadcast %shift_left3A_1725 : i32 to vector<16xi32>
    %shift_left3A_1727 = arith.shli %and3A_1699, %shift_left3A_1726 : vector<16xi32>
    %add3A_1728 = arith.addi %add3A_1724, %shift_left3A_1727 : vector<16xi32>
    %and3A_1729 = arith.constant 15 : i32
    %and3A_1730 = vector.broadcast %and3A_1729 : i32 to vector<16xi32>
    %and3A_1731 = arith.andi %select_n3A_1714, %and3A_1730 : vector<16xi32>
    %add3A_1732 = arith.addi %add3A_1728, %and3A_1731 : vector<16xi32>
    %swap3A_1733 = arith.constant 16 : index
    %swap3A_1734 = tpu.vector_load %arg11[%swap3A_1733] {strides = array<i32>} : memref<32xi32, #tpu.memory_space<vmem>>, vector<16xi32>,
    %swap3A_1735 = vector.shape_cast %swap3A_1734 : vector<16xi32> to vector<16xi32>
    %swap3A_1736 = vector.shape_cast %add3A_1732 : vector<16xi32> to vector<16xi32>
    tpu.vector_store %arg11[%swap3A_1733], %swap3A_1736 {strides = array<i32>} : memref<32xi32, #tpu.memory_space<vmem>>, vector<16xi32>,
    %dma_start3A_1737 = arith.constant 0 : i32
    %dma_start3A_1738 = arith.constant 0 : i32
    %dma_start3A_1739 = arith.constant 0 : i32
    %dma_start3A_1740 = tpu.memref_slice %arg2[%dma_start3A_1737, %dma_start3A_1738, %dma_start3A_1739] : memref<32768x8x128xf32, #tpu.memory_space<hbm>> -> memref<32768x8x128xf32, #tpu.memory_space<hbm>>
    tpu.enqueue_indirect_dma source(%dma_start3A_1740 : memref<32768x8x128xf32, #tpu.memory_space<hbm>>) target(%arg14 : memref<32x8x128xf32, #tpu.memory_space<vmem>>) offsets(%arg11 : memref<32xi32, #tpu.memory_space<vmem>>) semaphore(%arg17 : memref<!tpu.dma_semaphore, #tpu.memory_space<semaphore_mem>>)
    %dma_wait3A_1741 = arith.constant 0 : i32
    %dma_wait3A_1742 = arith.constant 0 : i32
    %dma_wait3A_1743 = arith.constant 0 : i32
    %dma_wait3A_1744 = tpu.memref_slice %arg2[%dma_wait3A_1741, %dma_wait3A_1742, %dma_wait3A_1743] : memref<32768x8x128xf32, #tpu.memory_space<hbm>> -> memref<32768x8x128xf32, #tpu.memory_space<hbm>>
    tpu.wait_indirect_dma semaphore(%arg18 : memref<!tpu.dma_semaphore, #tpu.memory_space<semaphore_mem>>) src(%dma_wait3A_1744 : memref<32768x8x128xf32, #tpu.memory_space<hbm>>) dst(%arg15 : memref<32x8x128xf32, #tpu.memory_space<vmem>>)
    %add3A_1745 = arith.constant 352 : i32
    %add3A_1746 = arith.addi %mul3A_18, %add3A_1745 : i32
    %dma_start3A_1747 = arith.constant 0 : i32
    %dma_start3A_1748 = arith.constant 0 : i32
    %dma_start3A_1749 = tpu.memref_slice %arg6[%add3A_1746, %dma_start3A_1747, %dma_start3A_1748] : memref<32768x8x128xf32, #tpu.memory_space<hbm>> -> memref<32x8x128xf32, #tpu.memory_space<hbm>>
    %dma_start3A_1750 = arith.constant 0 : i32
    %dma_start3A_1751 = arith.constant 0 : i32
    %dma_start3A_1752 = tpu.memref_slice %arg6[%add3A_1746, %dma_start3A_1750, %dma_start3A_1751] : memref<32768x8x128xf32, #tpu.memory_space<hbm>> -> memref<32x8x128xf32, #tpu.memory_space<hbm>>
    tpu.enqueue_dma source(%arg15 : memref<32x8x128xf32, #tpu.memory_space<vmem>>) target(%dma_start3A_1752 : memref<32x8x128xf32, #tpu.memory_space<hbm>>) target_semaphore(%arg21 : memref<!tpu.dma_semaphore, #tpu.memory_space<semaphore_mem>>)
    %dma_wait3A_1753 = arith.constant 0 : i32
    %dma_wait3A_1754 = arith.constant 0 : i32
    %dma_wait3A_1755 = tpu.memref_slice %arg6[%add3A_1746, %dma_wait3A_1753, %dma_wait3A_1754] : memref<32768x8x128xf32, #tpu.memory_space<hbm>> -> memref<32x8x128xf32, #tpu.memory_space<hbm>>
    %dma_wait3A_1756 = arith.constant 0 : i32
    %dma_wait3A_1757 = arith.constant 0 : i32
    %dma_wait3A_1758 = tpu.memref_slice %arg6[%add3A_1746, %dma_wait3A_1756, %dma_wait3A_1757] : memref<32768x8x128xf32, #tpu.memory_space<hbm>> -> memref<32x8x128xf32, #tpu.memory_space<hbm>>
    tpu.wait_dma2 semaphore(%arg21 : memref<!tpu.dma_semaphore, #tpu.memory_space<semaphore_mem>>) src(%arg15 : memref<32x8x128xf32, #tpu.memory_space<vmem>>) dst(%dma_wait3A_1758 : memref<32x8x128xf32, #tpu.memory_space<hbm>>)
    %add3A_1759 = arith.constant 448 : i32
    %add3A_1760 = arith.addi %mul3A_18, %add3A_1759 : i32
    %add3A_1761 = arith.constant 0 : i32
    %add3A_1762 = arith.addi %add3A_1760, %add3A_1761 : i32
    %add3A_1763 = vector.broadcast %add3A_1762 : i32 to vector<16xi32>
    %add3A_1764 = arith.addi %add3A_1763, %iota3A : vector<16xi32>
    %and3A_1765 = arith.constant 15 : i32
    %and3A_1766 = vector.broadcast %and3A_1765 : i32 to vector<16xi32>
    %and3A_1767 = arith.andi %add3A_1764, %and3A_1766 : vector<16xi32>
    %shift_right_arithmetic3A_1768 = arith.constant 4 : i32
    %shift_right_arithmetic3A_1769 = vector.broadcast %shift_right_arithmetic3A_1768 : i32 to vector<16xi32>
    %shift_right_arithmetic3A_1770 = arith.shrsi %add3A_1764, %shift_right_arithmetic3A_1769 : vector<16xi32>
    %and3A_1771 = arith.constant 1 : i32
    %and3A_1772 = vector.broadcast %and3A_1771 : i32 to vector<16xi32>
    %and3A_1773 = arith.andi %shift_right_arithmetic3A_1770, %and3A_1772 : vector<16xi32>
    %shift_right_arithmetic3A_1774 = arith.constant 5 : i32
    %shift_right_arithmetic3A_1775 = vector.broadcast %shift_right_arithmetic3A_1774 : i32 to vector<16xi32>
    %shift_right_arithmetic3A_1776 = arith.shrsi %add3A_1764, %shift_right_arithmetic3A_1775 : vector<16xi32>
    %and3A_1777 = arith.constant 127 : i32
    %and3A_1778 = vector.broadcast %and3A_1777 : i32 to vector<16xi32>
    %and3A_1779 = arith.andi %shift_right_arithmetic3A_1776, %and3A_1778 : vector<16xi32>
    %mul3A_1780 = arith.constant 16 : i32
    %mul3A_1781 = vector.broadcast %mul3A_1780 : i32 to vector<16xi32>
    %mul3A_1782 = arith.muli %and3A_1779, %mul3A_1781 : vector<16xi32>
    %add3A_1783 = arith.addi %mul3A_1782, %and3A_1767 : vector<16xi32>
    %ge3A_1784 = arith.cmpi sge, %add3A_1783, %gather3A_37 : vector<16xi32>
    %lt3A_1785 = arith.cmpi slt, %add3A_1783, %sub3A_31 : vector<16xi32>
    %and3A_1786 = arith.andi %ge3A_1784, %lt3A_1785 : vector<16xi1>
    %add3A_1787 = arith.addi %add3A_1783, %gather3A_24 : vector<16xi32>
    %select_n3A_1788 = arith.select %and3A_1786, %add3A_1787, %add3A_1783 : vector<16xi1>, vector<16xi32>
    %mul3A_1789 = arith.constant 4096 : i32
    %mul3A_1790 = arith.muli %select_n3A, %mul3A_1789 : i32
    %shift_right_arithmetic3A_1791 = arith.constant 4 : i32
    %shift_right_arithmetic3A_1792 = vector.broadcast %shift_right_arithmetic3A_1791 : i32 to vector<16xi32>
    %shift_right_arithmetic3A_1793 = arith.shrsi %select_n3A_1788, %shift_right_arithmetic3A_1792 : vector<16xi32>
    %shift_left3A_1794 = arith.constant 5 : i32
    %shift_left3A_1795 = vector.broadcast %shift_left3A_1794 : i32 to vector<16xi32>
    %shift_left3A_1796 = arith.shli %shift_right_arithmetic3A_1793, %shift_left3A_1795 : vector<16xi32>
    %add3A_1797 = vector.broadcast %mul3A_1790 : i32 to vector<16xi32>
    %add3A_1798 = arith.addi %add3A_1797, %shift_left3A_1796 : vector<16xi32>
    %shift_left3A_1799 = arith.constant 4 : i32
    %shift_left3A_1800 = vector.broadcast %shift_left3A_1799 : i32 to vector<16xi32>
    %shift_left3A_1801 = arith.shli %and3A_1773, %shift_left3A_1800 : vector<16xi32>
    %add3A_1802 = arith.addi %add3A_1798, %shift_left3A_1801 : vector<16xi32>
    %and3A_1803 = arith.constant 15 : i32
    %and3A_1804 = vector.broadcast %and3A_1803 : i32 to vector<16xi32>
    %and3A_1805 = arith.andi %select_n3A_1788, %and3A_1804 : vector<16xi32>
    %add3A_1806 = arith.addi %add3A_1802, %and3A_1805 : vector<16xi32>
    %swap3A_1807 = arith.constant 0 : index
    %swap3A_1808 = tpu.vector_load %arg12[%swap3A_1807] {strides = array<i32>} : memref<32xi32, #tpu.memory_space<vmem>>, vector<16xi32>,
    %swap3A_1809 = vector.shape_cast %swap3A_1808 : vector<16xi32> to vector<16xi32>
    %swap3A_1810 = vector.shape_cast %add3A_1806 : vector<16xi32> to vector<16xi32>
    tpu.vector_store %arg12[%swap3A_1807], %swap3A_1810 {strides = array<i32>} : memref<32xi32, #tpu.memory_space<vmem>>, vector<16xi32>,
    %add3A_1811 = arith.constant 448 : i32
    %add3A_1812 = arith.addi %mul3A_18, %add3A_1811 : i32
    %add3A_1813 = arith.constant 16 : i32
    %add3A_1814 = arith.addi %add3A_1812, %add3A_1813 : i32
    %add3A_1815 = vector.broadcast %add3A_1814 : i32 to vector<16xi32>
    %add3A_1816 = arith.addi %add3A_1815, %iota3A : vector<16xi32>
    %and3A_1817 = arith.constant 15 : i32
    %and3A_1818 = vector.broadcast %and3A_1817 : i32 to vector<16xi32>
    %and3A_1819 = arith.andi %add3A_1816, %and3A_1818 : vector<16xi32>
    %shift_right_arithmetic3A_1820 = arith.constant 4 : i32
    %shift_right_arithmetic3A_1821 = vector.broadcast %shift_right_arithmetic3A_1820 : i32 to vector<16xi32>
    %shift_right_arithmetic3A_1822 = arith.shrsi %add3A_1816, %shift_right_arithmetic3A_1821 : vector<16xi32>
    %and3A_1823 = arith.constant 1 : i32
    %and3A_1824 = vector.broadcast %and3A_1823 : i32 to vector<16xi32>
    %and3A_1825 = arith.andi %shift_right_arithmetic3A_1822, %and3A_1824 : vector<16xi32>
    %shift_right_arithmetic3A_1826 = arith.constant 5 : i32
    %shift_right_arithmetic3A_1827 = vector.broadcast %shift_right_arithmetic3A_1826 : i32 to vector<16xi32>
    %shift_right_arithmetic3A_1828 = arith.shrsi %add3A_1816, %shift_right_arithmetic3A_1827 : vector<16xi32>
    %and3A_1829 = arith.constant 127 : i32
    %and3A_1830 = vector.broadcast %and3A_1829 : i32 to vector<16xi32>
    %and3A_1831 = arith.andi %shift_right_arithmetic3A_1828, %and3A_1830 : vector<16xi32>
    %mul3A_1832 = arith.constant 16 : i32
    %mul3A_1833 = vector.broadcast %mul3A_1832 : i32 to vector<16xi32>
    %mul3A_1834 = arith.muli %and3A_1831, %mul3A_1833 : vector<16xi32>
    %add3A_1835 = arith.addi %mul3A_1834, %and3A_1819 : vector<16xi32>
    %ge3A_1836 = arith.cmpi sge, %add3A_1835, %gather3A_37 : vector<16xi32>
    %lt3A_1837 = arith.cmpi slt, %add3A_1835, %sub3A_31 : vector<16xi32>
    %and3A_1838 = arith.andi %ge3A_1836, %lt3A_1837 : vector<16xi1>
    %add3A_1839 = arith.addi %add3A_1835, %gather3A_24 : vector<16xi32>
    %select_n3A_1840 = arith.select %and3A_1838, %add3A_1839, %add3A_1835 : vector<16xi1>, vector<16xi32>
    %mul3A_1841 = arith.constant 4096 : i32
    %mul3A_1842 = arith.muli %select_n3A, %mul3A_1841 : i32
    %shift_right_arithmetic3A_1843 = arith.constant 4 : i32
    %shift_right_arithmetic3A_1844 = vector.broadcast %shift_right_arithmetic3A_1843 : i32 to vector<16xi32>
    %shift_right_arithmetic3A_1845 = arith.shrsi %select_n3A_1840, %shift_right_arithmetic3A_1844 : vector<16xi32>
    %shift_left3A_1846 = arith.constant 5 : i32
    %shift_left3A_1847 = vector.broadcast %shift_left3A_1846 : i32 to vector<16xi32>
    %shift_left3A_1848 = arith.shli %shift_right_arithmetic3A_1845, %shift_left3A_1847 : vector<16xi32>
    %add3A_1849 = vector.broadcast %mul3A_1842 : i32 to vector<16xi32>
    %add3A_1850 = arith.addi %add3A_1849, %shift_left3A_1848 : vector<16xi32>
    %shift_left3A_1851 = arith.constant 4 : i32
    %shift_left3A_1852 = vector.broadcast %shift_left3A_1851 : i32 to vector<16xi32>
    %shift_left3A_1853 = arith.shli %and3A_1825, %shift_left3A_1852 : vector<16xi32>
    %add3A_1854 = arith.addi %add3A_1850, %shift_left3A_1853 : vector<16xi32>
    %and3A_1855 = arith.constant 15 : i32
    %and3A_1856 = vector.broadcast %and3A_1855 : i32 to vector<16xi32>
    %and3A_1857 = arith.andi %select_n3A_1840, %and3A_1856 : vector<16xi32>
    %add3A_1858 = arith.addi %add3A_1854, %and3A_1857 : vector<16xi32>
    %swap3A_1859 = arith.constant 16 : index
    %swap3A_1860 = tpu.vector_load %arg12[%swap3A_1859] {strides = array<i32>} : memref<32xi32, #tpu.memory_space<vmem>>, vector<16xi32>,
    %swap3A_1861 = vector.shape_cast %swap3A_1860 : vector<16xi32> to vector<16xi32>
    %swap3A_1862 = vector.shape_cast %add3A_1858 : vector<16xi32> to vector<16xi32>
    tpu.vector_store %arg12[%swap3A_1859], %swap3A_1862 {strides = array<i32>} : memref<32xi32, #tpu.memory_space<vmem>>, vector<16xi32>,
    %dma_start3A_1863 = arith.constant 0 : i32
    %dma_start3A_1864 = arith.constant 0 : i32
    %dma_start3A_1865 = arith.constant 0 : i32
    %dma_start3A_1866 = tpu.memref_slice %arg2[%dma_start3A_1863, %dma_start3A_1864, %dma_start3A_1865] : memref<32768x8x128xf32, #tpu.memory_space<hbm>> -> memref<32768x8x128xf32, #tpu.memory_space<hbm>>
    tpu.enqueue_indirect_dma source(%dma_start3A_1866 : memref<32768x8x128xf32, #tpu.memory_space<hbm>>) target(%arg15 : memref<32x8x128xf32, #tpu.memory_space<vmem>>) offsets(%arg12 : memref<32xi32, #tpu.memory_space<vmem>>) semaphore(%arg18 : memref<!tpu.dma_semaphore, #tpu.memory_space<semaphore_mem>>)
    %dma_wait3A_1867 = arith.constant 0 : i32
    %dma_wait3A_1868 = arith.constant 0 : i32
    %dma_wait3A_1869 = arith.constant 0 : i32
    %dma_wait3A_1870 = tpu.memref_slice %arg2[%dma_wait3A_1867, %dma_wait3A_1868, %dma_wait3A_1869] : memref<32768x8x128xf32, #tpu.memory_space<hbm>> -> memref<32768x8x128xf32, #tpu.memory_space<hbm>>
    tpu.wait_indirect_dma semaphore(%arg16 : memref<!tpu.dma_semaphore, #tpu.memory_space<semaphore_mem>>) src(%dma_wait3A_1870 : memref<32768x8x128xf32, #tpu.memory_space<hbm>>) dst(%arg13 : memref<32x8x128xf32, #tpu.memory_space<vmem>>)
    %add3A_1871 = arith.constant 384 : i32
    %add3A_1872 = arith.addi %mul3A_18, %add3A_1871 : i32
    %dma_start3A_1873 = arith.constant 0 : i32
    %dma_start3A_1874 = arith.constant 0 : i32
    %dma_start3A_1875 = tpu.memref_slice %arg6[%add3A_1872, %dma_start3A_1873, %dma_start3A_1874] : memref<32768x8x128xf32, #tpu.memory_space<hbm>> -> memref<32x8x128xf32, #tpu.memory_space<hbm>>
    %dma_start3A_1876 = arith.constant 0 : i32
    %dma_start3A_1877 = arith.constant 0 : i32
    %dma_start3A_1878 = tpu.memref_slice %arg6[%add3A_1872, %dma_start3A_1876, %dma_start3A_1877] : memref<32768x8x128xf32, #tpu.memory_space<hbm>> -> memref<32x8x128xf32, #tpu.memory_space<hbm>>
    tpu.enqueue_dma source(%arg13 : memref<32x8x128xf32, #tpu.memory_space<vmem>>) target(%dma_start3A_1878 : memref<32x8x128xf32, #tpu.memory_space<hbm>>) target_semaphore(%arg19 : memref<!tpu.dma_semaphore, #tpu.memory_space<semaphore_mem>>)
    %dma_wait3A_1879 = arith.constant 0 : i32
    %dma_wait3A_1880 = arith.constant 0 : i32
    %dma_wait3A_1881 = tpu.memref_slice %arg6[%add3A_1872, %dma_wait3A_1879, %dma_wait3A_1880] : memref<32768x8x128xf32, #tpu.memory_space<hbm>> -> memref<32x8x128xf32, #tpu.memory_space<hbm>>
    %dma_wait3A_1882 = arith.constant 0 : i32
    %dma_wait3A_1883 = arith.constant 0 : i32
    %dma_wait3A_1884 = tpu.memref_slice %arg6[%add3A_1872, %dma_wait3A_1882, %dma_wait3A_1883] : memref<32768x8x128xf32, #tpu.memory_space<hbm>> -> memref<32x8x128xf32, #tpu.memory_space<hbm>>
    tpu.wait_dma2 semaphore(%arg19 : memref<!tpu.dma_semaphore, #tpu.memory_space<semaphore_mem>>) src(%arg13 : memref<32x8x128xf32, #tpu.memory_space<vmem>>) dst(%dma_wait3A_1884 : memref<32x8x128xf32, #tpu.memory_space<hbm>>)
    %add3A_1885 = arith.constant 480 : i32
    %add3A_1886 = arith.addi %mul3A_18, %add3A_1885 : i32
    %add3A_1887 = arith.constant 0 : i32
    %add3A_1888 = arith.addi %add3A_1886, %add3A_1887 : i32
    %add3A_1889 = vector.broadcast %add3A_1888 : i32 to vector<16xi32>
    %add3A_1890 = arith.addi %add3A_1889, %iota3A : vector<16xi32>
    %and3A_1891 = arith.constant 15 : i32
    %and3A_1892 = vector.broadcast %and3A_1891 : i32 to vector<16xi32>
    %and3A_1893 = arith.andi %add3A_1890, %and3A_1892 : vector<16xi32>
    %shift_right_arithmetic3A_1894 = arith.constant 4 : i32
    %shift_right_arithmetic3A_1895 = vector.broadcast %shift_right_arithmetic3A_1894 : i32 to vector<16xi32>
    %shift_right_arithmetic3A_1896 = arith.shrsi %add3A_1890, %shift_right_arithmetic3A_1895 : vector<16xi32>
    %and3A_1897 = arith.constant 1 : i32
    %and3A_1898 = vector.broadcast %and3A_1897 : i32 to vector<16xi32>
    %and3A_1899 = arith.andi %shift_right_arithmetic3A_1896, %and3A_1898 : vector<16xi32>
    %shift_right_arithmetic3A_1900 = arith.constant 5 : i32
    %shift_right_arithmetic3A_1901 = vector.broadcast %shift_right_arithmetic3A_1900 : i32 to vector<16xi32>
    %shift_right_arithmetic3A_1902 = arith.shrsi %add3A_1890, %shift_right_arithmetic3A_1901 : vector<16xi32>
    %and3A_1903 = arith.constant 127 : i32
    %and3A_1904 = vector.broadcast %and3A_1903 : i32 to vector<16xi32>
    %and3A_1905 = arith.andi %shift_right_arithmetic3A_1902, %and3A_1904 : vector<16xi32>
    %mul3A_1906 = arith.constant 16 : i32
    %mul3A_1907 = vector.broadcast %mul3A_1906 : i32 to vector<16xi32>
    %mul3A_1908 = arith.muli %and3A_1905, %mul3A_1907 : vector<16xi32>
    %add3A_1909 = arith.addi %mul3A_1908, %and3A_1893 : vector<16xi32>
    %ge3A_1910 = arith.cmpi sge, %add3A_1909, %gather3A_37 : vector<16xi32>
    %lt3A_1911 = arith.cmpi slt, %add3A_1909, %sub3A_31 : vector<16xi32>
    %and3A_1912 = arith.andi %ge3A_1910, %lt3A_1911 : vector<16xi1>
    %add3A_1913 = arith.addi %add3A_1909, %gather3A_24 : vector<16xi32>
    %select_n3A_1914 = arith.select %and3A_1912, %add3A_1913, %add3A_1909 : vector<16xi1>, vector<16xi32>
    %mul3A_1915 = arith.constant 4096 : i32
    %mul3A_1916 = arith.muli %select_n3A, %mul3A_1915 : i32
    %shift_right_arithmetic3A_1917 = arith.constant 4 : i32
    %shift_right_arithmetic3A_1918 = vector.broadcast %shift_right_arithmetic3A_1917 : i32 to vector<16xi32>
    %shift_right_arithmetic3A_1919 = arith.shrsi %select_n3A_1914, %shift_right_arithmetic3A_1918 : vector<16xi32>
    %shift_left3A_1920 = arith.constant 5 : i32
    %shift_left3A_1921 = vector.broadcast %shift_left3A_1920 : i32 to vector<16xi32>
    %shift_left3A_1922 = arith.shli %shift_right_arithmetic3A_1919, %shift_left3A_1921 : vector<16xi32>
    %add3A_1923 = vector.broadcast %mul3A_1916 : i32 to vector<16xi32>
    %add3A_1924 = arith.addi %add3A_1923, %shift_left3A_1922 : vector<16xi32>
    %shift_left3A_1925 = arith.constant 4 : i32
    %shift_left3A_1926 = vector.broadcast %shift_left3A_1925 : i32 to vector<16xi32>
    %shift_left3A_1927 = arith.shli %and3A_1899, %shift_left3A_1926 : vector<16xi32>
    %add3A_1928 = arith.addi %add3A_1924, %shift_left3A_1927 : vector<16xi32>
    %and3A_1929 = arith.constant 15 : i32
    %and3A_1930 = vector.broadcast %and3A_1929 : i32 to vector<16xi32>
    %and3A_1931 = arith.andi %select_n3A_1914, %and3A_1930 : vector<16xi32>
    %add3A_1932 = arith.addi %add3A_1928, %and3A_1931 : vector<16xi32>
    %swap3A_1933 = arith.constant 0 : index
    %swap3A_1934 = tpu.vector_load %arg10[%swap3A_1933] {strides = array<i32>} : memref<32xi32, #tpu.memory_space<vmem>>, vector<16xi32>,
    %swap3A_1935 = vector.shape_cast %swap3A_1934 : vector<16xi32> to vector<16xi32>
    %swap3A_1936 = vector.shape_cast %add3A_1932 : vector<16xi32> to vector<16xi32>
    tpu.vector_store %arg10[%swap3A_1933], %swap3A_1936 {strides = array<i32>} : memref<32xi32, #tpu.memory_space<vmem>>, vector<16xi32>,
    %add3A_1937 = arith.constant 480 : i32
    %add3A_1938 = arith.addi %mul3A_18, %add3A_1937 : i32
    %add3A_1939 = arith.constant 16 : i32
    %add3A_1940 = arith.addi %add3A_1938, %add3A_1939 : i32
    %add3A_1941 = vector.broadcast %add3A_1940 : i32 to vector<16xi32>
    %add3A_1942 = arith.addi %add3A_1941, %iota3A : vector<16xi32>
    %and3A_1943 = arith.constant 15 : i32
    %and3A_1944 = vector.broadcast %and3A_1943 : i32 to vector<16xi32>
    %and3A_1945 = arith.andi %add3A_1942, %and3A_1944 : vector<16xi32>
    %shift_right_arithmetic3A_1946 = arith.constant 4 : i32
    %shift_right_arithmetic3A_1947 = vector.broadcast %shift_right_arithmetic3A_1946 : i32 to vector<16xi32>
    %shift_right_arithmetic3A_1948 = arith.shrsi %add3A_1942, %shift_right_arithmetic3A_1947 : vector<16xi32>
    %and3A_1949 = arith.constant 1 : i32
    %and3A_1950 = vector.broadcast %and3A_1949 : i32 to vector<16xi32>
    %and3A_1951 = arith.andi %shift_right_arithmetic3A_1948, %and3A_1950 : vector<16xi32>
    %shift_right_arithmetic3A_1952 = arith.constant 5 : i32
    %shift_right_arithmetic3A_1953 = vector.broadcast %shift_right_arithmetic3A_1952 : i32 to vector<16xi32>
    %shift_right_arithmetic3A_1954 = arith.shrsi %add3A_1942, %shift_right_arithmetic3A_1953 : vector<16xi32>
    %and3A_1955 = arith.constant 127 : i32
    %and3A_1956 = vector.broadcast %and3A_1955 : i32 to vector<16xi32>
    %and3A_1957 = arith.andi %shift_right_arithmetic3A_1954, %and3A_1956 : vector<16xi32>
    %mul3A_1958 = arith.constant 16 : i32
    %mul3A_1959 = vector.broadcast %mul3A_1958 : i32 to vector<16xi32>
    %mul3A_1960 = arith.muli %and3A_1957, %mul3A_1959 : vector<16xi32>
    %add3A_1961 = arith.addi %mul3A_1960, %and3A_1945 : vector<16xi32>
    %ge3A_1962 = arith.cmpi sge, %add3A_1961, %gather3A_37 : vector<16xi32>
    %lt3A_1963 = arith.cmpi slt, %add3A_1961, %sub3A_31 : vector<16xi32>
    %and3A_1964 = arith.andi %ge3A_1962, %lt3A_1963 : vector<16xi1>
    %add3A_1965 = arith.addi %add3A_1961, %gather3A_24 : vector<16xi32>
    %select_n3A_1966 = arith.select %and3A_1964, %add3A_1965, %add3A_1961 : vector<16xi1>, vector<16xi32>
    %mul3A_1967 = arith.constant 4096 : i32
    %mul3A_1968 = arith.muli %select_n3A, %mul3A_1967 : i32
    %shift_right_arithmetic3A_1969 = arith.constant 4 : i32
    %shift_right_arithmetic3A_1970 = vector.broadcast %shift_right_arithmetic3A_1969 : i32 to vector<16xi32>
    %shift_right_arithmetic3A_1971 = arith.shrsi %select_n3A_1966, %shift_right_arithmetic3A_1970 : vector<16xi32>
    %shift_left3A_1972 = arith.constant 5 : i32
    %shift_left3A_1973 = vector.broadcast %shift_left3A_1972 : i32 to vector<16xi32>
    %shift_left3A_1974 = arith.shli %shift_right_arithmetic3A_1971, %shift_left3A_1973 : vector<16xi32>
    %add3A_1975 = vector.broadcast %mul3A_1968 : i32 to vector<16xi32>
    %add3A_1976 = arith.addi %add3A_1975, %shift_left3A_1974 : vector<16xi32>
    %shift_left3A_1977 = arith.constant 4 : i32
    %shift_left3A_1978 = vector.broadcast %shift_left3A_1977 : i32 to vector<16xi32>
    %shift_left3A_1979 = arith.shli %and3A_1951, %shift_left3A_1978 : vector<16xi32>
    %add3A_1980 = arith.addi %add3A_1976, %shift_left3A_1979 : vector<16xi32>
    %and3A_1981 = arith.constant 15 : i32
    %and3A_1982 = vector.broadcast %and3A_1981 : i32 to vector<16xi32>
    %and3A_1983 = arith.andi %select_n3A_1966, %and3A_1982 : vector<16xi32>
    %add3A_1984 = arith.addi %add3A_1980, %and3A_1983 : vector<16xi32>
    %swap3A_1985 = arith.constant 16 : index
    %swap3A_1986 = tpu.vector_load %arg10[%swap3A_1985] {strides = array<i32>} : memref<32xi32, #tpu.memory_space<vmem>>, vector<16xi32>,
    %swap3A_1987 = vector.shape_cast %swap3A_1986 : vector<16xi32> to vector<16xi32>
    %swap3A_1988 = vector.shape_cast %add3A_1984 : vector<16xi32> to vector<16xi32>
    tpu.vector_store %arg10[%swap3A_1985], %swap3A_1988 {strides = array<i32>} : memref<32xi32, #tpu.memory_space<vmem>>, vector<16xi32>,
    %dma_start3A_1989 = arith.constant 0 : i32
    %dma_start3A_1990 = arith.constant 0 : i32
    %dma_start3A_1991 = arith.constant 0 : i32
    %dma_start3A_1992 = tpu.memref_slice %arg2[%dma_start3A_1989, %dma_start3A_1990, %dma_start3A_1991] : memref<32768x8x128xf32, #tpu.memory_space<hbm>> -> memref<32768x8x128xf32, #tpu.memory_space<hbm>>
    tpu.enqueue_indirect_dma source(%dma_start3A_1992 : memref<32768x8x128xf32, #tpu.memory_space<hbm>>) target(%arg13 : memref<32x8x128xf32, #tpu.memory_space<vmem>>) offsets(%arg10 : memref<32xi32, #tpu.memory_space<vmem>>) semaphore(%arg16 : memref<!tpu.dma_semaphore, #tpu.memory_space<semaphore_mem>>)
    %dma_wait3A_1993 = arith.constant 0 : i32
    %dma_wait3A_1994 = arith.constant 0 : i32
    %dma_wait3A_1995 = arith.constant 0 : i32
    %dma_wait3A_1996 = tpu.memref_slice %arg2[%dma_wait3A_1993, %dma_wait3A_1994, %dma_wait3A_1995] : memref<32768x8x128xf32, #tpu.memory_space<hbm>> -> memref<32768x8x128xf32, #tpu.memory_space<hbm>>
    tpu.wait_indirect_dma semaphore(%arg17 : memref<!tpu.dma_semaphore, #tpu.memory_space<semaphore_mem>>) src(%dma_wait3A_1996 : memref<32768x8x128xf32, #tpu.memory_space<hbm>>) dst(%arg14 : memref<32x8x128xf32, #tpu.memory_space<vmem>>)
    %add3A_1997 = arith.constant 416 : i32
    %add3A_1998 = arith.addi %mul3A_18, %add3A_1997 : i32
    %dma_start3A_1999 = arith.constant 0 : i32
    %dma_start3A_2000 = arith.constant 0 : i32
    %dma_start3A_2001 = tpu.memref_slice %arg6[%add3A_1998, %dma_start3A_1999, %dma_start3A_2000] : memref<32768x8x128xf32, #tpu.memory_space<hbm>> -> memref<32x8x128xf32, #tpu.memory_space<hbm>>
    %dma_start3A_2002 = arith.constant 0 : i32
    %dma_start3A_2003 = arith.constant 0 : i32
    %dma_start3A_2004 = tpu.memref_slice %arg6[%add3A_1998, %dma_start3A_2002, %dma_start3A_2003] : memref<32768x8x128xf32, #tpu.memory_space<hbm>> -> memref<32x8x128xf32, #tpu.memory_space<hbm>>
    tpu.enqueue_dma source(%arg14 : memref<32x8x128xf32, #tpu.memory_space<vmem>>) target(%dma_start3A_2004 : memref<32x8x128xf32, #tpu.memory_space<hbm>>) target_semaphore(%arg20 : memref<!tpu.dma_semaphore, #tpu.memory_space<semaphore_mem>>)
    %dma_wait3A_2005 = arith.constant 0 : i32
    %dma_wait3A_2006 = arith.constant 0 : i32
    %dma_wait3A_2007 = tpu.memref_slice %arg6[%add3A_1998, %dma_wait3A_2005, %dma_wait3A_2006] : memref<32768x8x128xf32, #tpu.memory_space<hbm>> -> memref<32x8x128xf32, #tpu.memory_space<hbm>>
    %dma_wait3A_2008 = arith.constant 0 : i32
    %dma_wait3A_2009 = arith.constant 0 : i32
    %dma_wait3A_2010 = tpu.memref_slice %arg6[%add3A_1998, %dma_wait3A_2008, %dma_wait3A_2009] : memref<32768x8x128xf32, #tpu.memory_space<hbm>> -> memref<32x8x128xf32, #tpu.memory_space<hbm>>
    tpu.wait_dma2 semaphore(%arg20 : memref<!tpu.dma_semaphore, #tpu.memory_space<semaphore_mem>>) src(%arg14 : memref<32x8x128xf32, #tpu.memory_space<vmem>>) dst(%dma_wait3A_2010 : memref<32x8x128xf32, #tpu.memory_space<hbm>>)
    %add3A_2011 = arith.constant 512 : i32
    %add3A_2012 = arith.addi %mul3A_18, %add3A_2011 : i32
    %add3A_2013 = arith.constant 0 : i32
    %add3A_2014 = arith.addi %add3A_2012, %add3A_2013 : i32
    %add3A_2015 = vector.broadcast %add3A_2014 : i32 to vector<16xi32>
    %add3A_2016 = arith.addi %add3A_2015, %iota3A : vector<16xi32>
    %and3A_2017 = arith.constant 15 : i32
    %and3A_2018 = vector.broadcast %and3A_2017 : i32 to vector<16xi32>
    %and3A_2019 = arith.andi %add3A_2016, %and3A_2018 : vector<16xi32>
    %shift_right_arithmetic3A_2020 = arith.constant 4 : i32
    %shift_right_arithmetic3A_2021 = vector.broadcast %shift_right_arithmetic3A_2020 : i32 to vector<16xi32>
    %shift_right_arithmetic3A_2022 = arith.shrsi %add3A_2016, %shift_right_arithmetic3A_2021 : vector<16xi32>
    %and3A_2023 = arith.constant 1 : i32
    %and3A_2024 = vector.broadcast %and3A_2023 : i32 to vector<16xi32>
    %and3A_2025 = arith.andi %shift_right_arithmetic3A_2022, %and3A_2024 : vector<16xi32>
    %shift_right_arithmetic3A_2026 = arith.constant 5 : i32
    %shift_right_arithmetic3A_2027 = vector.broadcast %shift_right_arithmetic3A_2026 : i32 to vector<16xi32>
    %shift_right_arithmetic3A_2028 = arith.shrsi %add3A_2016, %shift_right_arithmetic3A_2027 : vector<16xi32>
    %and3A_2029 = arith.constant 127 : i32
    %and3A_2030 = vector.broadcast %and3A_2029 : i32 to vector<16xi32>
    %and3A_2031 = arith.andi %shift_right_arithmetic3A_2028, %and3A_2030 : vector<16xi32>
    %mul3A_2032 = arith.constant 16 : i32
    %mul3A_2033 = vector.broadcast %mul3A_2032 : i32 to vector<16xi32>
    %mul3A_2034 = arith.muli %and3A_2031, %mul3A_2033 : vector<16xi32>
    %add3A_2035 = arith.addi %mul3A_2034, %and3A_2019 : vector<16xi32>
    %ge3A_2036 = arith.cmpi sge, %add3A_2035, %gather3A_37 : vector<16xi32>
    %lt3A_2037 = arith.cmpi slt, %add3A_2035, %sub3A_31 : vector<16xi32>
    %and3A_2038 = arith.andi %ge3A_2036, %lt3A_2037 : vector<16xi1>
    %add3A_2039 = arith.addi %add3A_2035, %gather3A_24 : vector<16xi32>
    %select_n3A_2040 = arith.select %and3A_2038, %add3A_2039, %add3A_2035 : vector<16xi1>, vector<16xi32>
    %mul3A_2041 = arith.constant 4096 : i32
    %mul3A_2042 = arith.muli %select_n3A, %mul3A_2041 : i32
    %shift_right_arithmetic3A_2043 = arith.constant 4 : i32
    %shift_right_arithmetic3A_2044 = vector.broadcast %shift_right_arithmetic3A_2043 : i32 to vector<16xi32>
    %shift_right_arithmetic3A_2045 = arith.shrsi %select_n3A_2040, %shift_right_arithmetic3A_2044 : vector<16xi32>
    %shift_left3A_2046 = arith.constant 5 : i32
    %shift_left3A_2047 = vector.broadcast %shift_left3A_2046 : i32 to vector<16xi32>
    %shift_left3A_2048 = arith.shli %shift_right_arithmetic3A_2045, %shift_left3A_2047 : vector<16xi32>
    %add3A_2049 = vector.broadcast %mul3A_2042 : i32 to vector<16xi32>
    %add3A_2050 = arith.addi %add3A_2049, %shift_left3A_2048 : vector<16xi32>
    %shift_left3A_2051 = arith.constant 4 : i32
    %shift_left3A_2052 = vector.broadcast %shift_left3A_2051 : i32 to vector<16xi32>
    %shift_left3A_2053 = arith.shli %and3A_2025, %shift_left3A_2052 : vector<16xi32>
    %add3A_2054 = arith.addi %add3A_2050, %shift_left3A_2053 : vector<16xi32>
    %and3A_2055 = arith.constant 15 : i32
    %and3A_2056 = vector.broadcast %and3A_2055 : i32 to vector<16xi32>
    %and3A_2057 = arith.andi %select_n3A_2040, %and3A_2056 : vector<16xi32>
    %add3A_2058 = arith.addi %add3A_2054, %and3A_2057 : vector<16xi32>
    %swap3A_2059 = arith.constant 0 : index
    %swap3A_2060 = tpu.vector_load %arg11[%swap3A_2059] {strides = array<i32>} : memref<32xi32, #tpu.memory_space<vmem>>, vector<16xi32>,
    %swap3A_2061 = vector.shape_cast %swap3A_2060 : vector<16xi32> to vector<16xi32>
    %swap3A_2062 = vector.shape_cast %add3A_2058 : vector<16xi32> to vector<16xi32>
    tpu.vector_store %arg11[%swap3A_2059], %swap3A_2062 {strides = array<i32>} : memref<32xi32, #tpu.memory_space<vmem>>, vector<16xi32>,
    %add3A_2063 = arith.constant 512 : i32
    %add3A_2064 = arith.addi %mul3A_18, %add3A_2063 : i32
    %add3A_2065 = arith.constant 16 : i32
    %add3A_2066 = arith.addi %add3A_2064, %add3A_2065 : i32
    %add3A_2067 = vector.broadcast %add3A_2066 : i32 to vector<16xi32>
    %add3A_2068 = arith.addi %add3A_2067, %iota3A : vector<16xi32>
    %and3A_2069 = arith.constant 15 : i32
    %and3A_2070 = vector.broadcast %and3A_2069 : i32 to vector<16xi32>
    %and3A_2071 = arith.andi %add3A_2068, %and3A_2070 : vector<16xi32>
    %shift_right_arithmetic3A_2072 = arith.constant 4 : i32
    %shift_right_arithmetic3A_2073 = vector.broadcast %shift_right_arithmetic3A_2072 : i32 to vector<16xi32>
    %shift_right_arithmetic3A_2074 = arith.shrsi %add3A_2068, %shift_right_arithmetic3A_2073 : vector<16xi32>
    %and3A_2075 = arith.constant 1 : i32
    %and3A_2076 = vector.broadcast %and3A_2075 : i32 to vector<16xi32>
    %and3A_2077 = arith.andi %shift_right_arithmetic3A_2074, %and3A_2076 : vector<16xi32>
    %shift_right_arithmetic3A_2078 = arith.constant 5 : i32
    %shift_right_arithmetic3A_2079 = vector.broadcast %shift_right_arithmetic3A_2078 : i32 to vector<16xi32>
    %shift_right_arithmetic3A_2080 = arith.shrsi %add3A_2068, %shift_right_arithmetic3A_2079 : vector<16xi32>
    %and3A_2081 = arith.constant 127 : i32
    %and3A_2082 = vector.broadcast %and3A_2081 : i32 to vector<16xi32>
    %and3A_2083 = arith.andi %shift_right_arithmetic3A_2080, %and3A_2082 : vector<16xi32>
    %mul3A_2084 = arith.constant 16 : i32
    %mul3A_2085 = vector.broadcast %mul3A_2084 : i32 to vector<16xi32>
    %mul3A_2086 = arith.muli %and3A_2083, %mul3A_2085 : vector<16xi32>
    %add3A_2087 = arith.addi %mul3A_2086, %and3A_2071 : vector<16xi32>
    %ge3A_2088 = arith.cmpi sge, %add3A_2087, %gather3A_37 : vector<16xi32>
    %lt3A_2089 = arith.cmpi slt, %add3A_2087, %sub3A_31 : vector<16xi32>
    %and3A_2090 = arith.andi %ge3A_2088, %lt3A_2089 : vector<16xi1>
    %add3A_2091 = arith.addi %add3A_2087, %gather3A_24 : vector<16xi32>
    %select_n3A_2092 = arith.select %and3A_2090, %add3A_2091, %add3A_2087 : vector<16xi1>, vector<16xi32>
    %mul3A_2093 = arith.constant 4096 : i32
    %mul3A_2094 = arith.muli %select_n3A, %mul3A_2093 : i32
    %shift_right_arithmetic3A_2095 = arith.constant 4 : i32
    %shift_right_arithmetic3A_2096 = vector.broadcast %shift_right_arithmetic3A_2095 : i32 to vector<16xi32>
    %shift_right_arithmetic3A_2097 = arith.shrsi %select_n3A_2092, %shift_right_arithmetic3A_2096 : vector<16xi32>
    %shift_left3A_2098 = arith.constant 5 : i32
    %shift_left3A_2099 = vector.broadcast %shift_left3A_2098 : i32 to vector<16xi32>
    %shift_left3A_2100 = arith.shli %shift_right_arithmetic3A_2097, %shift_left3A_2099 : vector<16xi32>
    %add3A_2101 = vector.broadcast %mul3A_2094 : i32 to vector<16xi32>
    %add3A_2102 = arith.addi %add3A_2101, %shift_left3A_2100 : vector<16xi32>
    %shift_left3A_2103 = arith.constant 4 : i32
    %shift_left3A_2104 = vector.broadcast %shift_left3A_2103 : i32 to vector<16xi32>
    %shift_left3A_2105 = arith.shli %and3A_2077, %shift_left3A_2104 : vector<16xi32>
    %add3A_2106 = arith.addi %add3A_2102, %shift_left3A_2105 : vector<16xi32>
    %and3A_2107 = arith.constant 15 : i32
    %and3A_2108 = vector.broadcast %and3A_2107 : i32 to vector<16xi32>
    %and3A_2109 = arith.andi %select_n3A_2092, %and3A_2108 : vector<16xi32>
    %add3A_2110 = arith.addi %add3A_2106, %and3A_2109 : vector<16xi32>
    %swap3A_2111 = arith.constant 16 : index
    %swap3A_2112 = tpu.vector_load %arg11[%swap3A_2111] {strides = array<i32>} : memref<32xi32, #tpu.memory_space<vmem>>, vector<16xi32>,
    %swap3A_2113 = vector.shape_cast %swap3A_2112 : vector<16xi32> to vector<16xi32>
    %swap3A_2114 = vector.shape_cast %add3A_2110 : vector<16xi32> to vector<16xi32>
    tpu.vector_store %arg11[%swap3A_2111], %swap3A_2114 {strides = array<i32>} : memref<32xi32, #tpu.memory_space<vmem>>, vector<16xi32>,
    %dma_start3A_2115 = arith.constant 0 : i32
    %dma_start3A_2116 = arith.constant 0 : i32
    %dma_start3A_2117 = arith.constant 0 : i32
    %dma_start3A_2118 = tpu.memref_slice %arg2[%dma_start3A_2115, %dma_start3A_2116, %dma_start3A_2117] : memref<32768x8x128xf32, #tpu.memory_space<hbm>> -> memref<32768x8x128xf32, #tpu.memory_space<hbm>>
    tpu.enqueue_indirect_dma source(%dma_start3A_2118 : memref<32768x8x128xf32, #tpu.memory_space<hbm>>) target(%arg14 : memref<32x8x128xf32, #tpu.memory_space<vmem>>) offsets(%arg11 : memref<32xi32, #tpu.memory_space<vmem>>) semaphore(%arg17 : memref<!tpu.dma_semaphore, #tpu.memory_space<semaphore_mem>>)
    %dma_wait3A_2119 = arith.constant 0 : i32
    %dma_wait3A_2120 = arith.constant 0 : i32
    %dma_wait3A_2121 = arith.constant 0 : i32
    %dma_wait3A_2122 = tpu.memref_slice %arg2[%dma_wait3A_2119, %dma_wait3A_2120, %dma_wait3A_2121] : memref<32768x8x128xf32, #tpu.memory_space<hbm>> -> memref<32768x8x128xf32, #tpu.memory_space<hbm>>
    tpu.wait_indirect_dma semaphore(%arg18 : memref<!tpu.dma_semaphore, #tpu.memory_space<semaphore_mem>>) src(%dma_wait3A_2122 : memref<32768x8x128xf32, #tpu.memory_space<hbm>>) dst(%arg15 : memref<32x8x128xf32, #tpu.memory_space<vmem>>)
    %add3A_2123 = arith.constant 448 : i32
    %add3A_2124 = arith.addi %mul3A_18, %add3A_2123 : i32
    %dma_start3A_2125 = arith.constant 0 : i32
    %dma_start3A_2126 = arith.constant 0 : i32
    %dma_start3A_2127 = tpu.memref_slice %arg6[%add3A_2124, %dma_start3A_2125, %dma_start3A_2126] : memref<32768x8x128xf32, #tpu.memory_space<hbm>> -> memref<32x8x128xf32, #tpu.memory_space<hbm>>
    %dma_start3A_2128 = arith.constant 0 : i32
    %dma_start3A_2129 = arith.constant 0 : i32
    %dma_start3A_2130 = tpu.memref_slice %arg6[%add3A_2124, %dma_start3A_2128, %dma_start3A_2129] : memref<32768x8x128xf32, #tpu.memory_space<hbm>> -> memref<32x8x128xf32, #tpu.memory_space<hbm>>
    tpu.enqueue_dma source(%arg15 : memref<32x8x128xf32, #tpu.memory_space<vmem>>) target(%dma_start3A_2130 : memref<32x8x128xf32, #tpu.memory_space<hbm>>) target_semaphore(%arg21 : memref<!tpu.dma_semaphore, #tpu.memory_space<semaphore_mem>>)
    %dma_wait3A_2131 = arith.constant 0 : i32
    %dma_wait3A_2132 = arith.constant 0 : i32
    %dma_wait3A_2133 = tpu.memref_slice %arg6[%add3A_2124, %dma_wait3A_2131, %dma_wait3A_2132] : memref<32768x8x128xf32, #tpu.memory_space<hbm>> -> memref<32x8x128xf32, #tpu.memory_space<hbm>>
    %dma_wait3A_2134 = arith.constant 0 : i32
    %dma_wait3A_2135 = arith.constant 0 : i32
    %dma_wait3A_2136 = tpu.memref_slice %arg6[%add3A_2124, %dma_wait3A_2134, %dma_wait3A_2135] : memref<32768x8x128xf32, #tpu.memory_space<hbm>> -> memref<32x8x128xf32, #tpu.memory_space<hbm>>
    tpu.wait_dma2 semaphore(%arg21 : memref<!tpu.dma_semaphore, #tpu.memory_space<semaphore_mem>>) src(%arg15 : memref<32x8x128xf32, #tpu.memory_space<vmem>>) dst(%dma_wait3A_2136 : memref<32x8x128xf32, #tpu.memory_space<hbm>>)
    %add3A_2137 = arith.constant 544 : i32
    %add3A_2138 = arith.addi %mul3A_18, %add3A_2137 : i32
    %add3A_2139 = arith.constant 0 : i32
    %add3A_2140 = arith.addi %add3A_2138, %add3A_2139 : i32
    %add3A_2141 = vector.broadcast %add3A_2140 : i32 to vector<16xi32>
    %add3A_2142 = arith.addi %add3A_2141, %iota3A : vector<16xi32>
    %and3A_2143 = arith.constant 15 : i32
    %and3A_2144 = vector.broadcast %and3A_2143 : i32 to vector<16xi32>
    %and3A_2145 = arith.andi %add3A_2142, %and3A_2144 : vector<16xi32>
    %shift_right_arithmetic3A_2146 = arith.constant 4 : i32
    %shift_right_arithmetic3A_2147 = vector.broadcast %shift_right_arithmetic3A_2146 : i32 to vector<16xi32>
    %shift_right_arithmetic3A_2148 = arith.shrsi %add3A_2142, %shift_right_arithmetic3A_2147 : vector<16xi32>
    %and3A_2149 = arith.constant 1 : i32
    %and3A_2150 = vector.broadcast %and3A_2149 : i32 to vector<16xi32>
    %and3A_2151 = arith.andi %shift_right_arithmetic3A_2148, %and3A_2150 : vector<16xi32>
    %shift_right_arithmetic3A_2152 = arith.constant 5 : i32
    %shift_right_arithmetic3A_2153 = vector.broadcast %shift_right_arithmetic3A_2152 : i32 to vector<16xi32>
    %shift_right_arithmetic3A_2154 = arith.shrsi %add3A_2142, %shift_right_arithmetic3A_2153 : vector<16xi32>
    %and3A_2155 = arith.constant 127 : i32
    %and3A_2156 = vector.broadcast %and3A_2155 : i32 to vector<16xi32>
    %and3A_2157 = arith.andi %shift_right_arithmetic3A_2154, %and3A_2156 : vector<16xi32>
    %mul3A_2158 = arith.constant 16 : i32
    %mul3A_2159 = vector.broadcast %mul3A_2158 : i32 to vector<16xi32>
    %mul3A_2160 = arith.muli %and3A_2157, %mul3A_2159 : vector<16xi32>
    %add3A_2161 = arith.addi %mul3A_2160, %and3A_2145 : vector<16xi32>
    %ge3A_2162 = arith.cmpi sge, %add3A_2161, %gather3A_37 : vector<16xi32>
    %lt3A_2163 = arith.cmpi slt, %add3A_2161, %sub3A_31 : vector<16xi32>
    %and3A_2164 = arith.andi %ge3A_2162, %lt3A_2163 : vector<16xi1>
    %add3A_2165 = arith.addi %add3A_2161, %gather3A_24 : vector<16xi32>
    %select_n3A_2166 = arith.select %and3A_2164, %add3A_2165, %add3A_2161 : vector<16xi1>, vector<16xi32>
    %mul3A_2167 = arith.constant 4096 : i32
    %mul3A_2168 = arith.muli %select_n3A, %mul3A_2167 : i32
    %shift_right_arithmetic3A_2169 = arith.constant 4 : i32
    %shift_right_arithmetic3A_2170 = vector.broadcast %shift_right_arithmetic3A_2169 : i32 to vector<16xi32>
    %shift_right_arithmetic3A_2171 = arith.shrsi %select_n3A_2166, %shift_right_arithmetic3A_2170 : vector<16xi32>
    %shift_left3A_2172 = arith.constant 5 : i32
    %shift_left3A_2173 = vector.broadcast %shift_left3A_2172 : i32 to vector<16xi32>
    %shift_left3A_2174 = arith.shli %shift_right_arithmetic3A_2171, %shift_left3A_2173 : vector<16xi32>
    %add3A_2175 = vector.broadcast %mul3A_2168 : i32 to vector<16xi32>
    %add3A_2176 = arith.addi %add3A_2175, %shift_left3A_2174 : vector<16xi32>
    %shift_left3A_2177 = arith.constant 4 : i32
    %shift_left3A_2178 = vector.broadcast %shift_left3A_2177 : i32 to vector<16xi32>
    %shift_left3A_2179 = arith.shli %and3A_2151, %shift_left3A_2178 : vector<16xi32>
    %add3A_2180 = arith.addi %add3A_2176, %shift_left3A_2179 : vector<16xi32>
    %and3A_2181 = arith.constant 15 : i32
    %and3A_2182 = vector.broadcast %and3A_2181 : i32 to vector<16xi32>
    %and3A_2183 = arith.andi %select_n3A_2166, %and3A_2182 : vector<16xi32>
    %add3A_2184 = arith.addi %add3A_2180, %and3A_2183 : vector<16xi32>
    %swap3A_2185 = arith.constant 0 : index
    %swap3A_2186 = tpu.vector_load %arg12[%swap3A_2185] {strides = array<i32>} : memref<32xi32, #tpu.memory_space<vmem>>, vector<16xi32>,
    %swap3A_2187 = vector.shape_cast %swap3A_2186 : vector<16xi32> to vector<16xi32>
    %swap3A_2188 = vector.shape_cast %add3A_2184 : vector<16xi32> to vector<16xi32>
    tpu.vector_store %arg12[%swap3A_2185], %swap3A_2188 {strides = array<i32>} : memref<32xi32, #tpu.memory_space<vmem>>, vector<16xi32>,
    %add3A_2189 = arith.constant 544 : i32
    %add3A_2190 = arith.addi %mul3A_18, %add3A_2189 : i32
    %add3A_2191 = arith.constant 16 : i32
    %add3A_2192 = arith.addi %add3A_2190, %add3A_2191 : i32
    %add3A_2193 = vector.broadcast %add3A_2192 : i32 to vector<16xi32>
    %add3A_2194 = arith.addi %add3A_2193, %iota3A : vector<16xi32>
    %and3A_2195 = arith.constant 15 : i32
    %and3A_2196 = vector.broadcast %and3A_2195 : i32 to vector<16xi32>
    %and3A_2197 = arith.andi %add3A_2194, %and3A_2196 : vector<16xi32>
    %shift_right_arithmetic3A_2198 = arith.constant 4 : i32
    %shift_right_arithmetic3A_2199 = vector.broadcast %shift_right_arithmetic3A_2198 : i32 to vector<16xi32>
    %shift_right_arithmetic3A_2200 = arith.shrsi %add3A_2194, %shift_right_arithmetic3A_2199 : vector<16xi32>
    %and3A_2201 = arith.constant 1 : i32
    %and3A_2202 = vector.broadcast %and3A_2201 : i32 to vector<16xi32>
    %and3A_2203 = arith.andi %shift_right_arithmetic3A_2200, %and3A_2202 : vector<16xi32>
    %shift_right_arithmetic3A_2204 = arith.constant 5 : i32
    %shift_right_arithmetic3A_2205 = vector.broadcast %shift_right_arithmetic3A_2204 : i32 to vector<16xi32>
    %shift_right_arithmetic3A_2206 = arith.shrsi %add3A_2194, %shift_right_arithmetic3A_2205 : vector<16xi32>
    %and3A_2207 = arith.constant 127 : i32
    %and3A_2208 = vector.broadcast %and3A_2207 : i32 to vector<16xi32>
    %and3A_2209 = arith.andi %shift_right_arithmetic3A_2206, %and3A_2208 : vector<16xi32>
    %mul3A_2210 = arith.constant 16 : i32
    %mul3A_2211 = vector.broadcast %mul3A_2210 : i32 to vector<16xi32>
    %mul3A_2212 = arith.muli %and3A_2209, %mul3A_2211 : vector<16xi32>
    %add3A_2213 = arith.addi %mul3A_2212, %and3A_2197 : vector<16xi32>
    %ge3A_2214 = arith.cmpi sge, %add3A_2213, %gather3A_37 : vector<16xi32>
    %lt3A_2215 = arith.cmpi slt, %add3A_2213, %sub3A_31 : vector<16xi32>
    %and3A_2216 = arith.andi %ge3A_2214, %lt3A_2215 : vector<16xi1>
    %add3A_2217 = arith.addi %add3A_2213, %gather3A_24 : vector<16xi32>
    %select_n3A_2218 = arith.select %and3A_2216, %add3A_2217, %add3A_2213 : vector<16xi1>, vector<16xi32>
    %mul3A_2219 = arith.constant 4096 : i32
    %mul3A_2220 = arith.muli %select_n3A, %mul3A_2219 : i32
    %shift_right_arithmetic3A_2221 = arith.constant 4 : i32
    %shift_right_arithmetic3A_2222 = vector.broadcast %shift_right_arithmetic3A_2221 : i32 to vector<16xi32>
    %shift_right_arithmetic3A_2223 = arith.shrsi %select_n3A_2218, %shift_right_arithmetic3A_2222 : vector<16xi32>
    %shift_left3A_2224 = arith.constant 5 : i32
    %shift_left3A_2225 = vector.broadcast %shift_left3A_2224 : i32 to vector<16xi32>
    %shift_left3A_2226 = arith.shli %shift_right_arithmetic3A_2223, %shift_left3A_2225 : vector<16xi32>
    %add3A_2227 = vector.broadcast %mul3A_2220 : i32 to vector<16xi32>
    %add3A_2228 = arith.addi %add3A_2227, %shift_left3A_2226 : vector<16xi32>
    %shift_left3A_2229 = arith.constant 4 : i32
    %shift_left3A_2230 = vector.broadcast %shift_left3A_2229 : i32 to vector<16xi32>
    %shift_left3A_2231 = arith.shli %and3A_2203, %shift_left3A_2230 : vector<16xi32>
    %add3A_2232 = arith.addi %add3A_2228, %shift_left3A_2231 : vector<16xi32>
    %and3A_2233 = arith.constant 15 : i32
    %and3A_2234 = vector.broadcast %and3A_2233 : i32 to vector<16xi32>
    %and3A_2235 = arith.andi %select_n3A_2218, %and3A_2234 : vector<16xi32>
    %add3A_2236 = arith.addi %add3A_2232, %and3A_2235 : vector<16xi32>
    %swap3A_2237 = arith.constant 16 : index
    %swap3A_2238 = tpu.vector_load %arg12[%swap3A_2237] {strides = array<i32>} : memref<32xi32, #tpu.memory_space<vmem>>, vector<16xi32>,
    %swap3A_2239 = vector.shape_cast %swap3A_2238 : vector<16xi32> to vector<16xi32>
    %swap3A_2240 = vector.shape_cast %add3A_2236 : vector<16xi32> to vector<16xi32>
    tpu.vector_store %arg12[%swap3A_2237], %swap3A_2240 {strides = array<i32>} : memref<32xi32, #tpu.memory_space<vmem>>, vector<16xi32>,
    %dma_start3A_2241 = arith.constant 0 : i32
    %dma_start3A_2242 = arith.constant 0 : i32
    %dma_start3A_2243 = arith.constant 0 : i32
    %dma_start3A_2244 = tpu.memref_slice %arg2[%dma_start3A_2241, %dma_start3A_2242, %dma_start3A_2243] : memref<32768x8x128xf32, #tpu.memory_space<hbm>> -> memref<32768x8x128xf32, #tpu.memory_space<hbm>>
    tpu.enqueue_indirect_dma source(%dma_start3A_2244 : memref<32768x8x128xf32, #tpu.memory_space<hbm>>) target(%arg15 : memref<32x8x128xf32, #tpu.memory_space<vmem>>) offsets(%arg12 : memref<32xi32, #tpu.memory_space<vmem>>) semaphore(%arg18 : memref<!tpu.dma_semaphore, #tpu.memory_space<semaphore_mem>>)
    %dma_wait3A_2245 = arith.constant 0 : i32
    %dma_wait3A_2246 = arith.constant 0 : i32
    %dma_wait3A_2247 = arith.constant 0 : i32
    %dma_wait3A_2248 = tpu.memref_slice %arg2[%dma_wait3A_2245, %dma_wait3A_2246, %dma_wait3A_2247] : memref<32768x8x128xf32, #tpu.memory_space<hbm>> -> memref<32768x8x128xf32, #tpu.memory_space<hbm>>
    tpu.wait_indirect_dma semaphore(%arg16 : memref<!tpu.dma_semaphore, #tpu.memory_space<semaphore_mem>>) src(%dma_wait3A_2248 : memref<32768x8x128xf32, #tpu.memory_space<hbm>>) dst(%arg13 : memref<32x8x128xf32, #tpu.memory_space<vmem>>)
    %add3A_2249 = arith.constant 480 : i32
    %add3A_2250 = arith.addi %mul3A_18, %add3A_2249 : i32
    %dma_start3A_2251 = arith.constant 0 : i32
    %dma_start3A_2252 = arith.constant 0 : i32
    %dma_start3A_2253 = tpu.memref_slice %arg6[%add3A_2250, %dma_start3A_2251, %dma_start3A_2252] : memref<32768x8x128xf32, #tpu.memory_space<hbm>> -> memref<32x8x128xf32, #tpu.memory_space<hbm>>
    %dma_start3A_2254 = arith.constant 0 : i32
    %dma_start3A_2255 = arith.constant 0 : i32
    %dma_start3A_2256 = tpu.memref_slice %arg6[%add3A_2250, %dma_start3A_2254, %dma_start3A_2255] : memref<32768x8x128xf32, #tpu.memory_space<hbm>> -> memref<32x8x128xf32, #tpu.memory_space<hbm>>
    tpu.enqueue_dma source(%arg13 : memref<32x8x128xf32, #tpu.memory_space<vmem>>) target(%dma_start3A_2256 : memref<32x8x128xf32, #tpu.memory_space<hbm>>) target_semaphore(%arg19 : memref<!tpu.dma_semaphore, #tpu.memory_space<semaphore_mem>>)
    %dma_wait3A_2257 = arith.constant 0 : i32
    %dma_wait3A_2258 = arith.constant 0 : i32
    %dma_wait3A_2259 = tpu.memref_slice %arg6[%add3A_2250, %dma_wait3A_2257, %dma_wait3A_2258] : memref<32768x8x128xf32, #tpu.memory_space<hbm>> -> memref<32x8x128xf32, #tpu.memory_space<hbm>>
    %dma_wait3A_2260 = arith.constant 0 : i32
    %dma_wait3A_2261 = arith.constant 0 : i32
    %dma_wait3A_2262 = tpu.memref_slice %arg6[%add3A_2250, %dma_wait3A_2260, %dma_wait3A_2261] : memref<32768x8x128xf32, #tpu.memory_space<hbm>> -> memref<32x8x128xf32, #tpu.memory_space<hbm>>
    tpu.wait_dma2 semaphore(%arg19 : memref<!tpu.dma_semaphore, #tpu.memory_space<semaphore_mem>>) src(%arg13 : memref<32x8x128xf32, #tpu.memory_space<vmem>>) dst(%dma_wait3A_2262 : memref<32x8x128xf32, #tpu.memory_space<hbm>>)
    %add3A_2263 = arith.constant 576 : i32
    %add3A_2264 = arith.addi %mul3A_18, %add3A_2263 : i32
    %add3A_2265 = arith.constant 0 : i32
    %add3A_2266 = arith.addi %add3A_2264, %add3A_2265 : i32
    %add3A_2267 = vector.broadcast %add3A_2266 : i32 to vector<16xi32>
    %add3A_2268 = arith.addi %add3A_2267, %iota3A : vector<16xi32>
    %and3A_2269 = arith.constant 15 : i32
    %and3A_2270 = vector.broadcast %and3A_2269 : i32 to vector<16xi32>
    %and3A_2271 = arith.andi %add3A_2268, %and3A_2270 : vector<16xi32>
    %shift_right_arithmetic3A_2272 = arith.constant 4 : i32
    %shift_right_arithmetic3A_2273 = vector.broadcast %shift_right_arithmetic3A_2272 : i32 to vector<16xi32>
    %shift_right_arithmetic3A_2274 = arith.shrsi %add3A_2268, %shift_right_arithmetic3A_2273 : vector<16xi32>
    %and3A_2275 = arith.constant 1 : i32
    %and3A_2276 = vector.broadcast %and3A_2275 : i32 to vector<16xi32>
    %and3A_2277 = arith.andi %shift_right_arithmetic3A_2274, %and3A_2276 : vector<16xi32>
    %shift_right_arithmetic3A_2278 = arith.constant 5 : i32
    %shift_right_arithmetic3A_2279 = vector.broadcast %shift_right_arithmetic3A_2278 : i32 to vector<16xi32>
    %shift_right_arithmetic3A_2280 = arith.shrsi %add3A_2268, %shift_right_arithmetic3A_2279 : vector<16xi32>
    %and3A_2281 = arith.constant 127 : i32
    %and3A_2282 = vector.broadcast %and3A_2281 : i32 to vector<16xi32>
    %and3A_2283 = arith.andi %shift_right_arithmetic3A_2280, %and3A_2282 : vector<16xi32>
    %mul3A_2284 = arith.constant 16 : i32
    %mul3A_2285 = vector.broadcast %mul3A_2284 : i32 to vector<16xi32>
    %mul3A_2286 = arith.muli %and3A_2283, %mul3A_2285 : vector<16xi32>
    %add3A_2287 = arith.addi %mul3A_2286, %and3A_2271 : vector<16xi32>
    %ge3A_2288 = arith.cmpi sge, %add3A_2287, %gather3A_37 : vector<16xi32>
    %lt3A_2289 = arith.cmpi slt, %add3A_2287, %sub3A_31 : vector<16xi32>
    %and3A_2290 = arith.andi %ge3A_2288, %lt3A_2289 : vector<16xi1>
    %add3A_2291 = arith.addi %add3A_2287, %gather3A_24 : vector<16xi32>
    %select_n3A_2292 = arith.select %and3A_2290, %add3A_2291, %add3A_2287 : vector<16xi1>, vector<16xi32>
    %mul3A_2293 = arith.constant 4096 : i32
    %mul3A_2294 = arith.muli %select_n3A, %mul3A_2293 : i32
    %shift_right_arithmetic3A_2295 = arith.constant 4 : i32
    %shift_right_arithmetic3A_2296 = vector.broadcast %shift_right_arithmetic3A_2295 : i32 to vector<16xi32>
    %shift_right_arithmetic3A_2297 = arith.shrsi %select_n3A_2292, %shift_right_arithmetic3A_2296 : vector<16xi32>
    %shift_left3A_2298 = arith.constant 5 : i32
    %shift_left3A_2299 = vector.broadcast %shift_left3A_2298 : i32 to vector<16xi32>
    %shift_left3A_2300 = arith.shli %shift_right_arithmetic3A_2297, %shift_left3A_2299 : vector<16xi32>
    %add3A_2301 = vector.broadcast %mul3A_2294 : i32 to vector<16xi32>
    %add3A_2302 = arith.addi %add3A_2301, %shift_left3A_2300 : vector<16xi32>
    %shift_left3A_2303 = arith.constant 4 : i32
    %shift_left3A_2304 = vector.broadcast %shift_left3A_2303 : i32 to vector<16xi32>
    %shift_left3A_2305 = arith.shli %and3A_2277, %shift_left3A_2304 : vector<16xi32>
    %add3A_2306 = arith.addi %add3A_2302, %shift_left3A_2305 : vector<16xi32>
    %and3A_2307 = arith.constant 15 : i32
    %and3A_2308 = vector.broadcast %and3A_2307 : i32 to vector<16xi32>
    %and3A_2309 = arith.andi %select_n3A_2292, %and3A_2308 : vector<16xi32>
    %add3A_2310 = arith.addi %add3A_2306, %and3A_2309 : vector<16xi32>
    %swap3A_2311 = arith.constant 0 : index
    %swap3A_2312 = tpu.vector_load %arg10[%swap3A_2311] {strides = array<i32>} : memref<32xi32, #tpu.memory_space<vmem>>, vector<16xi32>,
    %swap3A_2313 = vector.shape_cast %swap3A_2312 : vector<16xi32> to vector<16xi32>
    %swap3A_2314 = vector.shape_cast %add3A_2310 : vector<16xi32> to vector<16xi32>
    tpu.vector_store %arg10[%swap3A_2311], %swap3A_2314 {strides = array<i32>} : memref<32xi32, #tpu.memory_space<vmem>>, vector<16xi32>,
    %add3A_2315 = arith.constant 576 : i32
    %add3A_2316 = arith.addi %mul3A_18, %add3A_2315 : i32
    %add3A_2317 = arith.constant 16 : i32
    %add3A_2318 = arith.addi %add3A_2316, %add3A_2317 : i32
    %add3A_2319 = vector.broadcast %add3A_2318 : i32 to vector<16xi32>
    %add3A_2320 = arith.addi %add3A_2319, %iota3A : vector<16xi32>
    %and3A_2321 = arith.constant 15 : i32
    %and3A_2322 = vector.broadcast %and3A_2321 : i32 to vector<16xi32>
    %and3A_2323 = arith.andi %add3A_2320, %and3A_2322 : vector<16xi32>
    %shift_right_arithmetic3A_2324 = arith.constant 4 : i32
    %shift_right_arithmetic3A_2325 = vector.broadcast %shift_right_arithmetic3A_2324 : i32 to vector<16xi32>
    %shift_right_arithmetic3A_2326 = arith.shrsi %add3A_2320, %shift_right_arithmetic3A_2325 : vector<16xi32>
    %and3A_2327 = arith.constant 1 : i32
    %and3A_2328 = vector.broadcast %and3A_2327 : i32 to vector<16xi32>
    %and3A_2329 = arith.andi %shift_right_arithmetic3A_2326, %and3A_2328 : vector<16xi32>
    %shift_right_arithmetic3A_2330 = arith.constant 5 : i32
    %shift_right_arithmetic3A_2331 = vector.broadcast %shift_right_arithmetic3A_2330 : i32 to vector<16xi32>
    %shift_right_arithmetic3A_2332 = arith.shrsi %add3A_2320, %shift_right_arithmetic3A_2331 : vector<16xi32>
    %and3A_2333 = arith.constant 127 : i32
    %and3A_2334 = vector.broadcast %and3A_2333 : i32 to vector<16xi32>
    %and3A_2335 = arith.andi %shift_right_arithmetic3A_2332, %and3A_2334 : vector<16xi32>
    %mul3A_2336 = arith.constant 16 : i32
    %mul3A_2337 = vector.broadcast %mul3A_2336 : i32 to vector<16xi32>
    %mul3A_2338 = arith.muli %and3A_2335, %mul3A_2337 : vector<16xi32>
    %add3A_2339 = arith.addi %mul3A_2338, %and3A_2323 : vector<16xi32>
    %ge3A_2340 = arith.cmpi sge, %add3A_2339, %gather3A_37 : vector<16xi32>
    %lt3A_2341 = arith.cmpi slt, %add3A_2339, %sub3A_31 : vector<16xi32>
    %and3A_2342 = arith.andi %ge3A_2340, %lt3A_2341 : vector<16xi1>
    %add3A_2343 = arith.addi %add3A_2339, %gather3A_24 : vector<16xi32>
    %select_n3A_2344 = arith.select %and3A_2342, %add3A_2343, %add3A_2339 : vector<16xi1>, vector<16xi32>
    %mul3A_2345 = arith.constant 4096 : i32
    %mul3A_2346 = arith.muli %select_n3A, %mul3A_2345 : i32
    %shift_right_arithmetic3A_2347 = arith.constant 4 : i32
    %shift_right_arithmetic3A_2348 = vector.broadcast %shift_right_arithmetic3A_2347 : i32 to vector<16xi32>
    %shift_right_arithmetic3A_2349 = arith.shrsi %select_n3A_2344, %shift_right_arithmetic3A_2348 : vector<16xi32>
    %shift_left3A_2350 = arith.constant 5 : i32
    %shift_left3A_2351 = vector.broadcast %shift_left3A_2350 : i32 to vector<16xi32>
    %shift_left3A_2352 = arith.shli %shift_right_arithmetic3A_2349, %shift_left3A_2351 : vector<16xi32>
    %add3A_2353 = vector.broadcast %mul3A_2346 : i32 to vector<16xi32>
    %add3A_2354 = arith.addi %add3A_2353, %shift_left3A_2352 : vector<16xi32>
    %shift_left3A_2355 = arith.constant 4 : i32
    %shift_left3A_2356 = vector.broadcast %shift_left3A_2355 : i32 to vector<16xi32>
    %shift_left3A_2357 = arith.shli %and3A_2329, %shift_left3A_2356 : vector<16xi32>
    %add3A_2358 = arith.addi %add3A_2354, %shift_left3A_2357 : vector<16xi32>
    %and3A_2359 = arith.constant 15 : i32
    %and3A_2360 = vector.broadcast %and3A_2359 : i32 to vector<16xi32>
    %and3A_2361 = arith.andi %select_n3A_2344, %and3A_2360 : vector<16xi32>
    %add3A_2362 = arith.addi %add3A_2358, %and3A_2361 : vector<16xi32>
    %swap3A_2363 = arith.constant 16 : index
    %swap3A_2364 = tpu.vector_load %arg10[%swap3A_2363] {strides = array<i32>} : memref<32xi32, #tpu.memory_space<vmem>>, vector<16xi32>,
    %swap3A_2365 = vector.shape_cast %swap3A_2364 : vector<16xi32> to vector<16xi32>
    %swap3A_2366 = vector.shape_cast %add3A_2362 : vector<16xi32> to vector<16xi32>
    tpu.vector_store %arg10[%swap3A_2363], %swap3A_2366 {strides = array<i32>} : memref<32xi32, #tpu.memory_space<vmem>>, vector<16xi32>,
    %dma_start3A_2367 = arith.constant 0 : i32
    %dma_start3A_2368 = arith.constant 0 : i32
    %dma_start3A_2369 = arith.constant 0 : i32
    %dma_start3A_2370 = tpu.memref_slice %arg2[%dma_start3A_2367, %dma_start3A_2368, %dma_start3A_2369] : memref<32768x8x128xf32, #tpu.memory_space<hbm>> -> memref<32768x8x128xf32, #tpu.memory_space<hbm>>
    tpu.enqueue_indirect_dma source(%dma_start3A_2370 : memref<32768x8x128xf32, #tpu.memory_space<hbm>>) target(%arg13 : memref<32x8x128xf32, #tpu.memory_space<vmem>>) offsets(%arg10 : memref<32xi32, #tpu.memory_space<vmem>>) semaphore(%arg16 : memref<!tpu.dma_semaphore, #tpu.memory_space<semaphore_mem>>)
    %dma_wait3A_2371 = arith.constant 0 : i32
    %dma_wait3A_2372 = arith.constant 0 : i32
    %dma_wait3A_2373 = arith.constant 0 : i32
    %dma_wait3A_2374 = tpu.memref_slice %arg2[%dma_wait3A_2371, %dma_wait3A_2372, %dma_wait3A_2373] : memref<32768x8x128xf32, #tpu.memory_space<hbm>> -> memref<32768x8x128xf32, #tpu.memory_space<hbm>>
    tpu.wait_indirect_dma semaphore(%arg17 : memref<!tpu.dma_semaphore, #tpu.memory_space<semaphore_mem>>) src(%dma_wait3A_2374 : memref<32768x8x128xf32, #tpu.memory_space<hbm>>) dst(%arg14 : memref<32x8x128xf32, #tpu.memory_space<vmem>>)
    %add3A_2375 = arith.constant 512 : i32
    %add3A_2376 = arith.addi %mul3A_18, %add3A_2375 : i32
    %dma_start3A_2377 = arith.constant 0 : i32
    %dma_start3A_2378 = arith.constant 0 : i32
    %dma_start3A_2379 = tpu.memref_slice %arg6[%add3A_2376, %dma_start3A_2377, %dma_start3A_2378] : memref<32768x8x128xf32, #tpu.memory_space<hbm>> -> memref<32x8x128xf32, #tpu.memory_space<hbm>>
    %dma_start3A_2380 = arith.constant 0 : i32
    %dma_start3A_2381 = arith.constant 0 : i32
    %dma_start3A_2382 = tpu.memref_slice %arg6[%add3A_2376, %dma_start3A_2380, %dma_start3A_2381] : memref<32768x8x128xf32, #tpu.memory_space<hbm>> -> memref<32x8x128xf32, #tpu.memory_space<hbm>>
    tpu.enqueue_dma source(%arg14 : memref<32x8x128xf32, #tpu.memory_space<vmem>>) target(%dma_start3A_2382 : memref<32x8x128xf32, #tpu.memory_space<hbm>>) target_semaphore(%arg20 : memref<!tpu.dma_semaphore, #tpu.memory_space<semaphore_mem>>)
    %dma_wait3A_2383 = arith.constant 0 : i32
    %dma_wait3A_2384 = arith.constant 0 : i32
    %dma_wait3A_2385 = tpu.memref_slice %arg6[%add3A_2376, %dma_wait3A_2383, %dma_wait3A_2384] : memref<32768x8x128xf32, #tpu.memory_space<hbm>> -> memref<32x8x128xf32, #tpu.memory_space<hbm>>
    %dma_wait3A_2386 = arith.constant 0 : i32
    %dma_wait3A_2387 = arith.constant 0 : i32
    %dma_wait3A_2388 = tpu.memref_slice %arg6[%add3A_2376, %dma_wait3A_2386, %dma_wait3A_2387] : memref<32768x8x128xf32, #tpu.memory_space<hbm>> -> memref<32x8x128xf32, #tpu.memory_space<hbm>>
    tpu.wait_dma2 semaphore(%arg20 : memref<!tpu.dma_semaphore, #tpu.memory_space<semaphore_mem>>) src(%arg14 : memref<32x8x128xf32, #tpu.memory_space<vmem>>) dst(%dma_wait3A_2388 : memref<32x8x128xf32, #tpu.memory_space<hbm>>)
    %add3A_2389 = arith.constant 608 : i32
    %add3A_2390 = arith.addi %mul3A_18, %add3A_2389 : i32
    %add3A_2391 = arith.constant 0 : i32
    %add3A_2392 = arith.addi %add3A_2390, %add3A_2391 : i32
    %add3A_2393 = vector.broadcast %add3A_2392 : i32 to vector<16xi32>
    %add3A_2394 = arith.addi %add3A_2393, %iota3A : vector<16xi32>
    %and3A_2395 = arith.constant 15 : i32
    %and3A_2396 = vector.broadcast %and3A_2395 : i32 to vector<16xi32>
    %and3A_2397 = arith.andi %add3A_2394, %and3A_2396 : vector<16xi32>
    %shift_right_arithmetic3A_2398 = arith.constant 4 : i32
    %shift_right_arithmetic3A_2399 = vector.broadcast %shift_right_arithmetic3A_2398 : i32 to vector<16xi32>
    %shift_right_arithmetic3A_2400 = arith.shrsi %add3A_2394, %shift_right_arithmetic3A_2399 : vector<16xi32>
    %and3A_2401 = arith.constant 1 : i32
    %and3A_2402 = vector.broadcast %and3A_2401 : i32 to vector<16xi32>
    %and3A_2403 = arith.andi %shift_right_arithmetic3A_2400, %and3A_2402 : vector<16xi32>
    %shift_right_arithmetic3A_2404 = arith.constant 5 : i32
    %shift_right_arithmetic3A_2405 = vector.broadcast %shift_right_arithmetic3A_2404 : i32 to vector<16xi32>
    %shift_right_arithmetic3A_2406 = arith.shrsi %add3A_2394, %shift_right_arithmetic3A_2405 : vector<16xi32>
    %and3A_2407 = arith.constant 127 : i32
    %and3A_2408 = vector.broadcast %and3A_2407 : i32 to vector<16xi32>
    %and3A_2409 = arith.andi %shift_right_arithmetic3A_2406, %and3A_2408 : vector<16xi32>
    %mul3A_2410 = arith.constant 16 : i32
    %mul3A_2411 = vector.broadcast %mul3A_2410 : i32 to vector<16xi32>
    %mul3A_2412 = arith.muli %and3A_2409, %mul3A_2411 : vector<16xi32>
    %add3A_2413 = arith.addi %mul3A_2412, %and3A_2397 : vector<16xi32>
    %ge3A_2414 = arith.cmpi sge, %add3A_2413, %gather3A_37 : vector<16xi32>
    %lt3A_2415 = arith.cmpi slt, %add3A_2413, %sub3A_31 : vector<16xi32>
    %and3A_2416 = arith.andi %ge3A_2414, %lt3A_2415 : vector<16xi1>
    %add3A_2417 = arith.addi %add3A_2413, %gather3A_24 : vector<16xi32>
    %select_n3A_2418 = arith.select %and3A_2416, %add3A_2417, %add3A_2413 : vector<16xi1>, vector<16xi32>
    %mul3A_2419 = arith.constant 4096 : i32
    %mul3A_2420 = arith.muli %select_n3A, %mul3A_2419 : i32
    %shift_right_arithmetic3A_2421 = arith.constant 4 : i32
    %shift_right_arithmetic3A_2422 = vector.broadcast %shift_right_arithmetic3A_2421 : i32 to vector<16xi32>
    %shift_right_arithmetic3A_2423 = arith.shrsi %select_n3A_2418, %shift_right_arithmetic3A_2422 : vector<16xi32>
    %shift_left3A_2424 = arith.constant 5 : i32
    %shift_left3A_2425 = vector.broadcast %shift_left3A_2424 : i32 to vector<16xi32>
    %shift_left3A_2426 = arith.shli %shift_right_arithmetic3A_2423, %shift_left3A_2425 : vector<16xi32>
    %add3A_2427 = vector.broadcast %mul3A_2420 : i32 to vector<16xi32>
    %add3A_2428 = arith.addi %add3A_2427, %shift_left3A_2426 : vector<16xi32>
    %shift_left3A_2429 = arith.constant 4 : i32
    %shift_left3A_2430 = vector.broadcast %shift_left3A_2429 : i32 to vector<16xi32>
    %shift_left3A_2431 = arith.shli %and3A_2403, %shift_left3A_2430 : vector<16xi32>
    %add3A_2432 = arith.addi %add3A_2428, %shift_left3A_2431 : vector<16xi32>
    %and3A_2433 = arith.constant 15 : i32
    %and3A_2434 = vector.broadcast %and3A_2433 : i32 to vector<16xi32>
    %and3A_2435 = arith.andi %select_n3A_2418, %and3A_2434 : vector<16xi32>
    %add3A_2436 = arith.addi %add3A_2432, %and3A_2435 : vector<16xi32>
    %swap3A_2437 = arith.constant 0 : index
    %swap3A_2438 = tpu.vector_load %arg11[%swap3A_2437] {strides = array<i32>} : memref<32xi32, #tpu.memory_space<vmem>>, vector<16xi32>,
    %swap3A_2439 = vector.shape_cast %swap3A_2438 : vector<16xi32> to vector<16xi32>
    %swap3A_2440 = vector.shape_cast %add3A_2436 : vector<16xi32> to vector<16xi32>
    tpu.vector_store %arg11[%swap3A_2437], %swap3A_2440 {strides = array<i32>} : memref<32xi32, #tpu.memory_space<vmem>>, vector<16xi32>,
    %add3A_2441 = arith.constant 608 : i32
    %add3A_2442 = arith.addi %mul3A_18, %add3A_2441 : i32
    %add3A_2443 = arith.constant 16 : i32
    %add3A_2444 = arith.addi %add3A_2442, %add3A_2443 : i32
    %add3A_2445 = vector.broadcast %add3A_2444 : i32 to vector<16xi32>
    %add3A_2446 = arith.addi %add3A_2445, %iota3A : vector<16xi32>
    %and3A_2447 = arith.constant 15 : i32
    %and3A_2448 = vector.broadcast %and3A_2447 : i32 to vector<16xi32>
    %and3A_2449 = arith.andi %add3A_2446, %and3A_2448 : vector<16xi32>
    %shift_right_arithmetic3A_2450 = arith.constant 4 : i32
    %shift_right_arithmetic3A_2451 = vector.broadcast %shift_right_arithmetic3A_2450 : i32 to vector<16xi32>
    %shift_right_arithmetic3A_2452 = arith.shrsi %add3A_2446, %shift_right_arithmetic3A_2451 : vector<16xi32>
    %and3A_2453 = arith.constant 1 : i32
    %and3A_2454 = vector.broadcast %and3A_2453 : i32 to vector<16xi32>
    %and3A_2455 = arith.andi %shift_right_arithmetic3A_2452, %and3A_2454 : vector<16xi32>
    %shift_right_arithmetic3A_2456 = arith.constant 5 : i32
    %shift_right_arithmetic3A_2457 = vector.broadcast %shift_right_arithmetic3A_2456 : i32 to vector<16xi32>
    %shift_right_arithmetic3A_2458 = arith.shrsi %add3A_2446, %shift_right_arithmetic3A_2457 : vector<16xi32>
    %and3A_2459 = arith.constant 127 : i32
    %and3A_2460 = vector.broadcast %and3A_2459 : i32 to vector<16xi32>
    %and3A_2461 = arith.andi %shift_right_arithmetic3A_2458, %and3A_2460 : vector<16xi32>
    %mul3A_2462 = arith.constant 16 : i32
    %mul3A_2463 = vector.broadcast %mul3A_2462 : i32 to vector<16xi32>
    %mul3A_2464 = arith.muli %and3A_2461, %mul3A_2463 : vector<16xi32>
    %add3A_2465 = arith.addi %mul3A_2464, %and3A_2449 : vector<16xi32>
    %ge3A_2466 = arith.cmpi sge, %add3A_2465, %gather3A_37 : vector<16xi32>
    %lt3A_2467 = arith.cmpi slt, %add3A_2465, %sub3A_31 : vector<16xi32>
    %and3A_2468 = arith.andi %ge3A_2466, %lt3A_2467 : vector<16xi1>
    %add3A_2469 = arith.addi %add3A_2465, %gather3A_24 : vector<16xi32>
    %select_n3A_2470 = arith.select %and3A_2468, %add3A_2469, %add3A_2465 : vector<16xi1>, vector<16xi32>
    %mul3A_2471 = arith.constant 4096 : i32
    %mul3A_2472 = arith.muli %select_n3A, %mul3A_2471 : i32
    %shift_right_arithmetic3A_2473 = arith.constant 4 : i32
    %shift_right_arithmetic3A_2474 = vector.broadcast %shift_right_arithmetic3A_2473 : i32 to vector<16xi32>
    %shift_right_arithmetic3A_2475 = arith.shrsi %select_n3A_2470, %shift_right_arithmetic3A_2474 : vector<16xi32>
    %shift_left3A_2476 = arith.constant 5 : i32
    %shift_left3A_2477 = vector.broadcast %shift_left3A_2476 : i32 to vector<16xi32>
    %shift_left3A_2478 = arith.shli %shift_right_arithmetic3A_2475, %shift_left3A_2477 : vector<16xi32>
    %add3A_2479 = vector.broadcast %mul3A_2472 : i32 to vector<16xi32>
    %add3A_2480 = arith.addi %add3A_2479, %shift_left3A_2478 : vector<16xi32>
    %shift_left3A_2481 = arith.constant 4 : i32
    %shift_left3A_2482 = vector.broadcast %shift_left3A_2481 : i32 to vector<16xi32>
    %shift_left3A_2483 = arith.shli %and3A_2455, %shift_left3A_2482 : vector<16xi32>
    %add3A_2484 = arith.addi %add3A_2480, %shift_left3A_2483 : vector<16xi32>
    %and3A_2485 = arith.constant 15 : i32
    %and3A_2486 = vector.broadcast %and3A_2485 : i32 to vector<16xi32>
    %and3A_2487 = arith.andi %select_n3A_2470, %and3A_2486 : vector<16xi32>
    %add3A_2488 = arith.addi %add3A_2484, %and3A_2487 : vector<16xi32>
    %swap3A_2489 = arith.constant 16 : index
    %swap3A_2490 = tpu.vector_load %arg11[%swap3A_2489] {strides = array<i32>} : memref<32xi32, #tpu.memory_space<vmem>>, vector<16xi32>,
    %swap3A_2491 = vector.shape_cast %swap3A_2490 : vector<16xi32> to vector<16xi32>
    %swap3A_2492 = vector.shape_cast %add3A_2488 : vector<16xi32> to vector<16xi32>
    tpu.vector_store %arg11[%swap3A_2489], %swap3A_2492 {strides = array<i32>} : memref<32xi32, #tpu.memory_space<vmem>>, vector<16xi32>,
    %dma_start3A_2493 = arith.constant 0 : i32
    %dma_start3A_2494 = arith.constant 0 : i32
    %dma_start3A_2495 = arith.constant 0 : i32
    %dma_start3A_2496 = tpu.memref_slice %arg2[%dma_start3A_2493, %dma_start3A_2494, %dma_start3A_2495] : memref<32768x8x128xf32, #tpu.memory_space<hbm>> -> memref<32768x8x128xf32, #tpu.memory_space<hbm>>
    tpu.enqueue_indirect_dma source(%dma_start3A_2496 : memref<32768x8x128xf32, #tpu.memory_space<hbm>>) target(%arg14 : memref<32x8x128xf32, #tpu.memory_space<vmem>>) offsets(%arg11 : memref<32xi32, #tpu.memory_space<vmem>>) semaphore(%arg17 : memref<!tpu.dma_semaphore, #tpu.memory_space<semaphore_mem>>)
    %dma_wait3A_2497 = arith.constant 0 : i32
    %dma_wait3A_2498 = arith.constant 0 : i32
    %dma_wait3A_2499 = arith.constant 0 : i32
    %dma_wait3A_2500 = tpu.memref_slice %arg2[%dma_wait3A_2497, %dma_wait3A_2498, %dma_wait3A_2499] : memref<32768x8x128xf32, #tpu.memory_space<hbm>> -> memref<32768x8x128xf32, #tpu.memory_space<hbm>>
    tpu.wait_indirect_dma semaphore(%arg18 : memref<!tpu.dma_semaphore, #tpu.memory_space<semaphore_mem>>) src(%dma_wait3A_2500 : memref<32768x8x128xf32, #tpu.memory_space<hbm>>) dst(%arg15 : memref<32x8x128xf32, #tpu.memory_space<vmem>>)
    %add3A_2501 = arith.constant 544 : i32
    %add3A_2502 = arith.addi %mul3A_18, %add3A_2501 : i32
    %dma_start3A_2503 = arith.constant 0 : i32
    %dma_start3A_2504 = arith.constant 0 : i32
    %dma_start3A_2505 = tpu.memref_slice %arg6[%add3A_2502, %dma_start3A_2503, %dma_start3A_2504] : memref<32768x8x128xf32, #tpu.memory_space<hbm>> -> memref<32x8x128xf32, #tpu.memory_space<hbm>>
    %dma_start3A_2506 = arith.constant 0 : i32
    %dma_start3A_2507 = arith.constant 0 : i32
    %dma_start3A_2508 = tpu.memref_slice %arg6[%add3A_2502, %dma_start3A_2506, %dma_start3A_2507] : memref<32768x8x128xf32, #tpu.memory_space<hbm>> -> memref<32x8x128xf32, #tpu.memory_space<hbm>>
    tpu.enqueue_dma source(%arg15 : memref<32x8x128xf32, #tpu.memory_space<vmem>>) target(%dma_start3A_2508 : memref<32x8x128xf32, #tpu.memory_space<hbm>>) target_semaphore(%arg21 : memref<!tpu.dma_semaphore, #tpu.memory_space<semaphore_mem>>)
    %dma_wait3A_2509 = arith.constant 0 : i32
    %dma_wait3A_2510 = arith.constant 0 : i32
    %dma_wait3A_2511 = tpu.memref_slice %arg6[%add3A_2502, %dma_wait3A_2509, %dma_wait3A_2510] : memref<32768x8x128xf32, #tpu.memory_space<hbm>> -> memref<32x8x128xf32, #tpu.memory_space<hbm>>
    %dma_wait3A_2512 = arith.constant 0 : i32
    %dma_wait3A_2513 = arith.constant 0 : i32
    %dma_wait3A_2514 = tpu.memref_slice %arg6[%add3A_2502, %dma_wait3A_2512, %dma_wait3A_2513] : memref<32768x8x128xf32, #tpu.memory_space<hbm>> -> memref<32x8x128xf32, #tpu.memory_space<hbm>>
    tpu.wait_dma2 semaphore(%arg21 : memref<!tpu.dma_semaphore, #tpu.memory_space<semaphore_mem>>) src(%arg15 : memref<32x8x128xf32, #tpu.memory_space<vmem>>) dst(%dma_wait3A_2514 : memref<32x8x128xf32, #tpu.memory_space<hbm>>)
    %add3A_2515 = arith.constant 640 : i32
    %add3A_2516 = arith.addi %mul3A_18, %add3A_2515 : i32
    %add3A_2517 = arith.constant 0 : i32
    %add3A_2518 = arith.addi %add3A_2516, %add3A_2517 : i32
    %add3A_2519 = vector.broadcast %add3A_2518 : i32 to vector<16xi32>
    %add3A_2520 = arith.addi %add3A_2519, %iota3A : vector<16xi32>
    %and3A_2521 = arith.constant 15 : i32
    %and3A_2522 = vector.broadcast %and3A_2521 : i32 to vector<16xi32>
    %and3A_2523 = arith.andi %add3A_2520, %and3A_2522 : vector<16xi32>
    %shift_right_arithmetic3A_2524 = arith.constant 4 : i32
    %shift_right_arithmetic3A_2525 = vector.broadcast %shift_right_arithmetic3A_2524 : i32 to vector<16xi32>
    %shift_right_arithmetic3A_2526 = arith.shrsi %add3A_2520, %shift_right_arithmetic3A_2525 : vector<16xi32>
    %and3A_2527 = arith.constant 1 : i32
    %and3A_2528 = vector.broadcast %and3A_2527 : i32 to vector<16xi32>
    %and3A_2529 = arith.andi %shift_right_arithmetic3A_2526, %and3A_2528 : vector<16xi32>
    %shift_right_arithmetic3A_2530 = arith.constant 5 : i32
    %shift_right_arithmetic3A_2531 = vector.broadcast %shift_right_arithmetic3A_2530 : i32 to vector<16xi32>
    %shift_right_arithmetic3A_2532 = arith.shrsi %add3A_2520, %shift_right_arithmetic3A_2531 : vector<16xi32>
    %and3A_2533 = arith.constant 127 : i32
    %and3A_2534 = vector.broadcast %and3A_2533 : i32 to vector<16xi32>
    %and3A_2535 = arith.andi %shift_right_arithmetic3A_2532, %and3A_2534 : vector<16xi32>
    %mul3A_2536 = arith.constant 16 : i32
    %mul3A_2537 = vector.broadcast %mul3A_2536 : i32 to vector<16xi32>
    %mul3A_2538 = arith.muli %and3A_2535, %mul3A_2537 : vector<16xi32>
    %add3A_2539 = arith.addi %mul3A_2538, %and3A_2523 : vector<16xi32>
    %ge3A_2540 = arith.cmpi sge, %add3A_2539, %gather3A_37 : vector<16xi32>
    %lt3A_2541 = arith.cmpi slt, %add3A_2539, %sub3A_31 : vector<16xi32>
    %and3A_2542 = arith.andi %ge3A_2540, %lt3A_2541 : vector<16xi1>
    %add3A_2543 = arith.addi %add3A_2539, %gather3A_24 : vector<16xi32>
    %select_n3A_2544 = arith.select %and3A_2542, %add3A_2543, %add3A_2539 : vector<16xi1>, vector<16xi32>
    %mul3A_2545 = arith.constant 4096 : i32
    %mul3A_2546 = arith.muli %select_n3A, %mul3A_2545 : i32
    %shift_right_arithmetic3A_2547 = arith.constant 4 : i32
    %shift_right_arithmetic3A_2548 = vector.broadcast %shift_right_arithmetic3A_2547 : i32 to vector<16xi32>
    %shift_right_arithmetic3A_2549 = arith.shrsi %select_n3A_2544, %shift_right_arithmetic3A_2548 : vector<16xi32>
    %shift_left3A_2550 = arith.constant 5 : i32
    %shift_left3A_2551 = vector.broadcast %shift_left3A_2550 : i32 to vector<16xi32>
    %shift_left3A_2552 = arith.shli %shift_right_arithmetic3A_2549, %shift_left3A_2551 : vector<16xi32>
    %add3A_2553 = vector.broadcast %mul3A_2546 : i32 to vector<16xi32>
    %add3A_2554 = arith.addi %add3A_2553, %shift_left3A_2552 : vector<16xi32>
    %shift_left3A_2555 = arith.constant 4 : i32
    %shift_left3A_2556 = vector.broadcast %shift_left3A_2555 : i32 to vector<16xi32>
    %shift_left3A_2557 = arith.shli %and3A_2529, %shift_left3A_2556 : vector<16xi32>
    %add3A_2558 = arith.addi %add3A_2554, %shift_left3A_2557 : vector<16xi32>
    %and3A_2559 = arith.constant 15 : i32
    %and3A_2560 = vector.broadcast %and3A_2559 : i32 to vector<16xi32>
    %and3A_2561 = arith.andi %select_n3A_2544, %and3A_2560 : vector<16xi32>
    %add3A_2562 = arith.addi %add3A_2558, %and3A_2561 : vector<16xi32>
    %swap3A_2563 = arith.constant 0 : index
    %swap3A_2564 = tpu.vector_load %arg12[%swap3A_2563] {strides = array<i32>} : memref<32xi32, #tpu.memory_space<vmem>>, vector<16xi32>,
    %swap3A_2565 = vector.shape_cast %swap3A_2564 : vector<16xi32> to vector<16xi32>
    %swap3A_2566 = vector.shape_cast %add3A_2562 : vector<16xi32> to vector<16xi32>
    tpu.vector_store %arg12[%swap3A_2563], %swap3A_2566 {strides = array<i32>} : memref<32xi32, #tpu.memory_space<vmem>>, vector<16xi32>,
    %add3A_2567 = arith.constant 640 : i32
    %add3A_2568 = arith.addi %mul3A_18, %add3A_2567 : i32
    %add3A_2569 = arith.constant 16 : i32
    %add3A_2570 = arith.addi %add3A_2568, %add3A_2569 : i32
    %add3A_2571 = vector.broadcast %add3A_2570 : i32 to vector<16xi32>
    %add3A_2572 = arith.addi %add3A_2571, %iota3A : vector<16xi32>
    %and3A_2573 = arith.constant 15 : i32
    %and3A_2574 = vector.broadcast %and3A_2573 : i32 to vector<16xi32>
    %and3A_2575 = arith.andi %add3A_2572, %and3A_2574 : vector<16xi32>
    %shift_right_arithmetic3A_2576 = arith.constant 4 : i32
    %shift_right_arithmetic3A_2577 = vector.broadcast %shift_right_arithmetic3A_2576 : i32 to vector<16xi32>
    %shift_right_arithmetic3A_2578 = arith.shrsi %add3A_2572, %shift_right_arithmetic3A_2577 : vector<16xi32>
    %and3A_2579 = arith.constant 1 : i32
    %and3A_2580 = vector.broadcast %and3A_2579 : i32 to vector<16xi32>
    %and3A_2581 = arith.andi %shift_right_arithmetic3A_2578, %and3A_2580 : vector<16xi32>
    %shift_right_arithmetic3A_2582 = arith.constant 5 : i32
    %shift_right_arithmetic3A_2583 = vector.broadcast %shift_right_arithmetic3A_2582 : i32 to vector<16xi32>
    %shift_right_arithmetic3A_2584 = arith.shrsi %add3A_2572, %shift_right_arithmetic3A_2583 : vector<16xi32>
    %and3A_2585 = arith.constant 127 : i32
    %and3A_2586 = vector.broadcast %and3A_2585 : i32 to vector<16xi32>
    %and3A_2587 = arith.andi %shift_right_arithmetic3A_2584, %and3A_2586 : vector<16xi32>
    %mul3A_2588 = arith.constant 16 : i32
    %mul3A_2589 = vector.broadcast %mul3A_2588 : i32 to vector<16xi32>
    %mul3A_2590 = arith.muli %and3A_2587, %mul3A_2589 : vector<16xi32>
    %add3A_2591 = arith.addi %mul3A_2590, %and3A_2575 : vector<16xi32>
    %ge3A_2592 = arith.cmpi sge, %add3A_2591, %gather3A_37 : vector<16xi32>
    %lt3A_2593 = arith.cmpi slt, %add3A_2591, %sub3A_31 : vector<16xi32>
    %and3A_2594 = arith.andi %ge3A_2592, %lt3A_2593 : vector<16xi1>
    %add3A_2595 = arith.addi %add3A_2591, %gather3A_24 : vector<16xi32>
    %select_n3A_2596 = arith.select %and3A_2594, %add3A_2595, %add3A_2591 : vector<16xi1>, vector<16xi32>
    %mul3A_2597 = arith.constant 4096 : i32
    %mul3A_2598 = arith.muli %select_n3A, %mul3A_2597 : i32
    %shift_right_arithmetic3A_2599 = arith.constant 4 : i32
    %shift_right_arithmetic3A_2600 = vector.broadcast %shift_right_arithmetic3A_2599 : i32 to vector<16xi32>
    %shift_right_arithmetic3A_2601 = arith.shrsi %select_n3A_2596, %shift_right_arithmetic3A_2600 : vector<16xi32>
    %shift_left3A_2602 = arith.constant 5 : i32
    %shift_left3A_2603 = vector.broadcast %shift_left3A_2602 : i32 to vector<16xi32>
    %shift_left3A_2604 = arith.shli %shift_right_arithmetic3A_2601, %shift_left3A_2603 : vector<16xi32>
    %add3A_2605 = vector.broadcast %mul3A_2598 : i32 to vector<16xi32>
    %add3A_2606 = arith.addi %add3A_2605, %shift_left3A_2604 : vector<16xi32>
    %shift_left3A_2607 = arith.constant 4 : i32
    %shift_left3A_2608 = vector.broadcast %shift_left3A_2607 : i32 to vector<16xi32>
    %shift_left3A_2609 = arith.shli %and3A_2581, %shift_left3A_2608 : vector<16xi32>
    %add3A_2610 = arith.addi %add3A_2606, %shift_left3A_2609 : vector<16xi32>
    %and3A_2611 = arith.constant 15 : i32
    %and3A_2612 = vector.broadcast %and3A_2611 : i32 to vector<16xi32>
    %and3A_2613 = arith.andi %select_n3A_2596, %and3A_2612 : vector<16xi32>
    %add3A_2614 = arith.addi %add3A_2610, %and3A_2613 : vector<16xi32>
    %swap3A_2615 = arith.constant 16 : index
    %swap3A_2616 = tpu.vector_load %arg12[%swap3A_2615] {strides = array<i32>} : memref<32xi32, #tpu.memory_space<vmem>>, vector<16xi32>,
    %swap3A_2617 = vector.shape_cast %swap3A_2616 : vector<16xi32> to vector<16xi32>
    %swap3A_2618 = vector.shape_cast %add3A_2614 : vector<16xi32> to vector<16xi32>
    tpu.vector_store %arg12[%swap3A_2615], %swap3A_2618 {strides = array<i32>} : memref<32xi32, #tpu.memory_space<vmem>>, vector<16xi32>,
    %dma_start3A_2619 = arith.constant 0 : i32
    %dma_start3A_2620 = arith.constant 0 : i32
    %dma_start3A_2621 = arith.constant 0 : i32
    %dma_start3A_2622 = tpu.memref_slice %arg2[%dma_start3A_2619, %dma_start3A_2620, %dma_start3A_2621] : memref<32768x8x128xf32, #tpu.memory_space<hbm>> -> memref<32768x8x128xf32, #tpu.memory_space<hbm>>
    tpu.enqueue_indirect_dma source(%dma_start3A_2622 : memref<32768x8x128xf32, #tpu.memory_space<hbm>>) target(%arg15 : memref<32x8x128xf32, #tpu.memory_space<vmem>>) offsets(%arg12 : memref<32xi32, #tpu.memory_space<vmem>>) semaphore(%arg18 : memref<!tpu.dma_semaphore, #tpu.memory_space<semaphore_mem>>)
    %dma_wait3A_2623 = arith.constant 0 : i32
    %dma_wait3A_2624 = arith.constant 0 : i32
    %dma_wait3A_2625 = arith.constant 0 : i32
    %dma_wait3A_2626 = tpu.memref_slice %arg2[%dma_wait3A_2623, %dma_wait3A_2624, %dma_wait3A_2625] : memref<32768x8x128xf32, #tpu.memory_space<hbm>> -> memref<32768x8x128xf32, #tpu.memory_space<hbm>>
    tpu.wait_indirect_dma semaphore(%arg16 : memref<!tpu.dma_semaphore, #tpu.memory_space<semaphore_mem>>) src(%dma_wait3A_2626 : memref<32768x8x128xf32, #tpu.memory_space<hbm>>) dst(%arg13 : memref<32x8x128xf32, #tpu.memory_space<vmem>>)
    %add3A_2627 = arith.constant 576 : i32
    %add3A_2628 = arith.addi %mul3A_18, %add3A_2627 : i32
    %dma_start3A_2629 = arith.constant 0 : i32
    %dma_start3A_2630 = arith.constant 0 : i32
    %dma_start3A_2631 = tpu.memref_slice %arg6[%add3A_2628, %dma_start3A_2629, %dma_start3A_2630] : memref<32768x8x128xf32, #tpu.memory_space<hbm>> -> memref<32x8x128xf32, #tpu.memory_space<hbm>>
    %dma_start3A_2632 = arith.constant 0 : i32
    %dma_start3A_2633 = arith.constant 0 : i32
    %dma_start3A_2634 = tpu.memref_slice %arg6[%add3A_2628, %dma_start3A_2632, %dma_start3A_2633] : memref<32768x8x128xf32, #tpu.memory_space<hbm>> -> memref<32x8x128xf32, #tpu.memory_space<hbm>>
    tpu.enqueue_dma source(%arg13 : memref<32x8x128xf32, #tpu.memory_space<vmem>>) target(%dma_start3A_2634 : memref<32x8x128xf32, #tpu.memory_space<hbm>>) target_semaphore(%arg19 : memref<!tpu.dma_semaphore, #tpu.memory_space<semaphore_mem>>)
    %dma_wait3A_2635 = arith.constant 0 : i32
    %dma_wait3A_2636 = arith.constant 0 : i32
    %dma_wait3A_2637 = tpu.memref_slice %arg6[%add3A_2628, %dma_wait3A_2635, %dma_wait3A_2636] : memref<32768x8x128xf32, #tpu.memory_space<hbm>> -> memref<32x8x128xf32, #tpu.memory_space<hbm>>
    %dma_wait3A_2638 = arith.constant 0 : i32
    %dma_wait3A_2639 = arith.constant 0 : i32
    %dma_wait3A_2640 = tpu.memref_slice %arg6[%add3A_2628, %dma_wait3A_2638, %dma_wait3A_2639] : memref<32768x8x128xf32, #tpu.memory_space<hbm>> -> memref<32x8x128xf32, #tpu.memory_space<hbm>>
    tpu.wait_dma2 semaphore(%arg19 : memref<!tpu.dma_semaphore, #tpu.memory_space<semaphore_mem>>) src(%arg13 : memref<32x8x128xf32, #tpu.memory_space<vmem>>) dst(%dma_wait3A_2640 : memref<32x8x128xf32, #tpu.memory_space<hbm>>)
    %add3A_2641 = arith.constant 672 : i32
    %add3A_2642 = arith.addi %mul3A_18, %add3A_2641 : i32
    %add3A_2643 = arith.constant 0 : i32
    %add3A_2644 = arith.addi %add3A_2642, %add3A_2643 : i32
    %add3A_2645 = vector.broadcast %add3A_2644 : i32 to vector<16xi32>
    %add3A_2646 = arith.addi %add3A_2645, %iota3A : vector<16xi32>
    %and3A_2647 = arith.constant 15 : i32
    %and3A_2648 = vector.broadcast %and3A_2647 : i32 to vector<16xi32>
    %and3A_2649 = arith.andi %add3A_2646, %and3A_2648 : vector<16xi32>
    %shift_right_arithmetic3A_2650 = arith.constant 4 : i32
    %shift_right_arithmetic3A_2651 = vector.broadcast %shift_right_arithmetic3A_2650 : i32 to vector<16xi32>
    %shift_right_arithmetic3A_2652 = arith.shrsi %add3A_2646, %shift_right_arithmetic3A_2651 : vector<16xi32>
    %and3A_2653 = arith.constant 1 : i32
    %and3A_2654 = vector.broadcast %and3A_2653 : i32 to vector<16xi32>
    %and3A_2655 = arith.andi %shift_right_arithmetic3A_2652, %and3A_2654 : vector<16xi32>
    %shift_right_arithmetic3A_2656 = arith.constant 5 : i32
    %shift_right_arithmetic3A_2657 = vector.broadcast %shift_right_arithmetic3A_2656 : i32 to vector<16xi32>
    %shift_right_arithmetic3A_2658 = arith.shrsi %add3A_2646, %shift_right_arithmetic3A_2657 : vector<16xi32>
    %and3A_2659 = arith.constant 127 : i32
    %and3A_2660 = vector.broadcast %and3A_2659 : i32 to vector<16xi32>
    %and3A_2661 = arith.andi %shift_right_arithmetic3A_2658, %and3A_2660 : vector<16xi32>
    %mul3A_2662 = arith.constant 16 : i32
    %mul3A_2663 = vector.broadcast %mul3A_2662 : i32 to vector<16xi32>
    %mul3A_2664 = arith.muli %and3A_2661, %mul3A_2663 : vector<16xi32>
    %add3A_2665 = arith.addi %mul3A_2664, %and3A_2649 : vector<16xi32>
    %ge3A_2666 = arith.cmpi sge, %add3A_2665, %gather3A_37 : vector<16xi32>
    %lt3A_2667 = arith.cmpi slt, %add3A_2665, %sub3A_31 : vector<16xi32>
    %and3A_2668 = arith.andi %ge3A_2666, %lt3A_2667 : vector<16xi1>
    %add3A_2669 = arith.addi %add3A_2665, %gather3A_24 : vector<16xi32>
    %select_n3A_2670 = arith.select %and3A_2668, %add3A_2669, %add3A_2665 : vector<16xi1>, vector<16xi32>
    %mul3A_2671 = arith.constant 4096 : i32
    %mul3A_2672 = arith.muli %select_n3A, %mul3A_2671 : i32
    %shift_right_arithmetic3A_2673 = arith.constant 4 : i32
    %shift_right_arithmetic3A_2674 = vector.broadcast %shift_right_arithmetic3A_2673 : i32 to vector<16xi32>
    %shift_right_arithmetic3A_2675 = arith.shrsi %select_n3A_2670, %shift_right_arithmetic3A_2674 : vector<16xi32>
    %shift_left3A_2676 = arith.constant 5 : i32
    %shift_left3A_2677 = vector.broadcast %shift_left3A_2676 : i32 to vector<16xi32>
    %shift_left3A_2678 = arith.shli %shift_right_arithmetic3A_2675, %shift_left3A_2677 : vector<16xi32>
    %add3A_2679 = vector.broadcast %mul3A_2672 : i32 to vector<16xi32>
    %add3A_2680 = arith.addi %add3A_2679, %shift_left3A_2678 : vector<16xi32>
    %shift_left3A_2681 = arith.constant 4 : i32
    %shift_left3A_2682 = vector.broadcast %shift_left3A_2681 : i32 to vector<16xi32>
    %shift_left3A_2683 = arith.shli %and3A_2655, %shift_left3A_2682 : vector<16xi32>
    %add3A_2684 = arith.addi %add3A_2680, %shift_left3A_2683 : vector<16xi32>
    %and3A_2685 = arith.constant 15 : i32
    %and3A_2686 = vector.broadcast %and3A_2685 : i32 to vector<16xi32>
    %and3A_2687 = arith.andi %select_n3A_2670, %and3A_2686 : vector<16xi32>
    %add3A_2688 = arith.addi %add3A_2684, %and3A_2687 : vector<16xi32>
    %swap3A_2689 = arith.constant 0 : index
    %swap3A_2690 = tpu.vector_load %arg10[%swap3A_2689] {strides = array<i32>} : memref<32xi32, #tpu.memory_space<vmem>>, vector<16xi32>,
    %swap3A_2691 = vector.shape_cast %swap3A_2690 : vector<16xi32> to vector<16xi32>
    %swap3A_2692 = vector.shape_cast %add3A_2688 : vector<16xi32> to vector<16xi32>
    tpu.vector_store %arg10[%swap3A_2689], %swap3A_2692 {strides = array<i32>} : memref<32xi32, #tpu.memory_space<vmem>>, vector<16xi32>,
    %add3A_2693 = arith.constant 672 : i32
    %add3A_2694 = arith.addi %mul3A_18, %add3A_2693 : i32
    %add3A_2695 = arith.constant 16 : i32
    %add3A_2696 = arith.addi %add3A_2694, %add3A_2695 : i32
    %add3A_2697 = vector.broadcast %add3A_2696 : i32 to vector<16xi32>
    %add3A_2698 = arith.addi %add3A_2697, %iota3A : vector<16xi32>
    %and3A_2699 = arith.constant 15 : i32
    %and3A_2700 = vector.broadcast %and3A_2699 : i32 to vector<16xi32>
    %and3A_2701 = arith.andi %add3A_2698, %and3A_2700 : vector<16xi32>
    %shift_right_arithmetic3A_2702 = arith.constant 4 : i32
    %shift_right_arithmetic3A_2703 = vector.broadcast %shift_right_arithmetic3A_2702 : i32 to vector<16xi32>
    %shift_right_arithmetic3A_2704 = arith.shrsi %add3A_2698, %shift_right_arithmetic3A_2703 : vector<16xi32>
    %and3A_2705 = arith.constant 1 : i32
    %and3A_2706 = vector.broadcast %and3A_2705 : i32 to vector<16xi32>
    %and3A_2707 = arith.andi %shift_right_arithmetic3A_2704, %and3A_2706 : vector<16xi32>
    %shift_right_arithmetic3A_2708 = arith.constant 5 : i32
    %shift_right_arithmetic3A_2709 = vector.broadcast %shift_right_arithmetic3A_2708 : i32 to vector<16xi32>
    %shift_right_arithmetic3A_2710 = arith.shrsi %add3A_2698, %shift_right_arithmetic3A_2709 : vector<16xi32>
    %and3A_2711 = arith.constant 127 : i32
    %and3A_2712 = vector.broadcast %and3A_2711 : i32 to vector<16xi32>
    %and3A_2713 = arith.andi %shift_right_arithmetic3A_2710, %and3A_2712 : vector<16xi32>
    %mul3A_2714 = arith.constant 16 : i32
    %mul3A_2715 = vector.broadcast %mul3A_2714 : i32 to vector<16xi32>
    %mul3A_2716 = arith.muli %and3A_2713, %mul3A_2715 : vector<16xi32>
    %add3A_2717 = arith.addi %mul3A_2716, %and3A_2701 : vector<16xi32>
    %ge3A_2718 = arith.cmpi sge, %add3A_2717, %gather3A_37 : vector<16xi32>
    %lt3A_2719 = arith.cmpi slt, %add3A_2717, %sub3A_31 : vector<16xi32>
    %and3A_2720 = arith.andi %ge3A_2718, %lt3A_2719 : vector<16xi1>
    %add3A_2721 = arith.addi %add3A_2717, %gather3A_24 : vector<16xi32>
    %select_n3A_2722 = arith.select %and3A_2720, %add3A_2721, %add3A_2717 : vector<16xi1>, vector<16xi32>
    %mul3A_2723 = arith.constant 4096 : i32
    %mul3A_2724 = arith.muli %select_n3A, %mul3A_2723 : i32
    %shift_right_arithmetic3A_2725 = arith.constant 4 : i32
    %shift_right_arithmetic3A_2726 = vector.broadcast %shift_right_arithmetic3A_2725 : i32 to vector<16xi32>
    %shift_right_arithmetic3A_2727 = arith.shrsi %select_n3A_2722, %shift_right_arithmetic3A_2726 : vector<16xi32>
    %shift_left3A_2728 = arith.constant 5 : i32
    %shift_left3A_2729 = vector.broadcast %shift_left3A_2728 : i32 to vector<16xi32>
    %shift_left3A_2730 = arith.shli %shift_right_arithmetic3A_2727, %shift_left3A_2729 : vector<16xi32>
    %add3A_2731 = vector.broadcast %mul3A_2724 : i32 to vector<16xi32>
    %add3A_2732 = arith.addi %add3A_2731, %shift_left3A_2730 : vector<16xi32>
    %shift_left3A_2733 = arith.constant 4 : i32
    %shift_left3A_2734 = vector.broadcast %shift_left3A_2733 : i32 to vector<16xi32>
    %shift_left3A_2735 = arith.shli %and3A_2707, %shift_left3A_2734 : vector<16xi32>
    %add3A_2736 = arith.addi %add3A_2732, %shift_left3A_2735 : vector<16xi32>
    %and3A_2737 = arith.constant 15 : i32
    %and3A_2738 = vector.broadcast %and3A_2737 : i32 to vector<16xi32>
    %and3A_2739 = arith.andi %select_n3A_2722, %and3A_2738 : vector<16xi32>
    %add3A_2740 = arith.addi %add3A_2736, %and3A_2739 : vector<16xi32>
    %swap3A_2741 = arith.constant 16 : index
    %swap3A_2742 = tpu.vector_load %arg10[%swap3A_2741] {strides = array<i32>} : memref<32xi32, #tpu.memory_space<vmem>>, vector<16xi32>,
    %swap3A_2743 = vector.shape_cast %swap3A_2742 : vector<16xi32> to vector<16xi32>
    %swap3A_2744 = vector.shape_cast %add3A_2740 : vector<16xi32> to vector<16xi32>
    tpu.vector_store %arg10[%swap3A_2741], %swap3A_2744 {strides = array<i32>} : memref<32xi32, #tpu.memory_space<vmem>>, vector<16xi32>,
    %dma_start3A_2745 = arith.constant 0 : i32
    %dma_start3A_2746 = arith.constant 0 : i32
    %dma_start3A_2747 = arith.constant 0 : i32
    %dma_start3A_2748 = tpu.memref_slice %arg2[%dma_start3A_2745, %dma_start3A_2746, %dma_start3A_2747] : memref<32768x8x128xf32, #tpu.memory_space<hbm>> -> memref<32768x8x128xf32, #tpu.memory_space<hbm>>
    tpu.enqueue_indirect_dma source(%dma_start3A_2748 : memref<32768x8x128xf32, #tpu.memory_space<hbm>>) target(%arg13 : memref<32x8x128xf32, #tpu.memory_space<vmem>>) offsets(%arg10 : memref<32xi32, #tpu.memory_space<vmem>>) semaphore(%arg16 : memref<!tpu.dma_semaphore, #tpu.memory_space<semaphore_mem>>)
    %dma_wait3A_2749 = arith.constant 0 : i32
    %dma_wait3A_2750 = arith.constant 0 : i32
    %dma_wait3A_2751 = arith.constant 0 : i32
    %dma_wait3A_2752 = tpu.memref_slice %arg2[%dma_wait3A_2749, %dma_wait3A_2750, %dma_wait3A_2751] : memref<32768x8x128xf32, #tpu.memory_space<hbm>> -> memref<32768x8x128xf32, #tpu.memory_space<hbm>>
    tpu.wait_indirect_dma semaphore(%arg17 : memref<!tpu.dma_semaphore, #tpu.memory_space<semaphore_mem>>) src(%dma_wait3A_2752 : memref<32768x8x128xf32, #tpu.memory_space<hbm>>) dst(%arg14 : memref<32x8x128xf32, #tpu.memory_space<vmem>>)
    %add3A_2753 = arith.constant 608 : i32
    %add3A_2754 = arith.addi %mul3A_18, %add3A_2753 : i32
    %dma_start3A_2755 = arith.constant 0 : i32
    %dma_start3A_2756 = arith.constant 0 : i32
    %dma_start3A_2757 = tpu.memref_slice %arg6[%add3A_2754, %dma_start3A_2755, %dma_start3A_2756] : memref<32768x8x128xf32, #tpu.memory_space<hbm>> -> memref<32x8x128xf32, #tpu.memory_space<hbm>>
    %dma_start3A_2758 = arith.constant 0 : i32
    %dma_start3A_2759 = arith.constant 0 : i32
    %dma_start3A_2760 = tpu.memref_slice %arg6[%add3A_2754, %dma_start3A_2758, %dma_start3A_2759] : memref<32768x8x128xf32, #tpu.memory_space<hbm>> -> memref<32x8x128xf32, #tpu.memory_space<hbm>>
    tpu.enqueue_dma source(%arg14 : memref<32x8x128xf32, #tpu.memory_space<vmem>>) target(%dma_start3A_2760 : memref<32x8x128xf32, #tpu.memory_space<hbm>>) target_semaphore(%arg20 : memref<!tpu.dma_semaphore, #tpu.memory_space<semaphore_mem>>)
    %dma_wait3A_2761 = arith.constant 0 : i32
    %dma_wait3A_2762 = arith.constant 0 : i32
    %dma_wait3A_2763 = tpu.memref_slice %arg6[%add3A_2754, %dma_wait3A_2761, %dma_wait3A_2762] : memref<32768x8x128xf32, #tpu.memory_space<hbm>> -> memref<32x8x128xf32, #tpu.memory_space<hbm>>
    %dma_wait3A_2764 = arith.constant 0 : i32
    %dma_wait3A_2765 = arith.constant 0 : i32
    %dma_wait3A_2766 = tpu.memref_slice %arg6[%add3A_2754, %dma_wait3A_2764, %dma_wait3A_2765] : memref<32768x8x128xf32, #tpu.memory_space<hbm>> -> memref<32x8x128xf32, #tpu.memory_space<hbm>>
    tpu.wait_dma2 semaphore(%arg20 : memref<!tpu.dma_semaphore, #tpu.memory_space<semaphore_mem>>) src(%arg14 : memref<32x8x128xf32, #tpu.memory_space<vmem>>) dst(%dma_wait3A_2766 : memref<32x8x128xf32, #tpu.memory_space<hbm>>)
    %add3A_2767 = arith.constant 704 : i32
    %add3A_2768 = arith.addi %mul3A_18, %add3A_2767 : i32
    %add3A_2769 = arith.constant 0 : i32
    %add3A_2770 = arith.addi %add3A_2768, %add3A_2769 : i32
    %add3A_2771 = vector.broadcast %add3A_2770 : i32 to vector<16xi32>
    %add3A_2772 = arith.addi %add3A_2771, %iota3A : vector<16xi32>
    %and3A_2773 = arith.constant 15 : i32
    %and3A_2774 = vector.broadcast %and3A_2773 : i32 to vector<16xi32>
    %and3A_2775 = arith.andi %add3A_2772, %and3A_2774 : vector<16xi32>
    %shift_right_arithmetic3A_2776 = arith.constant 4 : i32
    %shift_right_arithmetic3A_2777 = vector.broadcast %shift_right_arithmetic3A_2776 : i32 to vector<16xi32>
    %shift_right_arithmetic3A_2778 = arith.shrsi %add3A_2772, %shift_right_arithmetic3A_2777 : vector<16xi32>
    %and3A_2779 = arith.constant 1 : i32
    %and3A_2780 = vector.broadcast %and3A_2779 : i32 to vector<16xi32>
    %and3A_2781 = arith.andi %shift_right_arithmetic3A_2778, %and3A_2780 : vector<16xi32>
    %shift_right_arithmetic3A_2782 = arith.constant 5 : i32
    %shift_right_arithmetic3A_2783 = vector.broadcast %shift_right_arithmetic3A_2782 : i32 to vector<16xi32>
    %shift_right_arithmetic3A_2784 = arith.shrsi %add3A_2772, %shift_right_arithmetic3A_2783 : vector<16xi32>
    %and3A_2785 = arith.constant 127 : i32
    %and3A_2786 = vector.broadcast %and3A_2785 : i32 to vector<16xi32>
    %and3A_2787 = arith.andi %shift_right_arithmetic3A_2784, %and3A_2786 : vector<16xi32>
    %mul3A_2788 = arith.constant 16 : i32
    %mul3A_2789 = vector.broadcast %mul3A_2788 : i32 to vector<16xi32>
    %mul3A_2790 = arith.muli %and3A_2787, %mul3A_2789 : vector<16xi32>
    %add3A_2791 = arith.addi %mul3A_2790, %and3A_2775 : vector<16xi32>
    %ge3A_2792 = arith.cmpi sge, %add3A_2791, %gather3A_37 : vector<16xi32>
    %lt3A_2793 = arith.cmpi slt, %add3A_2791, %sub3A_31 : vector<16xi32>
    %and3A_2794 = arith.andi %ge3A_2792, %lt3A_2793 : vector<16xi1>
    %add3A_2795 = arith.addi %add3A_2791, %gather3A_24 : vector<16xi32>
    %select_n3A_2796 = arith.select %and3A_2794, %add3A_2795, %add3A_2791 : vector<16xi1>, vector<16xi32>
    %mul3A_2797 = arith.constant 4096 : i32
    %mul3A_2798 = arith.muli %select_n3A, %mul3A_2797 : i32
    %shift_right_arithmetic3A_2799 = arith.constant 4 : i32
    %shift_right_arithmetic3A_2800 = vector.broadcast %shift_right_arithmetic3A_2799 : i32 to vector<16xi32>
    %shift_right_arithmetic3A_2801 = arith.shrsi %select_n3A_2796, %shift_right_arithmetic3A_2800 : vector<16xi32>
    %shift_left3A_2802 = arith.constant 5 : i32
    %shift_left3A_2803 = vector.broadcast %shift_left3A_2802 : i32 to vector<16xi32>
    %shift_left3A_2804 = arith.shli %shift_right_arithmetic3A_2801, %shift_left3A_2803 : vector<16xi32>
    %add3A_2805 = vector.broadcast %mul3A_2798 : i32 to vector<16xi32>
    %add3A_2806 = arith.addi %add3A_2805, %shift_left3A_2804 : vector<16xi32>
    %shift_left3A_2807 = arith.constant 4 : i32
    %shift_left3A_2808 = vector.broadcast %shift_left3A_2807 : i32 to vector<16xi32>
    %shift_left3A_2809 = arith.shli %and3A_2781, %shift_left3A_2808 : vector<16xi32>
    %add3A_2810 = arith.addi %add3A_2806, %shift_left3A_2809 : vector<16xi32>
    %and3A_2811 = arith.constant 15 : i32
    %and3A_2812 = vector.broadcast %and3A_2811 : i32 to vector<16xi32>
    %and3A_2813 = arith.andi %select_n3A_2796, %and3A_2812 : vector<16xi32>
    %add3A_2814 = arith.addi %add3A_2810, %and3A_2813 : vector<16xi32>
    %swap3A_2815 = arith.constant 0 : index
    %swap3A_2816 = tpu.vector_load %arg11[%swap3A_2815] {strides = array<i32>} : memref<32xi32, #tpu.memory_space<vmem>>, vector<16xi32>,
    %swap3A_2817 = vector.shape_cast %swap3A_2816 : vector<16xi32> to vector<16xi32>
    %swap3A_2818 = vector.shape_cast %add3A_2814 : vector<16xi32> to vector<16xi32>
    tpu.vector_store %arg11[%swap3A_2815], %swap3A_2818 {strides = array<i32>} : memref<32xi32, #tpu.memory_space<vmem>>, vector<16xi32>,
    %add3A_2819 = arith.constant 704 : i32
    %add3A_2820 = arith.addi %mul3A_18, %add3A_2819 : i32
    %add3A_2821 = arith.constant 16 : i32
    %add3A_2822 = arith.addi %add3A_2820, %add3A_2821 : i32
    %add3A_2823 = vector.broadcast %add3A_2822 : i32 to vector<16xi32>
    %add3A_2824 = arith.addi %add3A_2823, %iota3A : vector<16xi32>
    %and3A_2825 = arith.constant 15 : i32
    %and3A_2826 = vector.broadcast %and3A_2825 : i32 to vector<16xi32>
    %and3A_2827 = arith.andi %add3A_2824, %and3A_2826 : vector<16xi32>
    %shift_right_arithmetic3A_2828 = arith.constant 4 : i32
    %shift_right_arithmetic3A_2829 = vector.broadcast %shift_right_arithmetic3A_2828 : i32 to vector<16xi32>
    %shift_right_arithmetic3A_2830 = arith.shrsi %add3A_2824, %shift_right_arithmetic3A_2829 : vector<16xi32>
    %and3A_2831 = arith.constant 1 : i32
    %and3A_2832 = vector.broadcast %and3A_2831 : i32 to vector<16xi32>
    %and3A_2833 = arith.andi %shift_right_arithmetic3A_2830, %and3A_2832 : vector<16xi32>
    %shift_right_arithmetic3A_2834 = arith.constant 5 : i32
    %shift_right_arithmetic3A_2835 = vector.broadcast %shift_right_arithmetic3A_2834 : i32 to vector<16xi32>
    %shift_right_arithmetic3A_2836 = arith.shrsi %add3A_2824, %shift_right_arithmetic3A_2835 : vector<16xi32>
    %and3A_2837 = arith.constant 127 : i32
    %and3A_2838 = vector.broadcast %and3A_2837 : i32 to vector<16xi32>
    %and3A_2839 = arith.andi %shift_right_arithmetic3A_2836, %and3A_2838 : vector<16xi32>
    %mul3A_2840 = arith.constant 16 : i32
    %mul3A_2841 = vector.broadcast %mul3A_2840 : i32 to vector<16xi32>
    %mul3A_2842 = arith.muli %and3A_2839, %mul3A_2841 : vector<16xi32>
    %add3A_2843 = arith.addi %mul3A_2842, %and3A_2827 : vector<16xi32>
    %ge3A_2844 = arith.cmpi sge, %add3A_2843, %gather3A_37 : vector<16xi32>
    %lt3A_2845 = arith.cmpi slt, %add3A_2843, %sub3A_31 : vector<16xi32>
    %and3A_2846 = arith.andi %ge3A_2844, %lt3A_2845 : vector<16xi1>
    %add3A_2847 = arith.addi %add3A_2843, %gather3A_24 : vector<16xi32>
    %select_n3A_2848 = arith.select %and3A_2846, %add3A_2847, %add3A_2843 : vector<16xi1>, vector<16xi32>
    %mul3A_2849 = arith.constant 4096 : i32
    %mul3A_2850 = arith.muli %select_n3A, %mul3A_2849 : i32
    %shift_right_arithmetic3A_2851 = arith.constant 4 : i32
    %shift_right_arithmetic3A_2852 = vector.broadcast %shift_right_arithmetic3A_2851 : i32 to vector<16xi32>
    %shift_right_arithmetic3A_2853 = arith.shrsi %select_n3A_2848, %shift_right_arithmetic3A_2852 : vector<16xi32>
    %shift_left3A_2854 = arith.constant 5 : i32
    %shift_left3A_2855 = vector.broadcast %shift_left3A_2854 : i32 to vector<16xi32>
    %shift_left3A_2856 = arith.shli %shift_right_arithmetic3A_2853, %shift_left3A_2855 : vector<16xi32>
    %add3A_2857 = vector.broadcast %mul3A_2850 : i32 to vector<16xi32>
    %add3A_2858 = arith.addi %add3A_2857, %shift_left3A_2856 : vector<16xi32>
    %shift_left3A_2859 = arith.constant 4 : i32
    %shift_left3A_2860 = vector.broadcast %shift_left3A_2859 : i32 to vector<16xi32>
    %shift_left3A_2861 = arith.shli %and3A_2833, %shift_left3A_2860 : vector<16xi32>
    %add3A_2862 = arith.addi %add3A_2858, %shift_left3A_2861 : vector<16xi32>
    %and3A_2863 = arith.constant 15 : i32
    %and3A_2864 = vector.broadcast %and3A_2863 : i32 to vector<16xi32>
    %and3A_2865 = arith.andi %select_n3A_2848, %and3A_2864 : vector<16xi32>
    %add3A_2866 = arith.addi %add3A_2862, %and3A_2865 : vector<16xi32>
    %swap3A_2867 = arith.constant 16 : index
    %swap3A_2868 = tpu.vector_load %arg11[%swap3A_2867] {strides = array<i32>} : memref<32xi32, #tpu.memory_space<vmem>>, vector<16xi32>,
    %swap3A_2869 = vector.shape_cast %swap3A_2868 : vector<16xi32> to vector<16xi32>
    %swap3A_2870 = vector.shape_cast %add3A_2866 : vector<16xi32> to vector<16xi32>
    tpu.vector_store %arg11[%swap3A_2867], %swap3A_2870 {strides = array<i32>} : memref<32xi32, #tpu.memory_space<vmem>>, vector<16xi32>,
    %dma_start3A_2871 = arith.constant 0 : i32
    %dma_start3A_2872 = arith.constant 0 : i32
    %dma_start3A_2873 = arith.constant 0 : i32
    %dma_start3A_2874 = tpu.memref_slice %arg2[%dma_start3A_2871, %dma_start3A_2872, %dma_start3A_2873] : memref<32768x8x128xf32, #tpu.memory_space<hbm>> -> memref<32768x8x128xf32, #tpu.memory_space<hbm>>
    tpu.enqueue_indirect_dma source(%dma_start3A_2874 : memref<32768x8x128xf32, #tpu.memory_space<hbm>>) target(%arg14 : memref<32x8x128xf32, #tpu.memory_space<vmem>>) offsets(%arg11 : memref<32xi32, #tpu.memory_space<vmem>>) semaphore(%arg17 : memref<!tpu.dma_semaphore, #tpu.memory_space<semaphore_mem>>)
    %dma_wait3A_2875 = arith.constant 0 : i32
    %dma_wait3A_2876 = arith.constant 0 : i32
    %dma_wait3A_2877 = arith.constant 0 : i32
    %dma_wait3A_2878 = tpu.memref_slice %arg2[%dma_wait3A_2875, %dma_wait3A_2876, %dma_wait3A_2877] : memref<32768x8x128xf32, #tpu.memory_space<hbm>> -> memref<32768x8x128xf32, #tpu.memory_space<hbm>>
    tpu.wait_indirect_dma semaphore(%arg18 : memref<!tpu.dma_semaphore, #tpu.memory_space<semaphore_mem>>) src(%dma_wait3A_2878 : memref<32768x8x128xf32, #tpu.memory_space<hbm>>) dst(%arg15 : memref<32x8x128xf32, #tpu.memory_space<vmem>>)
    %add3A_2879 = arith.constant 640 : i32
    %add3A_2880 = arith.addi %mul3A_18, %add3A_2879 : i32
    %dma_start3A_2881 = arith.constant 0 : i32
    %dma_start3A_2882 = arith.constant 0 : i32
    %dma_start3A_2883 = tpu.memref_slice %arg6[%add3A_2880, %dma_start3A_2881, %dma_start3A_2882] : memref<32768x8x128xf32, #tpu.memory_space<hbm>> -> memref<32x8x128xf32, #tpu.memory_space<hbm>>
    %dma_start3A_2884 = arith.constant 0 : i32
    %dma_start3A_2885 = arith.constant 0 : i32
    %dma_start3A_2886 = tpu.memref_slice %arg6[%add3A_2880, %dma_start3A_2884, %dma_start3A_2885] : memref<32768x8x128xf32, #tpu.memory_space<hbm>> -> memref<32x8x128xf32, #tpu.memory_space<hbm>>
    tpu.enqueue_dma source(%arg15 : memref<32x8x128xf32, #tpu.memory_space<vmem>>) target(%dma_start3A_2886 : memref<32x8x128xf32, #tpu.memory_space<hbm>>) target_semaphore(%arg21 : memref<!tpu.dma_semaphore, #tpu.memory_space<semaphore_mem>>)
    %dma_wait3A_2887 = arith.constant 0 : i32
    %dma_wait3A_2888 = arith.constant 0 : i32
    %dma_wait3A_2889 = tpu.memref_slice %arg6[%add3A_2880, %dma_wait3A_2887, %dma_wait3A_2888] : memref<32768x8x128xf32, #tpu.memory_space<hbm>> -> memref<32x8x128xf32, #tpu.memory_space<hbm>>
    %dma_wait3A_2890 = arith.constant 0 : i32
    %dma_wait3A_2891 = arith.constant 0 : i32
    %dma_wait3A_2892 = tpu.memref_slice %arg6[%add3A_2880, %dma_wait3A_2890, %dma_wait3A_2891] : memref<32768x8x128xf32, #tpu.memory_space<hbm>> -> memref<32x8x128xf32, #tpu.memory_space<hbm>>
    tpu.wait_dma2 semaphore(%arg21 : memref<!tpu.dma_semaphore, #tpu.memory_space<semaphore_mem>>) src(%arg15 : memref<32x8x128xf32, #tpu.memory_space<vmem>>) dst(%dma_wait3A_2892 : memref<32x8x128xf32, #tpu.memory_space<hbm>>)
    %add3A_2893 = arith.constant 736 : i32
    %add3A_2894 = arith.addi %mul3A_18, %add3A_2893 : i32
    %add3A_2895 = arith.constant 0 : i32
    %add3A_2896 = arith.addi %add3A_2894, %add3A_2895 : i32
    %add3A_2897 = vector.broadcast %add3A_2896 : i32 to vector<16xi32>
    %add3A_2898 = arith.addi %add3A_2897, %iota3A : vector<16xi32>
    %and3A_2899 = arith.constant 15 : i32
    %and3A_2900 = vector.broadcast %and3A_2899 : i32 to vector<16xi32>
    %and3A_2901 = arith.andi %add3A_2898, %and3A_2900 : vector<16xi32>
    %shift_right_arithmetic3A_2902 = arith.constant 4 : i32
    %shift_right_arithmetic3A_2903 = vector.broadcast %shift_right_arithmetic3A_2902 : i32 to vector<16xi32>
    %shift_right_arithmetic3A_2904 = arith.shrsi %add3A_2898, %shift_right_arithmetic3A_2903 : vector<16xi32>
    %and3A_2905 = arith.constant 1 : i32
    %and3A_2906 = vector.broadcast %and3A_2905 : i32 to vector<16xi32>
    %and3A_2907 = arith.andi %shift_right_arithmetic3A_2904, %and3A_2906 : vector<16xi32>
    %shift_right_arithmetic3A_2908 = arith.constant 5 : i32
    %shift_right_arithmetic3A_2909 = vector.broadcast %shift_right_arithmetic3A_2908 : i32 to vector<16xi32>
    %shift_right_arithmetic3A_2910 = arith.shrsi %add3A_2898, %shift_right_arithmetic3A_2909 : vector<16xi32>
    %and3A_2911 = arith.constant 127 : i32
    %and3A_2912 = vector.broadcast %and3A_2911 : i32 to vector<16xi32>
    %and3A_2913 = arith.andi %shift_right_arithmetic3A_2910, %and3A_2912 : vector<16xi32>
    %mul3A_2914 = arith.constant 16 : i32
    %mul3A_2915 = vector.broadcast %mul3A_2914 : i32 to vector<16xi32>
    %mul3A_2916 = arith.muli %and3A_2913, %mul3A_2915 : vector<16xi32>
    %add3A_2917 = arith.addi %mul3A_2916, %and3A_2901 : vector<16xi32>
    %ge3A_2918 = arith.cmpi sge, %add3A_2917, %gather3A_37 : vector<16xi32>
    %lt3A_2919 = arith.cmpi slt, %add3A_2917, %sub3A_31 : vector<16xi32>
    %and3A_2920 = arith.andi %ge3A_2918, %lt3A_2919 : vector<16xi1>
    %add3A_2921 = arith.addi %add3A_2917, %gather3A_24 : vector<16xi32>
    %select_n3A_2922 = arith.select %and3A_2920, %add3A_2921, %add3A_2917 : vector<16xi1>, vector<16xi32>
    %mul3A_2923 = arith.constant 4096 : i32
    %mul3A_2924 = arith.muli %select_n3A, %mul3A_2923 : i32
    %shift_right_arithmetic3A_2925 = arith.constant 4 : i32
    %shift_right_arithmetic3A_2926 = vector.broadcast %shift_right_arithmetic3A_2925 : i32 to vector<16xi32>
    %shift_right_arithmetic3A_2927 = arith.shrsi %select_n3A_2922, %shift_right_arithmetic3A_2926 : vector<16xi32>
    %shift_left3A_2928 = arith.constant 5 : i32
    %shift_left3A_2929 = vector.broadcast %shift_left3A_2928 : i32 to vector<16xi32>
    %shift_left3A_2930 = arith.shli %shift_right_arithmetic3A_2927, %shift_left3A_2929 : vector<16xi32>
    %add3A_2931 = vector.broadcast %mul3A_2924 : i32 to vector<16xi32>
    %add3A_2932 = arith.addi %add3A_2931, %shift_left3A_2930 : vector<16xi32>
    %shift_left3A_2933 = arith.constant 4 : i32
    %shift_left3A_2934 = vector.broadcast %shift_left3A_2933 : i32 to vector<16xi32>
    %shift_left3A_2935 = arith.shli %and3A_2907, %shift_left3A_2934 : vector<16xi32>
    %add3A_2936 = arith.addi %add3A_2932, %shift_left3A_2935 : vector<16xi32>
    %and3A_2937 = arith.constant 15 : i32
    %and3A_2938 = vector.broadcast %and3A_2937 : i32 to vector<16xi32>
    %and3A_2939 = arith.andi %select_n3A_2922, %and3A_2938 : vector<16xi32>
    %add3A_2940 = arith.addi %add3A_2936, %and3A_2939 : vector<16xi32>
    %swap3A_2941 = arith.constant 0 : index
    %swap3A_2942 = tpu.vector_load %arg12[%swap3A_2941] {strides = array<i32>} : memref<32xi32, #tpu.memory_space<vmem>>, vector<16xi32>,
    %swap3A_2943 = vector.shape_cast %swap3A_2942 : vector<16xi32> to vector<16xi32>
    %swap3A_2944 = vector.shape_cast %add3A_2940 : vector<16xi32> to vector<16xi32>
    tpu.vector_store %arg12[%swap3A_2941], %swap3A_2944 {strides = array<i32>} : memref<32xi32, #tpu.memory_space<vmem>>, vector<16xi32>,
    %add3A_2945 = arith.constant 736 : i32
    %add3A_2946 = arith.addi %mul3A_18, %add3A_2945 : i32
    %add3A_2947 = arith.constant 16 : i32
    %add3A_2948 = arith.addi %add3A_2946, %add3A_2947 : i32
    %add3A_2949 = vector.broadcast %add3A_2948 : i32 to vector<16xi32>
    %add3A_2950 = arith.addi %add3A_2949, %iota3A : vector<16xi32>
    %and3A_2951 = arith.constant 15 : i32
    %and3A_2952 = vector.broadcast %and3A_2951 : i32 to vector<16xi32>
    %and3A_2953 = arith.andi %add3A_2950, %and3A_2952 : vector<16xi32>
    %shift_right_arithmetic3A_2954 = arith.constant 4 : i32
    %shift_right_arithmetic3A_2955 = vector.broadcast %shift_right_arithmetic3A_2954 : i32 to vector<16xi32>
    %shift_right_arithmetic3A_2956 = arith.shrsi %add3A_2950, %shift_right_arithmetic3A_2955 : vector<16xi32>
    %and3A_2957 = arith.constant 1 : i32
    %and3A_2958 = vector.broadcast %and3A_2957 : i32 to vector<16xi32>
    %and3A_2959 = arith.andi %shift_right_arithmetic3A_2956, %and3A_2958 : vector<16xi32>
    %shift_right_arithmetic3A_2960 = arith.constant 5 : i32
    %shift_right_arithmetic3A_2961 = vector.broadcast %shift_right_arithmetic3A_2960 : i32 to vector<16xi32>
    %shift_right_arithmetic3A_2962 = arith.shrsi %add3A_2950, %shift_right_arithmetic3A_2961 : vector<16xi32>
    %and3A_2963 = arith.constant 127 : i32
    %and3A_2964 = vector.broadcast %and3A_2963 : i32 to vector<16xi32>
    %and3A_2965 = arith.andi %shift_right_arithmetic3A_2962, %and3A_2964 : vector<16xi32>
    %mul3A_2966 = arith.constant 16 : i32
    %mul3A_2967 = vector.broadcast %mul3A_2966 : i32 to vector<16xi32>
    %mul3A_2968 = arith.muli %and3A_2965, %mul3A_2967 : vector<16xi32>
    %add3A_2969 = arith.addi %mul3A_2968, %and3A_2953 : vector<16xi32>
    %ge3A_2970 = arith.cmpi sge, %add3A_2969, %gather3A_37 : vector<16xi32>
    %lt3A_2971 = arith.cmpi slt, %add3A_2969, %sub3A_31 : vector<16xi32>
    %and3A_2972 = arith.andi %ge3A_2970, %lt3A_2971 : vector<16xi1>
    %add3A_2973 = arith.addi %add3A_2969, %gather3A_24 : vector<16xi32>
    %select_n3A_2974 = arith.select %and3A_2972, %add3A_2973, %add3A_2969 : vector<16xi1>, vector<16xi32>
    %mul3A_2975 = arith.constant 4096 : i32
    %mul3A_2976 = arith.muli %select_n3A, %mul3A_2975 : i32
    %shift_right_arithmetic3A_2977 = arith.constant 4 : i32
    %shift_right_arithmetic3A_2978 = vector.broadcast %shift_right_arithmetic3A_2977 : i32 to vector<16xi32>
    %shift_right_arithmetic3A_2979 = arith.shrsi %select_n3A_2974, %shift_right_arithmetic3A_2978 : vector<16xi32>
    %shift_left3A_2980 = arith.constant 5 : i32
    %shift_left3A_2981 = vector.broadcast %shift_left3A_2980 : i32 to vector<16xi32>
    %shift_left3A_2982 = arith.shli %shift_right_arithmetic3A_2979, %shift_left3A_2981 : vector<16xi32>
    %add3A_2983 = vector.broadcast %mul3A_2976 : i32 to vector<16xi32>
    %add3A_2984 = arith.addi %add3A_2983, %shift_left3A_2982 : vector<16xi32>
    %shift_left3A_2985 = arith.constant 4 : i32
    %shift_left3A_2986 = vector.broadcast %shift_left3A_2985 : i32 to vector<16xi32>
    %shift_left3A_2987 = arith.shli %and3A_2959, %shift_left3A_2986 : vector<16xi32>
    %add3A_2988 = arith.addi %add3A_2984, %shift_left3A_2987 : vector<16xi32>
    %and3A_2989 = arith.constant 15 : i32
    %and3A_2990 = vector.broadcast %and3A_2989 : i32 to vector<16xi32>
    %and3A_2991 = arith.andi %select_n3A_2974, %and3A_2990 : vector<16xi32>
    %add3A_2992 = arith.addi %add3A_2988, %and3A_2991 : vector<16xi32>
    %swap3A_2993 = arith.constant 16 : index
    %swap3A_2994 = tpu.vector_load %arg12[%swap3A_2993] {strides = array<i32>} : memref<32xi32, #tpu.memory_space<vmem>>, vector<16xi32>,
    %swap3A_2995 = vector.shape_cast %swap3A_2994 : vector<16xi32> to vector<16xi32>
    %swap3A_2996 = vector.shape_cast %add3A_2992 : vector<16xi32> to vector<16xi32>
    tpu.vector_store %arg12[%swap3A_2993], %swap3A_2996 {strides = array<i32>} : memref<32xi32, #tpu.memory_space<vmem>>, vector<16xi32>,
    %dma_start3A_2997 = arith.constant 0 : i32
    %dma_start3A_2998 = arith.constant 0 : i32
    %dma_start3A_2999 = arith.constant 0 : i32
    %dma_start3A_3000 = tpu.memref_slice %arg2[%dma_start3A_2997, %dma_start3A_2998, %dma_start3A_2999] : memref<32768x8x128xf32, #tpu.memory_space<hbm>> -> memref<32768x8x128xf32, #tpu.memory_space<hbm>>
    tpu.enqueue_indirect_dma source(%dma_start3A_3000 : memref<32768x8x128xf32, #tpu.memory_space<hbm>>) target(%arg15 : memref<32x8x128xf32, #tpu.memory_space<vmem>>) offsets(%arg12 : memref<32xi32, #tpu.memory_space<vmem>>) semaphore(%arg18 : memref<!tpu.dma_semaphore, #tpu.memory_space<semaphore_mem>>)
    %dma_wait3A_3001 = arith.constant 0 : i32
    %dma_wait3A_3002 = arith.constant 0 : i32
    %dma_wait3A_3003 = arith.constant 0 : i32
    %dma_wait3A_3004 = tpu.memref_slice %arg2[%dma_wait3A_3001, %dma_wait3A_3002, %dma_wait3A_3003] : memref<32768x8x128xf32, #tpu.memory_space<hbm>> -> memref<32768x8x128xf32, #tpu.memory_space<hbm>>
    tpu.wait_indirect_dma semaphore(%arg16 : memref<!tpu.dma_semaphore, #tpu.memory_space<semaphore_mem>>) src(%dma_wait3A_3004 : memref<32768x8x128xf32, #tpu.memory_space<hbm>>) dst(%arg13 : memref<32x8x128xf32, #tpu.memory_space<vmem>>)
    %add3A_3005 = arith.constant 672 : i32
    %add3A_3006 = arith.addi %mul3A_18, %add3A_3005 : i32
    %dma_start3A_3007 = arith.constant 0 : i32
    %dma_start3A_3008 = arith.constant 0 : i32
    %dma_start3A_3009 = tpu.memref_slice %arg6[%add3A_3006, %dma_start3A_3007, %dma_start3A_3008] : memref<32768x8x128xf32, #tpu.memory_space<hbm>> -> memref<32x8x128xf32, #tpu.memory_space<hbm>>
    %dma_start3A_3010 = arith.constant 0 : i32
    %dma_start3A_3011 = arith.constant 0 : i32
    %dma_start3A_3012 = tpu.memref_slice %arg6[%add3A_3006, %dma_start3A_3010, %dma_start3A_3011] : memref<32768x8x128xf32, #tpu.memory_space<hbm>> -> memref<32x8x128xf32, #tpu.memory_space<hbm>>
    tpu.enqueue_dma source(%arg13 : memref<32x8x128xf32, #tpu.memory_space<vmem>>) target(%dma_start3A_3012 : memref<32x8x128xf32, #tpu.memory_space<hbm>>) target_semaphore(%arg19 : memref<!tpu.dma_semaphore, #tpu.memory_space<semaphore_mem>>)
    %dma_wait3A_3013 = arith.constant 0 : i32
    %dma_wait3A_3014 = arith.constant 0 : i32
    %dma_wait3A_3015 = tpu.memref_slice %arg6[%add3A_3006, %dma_wait3A_3013, %dma_wait3A_3014] : memref<32768x8x128xf32, #tpu.memory_space<hbm>> -> memref<32x8x128xf32, #tpu.memory_space<hbm>>
    %dma_wait3A_3016 = arith.constant 0 : i32
    %dma_wait3A_3017 = arith.constant 0 : i32
    %dma_wait3A_3018 = tpu.memref_slice %arg6[%add3A_3006, %dma_wait3A_3016, %dma_wait3A_3017] : memref<32768x8x128xf32, #tpu.memory_space<hbm>> -> memref<32x8x128xf32, #tpu.memory_space<hbm>>
    tpu.wait_dma2 semaphore(%arg19 : memref<!tpu.dma_semaphore, #tpu.memory_space<semaphore_mem>>) src(%arg13 : memref<32x8x128xf32, #tpu.memory_space<vmem>>) dst(%dma_wait3A_3018 : memref<32x8x128xf32, #tpu.memory_space<hbm>>)
    %add3A_3019 = arith.constant 768 : i32
    %add3A_3020 = arith.addi %mul3A_18, %add3A_3019 : i32
    %add3A_3021 = arith.constant 0 : i32
    %add3A_3022 = arith.addi %add3A_3020, %add3A_3021 : i32
    %add3A_3023 = vector.broadcast %add3A_3022 : i32 to vector<16xi32>
    %add3A_3024 = arith.addi %add3A_3023, %iota3A : vector<16xi32>
    %and3A_3025 = arith.constant 15 : i32
    %and3A_3026 = vector.broadcast %and3A_3025 : i32 to vector<16xi32>
    %and3A_3027 = arith.andi %add3A_3024, %and3A_3026 : vector<16xi32>
    %shift_right_arithmetic3A_3028 = arith.constant 4 : i32
    %shift_right_arithmetic3A_3029 = vector.broadcast %shift_right_arithmetic3A_3028 : i32 to vector<16xi32>
    %shift_right_arithmetic3A_3030 = arith.shrsi %add3A_3024, %shift_right_arithmetic3A_3029 : vector<16xi32>
    %and3A_3031 = arith.constant 1 : i32
    %and3A_3032 = vector.broadcast %and3A_3031 : i32 to vector<16xi32>
    %and3A_3033 = arith.andi %shift_right_arithmetic3A_3030, %and3A_3032 : vector<16xi32>
    %shift_right_arithmetic3A_3034 = arith.constant 5 : i32
    %shift_right_arithmetic3A_3035 = vector.broadcast %shift_right_arithmetic3A_3034 : i32 to vector<16xi32>
    %shift_right_arithmetic3A_3036 = arith.shrsi %add3A_3024, %shift_right_arithmetic3A_3035 : vector<16xi32>
    %and3A_3037 = arith.constant 127 : i32
    %and3A_3038 = vector.broadcast %and3A_3037 : i32 to vector<16xi32>
    %and3A_3039 = arith.andi %shift_right_arithmetic3A_3036, %and3A_3038 : vector<16xi32>
    %mul3A_3040 = arith.constant 16 : i32
    %mul3A_3041 = vector.broadcast %mul3A_3040 : i32 to vector<16xi32>
    %mul3A_3042 = arith.muli %and3A_3039, %mul3A_3041 : vector<16xi32>
    %add3A_3043 = arith.addi %mul3A_3042, %and3A_3027 : vector<16xi32>
    %ge3A_3044 = arith.cmpi sge, %add3A_3043, %gather3A_37 : vector<16xi32>
    %lt3A_3045 = arith.cmpi slt, %add3A_3043, %sub3A_31 : vector<16xi32>
    %and3A_3046 = arith.andi %ge3A_3044, %lt3A_3045 : vector<16xi1>
    %add3A_3047 = arith.addi %add3A_3043, %gather3A_24 : vector<16xi32>
    %select_n3A_3048 = arith.select %and3A_3046, %add3A_3047, %add3A_3043 : vector<16xi1>, vector<16xi32>
    %mul3A_3049 = arith.constant 4096 : i32
    %mul3A_3050 = arith.muli %select_n3A, %mul3A_3049 : i32
    %shift_right_arithmetic3A_3051 = arith.constant 4 : i32
    %shift_right_arithmetic3A_3052 = vector.broadcast %shift_right_arithmetic3A_3051 : i32 to vector<16xi32>
    %shift_right_arithmetic3A_3053 = arith.shrsi %select_n3A_3048, %shift_right_arithmetic3A_3052 : vector<16xi32>
    %shift_left3A_3054 = arith.constant 5 : i32
    %shift_left3A_3055 = vector.broadcast %shift_left3A_3054 : i32 to vector<16xi32>
    %shift_left3A_3056 = arith.shli %shift_right_arithmetic3A_3053, %shift_left3A_3055 : vector<16xi32>
    %add3A_3057 = vector.broadcast %mul3A_3050 : i32 to vector<16xi32>
    %add3A_3058 = arith.addi %add3A_3057, %shift_left3A_3056 : vector<16xi32>
    %shift_left3A_3059 = arith.constant 4 : i32
    %shift_left3A_3060 = vector.broadcast %shift_left3A_3059 : i32 to vector<16xi32>
    %shift_left3A_3061 = arith.shli %and3A_3033, %shift_left3A_3060 : vector<16xi32>
    %add3A_3062 = arith.addi %add3A_3058, %shift_left3A_3061 : vector<16xi32>
    %and3A_3063 = arith.constant 15 : i32
    %and3A_3064 = vector.broadcast %and3A_3063 : i32 to vector<16xi32>
    %and3A_3065 = arith.andi %select_n3A_3048, %and3A_3064 : vector<16xi32>
    %add3A_3066 = arith.addi %add3A_3062, %and3A_3065 : vector<16xi32>
    %swap3A_3067 = arith.constant 0 : index
    %swap3A_3068 = tpu.vector_load %arg10[%swap3A_3067] {strides = array<i32>} : memref<32xi32, #tpu.memory_space<vmem>>, vector<16xi32>,
    %swap3A_3069 = vector.shape_cast %swap3A_3068 : vector<16xi32> to vector<16xi32>
    %swap3A_3070 = vector.shape_cast %add3A_3066 : vector<16xi32> to vector<16xi32>
    tpu.vector_store %arg10[%swap3A_3067], %swap3A_3070 {strides = array<i32>} : memref<32xi32, #tpu.memory_space<vmem>>, vector<16xi32>,
    %add3A_3071 = arith.constant 768 : i32
    %add3A_3072 = arith.addi %mul3A_18, %add3A_3071 : i32
    %add3A_3073 = arith.constant 16 : i32
    %add3A_3074 = arith.addi %add3A_3072, %add3A_3073 : i32
    %add3A_3075 = vector.broadcast %add3A_3074 : i32 to vector<16xi32>
    %add3A_3076 = arith.addi %add3A_3075, %iota3A : vector<16xi32>
    %and3A_3077 = arith.constant 15 : i32
    %and3A_3078 = vector.broadcast %and3A_3077 : i32 to vector<16xi32>
    %and3A_3079 = arith.andi %add3A_3076, %and3A_3078 : vector<16xi32>
    %shift_right_arithmetic3A_3080 = arith.constant 4 : i32
    %shift_right_arithmetic3A_3081 = vector.broadcast %shift_right_arithmetic3A_3080 : i32 to vector<16xi32>
    %shift_right_arithmetic3A_3082 = arith.shrsi %add3A_3076, %shift_right_arithmetic3A_3081 : vector<16xi32>
    %and3A_3083 = arith.constant 1 : i32
    %and3A_3084 = vector.broadcast %and3A_3083 : i32 to vector<16xi32>
    %and3A_3085 = arith.andi %shift_right_arithmetic3A_3082, %and3A_3084 : vector<16xi32>
    %shift_right_arithmetic3A_3086 = arith.constant 5 : i32
    %shift_right_arithmetic3A_3087 = vector.broadcast %shift_right_arithmetic3A_3086 : i32 to vector<16xi32>
    %shift_right_arithmetic3A_3088 = arith.shrsi %add3A_3076, %shift_right_arithmetic3A_3087 : vector<16xi32>
    %and3A_3089 = arith.constant 127 : i32
    %and3A_3090 = vector.broadcast %and3A_3089 : i32 to vector<16xi32>
    %and3A_3091 = arith.andi %shift_right_arithmetic3A_3088, %and3A_3090 : vector<16xi32>
    %mul3A_3092 = arith.constant 16 : i32
    %mul3A_3093 = vector.broadcast %mul3A_3092 : i32 to vector<16xi32>
    %mul3A_3094 = arith.muli %and3A_3091, %mul3A_3093 : vector<16xi32>
    %add3A_3095 = arith.addi %mul3A_3094, %and3A_3079 : vector<16xi32>
    %ge3A_3096 = arith.cmpi sge, %add3A_3095, %gather3A_37 : vector<16xi32>
    %lt3A_3097 = arith.cmpi slt, %add3A_3095, %sub3A_31 : vector<16xi32>
    %and3A_3098 = arith.andi %ge3A_3096, %lt3A_3097 : vector<16xi1>
    %add3A_3099 = arith.addi %add3A_3095, %gather3A_24 : vector<16xi32>
    %select_n3A_3100 = arith.select %and3A_3098, %add3A_3099, %add3A_3095 : vector<16xi1>, vector<16xi32>
    %mul3A_3101 = arith.constant 4096 : i32
    %mul3A_3102 = arith.muli %select_n3A, %mul3A_3101 : i32
    %shift_right_arithmetic3A_3103 = arith.constant 4 : i32
    %shift_right_arithmetic3A_3104 = vector.broadcast %shift_right_arithmetic3A_3103 : i32 to vector<16xi32>
    %shift_right_arithmetic3A_3105 = arith.shrsi %select_n3A_3100, %shift_right_arithmetic3A_3104 : vector<16xi32>
    %shift_left3A_3106 = arith.constant 5 : i32
    %shift_left3A_3107 = vector.broadcast %shift_left3A_3106 : i32 to vector<16xi32>
    %shift_left3A_3108 = arith.shli %shift_right_arithmetic3A_3105, %shift_left3A_3107 : vector<16xi32>
    %add3A_3109 = vector.broadcast %mul3A_3102 : i32 to vector<16xi32>
    %add3A_3110 = arith.addi %add3A_3109, %shift_left3A_3108 : vector<16xi32>
    %shift_left3A_3111 = arith.constant 4 : i32
    %shift_left3A_3112 = vector.broadcast %shift_left3A_3111 : i32 to vector<16xi32>
    %shift_left3A_3113 = arith.shli %and3A_3085, %shift_left3A_3112 : vector<16xi32>
    %add3A_3114 = arith.addi %add3A_3110, %shift_left3A_3113 : vector<16xi32>
    %and3A_3115 = arith.constant 15 : i32
    %and3A_3116 = vector.broadcast %and3A_3115 : i32 to vector<16xi32>
    %and3A_3117 = arith.andi %select_n3A_3100, %and3A_3116 : vector<16xi32>
    %add3A_3118 = arith.addi %add3A_3114, %and3A_3117 : vector<16xi32>
    %swap3A_3119 = arith.constant 16 : index
    %swap3A_3120 = tpu.vector_load %arg10[%swap3A_3119] {strides = array<i32>} : memref<32xi32, #tpu.memory_space<vmem>>, vector<16xi32>,
    %swap3A_3121 = vector.shape_cast %swap3A_3120 : vector<16xi32> to vector<16xi32>
    %swap3A_3122 = vector.shape_cast %add3A_3118 : vector<16xi32> to vector<16xi32>
    tpu.vector_store %arg10[%swap3A_3119], %swap3A_3122 {strides = array<i32>} : memref<32xi32, #tpu.memory_space<vmem>>, vector<16xi32>,
    %dma_start3A_3123 = arith.constant 0 : i32
    %dma_start3A_3124 = arith.constant 0 : i32
    %dma_start3A_3125 = arith.constant 0 : i32
    %dma_start3A_3126 = tpu.memref_slice %arg2[%dma_start3A_3123, %dma_start3A_3124, %dma_start3A_3125] : memref<32768x8x128xf32, #tpu.memory_space<hbm>> -> memref<32768x8x128xf32, #tpu.memory_space<hbm>>
    tpu.enqueue_indirect_dma source(%dma_start3A_3126 : memref<32768x8x128xf32, #tpu.memory_space<hbm>>) target(%arg13 : memref<32x8x128xf32, #tpu.memory_space<vmem>>) offsets(%arg10 : memref<32xi32, #tpu.memory_space<vmem>>) semaphore(%arg16 : memref<!tpu.dma_semaphore, #tpu.memory_space<semaphore_mem>>)
    %dma_wait3A_3127 = arith.constant 0 : i32
    %dma_wait3A_3128 = arith.constant 0 : i32
    %dma_wait3A_3129 = arith.constant 0 : i32
    %dma_wait3A_3130 = tpu.memref_slice %arg2[%dma_wait3A_3127, %dma_wait3A_3128, %dma_wait3A_3129] : memref<32768x8x128xf32, #tpu.memory_space<hbm>> -> memref<32768x8x128xf32, #tpu.memory_space<hbm>>
    tpu.wait_indirect_dma semaphore(%arg17 : memref<!tpu.dma_semaphore, #tpu.memory_space<semaphore_mem>>) src(%dma_wait3A_3130 : memref<32768x8x128xf32, #tpu.memory_space<hbm>>) dst(%arg14 : memref<32x8x128xf32, #tpu.memory_space<vmem>>)
    %add3A_3131 = arith.constant 704 : i32
    %add3A_3132 = arith.addi %mul3A_18, %add3A_3131 : i32
    %dma_start3A_3133 = arith.constant 0 : i32
    %dma_start3A_3134 = arith.constant 0 : i32
    %dma_start3A_3135 = tpu.memref_slice %arg6[%add3A_3132, %dma_start3A_3133, %dma_start3A_3134] : memref<32768x8x128xf32, #tpu.memory_space<hbm>> -> memref<32x8x128xf32, #tpu.memory_space<hbm>>
    %dma_start3A_3136 = arith.constant 0 : i32
    %dma_start3A_3137 = arith.constant 0 : i32
    %dma_start3A_3138 = tpu.memref_slice %arg6[%add3A_3132, %dma_start3A_3136, %dma_start3A_3137] : memref<32768x8x128xf32, #tpu.memory_space<hbm>> -> memref<32x8x128xf32, #tpu.memory_space<hbm>>
    tpu.enqueue_dma source(%arg14 : memref<32x8x128xf32, #tpu.memory_space<vmem>>) target(%dma_start3A_3138 : memref<32x8x128xf32, #tpu.memory_space<hbm>>) target_semaphore(%arg20 : memref<!tpu.dma_semaphore, #tpu.memory_space<semaphore_mem>>)
    %dma_wait3A_3139 = arith.constant 0 : i32
    %dma_wait3A_3140 = arith.constant 0 : i32
    %dma_wait3A_3141 = tpu.memref_slice %arg6[%add3A_3132, %dma_wait3A_3139, %dma_wait3A_3140] : memref<32768x8x128xf32, #tpu.memory_space<hbm>> -> memref<32x8x128xf32, #tpu.memory_space<hbm>>
    %dma_wait3A_3142 = arith.constant 0 : i32
    %dma_wait3A_3143 = arith.constant 0 : i32
    %dma_wait3A_3144 = tpu.memref_slice %arg6[%add3A_3132, %dma_wait3A_3142, %dma_wait3A_3143] : memref<32768x8x128xf32, #tpu.memory_space<hbm>> -> memref<32x8x128xf32, #tpu.memory_space<hbm>>
    tpu.wait_dma2 semaphore(%arg20 : memref<!tpu.dma_semaphore, #tpu.memory_space<semaphore_mem>>) src(%arg14 : memref<32x8x128xf32, #tpu.memory_space<vmem>>) dst(%dma_wait3A_3144 : memref<32x8x128xf32, #tpu.memory_space<hbm>>)
    %add3A_3145 = arith.constant 800 : i32
    %add3A_3146 = arith.addi %mul3A_18, %add3A_3145 : i32
    %add3A_3147 = arith.constant 0 : i32
    %add3A_3148 = arith.addi %add3A_3146, %add3A_3147 : i32
    %add3A_3149 = vector.broadcast %add3A_3148 : i32 to vector<16xi32>
    %add3A_3150 = arith.addi %add3A_3149, %iota3A : vector<16xi32>
    %and3A_3151 = arith.constant 15 : i32
    %and3A_3152 = vector.broadcast %and3A_3151 : i32 to vector<16xi32>
    %and3A_3153 = arith.andi %add3A_3150, %and3A_3152 : vector<16xi32>
    %shift_right_arithmetic3A_3154 = arith.constant 4 : i32
    %shift_right_arithmetic3A_3155 = vector.broadcast %shift_right_arithmetic3A_3154 : i32 to vector<16xi32>
    %shift_right_arithmetic3A_3156 = arith.shrsi %add3A_3150, %shift_right_arithmetic3A_3155 : vector<16xi32>
    %and3A_3157 = arith.constant 1 : i32
    %and3A_3158 = vector.broadcast %and3A_3157 : i32 to vector<16xi32>
    %and3A_3159 = arith.andi %shift_right_arithmetic3A_3156, %and3A_3158 : vector<16xi32>
    %shift_right_arithmetic3A_3160 = arith.constant 5 : i32
    %shift_right_arithmetic3A_3161 = vector.broadcast %shift_right_arithmetic3A_3160 : i32 to vector<16xi32>
    %shift_right_arithmetic3A_3162 = arith.shrsi %add3A_3150, %shift_right_arithmetic3A_3161 : vector<16xi32>
    %and3A_3163 = arith.constant 127 : i32
    %and3A_3164 = vector.broadcast %and3A_3163 : i32 to vector<16xi32>
    %and3A_3165 = arith.andi %shift_right_arithmetic3A_3162, %and3A_3164 : vector<16xi32>
    %mul3A_3166 = arith.constant 16 : i32
    %mul3A_3167 = vector.broadcast %mul3A_3166 : i32 to vector<16xi32>
    %mul3A_3168 = arith.muli %and3A_3165, %mul3A_3167 : vector<16xi32>
    %add3A_3169 = arith.addi %mul3A_3168, %and3A_3153 : vector<16xi32>
    %ge3A_3170 = arith.cmpi sge, %add3A_3169, %gather3A_37 : vector<16xi32>
    %lt3A_3171 = arith.cmpi slt, %add3A_3169, %sub3A_31 : vector<16xi32>
    %and3A_3172 = arith.andi %ge3A_3170, %lt3A_3171 : vector<16xi1>
    %add3A_3173 = arith.addi %add3A_3169, %gather3A_24 : vector<16xi32>
    %select_n3A_3174 = arith.select %and3A_3172, %add3A_3173, %add3A_3169 : vector<16xi1>, vector<16xi32>
    %mul3A_3175 = arith.constant 4096 : i32
    %mul3A_3176 = arith.muli %select_n3A, %mul3A_3175 : i32
    %shift_right_arithmetic3A_3177 = arith.constant 4 : i32
    %shift_right_arithmetic3A_3178 = vector.broadcast %shift_right_arithmetic3A_3177 : i32 to vector<16xi32>
    %shift_right_arithmetic3A_3179 = arith.shrsi %select_n3A_3174, %shift_right_arithmetic3A_3178 : vector<16xi32>
    %shift_left3A_3180 = arith.constant 5 : i32
    %shift_left3A_3181 = vector.broadcast %shift_left3A_3180 : i32 to vector<16xi32>
    %shift_left3A_3182 = arith.shli %shift_right_arithmetic3A_3179, %shift_left3A_3181 : vector<16xi32>
    %add3A_3183 = vector.broadcast %mul3A_3176 : i32 to vector<16xi32>
    %add3A_3184 = arith.addi %add3A_3183, %shift_left3A_3182 : vector<16xi32>
    %shift_left3A_3185 = arith.constant 4 : i32
    %shift_left3A_3186 = vector.broadcast %shift_left3A_3185 : i32 to vector<16xi32>
    %shift_left3A_3187 = arith.shli %and3A_3159, %shift_left3A_3186 : vector<16xi32>
    %add3A_3188 = arith.addi %add3A_3184, %shift_left3A_3187 : vector<16xi32>
    %and3A_3189 = arith.constant 15 : i32
    %and3A_3190 = vector.broadcast %and3A_3189 : i32 to vector<16xi32>
    %and3A_3191 = arith.andi %select_n3A_3174, %and3A_3190 : vector<16xi32>
    %add3A_3192 = arith.addi %add3A_3188, %and3A_3191 : vector<16xi32>
    %swap3A_3193 = arith.constant 0 : index
    %swap3A_3194 = tpu.vector_load %arg11[%swap3A_3193] {strides = array<i32>} : memref<32xi32, #tpu.memory_space<vmem>>, vector<16xi32>,
    %swap3A_3195 = vector.shape_cast %swap3A_3194 : vector<16xi32> to vector<16xi32>
    %swap3A_3196 = vector.shape_cast %add3A_3192 : vector<16xi32> to vector<16xi32>
    tpu.vector_store %arg11[%swap3A_3193], %swap3A_3196 {strides = array<i32>} : memref<32xi32, #tpu.memory_space<vmem>>, vector<16xi32>,
    %add3A_3197 = arith.constant 800 : i32
    %add3A_3198 = arith.addi %mul3A_18, %add3A_3197 : i32
    %add3A_3199 = arith.constant 16 : i32
    %add3A_3200 = arith.addi %add3A_3198, %add3A_3199 : i32
    %add3A_3201 = vector.broadcast %add3A_3200 : i32 to vector<16xi32>
    %add3A_3202 = arith.addi %add3A_3201, %iota3A : vector<16xi32>
    %and3A_3203 = arith.constant 15 : i32
    %and3A_3204 = vector.broadcast %and3A_3203 : i32 to vector<16xi32>
    %and3A_3205 = arith.andi %add3A_3202, %and3A_3204 : vector<16xi32>
    %shift_right_arithmetic3A_3206 = arith.constant 4 : i32
    %shift_right_arithmetic3A_3207 = vector.broadcast %shift_right_arithmetic3A_3206 : i32 to vector<16xi32>
    %shift_right_arithmetic3A_3208 = arith.shrsi %add3A_3202, %shift_right_arithmetic3A_3207 : vector<16xi32>
    %and3A_3209 = arith.constant 1 : i32
    %and3A_3210 = vector.broadcast %and3A_3209 : i32 to vector<16xi32>
    %and3A_3211 = arith.andi %shift_right_arithmetic3A_3208, %and3A_3210 : vector<16xi32>
    %shift_right_arithmetic3A_3212 = arith.constant 5 : i32
    %shift_right_arithmetic3A_3213 = vector.broadcast %shift_right_arithmetic3A_3212 : i32 to vector<16xi32>
    %shift_right_arithmetic3A_3214 = arith.shrsi %add3A_3202, %shift_right_arithmetic3A_3213 : vector<16xi32>
    %and3A_3215 = arith.constant 127 : i32
    %and3A_3216 = vector.broadcast %and3A_3215 : i32 to vector<16xi32>
    %and3A_3217 = arith.andi %shift_right_arithmetic3A_3214, %and3A_3216 : vector<16xi32>
    %mul3A_3218 = arith.constant 16 : i32
    %mul3A_3219 = vector.broadcast %mul3A_3218 : i32 to vector<16xi32>
    %mul3A_3220 = arith.muli %and3A_3217, %mul3A_3219 : vector<16xi32>
    %add3A_3221 = arith.addi %mul3A_3220, %and3A_3205 : vector<16xi32>
    %ge3A_3222 = arith.cmpi sge, %add3A_3221, %gather3A_37 : vector<16xi32>
    %lt3A_3223 = arith.cmpi slt, %add3A_3221, %sub3A_31 : vector<16xi32>
    %and3A_3224 = arith.andi %ge3A_3222, %lt3A_3223 : vector<16xi1>
    %add3A_3225 = arith.addi %add3A_3221, %gather3A_24 : vector<16xi32>
    %select_n3A_3226 = arith.select %and3A_3224, %add3A_3225, %add3A_3221 : vector<16xi1>, vector<16xi32>
    %mul3A_3227 = arith.constant 4096 : i32
    %mul3A_3228 = arith.muli %select_n3A, %mul3A_3227 : i32
    %shift_right_arithmetic3A_3229 = arith.constant 4 : i32
    %shift_right_arithmetic3A_3230 = vector.broadcast %shift_right_arithmetic3A_3229 : i32 to vector<16xi32>
    %shift_right_arithmetic3A_3231 = arith.shrsi %select_n3A_3226, %shift_right_arithmetic3A_3230 : vector<16xi32>
    %shift_left3A_3232 = arith.constant 5 : i32
    %shift_left3A_3233 = vector.broadcast %shift_left3A_3232 : i32 to vector<16xi32>
    %shift_left3A_3234 = arith.shli %shift_right_arithmetic3A_3231, %shift_left3A_3233 : vector<16xi32>
    %add3A_3235 = vector.broadcast %mul3A_3228 : i32 to vector<16xi32>
    %add3A_3236 = arith.addi %add3A_3235, %shift_left3A_3234 : vector<16xi32>
    %shift_left3A_3237 = arith.constant 4 : i32
    %shift_left3A_3238 = vector.broadcast %shift_left3A_3237 : i32 to vector<16xi32>
    %shift_left3A_3239 = arith.shli %and3A_3211, %shift_left3A_3238 : vector<16xi32>
    %add3A_3240 = arith.addi %add3A_3236, %shift_left3A_3239 : vector<16xi32>
    %and3A_3241 = arith.constant 15 : i32
    %and3A_3242 = vector.broadcast %and3A_3241 : i32 to vector<16xi32>
    %and3A_3243 = arith.andi %select_n3A_3226, %and3A_3242 : vector<16xi32>
    %add3A_3244 = arith.addi %add3A_3240, %and3A_3243 : vector<16xi32>
    %swap3A_3245 = arith.constant 16 : index
    %swap3A_3246 = tpu.vector_load %arg11[%swap3A_3245] {strides = array<i32>} : memref<32xi32, #tpu.memory_space<vmem>>, vector<16xi32>,
    %swap3A_3247 = vector.shape_cast %swap3A_3246 : vector<16xi32> to vector<16xi32>
    %swap3A_3248 = vector.shape_cast %add3A_3244 : vector<16xi32> to vector<16xi32>
    tpu.vector_store %arg11[%swap3A_3245], %swap3A_3248 {strides = array<i32>} : memref<32xi32, #tpu.memory_space<vmem>>, vector<16xi32>,
    %dma_start3A_3249 = arith.constant 0 : i32
    %dma_start3A_3250 = arith.constant 0 : i32
    %dma_start3A_3251 = arith.constant 0 : i32
    %dma_start3A_3252 = tpu.memref_slice %arg2[%dma_start3A_3249, %dma_start3A_3250, %dma_start3A_3251] : memref<32768x8x128xf32, #tpu.memory_space<hbm>> -> memref<32768x8x128xf32, #tpu.memory_space<hbm>>
    tpu.enqueue_indirect_dma source(%dma_start3A_3252 : memref<32768x8x128xf32, #tpu.memory_space<hbm>>) target(%arg14 : memref<32x8x128xf32, #tpu.memory_space<vmem>>) offsets(%arg11 : memref<32xi32, #tpu.memory_space<vmem>>) semaphore(%arg17 : memref<!tpu.dma_semaphore, #tpu.memory_space<semaphore_mem>>)
    %dma_wait3A_3253 = arith.constant 0 : i32
    %dma_wait3A_3254 = arith.constant 0 : i32
    %dma_wait3A_3255 = arith.constant 0 : i32
    %dma_wait3A_3256 = tpu.memref_slice %arg2[%dma_wait3A_3253, %dma_wait3A_3254, %dma_wait3A_3255] : memref<32768x8x128xf32, #tpu.memory_space<hbm>> -> memref<32768x8x128xf32, #tpu.memory_space<hbm>>
    tpu.wait_indirect_dma semaphore(%arg18 : memref<!tpu.dma_semaphore, #tpu.memory_space<semaphore_mem>>) src(%dma_wait3A_3256 : memref<32768x8x128xf32, #tpu.memory_space<hbm>>) dst(%arg15 : memref<32x8x128xf32, #tpu.memory_space<vmem>>)
    %add3A_3257 = arith.constant 736 : i32
    %add3A_3258 = arith.addi %mul3A_18, %add3A_3257 : i32
    %dma_start3A_3259 = arith.constant 0 : i32
    %dma_start3A_3260 = arith.constant 0 : i32
    %dma_start3A_3261 = tpu.memref_slice %arg6[%add3A_3258, %dma_start3A_3259, %dma_start3A_3260] : memref<32768x8x128xf32, #tpu.memory_space<hbm>> -> memref<32x8x128xf32, #tpu.memory_space<hbm>>
    %dma_start3A_3262 = arith.constant 0 : i32
    %dma_start3A_3263 = arith.constant 0 : i32
    %dma_start3A_3264 = tpu.memref_slice %arg6[%add3A_3258, %dma_start3A_3262, %dma_start3A_3263] : memref<32768x8x128xf32, #tpu.memory_space<hbm>> -> memref<32x8x128xf32, #tpu.memory_space<hbm>>
    tpu.enqueue_dma source(%arg15 : memref<32x8x128xf32, #tpu.memory_space<vmem>>) target(%dma_start3A_3264 : memref<32x8x128xf32, #tpu.memory_space<hbm>>) target_semaphore(%arg21 : memref<!tpu.dma_semaphore, #tpu.memory_space<semaphore_mem>>)
    %dma_wait3A_3265 = arith.constant 0 : i32
    %dma_wait3A_3266 = arith.constant 0 : i32
    %dma_wait3A_3267 = tpu.memref_slice %arg6[%add3A_3258, %dma_wait3A_3265, %dma_wait3A_3266] : memref<32768x8x128xf32, #tpu.memory_space<hbm>> -> memref<32x8x128xf32, #tpu.memory_space<hbm>>
    %dma_wait3A_3268 = arith.constant 0 : i32
    %dma_wait3A_3269 = arith.constant 0 : i32
    %dma_wait3A_3270 = tpu.memref_slice %arg6[%add3A_3258, %dma_wait3A_3268, %dma_wait3A_3269] : memref<32768x8x128xf32, #tpu.memory_space<hbm>> -> memref<32x8x128xf32, #tpu.memory_space<hbm>>
    tpu.wait_dma2 semaphore(%arg21 : memref<!tpu.dma_semaphore, #tpu.memory_space<semaphore_mem>>) src(%arg15 : memref<32x8x128xf32, #tpu.memory_space<vmem>>) dst(%dma_wait3A_3270 : memref<32x8x128xf32, #tpu.memory_space<hbm>>)
    %add3A_3271 = arith.constant 832 : i32
    %add3A_3272 = arith.addi %mul3A_18, %add3A_3271 : i32
    %add3A_3273 = arith.constant 0 : i32
    %add3A_3274 = arith.addi %add3A_3272, %add3A_3273 : i32
    %add3A_3275 = vector.broadcast %add3A_3274 : i32 to vector<16xi32>
    %add3A_3276 = arith.addi %add3A_3275, %iota3A : vector<16xi32>
    %and3A_3277 = arith.constant 15 : i32
    %and3A_3278 = vector.broadcast %and3A_3277 : i32 to vector<16xi32>
    %and3A_3279 = arith.andi %add3A_3276, %and3A_3278 : vector<16xi32>
    %shift_right_arithmetic3A_3280 = arith.constant 4 : i32
    %shift_right_arithmetic3A_3281 = vector.broadcast %shift_right_arithmetic3A_3280 : i32 to vector<16xi32>
    %shift_right_arithmetic3A_3282 = arith.shrsi %add3A_3276, %shift_right_arithmetic3A_3281 : vector<16xi32>
    %and3A_3283 = arith.constant 1 : i32
    %and3A_3284 = vector.broadcast %and3A_3283 : i32 to vector<16xi32>
    %and3A_3285 = arith.andi %shift_right_arithmetic3A_3282, %and3A_3284 : vector<16xi32>
    %shift_right_arithmetic3A_3286 = arith.constant 5 : i32
    %shift_right_arithmetic3A_3287 = vector.broadcast %shift_right_arithmetic3A_3286 : i32 to vector<16xi32>
    %shift_right_arithmetic3A_3288 = arith.shrsi %add3A_3276, %shift_right_arithmetic3A_3287 : vector<16xi32>
    %and3A_3289 = arith.constant 127 : i32
    %and3A_3290 = vector.broadcast %and3A_3289 : i32 to vector<16xi32>
    %and3A_3291 = arith.andi %shift_right_arithmetic3A_3288, %and3A_3290 : vector<16xi32>
    %mul3A_3292 = arith.constant 16 : i32
    %mul3A_3293 = vector.broadcast %mul3A_3292 : i32 to vector<16xi32>
    %mul3A_3294 = arith.muli %and3A_3291, %mul3A_3293 : vector<16xi32>
    %add3A_3295 = arith.addi %mul3A_3294, %and3A_3279 : vector<16xi32>
    %ge3A_3296 = arith.cmpi sge, %add3A_3295, %gather3A_37 : vector<16xi32>
    %lt3A_3297 = arith.cmpi slt, %add3A_3295, %sub3A_31 : vector<16xi32>
    %and3A_3298 = arith.andi %ge3A_3296, %lt3A_3297 : vector<16xi1>
    %add3A_3299 = arith.addi %add3A_3295, %gather3A_24 : vector<16xi32>
    %select_n3A_3300 = arith.select %and3A_3298, %add3A_3299, %add3A_3295 : vector<16xi1>, vector<16xi32>
    %mul3A_3301 = arith.constant 4096 : i32
    %mul3A_3302 = arith.muli %select_n3A, %mul3A_3301 : i32
    %shift_right_arithmetic3A_3303 = arith.constant 4 : i32
    %shift_right_arithmetic3A_3304 = vector.broadcast %shift_right_arithmetic3A_3303 : i32 to vector<16xi32>
    %shift_right_arithmetic3A_3305 = arith.shrsi %select_n3A_3300, %shift_right_arithmetic3A_3304 : vector<16xi32>
    %shift_left3A_3306 = arith.constant 5 : i32
    %shift_left3A_3307 = vector.broadcast %shift_left3A_3306 : i32 to vector<16xi32>
    %shift_left3A_3308 = arith.shli %shift_right_arithmetic3A_3305, %shift_left3A_3307 : vector<16xi32>
    %add3A_3309 = vector.broadcast %mul3A_3302 : i32 to vector<16xi32>
    %add3A_3310 = arith.addi %add3A_3309, %shift_left3A_3308 : vector<16xi32>
    %shift_left3A_3311 = arith.constant 4 : i32
    %shift_left3A_3312 = vector.broadcast %shift_left3A_3311 : i32 to vector<16xi32>
    %shift_left3A_3313 = arith.shli %and3A_3285, %shift_left3A_3312 : vector<16xi32>
    %add3A_3314 = arith.addi %add3A_3310, %shift_left3A_3313 : vector<16xi32>
    %and3A_3315 = arith.constant 15 : i32
    %and3A_3316 = vector.broadcast %and3A_3315 : i32 to vector<16xi32>
    %and3A_3317 = arith.andi %select_n3A_3300, %and3A_3316 : vector<16xi32>
    %add3A_3318 = arith.addi %add3A_3314, %and3A_3317 : vector<16xi32>
    %swap3A_3319 = arith.constant 0 : index
    %swap3A_3320 = tpu.vector_load %arg12[%swap3A_3319] {strides = array<i32>} : memref<32xi32, #tpu.memory_space<vmem>>, vector<16xi32>,
    %swap3A_3321 = vector.shape_cast %swap3A_3320 : vector<16xi32> to vector<16xi32>
    %swap3A_3322 = vector.shape_cast %add3A_3318 : vector<16xi32> to vector<16xi32>
    tpu.vector_store %arg12[%swap3A_3319], %swap3A_3322 {strides = array<i32>} : memref<32xi32, #tpu.memory_space<vmem>>, vector<16xi32>,
    %add3A_3323 = arith.constant 832 : i32
    %add3A_3324 = arith.addi %mul3A_18, %add3A_3323 : i32
    %add3A_3325 = arith.constant 16 : i32
    %add3A_3326 = arith.addi %add3A_3324, %add3A_3325 : i32
    %add3A_3327 = vector.broadcast %add3A_3326 : i32 to vector<16xi32>
    %add3A_3328 = arith.addi %add3A_3327, %iota3A : vector<16xi32>
    %and3A_3329 = arith.constant 15 : i32
    %and3A_3330 = vector.broadcast %and3A_3329 : i32 to vector<16xi32>
    %and3A_3331 = arith.andi %add3A_3328, %and3A_3330 : vector<16xi32>
    %shift_right_arithmetic3A_3332 = arith.constant 4 : i32
    %shift_right_arithmetic3A_3333 = vector.broadcast %shift_right_arithmetic3A_3332 : i32 to vector<16xi32>
    %shift_right_arithmetic3A_3334 = arith.shrsi %add3A_3328, %shift_right_arithmetic3A_3333 : vector<16xi32>
    %and3A_3335 = arith.constant 1 : i32
    %and3A_3336 = vector.broadcast %and3A_3335 : i32 to vector<16xi32>
    %and3A_3337 = arith.andi %shift_right_arithmetic3A_3334, %and3A_3336 : vector<16xi32>
    %shift_right_arithmetic3A_3338 = arith.constant 5 : i32
    %shift_right_arithmetic3A_3339 = vector.broadcast %shift_right_arithmetic3A_3338 : i32 to vector<16xi32>
    %shift_right_arithmetic3A_3340 = arith.shrsi %add3A_3328, %shift_right_arithmetic3A_3339 : vector<16xi32>
    %and3A_3341 = arith.constant 127 : i32
    %and3A_3342 = vector.broadcast %and3A_3341 : i32 to vector<16xi32>
    %and3A_3343 = arith.andi %shift_right_arithmetic3A_3340, %and3A_3342 : vector<16xi32>
    %mul3A_3344 = arith.constant 16 : i32
    %mul3A_3345 = vector.broadcast %mul3A_3344 : i32 to vector<16xi32>
    %mul3A_3346 = arith.muli %and3A_3343, %mul3A_3345 : vector<16xi32>
    %add3A_3347 = arith.addi %mul3A_3346, %and3A_3331 : vector<16xi32>
    %ge3A_3348 = arith.cmpi sge, %add3A_3347, %gather3A_37 : vector<16xi32>
    %lt3A_3349 = arith.cmpi slt, %add3A_3347, %sub3A_31 : vector<16xi32>
    %and3A_3350 = arith.andi %ge3A_3348, %lt3A_3349 : vector<16xi1>
    %add3A_3351 = arith.addi %add3A_3347, %gather3A_24 : vector<16xi32>
    %select_n3A_3352 = arith.select %and3A_3350, %add3A_3351, %add3A_3347 : vector<16xi1>, vector<16xi32>
    %mul3A_3353 = arith.constant 4096 : i32
    %mul3A_3354 = arith.muli %select_n3A, %mul3A_3353 : i32
    %shift_right_arithmetic3A_3355 = arith.constant 4 : i32
    %shift_right_arithmetic3A_3356 = vector.broadcast %shift_right_arithmetic3A_3355 : i32 to vector<16xi32>
    %shift_right_arithmetic3A_3357 = arith.shrsi %select_n3A_3352, %shift_right_arithmetic3A_3356 : vector<16xi32>
    %shift_left3A_3358 = arith.constant 5 : i32
    %shift_left3A_3359 = vector.broadcast %shift_left3A_3358 : i32 to vector<16xi32>
    %shift_left3A_3360 = arith.shli %shift_right_arithmetic3A_3357, %shift_left3A_3359 : vector<16xi32>
    %add3A_3361 = vector.broadcast %mul3A_3354 : i32 to vector<16xi32>
    %add3A_3362 = arith.addi %add3A_3361, %shift_left3A_3360 : vector<16xi32>
    %shift_left3A_3363 = arith.constant 4 : i32
    %shift_left3A_3364 = vector.broadcast %shift_left3A_3363 : i32 to vector<16xi32>
    %shift_left3A_3365 = arith.shli %and3A_3337, %shift_left3A_3364 : vector<16xi32>
    %add3A_3366 = arith.addi %add3A_3362, %shift_left3A_3365 : vector<16xi32>
    %and3A_3367 = arith.constant 15 : i32
    %and3A_3368 = vector.broadcast %and3A_3367 : i32 to vector<16xi32>
    %and3A_3369 = arith.andi %select_n3A_3352, %and3A_3368 : vector<16xi32>
    %add3A_3370 = arith.addi %add3A_3366, %and3A_3369 : vector<16xi32>
    %swap3A_3371 = arith.constant 16 : index
    %swap3A_3372 = tpu.vector_load %arg12[%swap3A_3371] {strides = array<i32>} : memref<32xi32, #tpu.memory_space<vmem>>, vector<16xi32>,
    %swap3A_3373 = vector.shape_cast %swap3A_3372 : vector<16xi32> to vector<16xi32>
    %swap3A_3374 = vector.shape_cast %add3A_3370 : vector<16xi32> to vector<16xi32>
    tpu.vector_store %arg12[%swap3A_3371], %swap3A_3374 {strides = array<i32>} : memref<32xi32, #tpu.memory_space<vmem>>, vector<16xi32>,
    %dma_start3A_3375 = arith.constant 0 : i32
    %dma_start3A_3376 = arith.constant 0 : i32
    %dma_start3A_3377 = arith.constant 0 : i32
    %dma_start3A_3378 = tpu.memref_slice %arg2[%dma_start3A_3375, %dma_start3A_3376, %dma_start3A_3377] : memref<32768x8x128xf32, #tpu.memory_space<hbm>> -> memref<32768x8x128xf32, #tpu.memory_space<hbm>>
    tpu.enqueue_indirect_dma source(%dma_start3A_3378 : memref<32768x8x128xf32, #tpu.memory_space<hbm>>) target(%arg15 : memref<32x8x128xf32, #tpu.memory_space<vmem>>) offsets(%arg12 : memref<32xi32, #tpu.memory_space<vmem>>) semaphore(%arg18 : memref<!tpu.dma_semaphore, #tpu.memory_space<semaphore_mem>>)
    %dma_wait3A_3379 = arith.constant 0 : i32
    %dma_wait3A_3380 = arith.constant 0 : i32
    %dma_wait3A_3381 = arith.constant 0 : i32
    %dma_wait3A_3382 = tpu.memref_slice %arg2[%dma_wait3A_3379, %dma_wait3A_3380, %dma_wait3A_3381] : memref<32768x8x128xf32, #tpu.memory_space<hbm>> -> memref<32768x8x128xf32, #tpu.memory_space<hbm>>
    tpu.wait_indirect_dma semaphore(%arg16 : memref<!tpu.dma_semaphore, #tpu.memory_space<semaphore_mem>>) src(%dma_wait3A_3382 : memref<32768x8x128xf32, #tpu.memory_space<hbm>>) dst(%arg13 : memref<32x8x128xf32, #tpu.memory_space<vmem>>)
    %add3A_3383 = arith.constant 768 : i32
    %add3A_3384 = arith.addi %mul3A_18, %add3A_3383 : i32
    %dma_start3A_3385 = arith.constant 0 : i32
    %dma_start3A_3386 = arith.constant 0 : i32
    %dma_start3A_3387 = tpu.memref_slice %arg6[%add3A_3384, %dma_start3A_3385, %dma_start3A_3386] : memref<32768x8x128xf32, #tpu.memory_space<hbm>> -> memref<32x8x128xf32, #tpu.memory_space<hbm>>
    %dma_start3A_3388 = arith.constant 0 : i32
    %dma_start3A_3389 = arith.constant 0 : i32
    %dma_start3A_3390 = tpu.memref_slice %arg6[%add3A_3384, %dma_start3A_3388, %dma_start3A_3389] : memref<32768x8x128xf32, #tpu.memory_space<hbm>> -> memref<32x8x128xf32, #tpu.memory_space<hbm>>
    tpu.enqueue_dma source(%arg13 : memref<32x8x128xf32, #tpu.memory_space<vmem>>) target(%dma_start3A_3390 : memref<32x8x128xf32, #tpu.memory_space<hbm>>) target_semaphore(%arg19 : memref<!tpu.dma_semaphore, #tpu.memory_space<semaphore_mem>>)
    %dma_wait3A_3391 = arith.constant 0 : i32
    %dma_wait3A_3392 = arith.constant 0 : i32
    %dma_wait3A_3393 = tpu.memref_slice %arg6[%add3A_3384, %dma_wait3A_3391, %dma_wait3A_3392] : memref<32768x8x128xf32, #tpu.memory_space<hbm>> -> memref<32x8x128xf32, #tpu.memory_space<hbm>>
    %dma_wait3A_3394 = arith.constant 0 : i32
    %dma_wait3A_3395 = arith.constant 0 : i32
    %dma_wait3A_3396 = tpu.memref_slice %arg6[%add3A_3384, %dma_wait3A_3394, %dma_wait3A_3395] : memref<32768x8x128xf32, #tpu.memory_space<hbm>> -> memref<32x8x128xf32, #tpu.memory_space<hbm>>
    tpu.wait_dma2 semaphore(%arg19 : memref<!tpu.dma_semaphore, #tpu.memory_space<semaphore_mem>>) src(%arg13 : memref<32x8x128xf32, #tpu.memory_space<vmem>>) dst(%dma_wait3A_3396 : memref<32x8x128xf32, #tpu.memory_space<hbm>>)
    %add3A_3397 = arith.constant 864 : i32
    %add3A_3398 = arith.addi %mul3A_18, %add3A_3397 : i32
    %add3A_3399 = arith.constant 0 : i32
    %add3A_3400 = arith.addi %add3A_3398, %add3A_3399 : i32
    %add3A_3401 = vector.broadcast %add3A_3400 : i32 to vector<16xi32>
    %add3A_3402 = arith.addi %add3A_3401, %iota3A : vector<16xi32>
    %and3A_3403 = arith.constant 15 : i32
    %and3A_3404 = vector.broadcast %and3A_3403 : i32 to vector<16xi32>
    %and3A_3405 = arith.andi %add3A_3402, %and3A_3404 : vector<16xi32>
    %shift_right_arithmetic3A_3406 = arith.constant 4 : i32
    %shift_right_arithmetic3A_3407 = vector.broadcast %shift_right_arithmetic3A_3406 : i32 to vector<16xi32>
    %shift_right_arithmetic3A_3408 = arith.shrsi %add3A_3402, %shift_right_arithmetic3A_3407 : vector<16xi32>
    %and3A_3409 = arith.constant 1 : i32
    %and3A_3410 = vector.broadcast %and3A_3409 : i32 to vector<16xi32>
    %and3A_3411 = arith.andi %shift_right_arithmetic3A_3408, %and3A_3410 : vector<16xi32>
    %shift_right_arithmetic3A_3412 = arith.constant 5 : i32
    %shift_right_arithmetic3A_3413 = vector.broadcast %shift_right_arithmetic3A_3412 : i32 to vector<16xi32>
    %shift_right_arithmetic3A_3414 = arith.shrsi %add3A_3402, %shift_right_arithmetic3A_3413 : vector<16xi32>
    %and3A_3415 = arith.constant 127 : i32
    %and3A_3416 = vector.broadcast %and3A_3415 : i32 to vector<16xi32>
    %and3A_3417 = arith.andi %shift_right_arithmetic3A_3414, %and3A_3416 : vector<16xi32>
    %mul3A_3418 = arith.constant 16 : i32
    %mul3A_3419 = vector.broadcast %mul3A_3418 : i32 to vector<16xi32>
    %mul3A_3420 = arith.muli %and3A_3417, %mul3A_3419 : vector<16xi32>
    %add3A_3421 = arith.addi %mul3A_3420, %and3A_3405 : vector<16xi32>
    %ge3A_3422 = arith.cmpi sge, %add3A_3421, %gather3A_37 : vector<16xi32>
    %lt3A_3423 = arith.cmpi slt, %add3A_3421, %sub3A_31 : vector<16xi32>
    %and3A_3424 = arith.andi %ge3A_3422, %lt3A_3423 : vector<16xi1>
    %add3A_3425 = arith.addi %add3A_3421, %gather3A_24 : vector<16xi32>
    %select_n3A_3426 = arith.select %and3A_3424, %add3A_3425, %add3A_3421 : vector<16xi1>, vector<16xi32>
    %mul3A_3427 = arith.constant 4096 : i32
    %mul3A_3428 = arith.muli %select_n3A, %mul3A_3427 : i32
    %shift_right_arithmetic3A_3429 = arith.constant 4 : i32
    %shift_right_arithmetic3A_3430 = vector.broadcast %shift_right_arithmetic3A_3429 : i32 to vector<16xi32>
    %shift_right_arithmetic3A_3431 = arith.shrsi %select_n3A_3426, %shift_right_arithmetic3A_3430 : vector<16xi32>
    %shift_left3A_3432 = arith.constant 5 : i32
    %shift_left3A_3433 = vector.broadcast %shift_left3A_3432 : i32 to vector<16xi32>
    %shift_left3A_3434 = arith.shli %shift_right_arithmetic3A_3431, %shift_left3A_3433 : vector<16xi32>
    %add3A_3435 = vector.broadcast %mul3A_3428 : i32 to vector<16xi32>
    %add3A_3436 = arith.addi %add3A_3435, %shift_left3A_3434 : vector<16xi32>
    %shift_left3A_3437 = arith.constant 4 : i32
    %shift_left3A_3438 = vector.broadcast %shift_left3A_3437 : i32 to vector<16xi32>
    %shift_left3A_3439 = arith.shli %and3A_3411, %shift_left3A_3438 : vector<16xi32>
    %add3A_3440 = arith.addi %add3A_3436, %shift_left3A_3439 : vector<16xi32>
    %and3A_3441 = arith.constant 15 : i32
    %and3A_3442 = vector.broadcast %and3A_3441 : i32 to vector<16xi32>
    %and3A_3443 = arith.andi %select_n3A_3426, %and3A_3442 : vector<16xi32>
    %add3A_3444 = arith.addi %add3A_3440, %and3A_3443 : vector<16xi32>
    %swap3A_3445 = arith.constant 0 : index
    %swap3A_3446 = tpu.vector_load %arg10[%swap3A_3445] {strides = array<i32>} : memref<32xi32, #tpu.memory_space<vmem>>, vector<16xi32>,
    %swap3A_3447 = vector.shape_cast %swap3A_3446 : vector<16xi32> to vector<16xi32>
    %swap3A_3448 = vector.shape_cast %add3A_3444 : vector<16xi32> to vector<16xi32>
    tpu.vector_store %arg10[%swap3A_3445], %swap3A_3448 {strides = array<i32>} : memref<32xi32, #tpu.memory_space<vmem>>, vector<16xi32>,
    %add3A_3449 = arith.constant 864 : i32
    %add3A_3450 = arith.addi %mul3A_18, %add3A_3449 : i32
    %add3A_3451 = arith.constant 16 : i32
    %add3A_3452 = arith.addi %add3A_3450, %add3A_3451 : i32
    %add3A_3453 = vector.broadcast %add3A_3452 : i32 to vector<16xi32>
    %add3A_3454 = arith.addi %add3A_3453, %iota3A : vector<16xi32>
    %and3A_3455 = arith.constant 15 : i32
    %and3A_3456 = vector.broadcast %and3A_3455 : i32 to vector<16xi32>
    %and3A_3457 = arith.andi %add3A_3454, %and3A_3456 : vector<16xi32>
    %shift_right_arithmetic3A_3458 = arith.constant 4 : i32
    %shift_right_arithmetic3A_3459 = vector.broadcast %shift_right_arithmetic3A_3458 : i32 to vector<16xi32>
    %shift_right_arithmetic3A_3460 = arith.shrsi %add3A_3454, %shift_right_arithmetic3A_3459 : vector<16xi32>
    %and3A_3461 = arith.constant 1 : i32
    %and3A_3462 = vector.broadcast %and3A_3461 : i32 to vector<16xi32>
    %and3A_3463 = arith.andi %shift_right_arithmetic3A_3460, %and3A_3462 : vector<16xi32>
    %shift_right_arithmetic3A_3464 = arith.constant 5 : i32
    %shift_right_arithmetic3A_3465 = vector.broadcast %shift_right_arithmetic3A_3464 : i32 to vector<16xi32>
    %shift_right_arithmetic3A_3466 = arith.shrsi %add3A_3454, %shift_right_arithmetic3A_3465 : vector<16xi32>
    %and3A_3467 = arith.constant 127 : i32
    %and3A_3468 = vector.broadcast %and3A_3467 : i32 to vector<16xi32>
    %and3A_3469 = arith.andi %shift_right_arithmetic3A_3466, %and3A_3468 : vector<16xi32>
    %mul3A_3470 = arith.constant 16 : i32
    %mul3A_3471 = vector.broadcast %mul3A_3470 : i32 to vector<16xi32>
    %mul3A_3472 = arith.muli %and3A_3469, %mul3A_3471 : vector<16xi32>
    %add3A_3473 = arith.addi %mul3A_3472, %and3A_3457 : vector<16xi32>
    %ge3A_3474 = arith.cmpi sge, %add3A_3473, %gather3A_37 : vector<16xi32>
    %lt3A_3475 = arith.cmpi slt, %add3A_3473, %sub3A_31 : vector<16xi32>
    %and3A_3476 = arith.andi %ge3A_3474, %lt3A_3475 : vector<16xi1>
    %add3A_3477 = arith.addi %add3A_3473, %gather3A_24 : vector<16xi32>
    %select_n3A_3478 = arith.select %and3A_3476, %add3A_3477, %add3A_3473 : vector<16xi1>, vector<16xi32>
    %mul3A_3479 = arith.constant 4096 : i32
    %mul3A_3480 = arith.muli %select_n3A, %mul3A_3479 : i32
    %shift_right_arithmetic3A_3481 = arith.constant 4 : i32
    %shift_right_arithmetic3A_3482 = vector.broadcast %shift_right_arithmetic3A_3481 : i32 to vector<16xi32>
    %shift_right_arithmetic3A_3483 = arith.shrsi %select_n3A_3478, %shift_right_arithmetic3A_3482 : vector<16xi32>
    %shift_left3A_3484 = arith.constant 5 : i32
    %shift_left3A_3485 = vector.broadcast %shift_left3A_3484 : i32 to vector<16xi32>
    %shift_left3A_3486 = arith.shli %shift_right_arithmetic3A_3483, %shift_left3A_3485 : vector<16xi32>
    %add3A_3487 = vector.broadcast %mul3A_3480 : i32 to vector<16xi32>
    %add3A_3488 = arith.addi %add3A_3487, %shift_left3A_3486 : vector<16xi32>
    %shift_left3A_3489 = arith.constant 4 : i32
    %shift_left3A_3490 = vector.broadcast %shift_left3A_3489 : i32 to vector<16xi32>
    %shift_left3A_3491 = arith.shli %and3A_3463, %shift_left3A_3490 : vector<16xi32>
    %add3A_3492 = arith.addi %add3A_3488, %shift_left3A_3491 : vector<16xi32>
    %and3A_3493 = arith.constant 15 : i32
    %and3A_3494 = vector.broadcast %and3A_3493 : i32 to vector<16xi32>
    %and3A_3495 = arith.andi %select_n3A_3478, %and3A_3494 : vector<16xi32>
    %add3A_3496 = arith.addi %add3A_3492, %and3A_3495 : vector<16xi32>
    %swap3A_3497 = arith.constant 16 : index
    %swap3A_3498 = tpu.vector_load %arg10[%swap3A_3497] {strides = array<i32>} : memref<32xi32, #tpu.memory_space<vmem>>, vector<16xi32>,
    %swap3A_3499 = vector.shape_cast %swap3A_3498 : vector<16xi32> to vector<16xi32>
    %swap3A_3500 = vector.shape_cast %add3A_3496 : vector<16xi32> to vector<16xi32>
    tpu.vector_store %arg10[%swap3A_3497], %swap3A_3500 {strides = array<i32>} : memref<32xi32, #tpu.memory_space<vmem>>, vector<16xi32>,
    %dma_start3A_3501 = arith.constant 0 : i32
    %dma_start3A_3502 = arith.constant 0 : i32
    %dma_start3A_3503 = arith.constant 0 : i32
    %dma_start3A_3504 = tpu.memref_slice %arg2[%dma_start3A_3501, %dma_start3A_3502, %dma_start3A_3503] : memref<32768x8x128xf32, #tpu.memory_space<hbm>> -> memref<32768x8x128xf32, #tpu.memory_space<hbm>>
    tpu.enqueue_indirect_dma source(%dma_start3A_3504 : memref<32768x8x128xf32, #tpu.memory_space<hbm>>) target(%arg13 : memref<32x8x128xf32, #tpu.memory_space<vmem>>) offsets(%arg10 : memref<32xi32, #tpu.memory_space<vmem>>) semaphore(%arg16 : memref<!tpu.dma_semaphore, #tpu.memory_space<semaphore_mem>>)
    %dma_wait3A_3505 = arith.constant 0 : i32
    %dma_wait3A_3506 = arith.constant 0 : i32
    %dma_wait3A_3507 = arith.constant 0 : i32
    %dma_wait3A_3508 = tpu.memref_slice %arg2[%dma_wait3A_3505, %dma_wait3A_3506, %dma_wait3A_3507] : memref<32768x8x128xf32, #tpu.memory_space<hbm>> -> memref<32768x8x128xf32, #tpu.memory_space<hbm>>
    tpu.wait_indirect_dma semaphore(%arg17 : memref<!tpu.dma_semaphore, #tpu.memory_space<semaphore_mem>>) src(%dma_wait3A_3508 : memref<32768x8x128xf32, #tpu.memory_space<hbm>>) dst(%arg14 : memref<32x8x128xf32, #tpu.memory_space<vmem>>)
    %add3A_3509 = arith.constant 800 : i32
    %add3A_3510 = arith.addi %mul3A_18, %add3A_3509 : i32
    %dma_start3A_3511 = arith.constant 0 : i32
    %dma_start3A_3512 = arith.constant 0 : i32
    %dma_start3A_3513 = tpu.memref_slice %arg6[%add3A_3510, %dma_start3A_3511, %dma_start3A_3512] : memref<32768x8x128xf32, #tpu.memory_space<hbm>> -> memref<32x8x128xf32, #tpu.memory_space<hbm>>
    %dma_start3A_3514 = arith.constant 0 : i32
    %dma_start3A_3515 = arith.constant 0 : i32
    %dma_start3A_3516 = tpu.memref_slice %arg6[%add3A_3510, %dma_start3A_3514, %dma_start3A_3515] : memref<32768x8x128xf32, #tpu.memory_space<hbm>> -> memref<32x8x128xf32, #tpu.memory_space<hbm>>
    tpu.enqueue_dma source(%arg14 : memref<32x8x128xf32, #tpu.memory_space<vmem>>) target(%dma_start3A_3516 : memref<32x8x128xf32, #tpu.memory_space<hbm>>) target_semaphore(%arg20 : memref<!tpu.dma_semaphore, #tpu.memory_space<semaphore_mem>>)
    %dma_wait3A_3517 = arith.constant 0 : i32
    %dma_wait3A_3518 = arith.constant 0 : i32
    %dma_wait3A_3519 = tpu.memref_slice %arg6[%add3A_3510, %dma_wait3A_3517, %dma_wait3A_3518] : memref<32768x8x128xf32, #tpu.memory_space<hbm>> -> memref<32x8x128xf32, #tpu.memory_space<hbm>>
    %dma_wait3A_3520 = arith.constant 0 : i32
    %dma_wait3A_3521 = arith.constant 0 : i32
    %dma_wait3A_3522 = tpu.memref_slice %arg6[%add3A_3510, %dma_wait3A_3520, %dma_wait3A_3521] : memref<32768x8x128xf32, #tpu.memory_space<hbm>> -> memref<32x8x128xf32, #tpu.memory_space<hbm>>
    tpu.wait_dma2 semaphore(%arg20 : memref<!tpu.dma_semaphore, #tpu.memory_space<semaphore_mem>>) src(%arg14 : memref<32x8x128xf32, #tpu.memory_space<vmem>>) dst(%dma_wait3A_3522 : memref<32x8x128xf32, #tpu.memory_space<hbm>>)
    %add3A_3523 = arith.constant 896 : i32
    %add3A_3524 = arith.addi %mul3A_18, %add3A_3523 : i32
    %add3A_3525 = arith.constant 0 : i32
    %add3A_3526 = arith.addi %add3A_3524, %add3A_3525 : i32
    %add3A_3527 = vector.broadcast %add3A_3526 : i32 to vector<16xi32>
    %add3A_3528 = arith.addi %add3A_3527, %iota3A : vector<16xi32>
    %and3A_3529 = arith.constant 15 : i32
    %and3A_3530 = vector.broadcast %and3A_3529 : i32 to vector<16xi32>
    %and3A_3531 = arith.andi %add3A_3528, %and3A_3530 : vector<16xi32>
    %shift_right_arithmetic3A_3532 = arith.constant 4 : i32
    %shift_right_arithmetic3A_3533 = vector.broadcast %shift_right_arithmetic3A_3532 : i32 to vector<16xi32>
    %shift_right_arithmetic3A_3534 = arith.shrsi %add3A_3528, %shift_right_arithmetic3A_3533 : vector<16xi32>
    %and3A_3535 = arith.constant 1 : i32
    %and3A_3536 = vector.broadcast %and3A_3535 : i32 to vector<16xi32>
    %and3A_3537 = arith.andi %shift_right_arithmetic3A_3534, %and3A_3536 : vector<16xi32>
    %shift_right_arithmetic3A_3538 = arith.constant 5 : i32
    %shift_right_arithmetic3A_3539 = vector.broadcast %shift_right_arithmetic3A_3538 : i32 to vector<16xi32>
    %shift_right_arithmetic3A_3540 = arith.shrsi %add3A_3528, %shift_right_arithmetic3A_3539 : vector<16xi32>
    %and3A_3541 = arith.constant 127 : i32
    %and3A_3542 = vector.broadcast %and3A_3541 : i32 to vector<16xi32>
    %and3A_3543 = arith.andi %shift_right_arithmetic3A_3540, %and3A_3542 : vector<16xi32>
    %mul3A_3544 = arith.constant 16 : i32
    %mul3A_3545 = vector.broadcast %mul3A_3544 : i32 to vector<16xi32>
    %mul3A_3546 = arith.muli %and3A_3543, %mul3A_3545 : vector<16xi32>
    %add3A_3547 = arith.addi %mul3A_3546, %and3A_3531 : vector<16xi32>
    %ge3A_3548 = arith.cmpi sge, %add3A_3547, %gather3A_37 : vector<16xi32>
    %lt3A_3549 = arith.cmpi slt, %add3A_3547, %sub3A_31 : vector<16xi32>
    %and3A_3550 = arith.andi %ge3A_3548, %lt3A_3549 : vector<16xi1>
    %add3A_3551 = arith.addi %add3A_3547, %gather3A_24 : vector<16xi32>
    %select_n3A_3552 = arith.select %and3A_3550, %add3A_3551, %add3A_3547 : vector<16xi1>, vector<16xi32>
    %mul3A_3553 = arith.constant 4096 : i32
    %mul3A_3554 = arith.muli %select_n3A, %mul3A_3553 : i32
    %shift_right_arithmetic3A_3555 = arith.constant 4 : i32
    %shift_right_arithmetic3A_3556 = vector.broadcast %shift_right_arithmetic3A_3555 : i32 to vector<16xi32>
    %shift_right_arithmetic3A_3557 = arith.shrsi %select_n3A_3552, %shift_right_arithmetic3A_3556 : vector<16xi32>
    %shift_left3A_3558 = arith.constant 5 : i32
    %shift_left3A_3559 = vector.broadcast %shift_left3A_3558 : i32 to vector<16xi32>
    %shift_left3A_3560 = arith.shli %shift_right_arithmetic3A_3557, %shift_left3A_3559 : vector<16xi32>
    %add3A_3561 = vector.broadcast %mul3A_3554 : i32 to vector<16xi32>
    %add3A_3562 = arith.addi %add3A_3561, %shift_left3A_3560 : vector<16xi32>
    %shift_left3A_3563 = arith.constant 4 : i32
    %shift_left3A_3564 = vector.broadcast %shift_left3A_3563 : i32 to vector<16xi32>
    %shift_left3A_3565 = arith.shli %and3A_3537, %shift_left3A_3564 : vector<16xi32>
    %add3A_3566 = arith.addi %add3A_3562, %shift_left3A_3565 : vector<16xi32>
    %and3A_3567 = arith.constant 15 : i32
    %and3A_3568 = vector.broadcast %and3A_3567 : i32 to vector<16xi32>
    %and3A_3569 = arith.andi %select_n3A_3552, %and3A_3568 : vector<16xi32>
    %add3A_3570 = arith.addi %add3A_3566, %and3A_3569 : vector<16xi32>
    %swap3A_3571 = arith.constant 0 : index
    %swap3A_3572 = tpu.vector_load %arg11[%swap3A_3571] {strides = array<i32>} : memref<32xi32, #tpu.memory_space<vmem>>, vector<16xi32>,
    %swap3A_3573 = vector.shape_cast %swap3A_3572 : vector<16xi32> to vector<16xi32>
    %swap3A_3574 = vector.shape_cast %add3A_3570 : vector<16xi32> to vector<16xi32>
    tpu.vector_store %arg11[%swap3A_3571], %swap3A_3574 {strides = array<i32>} : memref<32xi32, #tpu.memory_space<vmem>>, vector<16xi32>,
    %add3A_3575 = arith.constant 896 : i32
    %add3A_3576 = arith.addi %mul3A_18, %add3A_3575 : i32
    %add3A_3577 = arith.constant 16 : i32
    %add3A_3578 = arith.addi %add3A_3576, %add3A_3577 : i32
    %add3A_3579 = vector.broadcast %add3A_3578 : i32 to vector<16xi32>
    %add3A_3580 = arith.addi %add3A_3579, %iota3A : vector<16xi32>
    %and3A_3581 = arith.constant 15 : i32
    %and3A_3582 = vector.broadcast %and3A_3581 : i32 to vector<16xi32>
    %and3A_3583 = arith.andi %add3A_3580, %and3A_3582 : vector<16xi32>
    %shift_right_arithmetic3A_3584 = arith.constant 4 : i32
    %shift_right_arithmetic3A_3585 = vector.broadcast %shift_right_arithmetic3A_3584 : i32 to vector<16xi32>
    %shift_right_arithmetic3A_3586 = arith.shrsi %add3A_3580, %shift_right_arithmetic3A_3585 : vector<16xi32>
    %and3A_3587 = arith.constant 1 : i32
    %and3A_3588 = vector.broadcast %and3A_3587 : i32 to vector<16xi32>
    %and3A_3589 = arith.andi %shift_right_arithmetic3A_3586, %and3A_3588 : vector<16xi32>
    %shift_right_arithmetic3A_3590 = arith.constant 5 : i32
    %shift_right_arithmetic3A_3591 = vector.broadcast %shift_right_arithmetic3A_3590 : i32 to vector<16xi32>
    %shift_right_arithmetic3A_3592 = arith.shrsi %add3A_3580, %shift_right_arithmetic3A_3591 : vector<16xi32>
    %and3A_3593 = arith.constant 127 : i32
    %and3A_3594 = vector.broadcast %and3A_3593 : i32 to vector<16xi32>
    %and3A_3595 = arith.andi %shift_right_arithmetic3A_3592, %and3A_3594 : vector<16xi32>
    %mul3A_3596 = arith.constant 16 : i32
    %mul3A_3597 = vector.broadcast %mul3A_3596 : i32 to vector<16xi32>
    %mul3A_3598 = arith.muli %and3A_3595, %mul3A_3597 : vector<16xi32>
    %add3A_3599 = arith.addi %mul3A_3598, %and3A_3583 : vector<16xi32>
    %ge3A_3600 = arith.cmpi sge, %add3A_3599, %gather3A_37 : vector<16xi32>
    %lt3A_3601 = arith.cmpi slt, %add3A_3599, %sub3A_31 : vector<16xi32>
    %and3A_3602 = arith.andi %ge3A_3600, %lt3A_3601 : vector<16xi1>
    %add3A_3603 = arith.addi %add3A_3599, %gather3A_24 : vector<16xi32>
    %select_n3A_3604 = arith.select %and3A_3602, %add3A_3603, %add3A_3599 : vector<16xi1>, vector<16xi32>
    %mul3A_3605 = arith.constant 4096 : i32
    %mul3A_3606 = arith.muli %select_n3A, %mul3A_3605 : i32
    %shift_right_arithmetic3A_3607 = arith.constant 4 : i32
    %shift_right_arithmetic3A_3608 = vector.broadcast %shift_right_arithmetic3A_3607 : i32 to vector<16xi32>
    %shift_right_arithmetic3A_3609 = arith.shrsi %select_n3A_3604, %shift_right_arithmetic3A_3608 : vector<16xi32>
    %shift_left3A_3610 = arith.constant 5 : i32
    %shift_left3A_3611 = vector.broadcast %shift_left3A_3610 : i32 to vector<16xi32>
    %shift_left3A_3612 = arith.shli %shift_right_arithmetic3A_3609, %shift_left3A_3611 : vector<16xi32>
    %add3A_3613 = vector.broadcast %mul3A_3606 : i32 to vector<16xi32>
    %add3A_3614 = arith.addi %add3A_3613, %shift_left3A_3612 : vector<16xi32>
    %shift_left3A_3615 = arith.constant 4 : i32
    %shift_left3A_3616 = vector.broadcast %shift_left3A_3615 : i32 to vector<16xi32>
    %shift_left3A_3617 = arith.shli %and3A_3589, %shift_left3A_3616 : vector<16xi32>
    %add3A_3618 = arith.addi %add3A_3614, %shift_left3A_3617 : vector<16xi32>
    %and3A_3619 = arith.constant 15 : i32
    %and3A_3620 = vector.broadcast %and3A_3619 : i32 to vector<16xi32>
    %and3A_3621 = arith.andi %select_n3A_3604, %and3A_3620 : vector<16xi32>
    %add3A_3622 = arith.addi %add3A_3618, %and3A_3621 : vector<16xi32>
    %swap3A_3623 = arith.constant 16 : index
    %swap3A_3624 = tpu.vector_load %arg11[%swap3A_3623] {strides = array<i32>} : memref<32xi32, #tpu.memory_space<vmem>>, vector<16xi32>,
    %swap3A_3625 = vector.shape_cast %swap3A_3624 : vector<16xi32> to vector<16xi32>
    %swap3A_3626 = vector.shape_cast %add3A_3622 : vector<16xi32> to vector<16xi32>
    tpu.vector_store %arg11[%swap3A_3623], %swap3A_3626 {strides = array<i32>} : memref<32xi32, #tpu.memory_space<vmem>>, vector<16xi32>,
    %dma_start3A_3627 = arith.constant 0 : i32
    %dma_start3A_3628 = arith.constant 0 : i32
    %dma_start3A_3629 = arith.constant 0 : i32
    %dma_start3A_3630 = tpu.memref_slice %arg2[%dma_start3A_3627, %dma_start3A_3628, %dma_start3A_3629] : memref<32768x8x128xf32, #tpu.memory_space<hbm>> -> memref<32768x8x128xf32, #tpu.memory_space<hbm>>
    tpu.enqueue_indirect_dma source(%dma_start3A_3630 : memref<32768x8x128xf32, #tpu.memory_space<hbm>>) target(%arg14 : memref<32x8x128xf32, #tpu.memory_space<vmem>>) offsets(%arg11 : memref<32xi32, #tpu.memory_space<vmem>>) semaphore(%arg17 : memref<!tpu.dma_semaphore, #tpu.memory_space<semaphore_mem>>)
    %dma_wait3A_3631 = arith.constant 0 : i32
    %dma_wait3A_3632 = arith.constant 0 : i32
    %dma_wait3A_3633 = arith.constant 0 : i32
    %dma_wait3A_3634 = tpu.memref_slice %arg2[%dma_wait3A_3631, %dma_wait3A_3632, %dma_wait3A_3633] : memref<32768x8x128xf32, #tpu.memory_space<hbm>> -> memref<32768x8x128xf32, #tpu.memory_space<hbm>>
    tpu.wait_indirect_dma semaphore(%arg18 : memref<!tpu.dma_semaphore, #tpu.memory_space<semaphore_mem>>) src(%dma_wait3A_3634 : memref<32768x8x128xf32, #tpu.memory_space<hbm>>) dst(%arg15 : memref<32x8x128xf32, #tpu.memory_space<vmem>>)
    %add3A_3635 = arith.constant 832 : i32
    %add3A_3636 = arith.addi %mul3A_18, %add3A_3635 : i32
    %dma_start3A_3637 = arith.constant 0 : i32
    %dma_start3A_3638 = arith.constant 0 : i32
    %dma_start3A_3639 = tpu.memref_slice %arg6[%add3A_3636, %dma_start3A_3637, %dma_start3A_3638] : memref<32768x8x128xf32, #tpu.memory_space<hbm>> -> memref<32x8x128xf32, #tpu.memory_space<hbm>>
    %dma_start3A_3640 = arith.constant 0 : i32
    %dma_start3A_3641 = arith.constant 0 : i32
    %dma_start3A_3642 = tpu.memref_slice %arg6[%add3A_3636, %dma_start3A_3640, %dma_start3A_3641] : memref<32768x8x128xf32, #tpu.memory_space<hbm>> -> memref<32x8x128xf32, #tpu.memory_space<hbm>>
    tpu.enqueue_dma source(%arg15 : memref<32x8x128xf32, #tpu.memory_space<vmem>>) target(%dma_start3A_3642 : memref<32x8x128xf32, #tpu.memory_space<hbm>>) target_semaphore(%arg21 : memref<!tpu.dma_semaphore, #tpu.memory_space<semaphore_mem>>)
    %dma_wait3A_3643 = arith.constant 0 : i32
    %dma_wait3A_3644 = arith.constant 0 : i32
    %dma_wait3A_3645 = tpu.memref_slice %arg6[%add3A_3636, %dma_wait3A_3643, %dma_wait3A_3644] : memref<32768x8x128xf32, #tpu.memory_space<hbm>> -> memref<32x8x128xf32, #tpu.memory_space<hbm>>
    %dma_wait3A_3646 = arith.constant 0 : i32
    %dma_wait3A_3647 = arith.constant 0 : i32
    %dma_wait3A_3648 = tpu.memref_slice %arg6[%add3A_3636, %dma_wait3A_3646, %dma_wait3A_3647] : memref<32768x8x128xf32, #tpu.memory_space<hbm>> -> memref<32x8x128xf32, #tpu.memory_space<hbm>>
    tpu.wait_dma2 semaphore(%arg21 : memref<!tpu.dma_semaphore, #tpu.memory_space<semaphore_mem>>) src(%arg15 : memref<32x8x128xf32, #tpu.memory_space<vmem>>) dst(%dma_wait3A_3648 : memref<32x8x128xf32, #tpu.memory_space<hbm>>)
    %add3A_3649 = arith.constant 928 : i32
    %add3A_3650 = arith.addi %mul3A_18, %add3A_3649 : i32
    %add3A_3651 = arith.constant 0 : i32
    %add3A_3652 = arith.addi %add3A_3650, %add3A_3651 : i32
    %add3A_3653 = vector.broadcast %add3A_3652 : i32 to vector<16xi32>
    %add3A_3654 = arith.addi %add3A_3653, %iota3A : vector<16xi32>
    %and3A_3655 = arith.constant 15 : i32
    %and3A_3656 = vector.broadcast %and3A_3655 : i32 to vector<16xi32>
    %and3A_3657 = arith.andi %add3A_3654, %and3A_3656 : vector<16xi32>
    %shift_right_arithmetic3A_3658 = arith.constant 4 : i32
    %shift_right_arithmetic3A_3659 = vector.broadcast %shift_right_arithmetic3A_3658 : i32 to vector<16xi32>
    %shift_right_arithmetic3A_3660 = arith.shrsi %add3A_3654, %shift_right_arithmetic3A_3659 : vector<16xi32>
    %and3A_3661 = arith.constant 1 : i32
    %and3A_3662 = vector.broadcast %and3A_3661 : i32 to vector<16xi32>
    %and3A_3663 = arith.andi %shift_right_arithmetic3A_3660, %and3A_3662 : vector<16xi32>
    %shift_right_arithmetic3A_3664 = arith.constant 5 : i32
    %shift_right_arithmetic3A_3665 = vector.broadcast %shift_right_arithmetic3A_3664 : i32 to vector<16xi32>
    %shift_right_arithmetic3A_3666 = arith.shrsi %add3A_3654, %shift_right_arithmetic3A_3665 : vector<16xi32>
    %and3A_3667 = arith.constant 127 : i32
    %and3A_3668 = vector.broadcast %and3A_3667 : i32 to vector<16xi32>
    %and3A_3669 = arith.andi %shift_right_arithmetic3A_3666, %and3A_3668 : vector<16xi32>
    %mul3A_3670 = arith.constant 16 : i32
    %mul3A_3671 = vector.broadcast %mul3A_3670 : i32 to vector<16xi32>
    %mul3A_3672 = arith.muli %and3A_3669, %mul3A_3671 : vector<16xi32>
    %add3A_3673 = arith.addi %mul3A_3672, %and3A_3657 : vector<16xi32>
    %ge3A_3674 = arith.cmpi sge, %add3A_3673, %gather3A_37 : vector<16xi32>
    %lt3A_3675 = arith.cmpi slt, %add3A_3673, %sub3A_31 : vector<16xi32>
    %and3A_3676 = arith.andi %ge3A_3674, %lt3A_3675 : vector<16xi1>
    %add3A_3677 = arith.addi %add3A_3673, %gather3A_24 : vector<16xi32>
    %select_n3A_3678 = arith.select %and3A_3676, %add3A_3677, %add3A_3673 : vector<16xi1>, vector<16xi32>
    %mul3A_3679 = arith.constant 4096 : i32
    %mul3A_3680 = arith.muli %select_n3A, %mul3A_3679 : i32
    %shift_right_arithmetic3A_3681 = arith.constant 4 : i32
    %shift_right_arithmetic3A_3682 = vector.broadcast %shift_right_arithmetic3A_3681 : i32 to vector<16xi32>
    %shift_right_arithmetic3A_3683 = arith.shrsi %select_n3A_3678, %shift_right_arithmetic3A_3682 : vector<16xi32>
    %shift_left3A_3684 = arith.constant 5 : i32
    %shift_left3A_3685 = vector.broadcast %shift_left3A_3684 : i32 to vector<16xi32>
    %shift_left3A_3686 = arith.shli %shift_right_arithmetic3A_3683, %shift_left3A_3685 : vector<16xi32>
    %add3A_3687 = vector.broadcast %mul3A_3680 : i32 to vector<16xi32>
    %add3A_3688 = arith.addi %add3A_3687, %shift_left3A_3686 : vector<16xi32>
    %shift_left3A_3689 = arith.constant 4 : i32
    %shift_left3A_3690 = vector.broadcast %shift_left3A_3689 : i32 to vector<16xi32>
    %shift_left3A_3691 = arith.shli %and3A_3663, %shift_left3A_3690 : vector<16xi32>
    %add3A_3692 = arith.addi %add3A_3688, %shift_left3A_3691 : vector<16xi32>
    %and3A_3693 = arith.constant 15 : i32
    %and3A_3694 = vector.broadcast %and3A_3693 : i32 to vector<16xi32>
    %and3A_3695 = arith.andi %select_n3A_3678, %and3A_3694 : vector<16xi32>
    %add3A_3696 = arith.addi %add3A_3692, %and3A_3695 : vector<16xi32>
    %swap3A_3697 = arith.constant 0 : index
    %swap3A_3698 = tpu.vector_load %arg12[%swap3A_3697] {strides = array<i32>} : memref<32xi32, #tpu.memory_space<vmem>>, vector<16xi32>,
    %swap3A_3699 = vector.shape_cast %swap3A_3698 : vector<16xi32> to vector<16xi32>
    %swap3A_3700 = vector.shape_cast %add3A_3696 : vector<16xi32> to vector<16xi32>
    tpu.vector_store %arg12[%swap3A_3697], %swap3A_3700 {strides = array<i32>} : memref<32xi32, #tpu.memory_space<vmem>>, vector<16xi32>,
    %add3A_3701 = arith.constant 928 : i32
    %add3A_3702 = arith.addi %mul3A_18, %add3A_3701 : i32
    %add3A_3703 = arith.constant 16 : i32
    %add3A_3704 = arith.addi %add3A_3702, %add3A_3703 : i32
    %add3A_3705 = vector.broadcast %add3A_3704 : i32 to vector<16xi32>
    %add3A_3706 = arith.addi %add3A_3705, %iota3A : vector<16xi32>
    %and3A_3707 = arith.constant 15 : i32
    %and3A_3708 = vector.broadcast %and3A_3707 : i32 to vector<16xi32>
    %and3A_3709 = arith.andi %add3A_3706, %and3A_3708 : vector<16xi32>
    %shift_right_arithmetic3A_3710 = arith.constant 4 : i32
    %shift_right_arithmetic3A_3711 = vector.broadcast %shift_right_arithmetic3A_3710 : i32 to vector<16xi32>
    %shift_right_arithmetic3A_3712 = arith.shrsi %add3A_3706, %shift_right_arithmetic3A_3711 : vector<16xi32>
    %and3A_3713 = arith.constant 1 : i32
    %and3A_3714 = vector.broadcast %and3A_3713 : i32 to vector<16xi32>
    %and3A_3715 = arith.andi %shift_right_arithmetic3A_3712, %and3A_3714 : vector<16xi32>
    %shift_right_arithmetic3A_3716 = arith.constant 5 : i32
    %shift_right_arithmetic3A_3717 = vector.broadcast %shift_right_arithmetic3A_3716 : i32 to vector<16xi32>
    %shift_right_arithmetic3A_3718 = arith.shrsi %add3A_3706, %shift_right_arithmetic3A_3717 : vector<16xi32>
    %and3A_3719 = arith.constant 127 : i32
    %and3A_3720 = vector.broadcast %and3A_3719 : i32 to vector<16xi32>
    %and3A_3721 = arith.andi %shift_right_arithmetic3A_3718, %and3A_3720 : vector<16xi32>
    %mul3A_3722 = arith.constant 16 : i32
    %mul3A_3723 = vector.broadcast %mul3A_3722 : i32 to vector<16xi32>
    %mul3A_3724 = arith.muli %and3A_3721, %mul3A_3723 : vector<16xi32>
    %add3A_3725 = arith.addi %mul3A_3724, %and3A_3709 : vector<16xi32>
    %ge3A_3726 = arith.cmpi sge, %add3A_3725, %gather3A_37 : vector<16xi32>
    %lt3A_3727 = arith.cmpi slt, %add3A_3725, %sub3A_31 : vector<16xi32>
    %and3A_3728 = arith.andi %ge3A_3726, %lt3A_3727 : vector<16xi1>
    %add3A_3729 = arith.addi %add3A_3725, %gather3A_24 : vector<16xi32>
    %select_n3A_3730 = arith.select %and3A_3728, %add3A_3729, %add3A_3725 : vector<16xi1>, vector<16xi32>
    %mul3A_3731 = arith.constant 4096 : i32
    %mul3A_3732 = arith.muli %select_n3A, %mul3A_3731 : i32
    %shift_right_arithmetic3A_3733 = arith.constant 4 : i32
    %shift_right_arithmetic3A_3734 = vector.broadcast %shift_right_arithmetic3A_3733 : i32 to vector<16xi32>
    %shift_right_arithmetic3A_3735 = arith.shrsi %select_n3A_3730, %shift_right_arithmetic3A_3734 : vector<16xi32>
    %shift_left3A_3736 = arith.constant 5 : i32
    %shift_left3A_3737 = vector.broadcast %shift_left3A_3736 : i32 to vector<16xi32>
    %shift_left3A_3738 = arith.shli %shift_right_arithmetic3A_3735, %shift_left3A_3737 : vector<16xi32>
    %add3A_3739 = vector.broadcast %mul3A_3732 : i32 to vector<16xi32>
    %add3A_3740 = arith.addi %add3A_3739, %shift_left3A_3738 : vector<16xi32>
    %shift_left3A_3741 = arith.constant 4 : i32
    %shift_left3A_3742 = vector.broadcast %shift_left3A_3741 : i32 to vector<16xi32>
    %shift_left3A_3743 = arith.shli %and3A_3715, %shift_left3A_3742 : vector<16xi32>
    %add3A_3744 = arith.addi %add3A_3740, %shift_left3A_3743 : vector<16xi32>
    %and3A_3745 = arith.constant 15 : i32
    %and3A_3746 = vector.broadcast %and3A_3745 : i32 to vector<16xi32>
    %and3A_3747 = arith.andi %select_n3A_3730, %and3A_3746 : vector<16xi32>
    %add3A_3748 = arith.addi %add3A_3744, %and3A_3747 : vector<16xi32>
    %swap3A_3749 = arith.constant 16 : index
    %swap3A_3750 = tpu.vector_load %arg12[%swap3A_3749] {strides = array<i32>} : memref<32xi32, #tpu.memory_space<vmem>>, vector<16xi32>,
    %swap3A_3751 = vector.shape_cast %swap3A_3750 : vector<16xi32> to vector<16xi32>
    %swap3A_3752 = vector.shape_cast %add3A_3748 : vector<16xi32> to vector<16xi32>
    tpu.vector_store %arg12[%swap3A_3749], %swap3A_3752 {strides = array<i32>} : memref<32xi32, #tpu.memory_space<vmem>>, vector<16xi32>,
    %dma_start3A_3753 = arith.constant 0 : i32
    %dma_start3A_3754 = arith.constant 0 : i32
    %dma_start3A_3755 = arith.constant 0 : i32
    %dma_start3A_3756 = tpu.memref_slice %arg2[%dma_start3A_3753, %dma_start3A_3754, %dma_start3A_3755] : memref<32768x8x128xf32, #tpu.memory_space<hbm>> -> memref<32768x8x128xf32, #tpu.memory_space<hbm>>
    tpu.enqueue_indirect_dma source(%dma_start3A_3756 : memref<32768x8x128xf32, #tpu.memory_space<hbm>>) target(%arg15 : memref<32x8x128xf32, #tpu.memory_space<vmem>>) offsets(%arg12 : memref<32xi32, #tpu.memory_space<vmem>>) semaphore(%arg18 : memref<!tpu.dma_semaphore, #tpu.memory_space<semaphore_mem>>)
    %dma_wait3A_3757 = arith.constant 0 : i32
    %dma_wait3A_3758 = arith.constant 0 : i32
    %dma_wait3A_3759 = arith.constant 0 : i32
    %dma_wait3A_3760 = tpu.memref_slice %arg2[%dma_wait3A_3757, %dma_wait3A_3758, %dma_wait3A_3759] : memref<32768x8x128xf32, #tpu.memory_space<hbm>> -> memref<32768x8x128xf32, #tpu.memory_space<hbm>>
    tpu.wait_indirect_dma semaphore(%arg16 : memref<!tpu.dma_semaphore, #tpu.memory_space<semaphore_mem>>) src(%dma_wait3A_3760 : memref<32768x8x128xf32, #tpu.memory_space<hbm>>) dst(%arg13 : memref<32x8x128xf32, #tpu.memory_space<vmem>>)
    %add3A_3761 = arith.constant 864 : i32
    %add3A_3762 = arith.addi %mul3A_18, %add3A_3761 : i32
    %dma_start3A_3763 = arith.constant 0 : i32
    %dma_start3A_3764 = arith.constant 0 : i32
    %dma_start3A_3765 = tpu.memref_slice %arg6[%add3A_3762, %dma_start3A_3763, %dma_start3A_3764] : memref<32768x8x128xf32, #tpu.memory_space<hbm>> -> memref<32x8x128xf32, #tpu.memory_space<hbm>>
    %dma_start3A_3766 = arith.constant 0 : i32
    %dma_start3A_3767 = arith.constant 0 : i32
    %dma_start3A_3768 = tpu.memref_slice %arg6[%add3A_3762, %dma_start3A_3766, %dma_start3A_3767] : memref<32768x8x128xf32, #tpu.memory_space<hbm>> -> memref<32x8x128xf32, #tpu.memory_space<hbm>>
    tpu.enqueue_dma source(%arg13 : memref<32x8x128xf32, #tpu.memory_space<vmem>>) target(%dma_start3A_3768 : memref<32x8x128xf32, #tpu.memory_space<hbm>>) target_semaphore(%arg19 : memref<!tpu.dma_semaphore, #tpu.memory_space<semaphore_mem>>)
    %dma_wait3A_3769 = arith.constant 0 : i32
    %dma_wait3A_3770 = arith.constant 0 : i32
    %dma_wait3A_3771 = tpu.memref_slice %arg6[%add3A_3762, %dma_wait3A_3769, %dma_wait3A_3770] : memref<32768x8x128xf32, #tpu.memory_space<hbm>> -> memref<32x8x128xf32, #tpu.memory_space<hbm>>
    %dma_wait3A_3772 = arith.constant 0 : i32
    %dma_wait3A_3773 = arith.constant 0 : i32
    %dma_wait3A_3774 = tpu.memref_slice %arg6[%add3A_3762, %dma_wait3A_3772, %dma_wait3A_3773] : memref<32768x8x128xf32, #tpu.memory_space<hbm>> -> memref<32x8x128xf32, #tpu.memory_space<hbm>>
    tpu.wait_dma2 semaphore(%arg19 : memref<!tpu.dma_semaphore, #tpu.memory_space<semaphore_mem>>) src(%arg13 : memref<32x8x128xf32, #tpu.memory_space<vmem>>) dst(%dma_wait3A_3774 : memref<32x8x128xf32, #tpu.memory_space<hbm>>)
    %add3A_3775 = arith.constant 960 : i32
    %add3A_3776 = arith.addi %mul3A_18, %add3A_3775 : i32
    %add3A_3777 = arith.constant 0 : i32
    %add3A_3778 = arith.addi %add3A_3776, %add3A_3777 : i32
    %add3A_3779 = vector.broadcast %add3A_3778 : i32 to vector<16xi32>
    %add3A_3780 = arith.addi %add3A_3779, %iota3A : vector<16xi32>
    %and3A_3781 = arith.constant 15 : i32
    %and3A_3782 = vector.broadcast %and3A_3781 : i32 to vector<16xi32>
    %and3A_3783 = arith.andi %add3A_3780, %and3A_3782 : vector<16xi32>
    %shift_right_arithmetic3A_3784 = arith.constant 4 : i32
    %shift_right_arithmetic3A_3785 = vector.broadcast %shift_right_arithmetic3A_3784 : i32 to vector<16xi32>
    %shift_right_arithmetic3A_3786 = arith.shrsi %add3A_3780, %shift_right_arithmetic3A_3785 : vector<16xi32>
    %and3A_3787 = arith.constant 1 : i32
    %and3A_3788 = vector.broadcast %and3A_3787 : i32 to vector<16xi32>
    %and3A_3789 = arith.andi %shift_right_arithmetic3A_3786, %and3A_3788 : vector<16xi32>
    %shift_right_arithmetic3A_3790 = arith.constant 5 : i32
    %shift_right_arithmetic3A_3791 = vector.broadcast %shift_right_arithmetic3A_3790 : i32 to vector<16xi32>
    %shift_right_arithmetic3A_3792 = arith.shrsi %add3A_3780, %shift_right_arithmetic3A_3791 : vector<16xi32>
    %and3A_3793 = arith.constant 127 : i32
    %and3A_3794 = vector.broadcast %and3A_3793 : i32 to vector<16xi32>
    %and3A_3795 = arith.andi %shift_right_arithmetic3A_3792, %and3A_3794 : vector<16xi32>
    %mul3A_3796 = arith.constant 16 : i32
    %mul3A_3797 = vector.broadcast %mul3A_3796 : i32 to vector<16xi32>
    %mul3A_3798 = arith.muli %and3A_3795, %mul3A_3797 : vector<16xi32>
    %add3A_3799 = arith.addi %mul3A_3798, %and3A_3783 : vector<16xi32>
    %ge3A_3800 = arith.cmpi sge, %add3A_3799, %gather3A_37 : vector<16xi32>
    %lt3A_3801 = arith.cmpi slt, %add3A_3799, %sub3A_31 : vector<16xi32>
    %and3A_3802 = arith.andi %ge3A_3800, %lt3A_3801 : vector<16xi1>
    %add3A_3803 = arith.addi %add3A_3799, %gather3A_24 : vector<16xi32>
    %select_n3A_3804 = arith.select %and3A_3802, %add3A_3803, %add3A_3799 : vector<16xi1>, vector<16xi32>
    %mul3A_3805 = arith.constant 4096 : i32
    %mul3A_3806 = arith.muli %select_n3A, %mul3A_3805 : i32
    %shift_right_arithmetic3A_3807 = arith.constant 4 : i32
    %shift_right_arithmetic3A_3808 = vector.broadcast %shift_right_arithmetic3A_3807 : i32 to vector<16xi32>
    %shift_right_arithmetic3A_3809 = arith.shrsi %select_n3A_3804, %shift_right_arithmetic3A_3808 : vector<16xi32>
    %shift_left3A_3810 = arith.constant 5 : i32
    %shift_left3A_3811 = vector.broadcast %shift_left3A_3810 : i32 to vector<16xi32>
    %shift_left3A_3812 = arith.shli %shift_right_arithmetic3A_3809, %shift_left3A_3811 : vector<16xi32>
    %add3A_3813 = vector.broadcast %mul3A_3806 : i32 to vector<16xi32>
    %add3A_3814 = arith.addi %add3A_3813, %shift_left3A_3812 : vector<16xi32>
    %shift_left3A_3815 = arith.constant 4 : i32
    %shift_left3A_3816 = vector.broadcast %shift_left3A_3815 : i32 to vector<16xi32>
    %shift_left3A_3817 = arith.shli %and3A_3789, %shift_left3A_3816 : vector<16xi32>
    %add3A_3818 = arith.addi %add3A_3814, %shift_left3A_3817 : vector<16xi32>
    %and3A_3819 = arith.constant 15 : i32
    %and3A_3820 = vector.broadcast %and3A_3819 : i32 to vector<16xi32>
    %and3A_3821 = arith.andi %select_n3A_3804, %and3A_3820 : vector<16xi32>
    %add3A_3822 = arith.addi %add3A_3818, %and3A_3821 : vector<16xi32>
    %swap3A_3823 = arith.constant 0 : index
    %swap3A_3824 = tpu.vector_load %arg10[%swap3A_3823] {strides = array<i32>} : memref<32xi32, #tpu.memory_space<vmem>>, vector<16xi32>,
    %swap3A_3825 = vector.shape_cast %swap3A_3824 : vector<16xi32> to vector<16xi32>
    %swap3A_3826 = vector.shape_cast %add3A_3822 : vector<16xi32> to vector<16xi32>
    tpu.vector_store %arg10[%swap3A_3823], %swap3A_3826 {strides = array<i32>} : memref<32xi32, #tpu.memory_space<vmem>>, vector<16xi32>,
    %add3A_3827 = arith.constant 960 : i32
    %add3A_3828 = arith.addi %mul3A_18, %add3A_3827 : i32
    %add3A_3829 = arith.constant 16 : i32
    %add3A_3830 = arith.addi %add3A_3828, %add3A_3829 : i32
    %add3A_3831 = vector.broadcast %add3A_3830 : i32 to vector<16xi32>
    %add3A_3832 = arith.addi %add3A_3831, %iota3A : vector<16xi32>
    %and3A_3833 = arith.constant 15 : i32
    %and3A_3834 = vector.broadcast %and3A_3833 : i32 to vector<16xi32>
    %and3A_3835 = arith.andi %add3A_3832, %and3A_3834 : vector<16xi32>
    %shift_right_arithmetic3A_3836 = arith.constant 4 : i32
    %shift_right_arithmetic3A_3837 = vector.broadcast %shift_right_arithmetic3A_3836 : i32 to vector<16xi32>
    %shift_right_arithmetic3A_3838 = arith.shrsi %add3A_3832, %shift_right_arithmetic3A_3837 : vector<16xi32>
    %and3A_3839 = arith.constant 1 : i32
    %and3A_3840 = vector.broadcast %and3A_3839 : i32 to vector<16xi32>
    %and3A_3841 = arith.andi %shift_right_arithmetic3A_3838, %and3A_3840 : vector<16xi32>
    %shift_right_arithmetic3A_3842 = arith.constant 5 : i32
    %shift_right_arithmetic3A_3843 = vector.broadcast %shift_right_arithmetic3A_3842 : i32 to vector<16xi32>
    %shift_right_arithmetic3A_3844 = arith.shrsi %add3A_3832, %shift_right_arithmetic3A_3843 : vector<16xi32>
    %and3A_3845 = arith.constant 127 : i32
    %and3A_3846 = vector.broadcast %and3A_3845 : i32 to vector<16xi32>
    %and3A_3847 = arith.andi %shift_right_arithmetic3A_3844, %and3A_3846 : vector<16xi32>
    %mul3A_3848 = arith.constant 16 : i32
    %mul3A_3849 = vector.broadcast %mul3A_3848 : i32 to vector<16xi32>
    %mul3A_3850 = arith.muli %and3A_3847, %mul3A_3849 : vector<16xi32>
    %add3A_3851 = arith.addi %mul3A_3850, %and3A_3835 : vector<16xi32>
    %ge3A_3852 = arith.cmpi sge, %add3A_3851, %gather3A_37 : vector<16xi32>
    %lt3A_3853 = arith.cmpi slt, %add3A_3851, %sub3A_31 : vector<16xi32>
    %and3A_3854 = arith.andi %ge3A_3852, %lt3A_3853 : vector<16xi1>
    %add3A_3855 = arith.addi %add3A_3851, %gather3A_24 : vector<16xi32>
    %select_n3A_3856 = arith.select %and3A_3854, %add3A_3855, %add3A_3851 : vector<16xi1>, vector<16xi32>
    %mul3A_3857 = arith.constant 4096 : i32
    %mul3A_3858 = arith.muli %select_n3A, %mul3A_3857 : i32
    %shift_right_arithmetic3A_3859 = arith.constant 4 : i32
    %shift_right_arithmetic3A_3860 = vector.broadcast %shift_right_arithmetic3A_3859 : i32 to vector<16xi32>
    %shift_right_arithmetic3A_3861 = arith.shrsi %select_n3A_3856, %shift_right_arithmetic3A_3860 : vector<16xi32>
    %shift_left3A_3862 = arith.constant 5 : i32
    %shift_left3A_3863 = vector.broadcast %shift_left3A_3862 : i32 to vector<16xi32>
    %shift_left3A_3864 = arith.shli %shift_right_arithmetic3A_3861, %shift_left3A_3863 : vector<16xi32>
    %add3A_3865 = vector.broadcast %mul3A_3858 : i32 to vector<16xi32>
    %add3A_3866 = arith.addi %add3A_3865, %shift_left3A_3864 : vector<16xi32>
    %shift_left3A_3867 = arith.constant 4 : i32
    %shift_left3A_3868 = vector.broadcast %shift_left3A_3867 : i32 to vector<16xi32>
    %shift_left3A_3869 = arith.shli %and3A_3841, %shift_left3A_3868 : vector<16xi32>
    %add3A_3870 = arith.addi %add3A_3866, %shift_left3A_3869 : vector<16xi32>
    %and3A_3871 = arith.constant 15 : i32
    %and3A_3872 = vector.broadcast %and3A_3871 : i32 to vector<16xi32>
    %and3A_3873 = arith.andi %select_n3A_3856, %and3A_3872 : vector<16xi32>
    %add3A_3874 = arith.addi %add3A_3870, %and3A_3873 : vector<16xi32>
    %swap3A_3875 = arith.constant 16 : index
    %swap3A_3876 = tpu.vector_load %arg10[%swap3A_3875] {strides = array<i32>} : memref<32xi32, #tpu.memory_space<vmem>>, vector<16xi32>,
    %swap3A_3877 = vector.shape_cast %swap3A_3876 : vector<16xi32> to vector<16xi32>
    %swap3A_3878 = vector.shape_cast %add3A_3874 : vector<16xi32> to vector<16xi32>
    tpu.vector_store %arg10[%swap3A_3875], %swap3A_3878 {strides = array<i32>} : memref<32xi32, #tpu.memory_space<vmem>>, vector<16xi32>,
    %dma_start3A_3879 = arith.constant 0 : i32
    %dma_start3A_3880 = arith.constant 0 : i32
    %dma_start3A_3881 = arith.constant 0 : i32
    %dma_start3A_3882 = tpu.memref_slice %arg2[%dma_start3A_3879, %dma_start3A_3880, %dma_start3A_3881] : memref<32768x8x128xf32, #tpu.memory_space<hbm>> -> memref<32768x8x128xf32, #tpu.memory_space<hbm>>
    tpu.enqueue_indirect_dma source(%dma_start3A_3882 : memref<32768x8x128xf32, #tpu.memory_space<hbm>>) target(%arg13 : memref<32x8x128xf32, #tpu.memory_space<vmem>>) offsets(%arg10 : memref<32xi32, #tpu.memory_space<vmem>>) semaphore(%arg16 : memref<!tpu.dma_semaphore, #tpu.memory_space<semaphore_mem>>)
    %dma_wait3A_3883 = arith.constant 0 : i32
    %dma_wait3A_3884 = arith.constant 0 : i32
    %dma_wait3A_3885 = arith.constant 0 : i32
    %dma_wait3A_3886 = tpu.memref_slice %arg2[%dma_wait3A_3883, %dma_wait3A_3884, %dma_wait3A_3885] : memref<32768x8x128xf32, #tpu.memory_space<hbm>> -> memref<32768x8x128xf32, #tpu.memory_space<hbm>>
    tpu.wait_indirect_dma semaphore(%arg17 : memref<!tpu.dma_semaphore, #tpu.memory_space<semaphore_mem>>) src(%dma_wait3A_3886 : memref<32768x8x128xf32, #tpu.memory_space<hbm>>) dst(%arg14 : memref<32x8x128xf32, #tpu.memory_space<vmem>>)
    %add3A_3887 = arith.constant 896 : i32
    %add3A_3888 = arith.addi %mul3A_18, %add3A_3887 : i32
    %dma_start3A_3889 = arith.constant 0 : i32
    %dma_start3A_3890 = arith.constant 0 : i32
    %dma_start3A_3891 = tpu.memref_slice %arg6[%add3A_3888, %dma_start3A_3889, %dma_start3A_3890] : memref<32768x8x128xf32, #tpu.memory_space<hbm>> -> memref<32x8x128xf32, #tpu.memory_space<hbm>>
    %dma_start3A_3892 = arith.constant 0 : i32
    %dma_start3A_3893 = arith.constant 0 : i32
    %dma_start3A_3894 = tpu.memref_slice %arg6[%add3A_3888, %dma_start3A_3892, %dma_start3A_3893] : memref<32768x8x128xf32, #tpu.memory_space<hbm>> -> memref<32x8x128xf32, #tpu.memory_space<hbm>>
    tpu.enqueue_dma source(%arg14 : memref<32x8x128xf32, #tpu.memory_space<vmem>>) target(%dma_start3A_3894 : memref<32x8x128xf32, #tpu.memory_space<hbm>>) target_semaphore(%arg20 : memref<!tpu.dma_semaphore, #tpu.memory_space<semaphore_mem>>)
    %dma_wait3A_3895 = arith.constant 0 : i32
    %dma_wait3A_3896 = arith.constant 0 : i32
    %dma_wait3A_3897 = tpu.memref_slice %arg6[%add3A_3888, %dma_wait3A_3895, %dma_wait3A_3896] : memref<32768x8x128xf32, #tpu.memory_space<hbm>> -> memref<32x8x128xf32, #tpu.memory_space<hbm>>
    %dma_wait3A_3898 = arith.constant 0 : i32
    %dma_wait3A_3899 = arith.constant 0 : i32
    %dma_wait3A_3900 = tpu.memref_slice %arg6[%add3A_3888, %dma_wait3A_3898, %dma_wait3A_3899] : memref<32768x8x128xf32, #tpu.memory_space<hbm>> -> memref<32x8x128xf32, #tpu.memory_space<hbm>>
    tpu.wait_dma2 semaphore(%arg20 : memref<!tpu.dma_semaphore, #tpu.memory_space<semaphore_mem>>) src(%arg14 : memref<32x8x128xf32, #tpu.memory_space<vmem>>) dst(%dma_wait3A_3900 : memref<32x8x128xf32, #tpu.memory_space<hbm>>)
    %add3A_3901 = arith.constant 992 : i32
    %add3A_3902 = arith.addi %mul3A_18, %add3A_3901 : i32
    %add3A_3903 = arith.constant 0 : i32
    %add3A_3904 = arith.addi %add3A_3902, %add3A_3903 : i32
    %add3A_3905 = vector.broadcast %add3A_3904 : i32 to vector<16xi32>
    %add3A_3906 = arith.addi %add3A_3905, %iota3A : vector<16xi32>
    %and3A_3907 = arith.constant 15 : i32
    %and3A_3908 = vector.broadcast %and3A_3907 : i32 to vector<16xi32>
    %and3A_3909 = arith.andi %add3A_3906, %and3A_3908 : vector<16xi32>
    %shift_right_arithmetic3A_3910 = arith.constant 4 : i32
    %shift_right_arithmetic3A_3911 = vector.broadcast %shift_right_arithmetic3A_3910 : i32 to vector<16xi32>
    %shift_right_arithmetic3A_3912 = arith.shrsi %add3A_3906, %shift_right_arithmetic3A_3911 : vector<16xi32>
    %and3A_3913 = arith.constant 1 : i32
    %and3A_3914 = vector.broadcast %and3A_3913 : i32 to vector<16xi32>
    %and3A_3915 = arith.andi %shift_right_arithmetic3A_3912, %and3A_3914 : vector<16xi32>
    %shift_right_arithmetic3A_3916 = arith.constant 5 : i32
    %shift_right_arithmetic3A_3917 = vector.broadcast %shift_right_arithmetic3A_3916 : i32 to vector<16xi32>
    %shift_right_arithmetic3A_3918 = arith.shrsi %add3A_3906, %shift_right_arithmetic3A_3917 : vector<16xi32>
    %and3A_3919 = arith.constant 127 : i32
    %and3A_3920 = vector.broadcast %and3A_3919 : i32 to vector<16xi32>
    %and3A_3921 = arith.andi %shift_right_arithmetic3A_3918, %and3A_3920 : vector<16xi32>
    %mul3A_3922 = arith.constant 16 : i32
    %mul3A_3923 = vector.broadcast %mul3A_3922 : i32 to vector<16xi32>
    %mul3A_3924 = arith.muli %and3A_3921, %mul3A_3923 : vector<16xi32>
    %add3A_3925 = arith.addi %mul3A_3924, %and3A_3909 : vector<16xi32>
    %ge3A_3926 = arith.cmpi sge, %add3A_3925, %gather3A_37 : vector<16xi32>
    %lt3A_3927 = arith.cmpi slt, %add3A_3925, %sub3A_31 : vector<16xi32>
    %and3A_3928 = arith.andi %ge3A_3926, %lt3A_3927 : vector<16xi1>
    %add3A_3929 = arith.addi %add3A_3925, %gather3A_24 : vector<16xi32>
    %select_n3A_3930 = arith.select %and3A_3928, %add3A_3929, %add3A_3925 : vector<16xi1>, vector<16xi32>
    %mul3A_3931 = arith.constant 4096 : i32
    %mul3A_3932 = arith.muli %select_n3A, %mul3A_3931 : i32
    %shift_right_arithmetic3A_3933 = arith.constant 4 : i32
    %shift_right_arithmetic3A_3934 = vector.broadcast %shift_right_arithmetic3A_3933 : i32 to vector<16xi32>
    %shift_right_arithmetic3A_3935 = arith.shrsi %select_n3A_3930, %shift_right_arithmetic3A_3934 : vector<16xi32>
    %shift_left3A_3936 = arith.constant 5 : i32
    %shift_left3A_3937 = vector.broadcast %shift_left3A_3936 : i32 to vector<16xi32>
    %shift_left3A_3938 = arith.shli %shift_right_arithmetic3A_3935, %shift_left3A_3937 : vector<16xi32>
    %add3A_3939 = vector.broadcast %mul3A_3932 : i32 to vector<16xi32>
    %add3A_3940 = arith.addi %add3A_3939, %shift_left3A_3938 : vector<16xi32>
    %shift_left3A_3941 = arith.constant 4 : i32
    %shift_left3A_3942 = vector.broadcast %shift_left3A_3941 : i32 to vector<16xi32>
    %shift_left3A_3943 = arith.shli %and3A_3915, %shift_left3A_3942 : vector<16xi32>
    %add3A_3944 = arith.addi %add3A_3940, %shift_left3A_3943 : vector<16xi32>
    %and3A_3945 = arith.constant 15 : i32
    %and3A_3946 = vector.broadcast %and3A_3945 : i32 to vector<16xi32>
    %and3A_3947 = arith.andi %select_n3A_3930, %and3A_3946 : vector<16xi32>
    %add3A_3948 = arith.addi %add3A_3944, %and3A_3947 : vector<16xi32>
    %swap3A_3949 = arith.constant 0 : index
    %swap3A_3950 = tpu.vector_load %arg11[%swap3A_3949] {strides = array<i32>} : memref<32xi32, #tpu.memory_space<vmem>>, vector<16xi32>,
    %swap3A_3951 = vector.shape_cast %swap3A_3950 : vector<16xi32> to vector<16xi32>
    %swap3A_3952 = vector.shape_cast %add3A_3948 : vector<16xi32> to vector<16xi32>
    tpu.vector_store %arg11[%swap3A_3949], %swap3A_3952 {strides = array<i32>} : memref<32xi32, #tpu.memory_space<vmem>>, vector<16xi32>,
    %add3A_3953 = arith.constant 992 : i32
    %add3A_3954 = arith.addi %mul3A_18, %add3A_3953 : i32
    %add3A_3955 = arith.constant 16 : i32
    %add3A_3956 = arith.addi %add3A_3954, %add3A_3955 : i32
    %add3A_3957 = vector.broadcast %add3A_3956 : i32 to vector<16xi32>
    %add3A_3958 = arith.addi %add3A_3957, %iota3A : vector<16xi32>
    %and3A_3959 = arith.constant 15 : i32
    %and3A_3960 = vector.broadcast %and3A_3959 : i32 to vector<16xi32>
    %and3A_3961 = arith.andi %add3A_3958, %and3A_3960 : vector<16xi32>
    %shift_right_arithmetic3A_3962 = arith.constant 4 : i32
    %shift_right_arithmetic3A_3963 = vector.broadcast %shift_right_arithmetic3A_3962 : i32 to vector<16xi32>
    %shift_right_arithmetic3A_3964 = arith.shrsi %add3A_3958, %shift_right_arithmetic3A_3963 : vector<16xi32>
    %and3A_3965 = arith.constant 1 : i32
    %and3A_3966 = vector.broadcast %and3A_3965 : i32 to vector<16xi32>
    %and3A_3967 = arith.andi %shift_right_arithmetic3A_3964, %and3A_3966 : vector<16xi32>
    %shift_right_arithmetic3A_3968 = arith.constant 5 : i32
    %shift_right_arithmetic3A_3969 = vector.broadcast %shift_right_arithmetic3A_3968 : i32 to vector<16xi32>
    %shift_right_arithmetic3A_3970 = arith.shrsi %add3A_3958, %shift_right_arithmetic3A_3969 : vector<16xi32>
    %and3A_3971 = arith.constant 127 : i32
    %and3A_3972 = vector.broadcast %and3A_3971 : i32 to vector<16xi32>
    %and3A_3973 = arith.andi %shift_right_arithmetic3A_3970, %and3A_3972 : vector<16xi32>
    %mul3A_3974 = arith.constant 16 : i32
    %mul3A_3975 = vector.broadcast %mul3A_3974 : i32 to vector<16xi32>
    %mul3A_3976 = arith.muli %and3A_3973, %mul3A_3975 : vector<16xi32>
    %add3A_3977 = arith.addi %mul3A_3976, %and3A_3961 : vector<16xi32>
    %ge3A_3978 = arith.cmpi sge, %add3A_3977, %gather3A_37 : vector<16xi32>
    %lt3A_3979 = arith.cmpi slt, %add3A_3977, %sub3A_31 : vector<16xi32>
    %and3A_3980 = arith.andi %ge3A_3978, %lt3A_3979 : vector<16xi1>
    %add3A_3981 = arith.addi %add3A_3977, %gather3A_24 : vector<16xi32>
    %select_n3A_3982 = arith.select %and3A_3980, %add3A_3981, %add3A_3977 : vector<16xi1>, vector<16xi32>
    %mul3A_3983 = arith.constant 4096 : i32
    %mul3A_3984 = arith.muli %select_n3A, %mul3A_3983 : i32
    %shift_right_arithmetic3A_3985 = arith.constant 4 : i32
    %shift_right_arithmetic3A_3986 = vector.broadcast %shift_right_arithmetic3A_3985 : i32 to vector<16xi32>
    %shift_right_arithmetic3A_3987 = arith.shrsi %select_n3A_3982, %shift_right_arithmetic3A_3986 : vector<16xi32>
    %shift_left3A_3988 = arith.constant 5 : i32
    %shift_left3A_3989 = vector.broadcast %shift_left3A_3988 : i32 to vector<16xi32>
    %shift_left3A_3990 = arith.shli %shift_right_arithmetic3A_3987, %shift_left3A_3989 : vector<16xi32>
    %add3A_3991 = vector.broadcast %mul3A_3984 : i32 to vector<16xi32>
    %add3A_3992 = arith.addi %add3A_3991, %shift_left3A_3990 : vector<16xi32>
    %shift_left3A_3993 = arith.constant 4 : i32
    %shift_left3A_3994 = vector.broadcast %shift_left3A_3993 : i32 to vector<16xi32>
    %shift_left3A_3995 = arith.shli %and3A_3967, %shift_left3A_3994 : vector<16xi32>
    %add3A_3996 = arith.addi %add3A_3992, %shift_left3A_3995 : vector<16xi32>
    %and3A_3997 = arith.constant 15 : i32
    %and3A_3998 = vector.broadcast %and3A_3997 : i32 to vector<16xi32>
    %and3A_3999 = arith.andi %select_n3A_3982, %and3A_3998 : vector<16xi32>
    %add3A_4000 = arith.addi %add3A_3996, %and3A_3999 : vector<16xi32>
    %swap3A_4001 = arith.constant 16 : index
    %swap3A_4002 = tpu.vector_load %arg11[%swap3A_4001] {strides = array<i32>} : memref<32xi32, #tpu.memory_space<vmem>>, vector<16xi32>,
    %swap3A_4003 = vector.shape_cast %swap3A_4002 : vector<16xi32> to vector<16xi32>
    %swap3A_4004 = vector.shape_cast %add3A_4000 : vector<16xi32> to vector<16xi32>
    tpu.vector_store %arg11[%swap3A_4001], %swap3A_4004 {strides = array<i32>} : memref<32xi32, #tpu.memory_space<vmem>>, vector<16xi32>,
    %dma_start3A_4005 = arith.constant 0 : i32
    %dma_start3A_4006 = arith.constant 0 : i32
    %dma_start3A_4007 = arith.constant 0 : i32
    %dma_start3A_4008 = tpu.memref_slice %arg2[%dma_start3A_4005, %dma_start3A_4006, %dma_start3A_4007] : memref<32768x8x128xf32, #tpu.memory_space<hbm>> -> memref<32768x8x128xf32, #tpu.memory_space<hbm>>
    tpu.enqueue_indirect_dma source(%dma_start3A_4008 : memref<32768x8x128xf32, #tpu.memory_space<hbm>>) target(%arg14 : memref<32x8x128xf32, #tpu.memory_space<vmem>>) offsets(%arg11 : memref<32xi32, #tpu.memory_space<vmem>>) semaphore(%arg17 : memref<!tpu.dma_semaphore, #tpu.memory_space<semaphore_mem>>)
    %dma_wait3A_4009 = arith.constant 0 : i32
    %dma_wait3A_4010 = arith.constant 0 : i32
    %dma_wait3A_4011 = arith.constant 0 : i32
    %dma_wait3A_4012 = tpu.memref_slice %arg2[%dma_wait3A_4009, %dma_wait3A_4010, %dma_wait3A_4011] : memref<32768x8x128xf32, #tpu.memory_space<hbm>> -> memref<32768x8x128xf32, #tpu.memory_space<hbm>>
    tpu.wait_indirect_dma semaphore(%arg18 : memref<!tpu.dma_semaphore, #tpu.memory_space<semaphore_mem>>) src(%dma_wait3A_4012 : memref<32768x8x128xf32, #tpu.memory_space<hbm>>) dst(%arg15 : memref<32x8x128xf32, #tpu.memory_space<vmem>>)
    %add3A_4013 = arith.constant 928 : i32
    %add3A_4014 = arith.addi %mul3A_18, %add3A_4013 : i32
    %dma_start3A_4015 = arith.constant 0 : i32
    %dma_start3A_4016 = arith.constant 0 : i32
    %dma_start3A_4017 = tpu.memref_slice %arg6[%add3A_4014, %dma_start3A_4015, %dma_start3A_4016] : memref<32768x8x128xf32, #tpu.memory_space<hbm>> -> memref<32x8x128xf32, #tpu.memory_space<hbm>>
    %dma_start3A_4018 = arith.constant 0 : i32
    %dma_start3A_4019 = arith.constant 0 : i32
    %dma_start3A_4020 = tpu.memref_slice %arg6[%add3A_4014, %dma_start3A_4018, %dma_start3A_4019] : memref<32768x8x128xf32, #tpu.memory_space<hbm>> -> memref<32x8x128xf32, #tpu.memory_space<hbm>>
    tpu.enqueue_dma source(%arg15 : memref<32x8x128xf32, #tpu.memory_space<vmem>>) target(%dma_start3A_4020 : memref<32x8x128xf32, #tpu.memory_space<hbm>>) target_semaphore(%arg21 : memref<!tpu.dma_semaphore, #tpu.memory_space<semaphore_mem>>)
    %dma_wait3A_4021 = arith.constant 0 : i32
    %dma_wait3A_4022 = arith.constant 0 : i32
    %dma_wait3A_4023 = arith.constant 0 : i32
    %dma_wait3A_4024 = tpu.memref_slice %arg2[%dma_wait3A_4021, %dma_wait3A_4022, %dma_wait3A_4023] : memref<32768x8x128xf32, #tpu.memory_space<hbm>> -> memref<32768x8x128xf32, #tpu.memory_space<hbm>>
    tpu.wait_indirect_dma semaphore(%arg16 : memref<!tpu.dma_semaphore, #tpu.memory_space<semaphore_mem>>) src(%dma_wait3A_4024 : memref<32768x8x128xf32, #tpu.memory_space<hbm>>) dst(%arg13 : memref<32x8x128xf32, #tpu.memory_space<vmem>>)
    %add3A_4025 = arith.constant 960 : i32
    %add3A_4026 = arith.addi %mul3A_18, %add3A_4025 : i32
    %dma_start3A_4027 = arith.constant 0 : i32
    %dma_start3A_4028 = arith.constant 0 : i32
    %dma_start3A_4029 = tpu.memref_slice %arg6[%add3A_4026, %dma_start3A_4027, %dma_start3A_4028] : memref<32768x8x128xf32, #tpu.memory_space<hbm>> -> memref<32x8x128xf32, #tpu.memory_space<hbm>>
    %dma_start3A_4030 = arith.constant 0 : i32
    %dma_start3A_4031 = arith.constant 0 : i32
    %dma_start3A_4032 = tpu.memref_slice %arg6[%add3A_4026, %dma_start3A_4030, %dma_start3A_4031] : memref<32768x8x128xf32, #tpu.memory_space<hbm>> -> memref<32x8x128xf32, #tpu.memory_space<hbm>>
    tpu.enqueue_dma source(%arg13 : memref<32x8x128xf32, #tpu.memory_space<vmem>>) target(%dma_start3A_4032 : memref<32x8x128xf32, #tpu.memory_space<hbm>>) target_semaphore(%arg19 : memref<!tpu.dma_semaphore, #tpu.memory_space<semaphore_mem>>)
    %dma_wait3A_4033 = arith.constant 0 : i32
    %dma_wait3A_4034 = arith.constant 0 : i32
    %dma_wait3A_4035 = arith.constant 0 : i32
    %dma_wait3A_4036 = tpu.memref_slice %arg2[%dma_wait3A_4033, %dma_wait3A_4034, %dma_wait3A_4035] : memref<32768x8x128xf32, #tpu.memory_space<hbm>> -> memref<32768x8x128xf32, #tpu.memory_space<hbm>>
    tpu.wait_indirect_dma semaphore(%arg17 : memref<!tpu.dma_semaphore, #tpu.memory_space<semaphore_mem>>) src(%dma_wait3A_4036 : memref<32768x8x128xf32, #tpu.memory_space<hbm>>) dst(%arg14 : memref<32x8x128xf32, #tpu.memory_space<vmem>>)
    %add3A_4037 = arith.constant 992 : i32
    %add3A_4038 = arith.addi %mul3A_18, %add3A_4037 : i32
    %dma_start3A_4039 = arith.constant 0 : i32
    %dma_start3A_4040 = arith.constant 0 : i32
    %dma_start3A_4041 = tpu.memref_slice %arg6[%add3A_4038, %dma_start3A_4039, %dma_start3A_4040] : memref<32768x8x128xf32, #tpu.memory_space<hbm>> -> memref<32x8x128xf32, #tpu.memory_space<hbm>>
    %dma_start3A_4042 = arith.constant 0 : i32
    %dma_start3A_4043 = arith.constant 0 : i32
    %dma_start3A_4044 = tpu.memref_slice %arg6[%add3A_4038, %dma_start3A_4042, %dma_start3A_4043] : memref<32768x8x128xf32, #tpu.memory_space<hbm>> -> memref<32x8x128xf32, #tpu.memory_space<hbm>>
    tpu.enqueue_dma source(%arg14 : memref<32x8x128xf32, #tpu.memory_space<vmem>>) target(%dma_start3A_4044 : memref<32x8x128xf32, #tpu.memory_space<hbm>>) target_semaphore(%arg20 : memref<!tpu.dma_semaphore, #tpu.memory_space<semaphore_mem>>)
    %dma_wait3A_4045 = arith.constant 0 : i32
    %dma_wait3A_4046 = arith.constant 0 : i32
    %dma_wait3A_4047 = tpu.memref_slice %arg6[%add3A_4026, %dma_wait3A_4045, %dma_wait3A_4046] : memref<32768x8x128xf32, #tpu.memory_space<hbm>> -> memref<32x8x128xf32, #tpu.memory_space<hbm>>
    %dma_wait3A_4048 = arith.constant 0 : i32
    %dma_wait3A_4049 = arith.constant 0 : i32
    %dma_wait3A_4050 = tpu.memref_slice %arg6[%add3A_4026, %dma_wait3A_4048, %dma_wait3A_4049] : memref<32768x8x128xf32, #tpu.memory_space<hbm>> -> memref<32x8x128xf32, #tpu.memory_space<hbm>>
    tpu.wait_dma2 semaphore(%arg19 : memref<!tpu.dma_semaphore, #tpu.memory_space<semaphore_mem>>) src(%arg13 : memref<32x8x128xf32, #tpu.memory_space<vmem>>) dst(%dma_wait3A_4050 : memref<32x8x128xf32, #tpu.memory_space<hbm>>)
    %dma_wait3A_4051 = arith.constant 0 : i32
    %dma_wait3A_4052 = arith.constant 0 : i32
    %dma_wait3A_4053 = tpu.memref_slice %arg6[%add3A_4038, %dma_wait3A_4051, %dma_wait3A_4052] : memref<32768x8x128xf32, #tpu.memory_space<hbm>> -> memref<32x8x128xf32, #tpu.memory_space<hbm>>
    %dma_wait3A_4054 = arith.constant 0 : i32
    %dma_wait3A_4055 = arith.constant 0 : i32
    %dma_wait3A_4056 = tpu.memref_slice %arg6[%add3A_4038, %dma_wait3A_4054, %dma_wait3A_4055] : memref<32768x8x128xf32, #tpu.memory_space<hbm>> -> memref<32x8x128xf32, #tpu.memory_space<hbm>>
    tpu.wait_dma2 semaphore(%arg20 : memref<!tpu.dma_semaphore, #tpu.memory_space<semaphore_mem>>) src(%arg14 : memref<32x8x128xf32, #tpu.memory_space<vmem>>) dst(%dma_wait3A_4056 : memref<32x8x128xf32, #tpu.memory_space<hbm>>)
    %dma_wait3A_4057 = arith.constant 0 : i32
    %dma_wait3A_4058 = arith.constant 0 : i32
    %dma_wait3A_4059 = tpu.memref_slice %arg6[%add3A_4014, %dma_wait3A_4057, %dma_wait3A_4058] : memref<32768x8x128xf32, #tpu.memory_space<hbm>> -> memref<32x8x128xf32, #tpu.memory_space<hbm>>
    %dma_wait3A_4060 = arith.constant 0 : i32
    %dma_wait3A_4061 = arith.constant 0 : i32
    %dma_wait3A_4062 = tpu.memref_slice %arg6[%add3A_4014, %dma_wait3A_4060, %dma_wait3A_4061] : memref<32768x8x128xf32, #tpu.memory_space<hbm>> -> memref<32x8x128xf32, #tpu.memory_space<hbm>>
    tpu.wait_dma2 semaphore(%arg21 : memref<!tpu.dma_semaphore, #tpu.memory_space<semaphore_mem>>) src(%arg15 : memref<32x8x128xf32, #tpu.memory_space<vmem>>) dst(%dma_wait3A_4062 : memref<32x8x128xf32, #tpu.memory_space<hbm>>)
    return
  }
}

</mosaic_0001>

<sc_bundles>
// kernel: kernel.3.cloned.1.call-start
scs
__scs_entry_jumppad:
0x0: {  	(pc) =	sbr.rel $0x88, $3  }
0x1: {  	(tag) =	ssettag $0x0;
	lr =	simm.s32 $0x1  }
0x2: {  	[smem:$0x3F9D] =	sst lr;
	_ =	strace $0xD0000000  }
0x3: {  	_ = 	snop  }
0x4: {  	_ = 	snop  }
0x5: {  	_ = 	snop  }
0x6: {  	_ = 	snop  }
0x7: {  	_ = 	snop  }
__scs_overlays_trampoline_lowered:
0x8: {  	[smem:$0x3FAC] =	sst s0  }
0x9: {  	[smem:$0x3FAD] =	sst s1  }
0xa: {  	[smem:$0x3FAE] =	sst s2  }
0xb: {  	[smem:$0x3FAF] =	sst s3  }
0xc: {  	[smem:$0x3FB0] =	sst s4  }
0xd: {  	[smem:$0x3FB1] =	sst s5  }
0xe: {  	[smem:$0x3FB2] =	sst s6  }
0xf: {  	[smem:$0x3FB3] =	sst s7  }
0x10: {  	[smem:$0x3FB4] =	sst s8  }
0x11: {  	[smem:$0x3FB5] =	sst s9;
	s0 =	simm.s32 @!p0 $0x0  }
0x12: {  	s1 =	sld [smem:$0x3F9B];
	s0 =	simm.s32 @p0 $0x1  }
0x13: {  	[smem:$0x3FB6] =	sst s0;
	s0 =	simm.s32 @!p1 $0x0  }
0x14: {  	s2 =	sld [smem:$0x3F9A];
	s0 =	simm.s32 @p1 $0x1  }
0x15: {  	[smem:$0x3FB7] =	sst s0;
	s0 =	simm.s32 @!p2 $0x0  }
0x16: {  	s3 =	sld [smem:$0x3FDB];
	s0 =	simm.s32 @p2 $0x1  }
0x17: {  	s4 =	simm.s32 $0x1BF5;
	[smem:$0x3FB9] =	sst s0  }
0x18: {  	s0 =	sld [smem:$0x3F9C];
	_ =	swait.ge [sflag:s4], $0x0  }
0x19: {  	s7 =	sld [smem:$0x3F9D]  }
0x1a: {  	s8 =	sadd.s32 $0xFFFFE003, lr  }
0x1b: {  	s9 =	sadd.s32 $0xFFFFFEF7, lr;
	s5 =	simm.s32 $0xFFFFFFFF;
	p2 =	slt.u32 s8, $0xFFFFF086  }
0x1c: {  	p1 =	slt.u32 s9, $0xF7A;
	s5 =	simm.s32 @!p2 $0x0  }
0x1d: {  	s5 =	simm.s32 @p1 $0x1;
	p0 =	seq.s32 s7, s2  }
0x1e: {  	s7 =	smul.u32 @!p0 $0xF7A, s2;
	p2 =	seq.s32 @!p0 s5, $0x0  }
0x1f: {  	s9 =	smul.u32 $0xF7A, s1;
	s8 =	simm.s32 @!p0 $0x1BF5;
	p2 =	por !p2, p0  }
0x20: {  	[sflag:s8] =	ssyncset.s32 @!p0 $0xFFFFF086;
	s6 =	sadd.s32 @!p0 s3, s7;
	s7 =	simm.s32 @!p0 $0x108  }
0x21: {  	s3 =	sadd.s32 s3, s9;
	s6 =	sadd.s32 @!p0 $0x88, s6;
	s7 =	simm.s32 @p2 $0x1082  }
0x22: {  	[simem:s7], [sflag:s8] =	dma.local @!p0 [hbm:s6], $0xF7A  }
0x23: {  	s9 =	sor.u32 $0xD0000000, s2;
	s6 =	simm.s32 $0x108;
	_ =	swait.ge @!p0 [sflag:s8], $0x0  }
0x24: {  	s3 =	sadd.s32 $0x88, s3;
	s6 =	simm.s32 @!p1 $0x1082;
	[sflag:s4] =	ssyncset.s32 $0xFFFFF086  }
0x25: {  	[simem:s6], [sflag:s4] =	dma.local [hbm:s3], $0xF7A  }
0x26: {  	[smem:$0x3F9D] =	sst s1;
	(tag) =	ssettag s2;
	_ =	strace s9  }
0x27: {  	s1 =	sld [smem:$0x3FAD]  }
0x28: {  	s2 =	sld [smem:$0x3FAE]  }
0x29: {  	s4 =	sld [smem:$0x3FB0]  }
0x2a: {  	p0 =	seq.s32 s5, $0x0;
	s5 =	sld [smem:$0x3FB1]  }
0x2b: {  	s6 =	sld [smem:$0x3FB2]  }
0x2c: {  	s7 =	sld [smem:$0x3FB3]  }
0x2d: {  	s3 =	simm.s32 $0x108;
	s8 =	sld [smem:$0x3FB4]  }
0x2e: {  	s3 =	simm.s32 @!p0 $0x1082;
	s9 =	sld [smem:$0x3FB5]  }
0x2f: {  	lr =	sadd.s32 s0, s3;
	s0 =	sld [smem:$0x3FAC]  }
0x30: {  	s3 =	sld [smem:$0x3FAF]  }
0x31: {  	[smem:$0x3FB8] =	sst s10  }
0x32: {  	s10 =	sld [smem:$0x3FB6];
	_ =	sdelay $0x3  }
0x33: {  	p0 =	seq.s32 s10, $0x1;
	s10 =	sld [smem:$0x3FB8];
	_ =	sdelay $0x3  }
0x34: {  	[smem:$0x3FB8] =	sst s10  }
0x35: {  	s10 =	sld [smem:$0x3FB7];
	_ =	sdelay $0x3  }
0x36: {  	p1 =	seq.s32 s10, $0x1;
	s10 =	sld [smem:$0x3FB8];
	_ =	sdelay $0x3  }
0x37: {  	[smem:$0x3FB8] =	sst s10  }
0x38: {  	s10 =	sld [smem:$0x3FB9]  }
0x39: {  	_ = 	snop;
	(pc) =	sbr.ind lr, $3  }
0x3a: {  	_ = 	snop  }
0x3b: {  	_ = 	snop  }
0x3c: {  	p2 =	seq.s32 s10, $0x1;
	s10 =	sld [smem:$0x3FB8]  }
0x3d: {  	_ =	shalt  }
0x3e: {  	_ =	shalt  }
0x3f: {  	_ =	shalt  }
0x40: {  	_ =	shalt  }
0x41: {  	_ =	shalt  }
0x42: {  	_ =	shalt  }
0x43: {  	_ =	shalt  }
0x44: {  	_ =	shalt  }
0x45: {  	_ =	shalt  }
0x46: {  	_ =	shalt  }
0x47: {  	_ =	shalt  }
0x48: {  	_ =	shalt  }
0x49: {  	_ =	shalt  }
0x4a: {  	_ =	shalt  }
0x4b: {  	_ =	shalt  }
0x4c: {  	_ =	shalt  }
0x4d: {  	_ =	shalt  }
0x4e: {  	_ =	shalt  }
0x4f: {  	_ =	shalt  }
0x50: {  	_ =	shalt  }
0x51: {  	_ =	shalt  }
0x52: {  	_ =	shalt  }
0x53: {  	_ =	shalt  }
0x54: {  	_ =	shalt  }
0x55: {  	_ =	shalt  }
0x56: {  	_ =	shalt  }
0x57: {  	_ =	shalt  }
0x58: {  	_ =	shalt  }
0x59: {  	_ =	shalt  }
0x5a: {  	_ =	shalt  }
0x5b: {  	_ =	shalt  }
0x5c: {  	_ =	shalt  }
0x5d: {  	_ =	shalt  }
0x5e: {  	_ =	shalt  }
0x5f: {  	_ =	shalt  }
0x60: {  	_ =	shalt  }
0x61: {  	_ =	shalt  }
0x62: {  	_ =	shalt  }
0x63: {  	_ =	shalt  }
0x64: {  	_ =	shalt  }
0x65: {  	_ =	shalt  }
0x66: {  	_ =	shalt  }
0x67: {  	_ =	shalt  }
0x68: {  	_ =	shalt  }
0x69: {  	_ =	shalt  }
0x6a: {  	_ =	shalt  }
0x6b: {  	_ =	shalt  }
0x6c: {  	_ =	shalt  }
0x6d: {  	_ =	shalt  }
0x6e: {  	_ =	shalt  }
0x6f: {  	_ =	shalt  }
0x70: {  	_ =	shalt  }
0x71: {  	_ =	shalt  }
0x72: {  	_ =	shalt  }
0x73: {  	_ =	shalt  }
0x74: {  	_ =	shalt  }
0x75: {  	_ =	shalt  }
0x76: {  	_ =	shalt  }
0x77: {  	_ =	shalt  }
0x78: {  	_ =	shalt  }
0x79: {  	_ =	shalt  }
0x7a: {  	_ =	shalt  }
0x7b: {  	_ =	shalt  }
0x7c: {  	_ =	shalt  }
0x7d: {  	_ =	shalt  }
0x7e: {  	_ =	shalt  }
0x7f: {  	_ =	shalt  }
0x80: {  	_ =	shalt  }
0x81: {  	_ =	shalt  }
0x82: {  	_ =	shalt  }
0x83: {  	_ =	shalt  }
0x84: {  	_ =	shalt  }
0x85: {  	_ =	shalt  }
0x86: {  	_ =	shalt  }
0x87: {  	_ =	shalt  }
.Lfunc_end0:
.L_simem_size_0:
called_computation_lowered:
.L_overlay_start_0:
0x88: {  	s2 =	sld [smem:$0x3FD9]  }
0x89: {  	s3 =	sld [smem:$0x3FFE];
	_ =	sdelay $0x1  }
0x8a: {  	s1 =	srdreg.scid  }
0x8b: {  	s0 =	sand.u32 $0x1, s1  }
0x8c: {  	s18 =	sshll.u32 s0, $0xA;
	s2 =	sadd.s32 s3, s2  }
0x8d: {  	s2 =	sadd.s32 s2, s18  }
0x8e: {  	[smem:$0x3FC4] =	sst s2  }
0x8f: {  	_ = 	snop  }
0x90: {  	s2 =	sld [smem:$0x3FC9]  }
0x91: {  	s19 =	sld [smem:$0x3FC8]  }
0x92: {  	s4 =	sld [smem:$0x3FC7]  }
0x93: {  	s5 =	sld [smem:$0x3FC6]  }
0x94: {  	s6 =	sld [smem:$0x3FD0];
	(tm) =	ssettm $0x1  }
0x95: {  	s7 =	sld [smem:$0x3FFB];
	_ =	sdelay $0x3  }
0x96: {  	_ =	strace s7  }
0x97: {  	s7 =	sld [smem:$0x3FFC];
	_ =	sdelay $0x3  }
0x98: {  	_ =	strace s7  }
0x99: {  	s7 =	sld [smem:$0x3FFD];
	_ =	sdelay $0x3  }
0x9a: {  	_ =	strace s7  }
0x9b: {  	_ =	strace $0x8FFFFFFF  }
0x9c: {  	s20 =	sld [smem:$0x3FDB];
	_ =	sdelay $0x1  }
0x9d: {  	s8 =	simm.s32 $_scs_section_size  }
0x9e: {  	s9 =	simm.s32 $_size__tile_overlayer_lowered;
	s10 =	simm.s32 $_tile_overlayer_lowered  }
0x9f: {  	s23 =	simm.s32 $0x1BFF;
	s22 =	sshll.u32 s10, $0x1;
	s7 =	sadd.s32 s8, s20  }
0xa0: {  	s11 =	simm.s32 $0x0;
	s21 =	sshll.u32 s9, $0x1;
	s9 =	sadd.s32 s22, s7  }
0xa1: {  	[timem:s11], [sflag:s23] =	dma.local [hbm:s9], s21  }
0xa2: {  	_ =	swait.ge [sflag:s23], s21  }
0xa3: {  	s8 =	ssub.s32 $0x0, s21;
	[sflag:s23] =	ssyncset.done $0x0  }
0xa4: {  	[sflag:s23] =	ssyncadd.s32 s8;
	_ =	sdelay $0x1  }
0xa5: {  	s24 =	simm.s32 $0x1B8B  }
0xa6: {  	_ =	swait.ge [sflag:s24], $0x1  }
0xa7: {  	[sflag:s24] =	ssyncset.done $0x0  }
0xa8: {  	s25 =	simm.s32 $0x1B8E;
	[sflag:s24] =	ssyncadd.s32 $0xFFFFFFFF  }
0xa9: {  	s26 =	simm.s32 $execute0_lowered;
	[smem:$0x3FD2] =	sst s25  }
0xaa: {  	s8 =	sshll.u32 s26, $0x1;
	_ =	strace $0x80000046;
	[dreg:$0x1] =	wrdreg $0xFFFFFFFF  }
0xab: {  	s28 =	simm.s32 $_size_execute0_lowered;
	s7 =	sadd.s32 s7, s8;
	[dreg:$0x0] =	wrdreg $0x0  }
0xac: {  	s8 =	sshll.u32 s28, $0x1;
	[dreg:$0x2] =	wrdreg s7  }
0xad: {  	[dreg:$0x3] =	wrdreg s8  }
0xae: {  	[dreg:$0x4] =	wrdreg $0xC0  }
0xaf: {  	_ =	task [dreg:s11], $0x5FFFF  }
0xb0: {  	[dreg:$0x1] =	wrdreg $0xFFFFFFFF  }
0xb1: {  	[dreg:$0x0] =	wrdreg $0x60  }
0xb2: {  	[dreg:$0x2] =	wrdreg s2  }
0xb3: {  	[dreg:$0x3] =	wrdreg s19  }
0xb4: {  	[dreg:$0x4] =	wrdreg s4  }
0xb5: {  	[dreg:$0x5] =	wrdreg s5  }
0xb6: {  	[dreg:$0x6] =	wrdreg s6  }
0xb7: {  	[dreg:$0x7] =	wrdreg $0x9  }
0xb8: {  	_ =	task.clear_ibuf [dreg:s11], $0x8FFFF;
	_ =	strace $0x90000046  }
0xb9: {  	s29 =	simm.s32 $0x9;
	_ =	strace $0x80000048  }
0xba: {  	_ =	swait.ge [sflag:s29], $0x1  }
0xbb: {  	[sflag:s29] =	ssyncadd.s32 $0xFFFFFFFF  }
0xbc: {  	_ =	strace $0x90000048  }
0xbd: {  	_ =	sfence  }
0xbe: {  	s30 =	sld [smem:$0x0];
	_ =	sdelay $0x2  }
0xbf: {  	s31 =	sshll.u32 s1, $0xD;
	s1 =	sshrl.u32 s1, $0x2  }
0xc0: {  	s3 =	sand.u32 $0x4000, s31;
	s1 =	sadd.s32 s1, s30  }
0xc1: {  	s0 =	sor.u32 s3, s0;
	s1 =	sshll.u32 s1, $0x11  }
0xc2: {  	s0 =	sor.u32 s1, s0  }
0xc3: {  	s0 =	sadd.s32 $0x8F2B, s0  }
0xc4: {  	[sflag:s0] =	ssyncadd.remote.s32 $0x1  }
0xc5: {  	_ =	sfence.sel $0xFFFF  }
0xc6: {  	[dreg:$0x0] =	wrdreg $0xFFFFFFFF;
	(pc) =	sbr.abs _section_cstart, $3  }
0xc7: {  	[dreg:$0x1] =	wrdreg $0xFFFFFFFF  }
0xc8: {  	_ =	task.clear_ibuf [dreg:s11], $0x2FFFF;
	_ =	strace $0x9FFFFFFF  }
0xc9: {  	(tm) =	ssettm $0x7FFFFFFF  }
tec
execute0_lowered:
.L_overlay_start_1:
0x0: {  	(tag) =	ssettag $0x1  }
0x1: {  	s0 =	srdreg.scid;
	s1 =	stileid.u32  }
0x2: {  	s2 =	sand.u32 $0x1, s0;
	s5 =	sshll.u32 s1, $0x1  }
0x3: {  	s3 =	sor.u32 s2, s5  }
0x4: {  	s1 =	sshll.u32 s3, $0xA  }
0x5: {  	v4 =	vimm.s32 $0x0;
	vm0 =	vcmask $0x300;
	v0 =	vmov s1;
	s6 =	sor.u32 $0x30, s1;
	s7 =	sor.u32 $0x40, s1  }
0x6: {  	s8 =	sor.u32 $0x50, s1;
	s9 =	sor.u32 $0x60, s1;
	s10 =	sor.u32 $0x70, s1;
	v0 =	vshrl.u32 v0, $0x5;
	v3 =	vmov s6;
	v46 =	vmov s7  }
0x7: {  	s11 =	sor.u32 $0x80, s1;
	s12 =	sor.u32 $0x90, s1;
	s25 =	sor.u32 $0xA0, s1;
	v5 =	vmov s8;
	v6 =	vmov s9;
	v48 =	vmov s10  }
0x8: {  	s13 =	sor.u32 $0xB0, s1;
	s14 =	sor.u32 $0xC0, s1;
	s16 =	sor.u32 $0xF0, s1;
	v8 =	vmov s11;
	v9 =	vmov s12;
	v10 =	vmov s25  }
0x9: {  	s5 =	sor.u32 $0x140, s1;
	s19 =	sor.u32 $0x150, s1;
	s20 =	sor.u32 $0x170, s1;
	v11 =	vmov s13;
	v12 =	vmov s14;
	v15 =	vmov s16  }
0xa: {  	s22 =	sor.u32 $0x1B0, s1;
	s23 =	sor.u32 $0x1D0, s1;
	s26 =	sor.u32 $0x210, s1;
	v19 =	vmov s5;
	v20 =	vmov s19;
	v23 =	vmov s20  }
0xb: {  	[dreg:$0x1e] =	wrdreg s2;
	s2 =	sor.u32 $0x230, s1;
	s30 =	sor.u32 $0x320, s1;
	v26 =	vmov s22;
	v29 =	vmov s23;
	v32 =	vmov s26  }
0xc: {  	s4 =	sor.u32 $0x20, s1;
	v35 =	vmov s2;
	v59 =	vmov s30;
	v1 =	vand.u32 $0x7F, v0  }
0xd: {  	v0 =	vmov s4;
	v3 =	vshrl.u32 v3, $0x5;
	v5 =	vshrl.u32 v5, $0x5  }
0xe: {  	v7 =	vshrl.u32 v6, $0x5;
	v8 =	vshrl.u32 v8, $0x5;
	v9 =	vshrl.u32 v9, $0x5  }
0xf: {  	[smem:$0x7FB] =	sst s7;
	s10 =	sor.u32 $0xE0, s1;
	s7 =	sor.u32 $0x120, s1;
	v10 =	vshrl.u32 v10, $0x5;
	v11 =	vshrl.u32 v11, $0x5;
	v13 =	vshrl.u32 v12, $0x5  }
0x10: {  	v14 =	vmov s10;
	v17 =	vshrl.u32 v15, $0x5;
	v18 =	vmov s7  }
0x11: {  	[dreg:$0x1f] =	wrdreg s9;
	s20 =	sor.u32 $0x200, s1;
	v19 =	vshrl.u32 v19, $0x5;
	v22 =	vshrl.u32 v20, $0x5;
	v23 =	vshrl.u32 v23, $0x5  }
0x12: {  	[smem:$0x7FC] =	sst s11;
	s22 =	sor.u32 $0x220, s1;
	v28 =	vshrl.u32 v26, $0x5;
	v29 =	vshrl.u32 v29, $0x5;
	v31 =	vmov s20  }
0x13: {  	s8 =	sor.u32 $0x250, s1;
	s23 =	sor.u32 $0x260, s1;
	s9 =	sor.u32 $0x270, s1;
	v32 =	vshrl.u32 v32, $0x5;
	v34 =	vmov s22;
	v35 =	vshrl.u32 v35, $0x5  }
0x14: {  	s11 =	sor.u32 $0x290, s1;
	s12 =	sor.u32 $0x2B0, s1;
	s13 =	sor.u32 $0x2D0, s1;
	v51 =	vmov s8;
	v37 =	vmov s23;
	v38 =	vmov s9  }
0x15: {  	[smem:$0x7FD] =	sst s14;
	s14 =	sor.u32 $0x2F0, s1;
	v41 =	vmov s11;
	v42 =	vmov s12;
	v44 =	vmov s13  }
0x16: {  	v45 =	vmov s14;
	v2 =	vshrl.u32 v0, $0x5;
	v0 =	vsel vm0, $0x4, v4  }
0x17: {  	v3 =	vand.u32 $0x7F, v3;
	v4 =	vshrl.u32 v46, $0x5;
	v5 =	vand.u32 $0x7F, v5  }
0x18: {  	v47 =	vand.u32 $0x7F, v7;
	v7 =	vshrl.u32 v48, $0x5;
	v8 =	vand.u32 $0x7F, v8  }
0x19: {  	s15 =	sor.u32 $0xD0, s1;
	v9 =	vand.u32 $0x7F, v9;
	v10 =	vand.u32 $0x7F, v10;
	v11 =	vand.u32 $0x7F, v11  }
0x1a: {  	v49 =	vand.u32 $0x7F, v13;
	v13 =	vmov s15;
	v14 =	vshrl.u32 v14, $0x5  }
0x1b: {  	v18 =	vshrl.u32 v18, $0x5;
	v19 =	vand.u32 $0x7F, v19;
	v23 =	vand.u32 $0x7F, v23  }
0x1c: {  	v29 =	vand.u32 $0x7F, v29;
	v31 =	vshrl.u32 v31, $0x5;
	v32 =	vand.u32 $0x7F, v32  }
0x1d: {  	s12 =	sor.u32 $0x390, s1;
	v34 =	vshrl.u32 v34, $0x5;
	v35 =	vand.u32 $0x7F, v35;
	v37 =	vshrl.u32 v37, $0x5  }
0x1e: {  	s13 =	sor.u32 $0x3B0, s1;
	s14 =	sor.u32 $0x3D0, s1;
	v40 =	vshrl.u32 v38, $0x5;
	v41 =	vshrl.u32 v41, $0x5;
	v55 =	vmov s12  }
0x1f: {  	s28 =	sor.u32 $0x2E0, s1;
	v57 =	vmov s13;
	v60 =	vmov s14;
	v42 =	vshrl.u32 v42, $0x5  }
0x20: {  	v44 =	vshrl.u32 v44, $0x5;
	v48 =	vmov s28;
	v45 =	vshrl.u32 v45, $0x5  }
0x21: {  	v2 =	vand.u32 $0x7F, v2;
	v1 =	vshll.u32 v1, v0;
	v3 =	vshll.u32 v3, v0  }
0x22: {  	v4 =	vand.u32 $0x7F, v4;
	v5 =	vshll.u32 v5, v0;
	v7 =	vand.u32 $0x7F, v7  }
0x23: {  	v8 =	vshll.u32 v8, v0;
	v9 =	vshll.u32 v9, v0;
	v12 =	vshll.u32 v10, v0  }
0x24: {  	v10 =	vshll.u32 v11, v0;
	v11 =	vshll.u32 v49, v0;
	v13 =	vshrl.u32 v13, $0x5  }
0x25: {  	s16 =	sor.u32 $0x160, s1;
	s15 =	sor.u32 $0x180, s1;
	v16 =	vand.u32 $0x7F, v14;
	v20 =	vshll.u32 v19, v0;
	v19 =	vand.u32 $0x7F, v22  }
0x26: {  	v22 =	vmov s16;
	v24 =	vmov s15;
	v31 =	vand.u32 $0x7F, v31  }
0x27: {  	s8 =	sor.u32 $0x330, s1;
	v32 =	vshll.u32 v32, v0;
	v34 =	vand.u32 $0x7F, v34;
	v37 =	vand.u32 $0x7F, v37  }
0x28: {  	v52 =	vand.u32 $0x7F, v40;
	v49 =	vmov s8;
	v41 =	vand.u32 $0x7F, v41  }
0x29: {  	v42 =	vand.u32 $0x7F, v42;
	v44 =	vand.u32 $0x7F, v44;
	v48 =	vshrl.u32 v48, $0x5  }
0x2a: {  	v45 =	vand.u32 $0x7F, v45;
	v55 =	vshrl.u32 v55, $0x5;
	v57 =	vshrl.u32 v57, $0x5  }
0x2b: {  	v60 =	vshrl.u32 v60, $0x5;
	v2 =	vshll.u32 v2, v0;
	v6 =	vshll.u32 v4, v0  }
0x2c: {  	s6 =	sor.u32 $0x100, s1;
	v4 =	vshll.u32 v47, v0;
	v7 =	vshll.u32 v7, v0;
	v13 =	vand.u32 $0x7F, v13  }
0x2d: {  	v15 =	vshll.u32 v16, v0;
	v16 =	vmov s6;
	v19 =	vshll.u32 v19, v0  }
0x2e: {  	v22 =	vshrl.u32 v22, $0x5;
	v24 =	vshrl.u32 v24, $0x5;
	v31 =	vshll.u32 v31, v0  }
0x2f: {  	s26 =	sor.u32 $0x310, s1;
	s8 =	sor.u32 $0x2A0, s1;
	v39 =	vshll.u32 v34, v0;
	v34 =	vshll.u32 v35, v0;
	v38 =	vshll.u32 v37, v0  }
0x30: {  	v37 =	vshll.u32 v52, v0;
	v47 =	vmov s26;
	v43 =	vmov s8  }
0x31: {  	s29 =	sor.u32 $0x300, s1;
	v41 =	vshll.u32 v41, v0;
	v42 =	vshll.u32 v42, v0;
	v44 =	vshll.u32 v44, v0  }
0x32: {  	v48 =	vand.u32 $0x7F, v48;
	v52 =	vmov s29;
	v45 =	vshll.u32 v45, v0  }
0x33: {  	v49 =	vshrl.u32 v49, $0x5;
	v55 =	vand.u32 $0x7F, v55;
	v57 =	vand.u32 $0x7F, v57  }
0x34: {  	s17 =	sor.u32 $0x110, s1;
	v60 =	vand.u32 $0x7F, v60;
	v14 =	vshll.u32 v13, v0;
	v13 =	vand.u32 $0x7F, v17  }
0x35: {  	s26 =	sor.u32 $0x3F0, s1;
	v17 =	vmov s17;
	v16 =	vshrl.u32 v16, $0x5;
	v22 =	vand.u32 $0x7F, v22  }
0x36: {  	v43 =	vshrl.u32 v43, $0x5;
	v61 =	vmov s26;
	v54 =	vshrl.u32 v52, $0x5  }
0x37: {  	s13 =	sor.u32 $0x3A0, s1;
	v56 =	vshrl.u32 v47, $0x5;
	v52 =	vshrl.u32 v59, $0x5;
	v49 =	vand.u32 $0x7F, v49  }
0x38: {  	v59 =	vmov s13;
	v55 =	vshll.u32 v55, v0;
	v57 =	vshll.u32 v57, v0  }
0x39: {  	v13 =	vshll.u32 v13, v0;
	v17 =	vshrl.u32 v17, $0x5;
	v16 =	vand.u32 $0x7F, v16  }
0x3a: {  	s21 =	sor.u32 $0x190, s1;
	s17 =	sor.u32 $0x1A0, s1;
	v27 =	vshll.u32 v22, v0;
	v22 =	vshll.u32 v23, v0;
	v23 =	vand.u32 $0x7F, v24  }
0x3b: {  	s26 =	sor.u32 $0x2C0, s1;
	v24 =	vmov s21;
	v25 =	vmov s17;
	v43 =	vand.u32 $0x7F, v43  }
0x3c: {  	v46 =	vmov s26;
	v58 =	vand.u32 $0x7F, v56;
	v52 =	vand.u32 $0x7F, v52  }
0x3d: {  	[tilespmem:$0x1FF30] =	vst v1;
	v49 =	vshll.u32 v49, v0;
	v59 =	vshrl.u32 v59, $0x5;
	v1 =	vshrl.u32 v61, $0x5  }
0x3e: {  	v61 =	vshll.u32 v60, v0;
	v17 =	vand.u32 $0x7F, v17;
	v21 =	vshll.u32 v16, v0  }
0x3f: {  	s21 =	sor.u32 $0x240, s1;
	v23 =	vshll.u32 v23, v0;
	v24 =	vshrl.u32 v24, $0x5;
	v25 =	vshrl.u32 v25, $0x5  }
0x40: {  	v36 =	vmov s21;
	v43 =	vshll.u32 v43, v0;
	v46 =	vshrl.u32 v46, $0x5  }
0x41: {  	s18 =	sor.u32 $0x130, s1;
	v52 =	vshll.u32 v52, v0;
	v59 =	vand.u32 $0x7F, v59;
	v1 =	vand.u32 $0x7F, v1  }
0x42: {  	v16 =	vshll.u32 v17, v0;
	v17 =	vand.u32 $0x7F, v18;
	v18 =	vmov s18  }
0x43: {  	v24 =	vand.u32 $0x7F, v24;
	v25 =	vand.u32 $0x7F, v25;
	v36 =	vshrl.u32 v36, $0x5  }
0x44: {  	v46 =	vand.u32 $0x7F, v46;
	v60 =	vshll.u32 v1, v0;
	v17 =	vshll.u32 v17, v0  }
0x45: {  	s19 =	sor.u32 $0x1C0, s1;
	s18 =	sor.u32 $0x1E0, s1;
	v18 =	vshrl.u32 v18, $0x5;
	v24 =	vshll.u32 v24, v0;
	v26 =	vshll.u32 v25, v0  }
0x46: {  	s9 =	sor.u32 $0x350, s1;
	v25 =	vand.u32 $0x7F, v28;
	v28 =	vmov s19;
	v30 =	vmov s18  }
0x47: {  	v50 =	vand.u32 $0x7F, v36;
	v36 =	vshrl.u32 v51, $0x5;
	v51 =	vmov s9  }
0x48: {  	v46 =	vshll.u32 v46, v0;
	v18 =	vand.u32 $0x7F, v18;
	v25 =	vshll.u32 v25, v0  }
0x49: {  	v28 =	vshrl.u32 v28, $0x5;
	v30 =	vshrl.u32 v30, $0x5;
	v35 =	vshll.u32 v50, v0  }
0x4a: {  	s31 =	sor.u32 $0x340, s1;
	v36 =	vand.u32 $0x7F, v36;
	v50 =	vshll.u32 v48, v0;
	v48 =	vand.u32 $0x7F, v54  }
0x4b: {  	v54 =	vmov s31;
	v51 =	vshrl.u32 v51, $0x5;
	v18 =	vshll.u32 v18, v0  }
0x4c: {  	s9 =	sor.u32 $0x360, s1;
	v28 =	vand.u32 $0x7F, v28;
	v36 =	vshll.u32 v36, v0;
	v47 =	vshll.u32 v48, v0  }
0x4d: {  	v48 =	vshll.u32 v58, v0;
	v54 =	vshrl.u32 v54, $0x5;
	v58 =	vmov s9  }
0x4e: {  	s24 =	sor.u32 $0x1F0, s1;
	v51 =	vand.u32 $0x7F, v51;
	v33 =	vshll.u32 v28, v0;
	v28 =	vshll.u32 v29, v0  }
0x4f: {  	v29 =	vand.u32 $0x7F, v30;
	v30 =	vmov s24;
	s24 =	sor.u32 $0x280, s1;
	v54 =	vand.u32 $0x7F, v54  }
0x50: {  	s11 =	sor.u32 $0x370, s1;
	v62 =	vshrl.u32 v58, $0x5;
	v51 =	vshll.u32 v51, v0;
	v53 =	vmov s24  }
0x51: {  	v29 =	vshll.u32 v29, v0;
	v40 =	vshrl.u32 v53, $0x5;
	v53 =	vmov s11  }
0x52: {  	v56 =	vshll.u32 v54, v0;
	v54 =	vand.u32 $0x7F, v62;
	v63 =	vshrl.u32 v53, $0x5  }
0x53: {  	s12 =	sor.u32 $0x3C0, s1;
	v30 =	vshrl.u32 v30, $0x5;
	s11 =	sor.u32 $0x380, s1;
	v53 =	vshll.u32 v54, v0;
	v62 =	vand.u32 $0x7F, v63  }
0x54: {  	v63 =	vmov s11;
	v54 =	vshll.u32 v62, v0;
	v62 =	vmov s12  }
0x55: {  	s14 =	sor.u32 $0x3E0, s1;
	v30 =	vand.u32 $0x7F, v30;
	v58 =	vshrl.u32 v63, $0x5;
	v62 =	vshrl.u32 v62, $0x5  }
0x56: {  	v63 =	vshll.u32 v59, v0;
	v59 =	vand.u32 $0x7F, v62;
	v62 =	vmov s14  }
0x57: {  	v30 =	vshll.u32 v30, v0;
	v40 =	vand.u32 $0x7F, v40;
	v62 =	vshrl.u32 v62, $0x5  }
0x58: {  	v40 =	vshll.u32 v40, v0;
	v58 =	vand.u32 $0x7F, v58;
	v62 =	vand.u32 $0x7F, v62  }
0x59: {  	v58 =	vshll.u32 v58, v0;
	v59 =	vshll.u32 v59, v0;
	v62 =	vshll.u32 v62, v0;
	v0 =	vld [tilespmem:$0x1FF30];
	_ =	sdelay $0x4  }
0x5a: {  	v1 =	vbroadcast v0, $0x0  }
0x5b: {  	v2 =	vbroadcast v2, $0x0;
	v0 =	vlaneseq.u32  }
0x5c: {  	v3 =	vbroadcast v3, $0x0;
	v1 =	vor.u32 v0, v1  }
0x5d: {  	v6 =	vbroadcast v6, $0x0;
	[tilespmem:$0x1FF40] =	vst v1;
	v1 =	vor.u32 v0, v2  }
0x5e: {  	v2 =	vor.u32 v0, v3;
	[tilespmem:$0x1FF50] =	vst v1;
	v1 =	vbroadcast v5, $0x0  }
0x5f: {  	s0 =	rddreg [dreg:$0x4];
	[tilespmem:$0x1FF60] =	vst v2;
	v2 =	vor.u32 v0, v6  }
0x60: {  	s2 =	rddreg [dreg:$0x1];
	[tilespmem:$0x1FF70] =	vst v2;
	v2 =	vbroadcast v4, $0x0;
	v1 =	vor.u32 v0, v1  }
0x61: {  	[dreg:$0x6] =	wrdreg s2;
	[tilespmem:$0x1FF80] =	vst v1;
	v1 =	vbroadcast v7, $0x0  }
0x62: {  	s2 =	rddreg [dreg:$0x3];
	v3 =	vbroadcast v8, $0x0;
	v2 =	vor.u32 v0, v2  }
0x63: {  	[dreg:$0x8] =	wrdreg s2;
	[tilespmem:$0x1FF90] =	vst v2;
	v2 =	vbroadcast v9, $0x0;
	v1 =	vor.u32 v0, v1  }
0x64: {  	s2 =	rddreg [dreg:$0x0];
	v9 =	vbroadcast v12, $0x0;
	[tilespmem:$0x1FFA0] =	vst v1;
	v1 =	vor.u32 v0, v3  }
0x65: {  	s1 =	rddreg [dreg:$0x2];
	v2 =	vor.u32 v0, v2;
	[tilespmem:$0x1FFB0] =	vst v1  }
0x66: {  	s3 =	sshll.u32 s3, $0x11;
	[dreg:$0x7] =	wrdreg s1;
	s1 =	simm.s32 $0x0;
	[tilespmem:$0x1FFC0] =	vst v2;
	v2 =	vor.u32 v0, v9  }
0x67: {  	s3 =	sadd.s32 s0, s3;
	[smem:$0x7FF] =	sst s1;
	[tilespmem:$0x1FFD0] =	vst v2  }
0x68: {  	s4 =	sshll.u32 s4, $0x7;
	_ =	strace $0x80000047;
	[dreg:$0x9] =	wrdreg s3  }
0x69: {  	s3 =	sadd.s32 s0, s4;
	s4 =	sld [smem:$0x7FB]  }
0x6a: {  	v1 =	vbroadcast v10, $0x0;
	_ =	sdelay $0x1  }
0x6b: {  	v2 =	vbroadcast v11, $0x0;
	v1 =	vor.u32 v0, v1;
	[dreg:$0xa] =	wrdreg s3;
	s4 =	sshll.u32 s4, $0x7  }
0x6c: {  	[tilespmem:$0x1FFE0] =	vst v1;
	v1 =	vbroadcast v14, $0x0;
	s3 =	sadd.s32 s0, s4;
	s4 =	rddreg [dreg:$0x1f]  }
0x6d: {  	v12 =	vor.u32 v0, v2;
	v2 =	vbroadcast v13, $0x0;
	s4 =	sshll.u32 s4, $0x7;
	[dreg:$0xb] =	wrdreg s3  }
0x6e: {  	v13 =	vor.u32 v0, v1;
	v1 =	vbroadcast v16, $0x0;
	s3 =	sadd.s32 s0, s4;
	s4 =	sld [smem:$0x7FC]  }
0x6f: {  	s25 =	sshll.u32 s25, $0x7;
	v3 =	vbroadcast v15, $0x0;
	v15 =	vor.u32 v0, v2;
	v2 =	vbroadcast v17, $0x0;
	[dreg:$0xc] =	wrdreg s3  }
0x70: {  	v50 =	vbroadcast v50, $0x0;
	v17 =	vor.u32 v0, v1;
	v1 =	vbroadcast v18, $0x0;
	s3 =	sadd.s32 s0, s25;
	s25 =	sld [smem:$0x7FD]  }
0x71: {  	s7 =	sshll.u32 s7, $0x7;
	v8 =	vbroadcast v27, $0x0;
	v18 =	vor.u32 v0, v2;
	v2 =	vbroadcast v19, $0x0;
	s4 =	sshll.u32 s4, $0x7  }
0x72: {  	s13 =	sshll.u32 s13, $0x7;
	s17 =	sshll.u32 s17, $0x7;
	v11 =	vbroadcast v21, $0x0;
	v19 =	vor.u32 v0, v1;
	v1 =	vbroadcast v22, $0x0;
	s4 =	sadd.s32 s0, s4  }
0x73: {  	s11 =	sshll.u32 s11, $0x7;
	v14 =	vor.u32 v0, v3;
	v21 =	vor.u32 v0, v2;
	v2 =	vbroadcast v23, $0x0;
	[dreg:$0xd] =	wrdreg s4;
	s4 =	sshll.u32 s25, $0x7  }
0x74: {  	v3 =	vbroadcast v20, $0x0;
	[dreg:$0xe] =	wrdreg s3;
	v23 =	vor.u32 v0, v1;
	v1 =	vbroadcast v24, $0x0;
	s25 =	sshll.u32 s10, $0x7;
	s4 =	sadd.s32 s0, s4  }
0x75: {  	v9 =	vbroadcast v33, $0x0;
	v24 =	vor.u32 v0, v2;
	v2 =	vbroadcast v25, $0x0;
	s10 =	sadd.s32 s0, s25;
	s25 =	sshll.u32 s6, $0x7;
	[dreg:$0xf] =	wrdreg s4  }
0x76: {  	s11 =	sadd.s32 s0, s11;
	v20 =	vor.u32 v0, v3;
	v25 =	vor.u32 v0, v1;
	v1 =	vbroadcast v28, $0x0;
	[dreg:$0x10] =	wrdreg s10;
	s6 =	sadd.s32 s0, s25  }
0x77: {  	s14 =	sshll.u32 s14, $0x7;
	v3 =	vbroadcast v26, $0x0;
	v27 =	vor.u32 v0, v2;
	v2 =	vbroadcast v29, $0x0;
	s10 =	sadd.s32 s0, s7;
	[dreg:$0x11] =	wrdreg s6  }
0x78: {  	s14 =	sadd.s32 s0, s14;
	v16 =	vor.u32 v0, v11;
	v29 =	vor.u32 v0, v1;
	v1 =	vbroadcast v30, $0x0;
	s25 =	sshll.u32 s5, $0x7;
	[dreg:$0x12] =	wrdreg s10  }
0x79: {  	v26 =	vor.u32 v0, v3;
	v30 =	vor.u32 v0, v2;
	v2 =	vbroadcast v32, $0x0;
	s5 =	sadd.s32 s0, s25;
	s6 =	sshll.u32 s16, $0x7;
	s10 =	rddreg [dreg:$0x1e]  }
0x7a: {  	v3 =	vbroadcast v31, $0x0;
	s16 =	sshll.u32 s15, $0x7;
	v31 =	vor.u32 v0, v1;
	v1 =	vbroadcast v34, $0x0;
	[dreg:$0x13] =	wrdreg s5;
	s7 =	sadd.s32 s0, s6  }
0x7b: {  	v11 =	vbroadcast v40, $0x0;
	v33 =	vor.u32 v0, v2;
	v2 =	vbroadcast v35, $0x0;
	s3 =	ssub.s32 $0x2, s10;
	s4 =	sadd.s32 s0, s16;
	s5 =	sadd.s32 s0, s17  }
0x7c: {  	v10 =	vbroadcast v39, $0x0;
	s6 =	stileid.u32;
	s10 =	sshll.u32 s18, $0x7;
	[dreg:$0x14] =	wrdreg s7;
	v35 =	vor.u32 v0, v1;
	v1 =	vbroadcast v36, $0x0  }
0x7d: {  	v40 =	vor.u32 v0, v11;
	s17 =	sshll.u32 s20, $0x7;
	s25 =	sshrl.u32 s3, $0x1;
	[dreg:$0x15] =	wrdreg s4;
	v36 =	vor.u32 v0, v2;
	v2 =	vbroadcast v37, $0x0  }
0x7e: {  	v11 =	vbroadcast v60, $0x0;
	[dreg:$0x16] =	wrdreg s5;
	s7 =	sshll.u32 s19, $0x7;
	s16 =	sadd.s32 s0, s10;
	v37 =	vor.u32 v0, v1;
	v1 =	vbroadcast v41, $0x0  }
0x7f: {  	v22 =	vor.u32 v0, v8;
	s18 =	sadd.s32 s0, s17;
	s19 =	sshll.u32 s22, $0x7;
	s22 =	sshll.u32 s21, $0x7;
	v39 =	vor.u32 v0, v2;
	v2 =	vbroadcast v43, $0x0  }
0x80: {  	v32 =	vor.u32 v0, v3;
	s21 =	sshll.u32 s29, $0x7;
	s29 =	simm.s32 $0x2;
	s15 =	ssub.s32 s3, s25;
	v41 =	vor.u32 v0, v1;
	v1 =	vbroadcast v42, $0x0  }
0x81: {  	v3 =	vbroadcast v38, $0x0;
	s3 =	sshrl.u32 s6, $0x1;
	s4 =	sadd.s32 s0, s7;
	[dreg:$0x18] =	wrdreg s16;
	v42 =	vor.u32 v0, v2;
	v2 =	vbroadcast v44, $0x0  }
0x82: {  	v8 =	vbroadcast v56, $0x0;
	[dreg:$0x19] =	wrdreg s18;
	s20 =	sadd.s32 s0, s19;
	s6 =	sadd.s32 s0, s22;
	v43 =	vor.u32 v0, v1;
	v1 =	vbroadcast v45, $0x0  }
0x83: {  	v38 =	vor.u32 v0, v3;
	s7 =	sshll.u32 s23, $0x7;
	s16 =	sshll.u32 s24, $0x7;
	s18 =	sshll.u32 s8, $0x7;
	v45 =	vor.u32 v0, v2;
	v2 =	vbroadcast v47, $0x0  }
0x84: {  	v3 =	vbroadcast v46, $0x0;
	s19 =	sshll.u32 s26, $0x7;
	s22 =	sshll.u32 s30, $0x7;
	s23 =	sshll.u32 s31, $0x7;
	v47 =	vor.u32 v0, v1;
	v1 =	vbroadcast v48, $0x0  }
0x85: {  	v28 =	vor.u32 v0, v9;
	s24 =	sshll.u32 s9, $0x7;
	s26 =	sshll.u32 s12, $0x7;
	[dreg:$0x17] =	wrdreg s4;
	v48 =	vor.u32 v0, v2;
	v2 =	vbroadcast v49, $0x0  }
0x86: {  	s12 =	sadd.s32 s0, s13;
	s30 =	simm.s32 $0x5;
	[dreg:$0x1a] =	wrdreg s20;
	v44 =	vor.u32 v0, v3;
	v49 =	vor.u32 v0, v1;
	v1 =	vbroadcast v51, $0x0  }
0x87: {  	s31 =	simm.s32 $0x3;
	s25 =	sshll.u32 s3, $0xC;
	[dreg:$0x1b] =	wrdreg s6;
	v3 =	vbroadcast v52, $0x0;
	v51 =	vor.u32 v0, v2;
	v2 =	vbroadcast v53, $0x0  }
0x88: {  	v46 =	vor.u32 v0, v50;
	s10 =	sadd.s32 s0, s7;
	s17 =	sadd.s32 s0, s16;
	s4 =	sadd.s32 s0, s18;
	v53 =	vor.u32 v0, v1;
	v1 =	vbroadcast v54, $0x0  }
0x89: {  	s5 =	sadd.s32 s0, s19;
	s20 =	sshll.u32 s28, $0x7;
	s7 =	sadd.s32 s0, s21;
	v50 =	vor.u32 v0, v3;
	v3 =	vbroadcast v58, $0x0;
	v54 =	vor.u32 v0, v2  }
0x8a: {  	s8 =	sadd.s32 s0, s22;
	s9 =	sadd.s32 s0, s23;
	s13 =	sadd.s32 s0, s26;
	v2 =	vbroadcast v55, $0x0;
	v55 =	vor.u32 v0, v1;
	v1 =	vbroadcast v57, $0x0  }
0x8b: {  	v9 =	vbroadcast v63, $0x0;
	v34 =	vor.u32 v0, v10;
	v10 =	vbroadcast v59, $0x0;
	s15 =	smax.u32 s15, $0x1;
	s16 =	simm.s32 $0x7;
	s18 =	simm.s32 $0x100  }
0x8c: {  	s19 =	simm.s32 $0x20;
	s21 =	simm.s32 $0x300;
	s22 =	simm.s32 $0x200;
	v56 =	vor.u32 v0, v3;
	v59 =	vor.u32 v0, v1;
	v1 =	vbroadcast v61, $0x0  }
0x8d: {  	s23 =	simm.s32 $0x8300;
	s26 =	simm.s32 $0x1;
	[dreg:$0x1c] =	wrdreg s10;
	v3 =	vbroadcast v62, $0x0;
	v57 =	vor.u32 v0, v2;
	v2 =	vmov s3  }
0x8e: {  	s28 =	simm.s32 $0x4;
	[dreg:$0x1d] =	wrdreg s17;
	s6 =	sadd.s32 s0, s20;
	v60 =	vmov s25;
	v62 =	vor.u32 v0, v1;
	v1 =	vbroadcast v2, $0x0  }
0x8f: {  	s10 =	sadd.s32 s0, s24;
	s17 =	simm.s32 $0x80;
	s20 =	simm.s32 $0x180;
	v52 =	vor.u32 v0, v8;
	v58 =	vor.u32 v0, v9;
	v63 =	vor.u32 v0, v3  }
0x90: {  	s24 =	simm.s32 $0x280;
	s25 =	simm.s32 $0x10300;
	s3 =	simm.s32 $0x6;
	v61 =	vor.u32 v0, v10;
	v0 =	vor.u32 v0, v11;
	[tilespmem:$0x1FFF0] =	vst v1;
	v1 =	vor.u32 $0x10, v60  }
.LBB2_1:
0x91: {  	s0 =	rddreg [dreg:$0x6]  }
0x92: {  	[tilespmem:s1], [sflag:$0x7] =	stream.linear.gather [hbm4b:s0+s1], $0x8, $0x38;
	[tilespmem:$0x18300] =	vst v63  }
0x93: {  	_ =	swait.ge [sflag:s16], $0x8  }
0x94: {  	[sflag:s16] =	ssyncset.done $0x0  }
0x95: {  	s0 =	rddreg [dreg:$0x7];
	[sflag:s16] =	ssyncadd.s32 $0xFFFFFFF8  }
0x96: {  	[tilespmem:s17], [sflag:$0x7] =	stream.linear.gather [hbm4b:s0+s1], $0x8, $0x38;
	[tilespmem:$0x18300] =	vst v63  }
0x97: {  	_ =	swait.ge [sflag:s16], $0x8  }
0x98: {  	[sflag:s16] =	ssyncset.done $0x0  }
0x99: {  	s0 =	rddreg [dreg:$0x8];
	[sflag:s16] =	ssyncadd.s32 $0xFFFFFFF8  }
0x9a: {  	[tilespmem:s18], [sflag:$0x7] =	stream.linear.gather [hbm4b:s0+s1], $0x1, $0x38;
	[tilespmem:$0x18300] =	vst v63  }
0x9b: {  	_ =	swait.ge [sflag:s16], $0x1  }
0x9c: {  	[sflag:s16] =	ssyncset.done $0x0  }
0x9d: {  	v5 =	vld [tilespmem:$0x1FFF0];
	[sflag:s16] =	ssyncadd.s32 $0xFFFFFFFF  }
0x9e: {  	v2 =	vld [tilespmem:$0x0]  }
0x9f: {  	v3 =	vld [tilespmem:$0x80]  }
0xa0: {  	v4 =	vld [tilespmem:$0x100];
	_ =	sdelay $0x1  }
0xa1: {  	v6 =	vld [tilespmem:$0x1FF40];
	_ =	sdelay $0x1  }
0xa2: {  	v8 =	vimm.s32 $0x0;
	v2 =	vperm.xlane v2, v5;
	v3 =	vperm.xlane v3, v5  }
0xa3: {  	v4 =	vperm.xlane v4, v8  }
0xa4: {  	v3 =	vsub.s32 v3, v2  }
0xa5: {  	vm0 =	vge.s32 v6, v4;
	vm1 =	vlt.s32 v6, v3  }
0xa6: {  	vm0 =	vmand vm1, vm0  }
0xa7: {  	v9 =	vnsel vm0, $0x0, v2  }
0xa8: {  	v5 =	vadd.s32 v6, v9;
	v9 =	vld [tilespmem:$0x1FF50]  }
0xa9: {  	v11 =	vld [tilespmem:$0x1FF60];
	_ =	sdelay $0x3  }
0xaa: {  	vm8 =	vge.s32 v9, v4;
	vm9 =	vlt.s32 v9, v3  }
0xab: {  	vm10 =	vge.s32 v11, v4;
	vm0 =	vmand vm9, vm8  }
0xac: {  	vm11 =	vlt.s32 v11, v3;
	v6 =	vshll.u32 v5, $0x1;
	v8 =	vnsel vm0, $0x0, v2  }
0xad: {  	v5 =	vand.u32 $0xF, v5;
	v6 =	vand.u32 $0xFFFFFFE0, v6;
	v8 =	vadd.s32 v9, v8  }
0xae: {  	v7 =	vadd.s32 v60, v6;
	v6 =	vadd.s32 v1, v6;
	v9 =	vshll.u32 v8, $0x1  }
0xaf: {  	v7 =	vor.u32 v5, v7;
	vm0 =	vmand vm11, vm10;
	v9 =	vand.u32 $0xFFFFFFE0, v9  }
0xb0: {  	v10 =	vnsel vm0, $0x0, v2;
	v8 =	vand.u32 $0xF, v8;
	v9 =	vadd.s32 v60, v9  }
0xb1: {  	v5 =	vor.u32 v5, v6;
	v6 =	vor.u32 v8, v9;
	v8 =	vadd.s32 v11, v10;
	v10 =	vld [tilespmem:$0x1FF70]  }
0xb2: {  	v11 =	vld [tilespmem:$0x1FF80];
	_ =	sdelay $0x3  }
0xb3: {  	v9 =	vshll.u32 v8, $0x1;
	vm12 =	vge.s32 v10, v4;
	vm13 =	vlt.s32 v10, v3  }
0xb4: {  	vm14 =	vge.s32 v11, v4;
	vm2 =	vlt.s32 v11, v3;
	vm0 =	vmand vm13, vm12  }
0xb5: {  	[tilespmem:$0x180] =	vst v7;
	v7 =	vand.u32 $0xFFFFFFE0, v9;
	vm1 =	vmand vm2, vm14;
	v9 =	vnsel vm0, $0x0, v2  }
0xb6: {  	[tilespmem:$0x190] =	vst v5;
	v5 =	vadd.s32 v1, v7;
	v7 =	vadd.s32 v10, v9;
	v9 =	vnsel vm1, $0x0, v2  }
0xb7: {  	[tilespmem:s21], [sflag:$0x1] =	stream.indirect.gather [hbm4b:s2+s19], $0x400, s20, s19, $0xb8;
	v8 =	vand.u32 $0xF, v8;
	v10 =	vshll.u32 v7, $0x1;
	v9 =	vadd.s32 v11, v9;
	[tilespmem:$0x18300] =	vst v63  }
0xb8: {  	[tilespmem:$0x200] =	vst v6;
	v5 =	vor.u32 v8, v5;
	v6 =	vand.u32 $0xFFFFFFE0, v10;
	v8 =	vshll.u32 v9, $0x1  }
0xb9: {  	[tilespmem:$0x210] =	vst v5;
	v10 =	vand.u32 $0xF, v7;
	v5 =	vadd.s32 v60, v6;
	v11 =	vand.u32 $0xFFFFFFE0, v8  }
0xba: {  	[tilespmem:s23], [sflag:$0x2] =	stream.indirect.gather [hbm4b:s2+s19], $0x400, s22, s19, $0xb8;
	v5 =	vor.u32 v10, v5;
	v10 =	vadd.s32 v1, v11;
	v11 =	vand.u32 $0xF, v9;
	[tilespmem:$0x18300] =	vst v63  }
0xbb: {  	[tilespmem:$0x280] =	vst v5;
	v8 =	vor.u32 v11, v10  }
0xbc: {  	[tilespmem:$0x290] =	vst v8  }
0xbd: {  	[tilespmem:s25], [sflag:$0x3] =	stream.indirect.gather [hbm4b:s2+s19], $0x400, s24, s19, $0xb8;
	[tilespmem:$0x18300] =	vst v63  }
0xbe: {  	_ =	swait.ge [sflag:s26], $0x8000  }
0xbf: {  	v6 =	vld [tilespmem:$0x1FF90]  }
0xc0: {  	v8 =	vld [tilespmem:$0x1FFA0];
	_ =	sdelay $0x3  }
0xc1: {  	vm15 =	vge.s32 v6, v4;
	vm4 =	vlt.s32 v6, v3  }
0xc2: {  	vm5 =	vge.s32 v8, v4;
	vm6 =	vlt.s32 v8, v3;
	vm0 =	vmand vm4, vm15  }
0xc3: {  	[sflag:s26] =	ssyncset.done $0x0;
	vm7 =	vmand vm6, vm5;
	v9 =	vnsel vm0, $0x0, v2  }
0xc4: {  	s0 =	rddreg [dreg:$0x9];
	[sflag:s26] =	ssyncadd.s32 $0xFFFF8000;
	v10 =	vnsel vm7, $0x0, v2;
	v5 =	vadd.s32 v6, v9  }
0xc5: {  	[hbm4b:s0+s1] =	stream.linear.scatter [tilespmem:s21], [sflag:$0x4], $0x8000, $0x38;
	v6 =	vadd.s32 v8, v10;
	v11 =	vshll.u32 v5, $0x1;
	[tilespmem:$0x18300] =	vst v63  }
0xc6: {  	_ =	swait.ge [sflag:s28], $0x8000;
	v8 =	vshll.u32 v6, $0x1;
	v7 =	vand.u32 $0xFFFFFFE0, v11  }
0xc7: {  	[sflag:s28] =	ssyncset.done $0x0;
	v5 =	vand.u32 $0xF, v5;
	v8 =	vand.u32 $0xFFFFFFE0, v8;
	v7 =	vadd.s32 v60, v7  }
0xc8: {  	[sflag:s28] =	ssyncadd.s32 $0xFFFF8000;
	v6 =	vand.u32 $0xF, v6;
	v9 =	vadd.s32 v1, v8;
	v5 =	vor.u32 v5, v7  }
0xc9: {  	v10 =	vor.u32 v6, v9;
	[tilespmem:$0x180] =	vst v5  }
0xca: {  	[tilespmem:$0x190] =	vst v10  }
0xcb: {  	[tilespmem:s21], [sflag:$0x1] =	stream.indirect.gather [hbm4b:s2+s19], $0x400, s20, s19, $0xb8;
	[tilespmem:$0x18300] =	vst v63  }
0xcc: {  	_ =	swait.ge [sflag:s29], $0x8000  }
0xcd: {  	v6 =	vld [tilespmem:$0x1FFB0]  }
0xce: {  	v8 =	vld [tilespmem:$0x1FFC0];
	_ =	sdelay $0x3  }
0xcf: {  	vm8 =	vge.s32 v6, v4;
	vm9 =	vlt.s32 v6, v3  }
0xd0: {  	vm10 =	vge.s32 v8, v4;
	vm11 =	vlt.s32 v8, v3;
	vm0 =	vmand vm9, vm8  }
0xd1: {  	[sflag:s29] =	ssyncset.done $0x0;
	vm12 =	vmand vm11, vm10;
	v11 =	vnsel vm0, $0x0, v2  }
0xd2: {  	s0 =	rddreg [dreg:$0xa];
	[sflag:s29] =	ssyncadd.s32 $0xFFFF8000;
	v9 =	vnsel vm12, $0x0, v2;
	v5 =	vadd.s32 v6, v11  }
0xd3: {  	[hbm4b:s0+s1] =	stream.linear.scatter [tilespmem:s23], [sflag:$0x5], $0x8000, $0x38;
	v6 =	vadd.s32 v8, v9;
	v10 =	vshll.u32 v5, $0x1;
	[tilespmem:$0x18300] =	vst v63  }
0xd4: {  	_ =	swait.ge [sflag:s30], $0x8000;
	v8 =	vshll.u32 v6, $0x1;
	v7 =	vand.u32 $0xFFFFFFE0, v10  }
0xd5: {  	[sflag:s30] =	ssyncset.done $0x0;
	v5 =	vand.u32 $0xF, v5;
	v8 =	vand.u32 $0xFFFFFFE0, v8;
	v7 =	vadd.s32 v60, v7  }
0xd6: {  	[sflag:s30] =	ssyncadd.s32 $0xFFFF8000;
	v6 =	vand.u32 $0xF, v6;
	v11 =	vadd.s32 v1, v8;
	v5 =	vor.u32 v5, v7  }
0xd7: {  	v9 =	vor.u32 v6, v11;
	[tilespmem:$0x200] =	vst v5  }
0xd8: {  	[tilespmem:$0x210] =	vst v9  }
0xd9: {  	[tilespmem:s23], [sflag:$0x2] =	stream.indirect.gather [hbm4b:s2+s19], $0x400, s22, s19, $0xb8;
	[tilespmem:$0x18300] =	vst v63  }
0xda: {  	_ =	swait.ge [sflag:s31], $0x8000  }
0xdb: {  	v6 =	vld [tilespmem:$0x1FFD0]  }
0xdc: {  	v8 =	vld [tilespmem:$0x1FFE0];
	_ =	sdelay $0x3  }
0xdd: {  	vm13 =	vge.s32 v6, v4;
	vm14 =	vlt.s32 v6, v3  }
0xde: {  	vm15 =	vge.s32 v8, v4;
	vm4 =	vlt.s32 v8, v3;
	vm0 =	vmand vm14, vm13  }
0xdf: {  	[sflag:s31] =	ssyncset.done $0x0;
	vm5 =	vmand vm4, vm15;
	v10 =	vnsel vm0, $0x0, v2  }
0xe0: {  	s0 =	rddreg [dreg:$0xb];
	[sflag:s31] =	ssyncadd.s32 $0xFFFF8000;
	v11 =	vnsel vm5, $0x0, v2;
	v5 =	vadd.s32 v6, v10  }
0xe1: {  	[hbm4b:s0+s1] =	stream.linear.scatter [tilespmem:s25], [sflag:$0x6], $0x8000, $0x38;
	v6 =	vadd.s32 v8, v11;
	v9 =	vshll.u32 v5, $0x1;
	[tilespmem:$0x18300] =	vst v63  }
0xe2: {  	_ =	swait.ge [sflag:s3], $0x8000;
	v8 =	vshll.u32 v6, $0x1;
	v7 =	vand.u32 $0xFFFFFFE0, v9  }
0xe3: {  	[sflag:s3] =	ssyncset.done $0x0;
	v5 =	vand.u32 $0xF, v5;
	v8 =	vand.u32 $0xFFFFFFE0, v8;
	v7 =	vadd.s32 v60, v7  }
0xe4: {  	[sflag:s3] =	ssyncadd.s32 $0xFFFF8000;
	v6 =	vand.u32 $0xF, v6;
	v10 =	vadd.s32 v1, v8;
	v5 =	vor.u32 v5, v7  }
0xe5: {  	v11 =	vor.u32 v6, v10;
	[tilespmem:$0x280] =	vst v5  }
0xe6: {  	[tilespmem:$0x290] =	vst v11  }
0xe7: {  	vm6 =	vge.s32 v12, v4;
	vm7 =	vlt.s32 v12, v3;
	[tilespmem:s25], [sflag:$0x3] =	stream.indirect.gather [hbm4b:s2+s19], $0x400, s24, s19, $0xb8;
	[tilespmem:$0x18300] =	vst v63  }
0xe8: {  	vm8 =	vge.s32 v13, v4;
	vm9 =	vlt.s32 v13, v3;
	vm0 =	vmand vm7, vm6;
	_ =	swait.ge [sflag:s26], $0x8000  }
0xe9: {  	vm10 =	vmand vm9, vm8;
	v8 =	vnsel vm0, $0x0, v2;
	[sflag:s26] =	ssyncset.done $0x0  }
0xea: {  	v9 =	vnsel vm10, $0x0, v2;
	v5 =	vadd.s32 v12, v8;
	s0 =	rddreg [dreg:$0xc];
	[sflag:s26] =	ssyncadd.s32 $0xFFFF8000  }
0xeb: {  	v6 =	vadd.s32 v13, v9;
	v10 =	vshll.u32 v5, $0x1;
	[hbm4b:s0+s1] =	stream.linear.scatter [tilespmem:s21], [sflag:$0x4], $0x8000, $0x38;
	[tilespmem:$0x18300] =	vst v63  }
0xec: {  	v8 =	vshll.u32 v6, $0x1;
	v7 =	vand.u32 $0xFFFFFFE0, v10;
	_ =	swait.ge [sflag:s28], $0x8000  }
0xed: {  	v5 =	vand.u32 $0xF, v5;
	v8 =	vand.u32 $0xFFFFFFE0, v8;
	v7 =	vadd.s32 v60, v7;
	[sflag:s28] =	ssyncset.done $0x0  }
0xee: {  	v6 =	vand.u32 $0xF, v6;
	v11 =	vadd.s32 v1, v8;
	v5 =	vor.u32 v5, v7;
	[sflag:s28] =	ssyncadd.s32 $0xFFFF8000  }
0xef: {  	v9 =	vor.u32 v6, v11;
	[tilespmem:$0x180] =	vst v5  }
0xf0: {  	[tilespmem:$0x190] =	vst v9  }
0xf1: {  	vm11 =	vge.s32 v14, v4;
	vm12 =	vlt.s32 v14, v3;
	[tilespmem:s21], [sflag:$0x1] =	stream.indirect.gather [hbm4b:s2+s19], $0x400, s20, s19, $0xb8;
	[tilespmem:$0x18300] =	vst v63  }
0xf2: {  	vm13 =	vge.s32 v15, v4;
	vm14 =	vlt.s32 v15, v3;
	vm0 =	vmand vm12, vm11;
	_ =	swait.ge [sflag:s29], $0x8000  }
0xf3: {  	vm15 =	vmand vm14, vm13;
	v10 =	vnsel vm0, $0x0, v2;
	[sflag:s29] =	ssyncset.done $0x0  }
0xf4: {  	v11 =	vnsel vm15, $0x0, v2;
	v5 =	vadd.s32 v14, v10;
	s0 =	rddreg [dreg:$0xd];
	[sflag:s29] =	ssyncadd.s32 $0xFFFF8000  }
0xf5: {  	v6 =	vadd.s32 v15, v11;
	v9 =	vshll.u32 v5, $0x1;
	[hbm4b:s0+s1] =	stream.linear.scatter [tilespmem:s23], [sflag:$0x5], $0x8000, $0x38;
	[tilespmem:$0x18300] =	vst v63  }
0xf6: {  	v8 =	vshll.u32 v6, $0x1;
	v7 =	vand.u32 $0xFFFFFFE0, v9;
	_ =	swait.ge [sflag:s30], $0x8000  }
0xf7: {  	v8 =	vand.u32 $0xFFFFFFE0, v8;
	v5 =	vand.u32 $0xF, v5;
	v7 =	vadd.s32 v60, v7;
	[sflag:s30] =	ssyncset.done $0x0  }
0xf8: {  	v6 =	vand.u32 $0xF, v6;
	v10 =	vadd.s32 v1, v8;
	v5 =	vor.u32 v5, v7;
	[sflag:s30] =	ssyncadd.s32 $0xFFFF8000  }
0xf9: {  	v11 =	vor.u32 v6, v10;
	[tilespmem:$0x200] =	vst v5  }
0xfa: {  	[tilespmem:$0x210] =	vst v11  }
0xfb: {  	vm4 =	vge.s32 v16, v4;
	vm5 =	vlt.s32 v16, v3;
	[tilespmem:s23], [sflag:$0x2] =	stream.indirect.gather [hbm4b:s2+s19], $0x400, s22, s19, $0xb8;
	[tilespmem:$0x18300] =	vst v63  }
0xfc: {  	vm6 =	vge.s32 v17, v4;
	vm7 =	vlt.s32 v17, v3;
	vm0 =	vmand vm5, vm4;
	_ =	swait.ge [sflag:s31], $0x8000  }
0xfd: {  	vm8 =	vmand vm7, vm6;
	v8 =	vnsel vm0, $0x0, v2;
	[sflag:s31] =	ssyncset.done $0x0  }
0xfe: {  	v9 =	vnsel vm8, $0x0, v2;
	v5 =	vadd.s32 v16, v8;
	s0 =	rddreg [dreg:$0xe];
	[sflag:s31] =	ssyncadd.s32 $0xFFFF8000  }
0xff: {  	v6 =	vadd.s32 v17, v9;
	v10 =	vshll.u32 v5, $0x1;
	[hbm4b:s0+s1] =	stream.linear.scatter [tilespmem:s25], [sflag:$0x6], $0x8000, $0x38;
	[tilespmem:$0x18300] =	vst v63  }
0x100: {  	v8 =	vshll.u32 v6, $0x1;
	v7 =	vand.u32 $0xFFFFFFE0, v10;
	_ =	swait.ge [sflag:s3], $0x8000  }
0x101: {  	v5 =	vand.u32 $0xF, v5;
	v8 =	vand.u32 $0xFFFFFFE0, v8;
	v7 =	vadd.s32 v60, v7;
	[sflag:s3] =	ssyncset.done $0x0  }
0x102: {  	v6 =	vand.u32 $0xF, v6;
	v11 =	vadd.s32 v1, v8;
	v5 =	vor.u32 v5, v7;
	[sflag:s3] =	ssyncadd.s32 $0xFFFF8000  }
0x103: {  	v9 =	vor.u32 v6, v11;
	[tilespmem:$0x280] =	vst v5  }
0x104: {  	[tilespmem:$0x290] =	vst v9  }
0x105: {  	vm9 =	vge.s32 v18, v4;
	vm10 =	vlt.s32 v18, v3;
	[tilespmem:s25], [sflag:$0x3] =	stream.indirect.gather [hbm4b:s2+s19], $0x400, s24, s19, $0xb8;
	[tilespmem:$0x18300] =	vst v63  }
0x106: {  	vm11 =	vge.s32 v19, v4;
	vm12 =	vlt.s32 v19, v3;
	vm0 =	vmand vm10, vm9;
	_ =	swait.ge [sflag:s26], $0x8000  }
0x107: {  	vm13 =	vmand vm12, vm11;
	v10 =	vnsel vm0, $0x0, v2;
	[sflag:s26] =	ssyncset.done $0x0  }
0x108: {  	v11 =	vnsel vm13, $0x0, v2;
	v5 =	vadd.s32 v18, v10;
	s0 =	rddreg [dreg:$0xf];
	[sflag:s26] =	ssyncadd.s32 $0xFFFF8000  }
0x109: {  	v6 =	vadd.s32 v19, v11;
	v9 =	vshll.u32 v5, $0x1;
	[hbm4b:s0+s1] =	stream.linear.scatter [tilespmem:s21], [sflag:$0x4], $0x8000, $0x38;
	[tilespmem:$0x18300] =	vst v63  }
0x10a: {  	v8 =	vshll.u32 v6, $0x1;
	v7 =	vand.u32 $0xFFFFFFE0, v9;
	_ =	swait.ge [sflag:s28], $0x8000  }
0x10b: {  	v8 =	vand.u32 $0xFFFFFFE0, v8;
	v5 =	vand.u32 $0xF, v5;
	v7 =	vadd.s32 v60, v7;
	[sflag:s28] =	ssyncset.done $0x0  }
0x10c: {  	v6 =	vand.u32 $0xF, v6;
	v10 =	vadd.s32 v1, v8;
	v5 =	vor.u32 v5, v7;
	[sflag:s28] =	ssyncadd.s32 $0xFFFF8000  }
0x10d: {  	v11 =	vor.u32 v6, v10;
	[tilespmem:$0x180] =	vst v5  }
0x10e: {  	[tilespmem:$0x190] =	vst v11  }
0x10f: {  	vm14 =	vge.s32 v20, v4;
	vm15 =	vlt.s32 v20, v3;
	[tilespmem:s21], [sflag:$0x1] =	stream.indirect.gather [hbm4b:s2+s19], $0x400, s20, s19, $0xb8;
	[tilespmem:$0x18300] =	vst v63  }
0x110: {  	vm4 =	vge.s32 v21, v4;
	vm5 =	vlt.s32 v21, v3;
	vm0 =	vmand vm15, vm14;
	_ =	swait.ge [sflag:s29], $0x8000  }
0x111: {  	vm6 =	vmand vm5, vm4;
	v8 =	vnsel vm0, $0x0, v2;
	[sflag:s29] =	ssyncset.done $0x0  }
0x112: {  	v9 =	vnsel vm6, $0x0, v2;
	v5 =	vadd.s32 v20, v8;
	s0 =	rddreg [dreg:$0x10];
	[sflag:s29] =	ssyncadd.s32 $0xFFFF8000  }
0x113: {  	v6 =	vadd.s32 v21, v9;
	v10 =	vshll.u32 v5, $0x1;
	[hbm4b:s0+s1] =	stream.linear.scatter [tilespmem:s23], [sflag:$0x5], $0x8000, $0x38;
	[tilespmem:$0x18300] =	vst v63  }
0x114: {  	v8 =	vshll.u32 v6, $0x1;
	v7 =	vand.u32 $0xFFFFFFE0, v10;
	_ =	swait.ge [sflag:s30], $0x8000  }
0x115: {  	v5 =	vand.u32 $0xF, v5;
	v8 =	vand.u32 $0xFFFFFFE0, v8;
	v7 =	vadd.s32 v60, v7;
	[sflag:s30] =	ssyncset.done $0x0  }
0x116: {  	v6 =	vand.u32 $0xF, v6;
	v11 =	vadd.s32 v1, v8;
	v5 =	vor.u32 v5, v7;
	[sflag:s30] =	ssyncadd.s32 $0xFFFF8000  }
0x117: {  	v9 =	vor.u32 v6, v11;
	[tilespmem:$0x200] =	vst v5  }
0x118: {  	[tilespmem:$0x210] =	vst v9  }
0x119: {  	vm7 =	vge.s32 v22, v4;
	vm8 =	vlt.s32 v22, v3;
	[tilespmem:s23], [sflag:$0x2] =	stream.indirect.gather [hbm4b:s2+s19], $0x400, s22, s19, $0xb8;
	[tilespmem:$0x18300] =	vst v63  }
0x11a: {  	vm9 =	vge.s32 v23, v4;
	vm10 =	vlt.s32 v23, v3;
	vm0 =	vmand vm8, vm7;
	_ =	swait.ge [sflag:s31], $0x8000  }
0x11b: {  	vm11 =	vmand vm10, vm9;
	v10 =	vnsel vm0, $0x0, v2;
	[sflag:s31] =	ssyncset.done $0x0  }
0x11c: {  	v11 =	vnsel vm11, $0x0, v2;
	v5 =	vadd.s32 v22, v10;
	s0 =	rddreg [dreg:$0x11];
	[sflag:s31] =	ssyncadd.s32 $0xFFFF8000  }
0x11d: {  	v6 =	vadd.s32 v23, v11;
	v9 =	vshll.u32 v5, $0x1;
	[hbm4b:s0+s1] =	stream.linear.scatter [tilespmem:s25], [sflag:$0x6], $0x8000, $0x38;
	[tilespmem:$0x18300] =	vst v63  }
0x11e: {  	v8 =	vshll.u32 v6, $0x1;
	v7 =	vand.u32 $0xFFFFFFE0, v9;
	_ =	swait.ge [sflag:s3], $0x8000  }
0x11f: {  	v8 =	vand.u32 $0xFFFFFFE0, v8;
	v5 =	vand.u32 $0xF, v5;
	v7 =	vadd.s32 v60, v7;
	[sflag:s3] =	ssyncset.done $0x0  }
0x120: {  	v6 =	vand.u32 $0xF, v6;
	v10 =	vadd.s32 v1, v8;
	v5 =	vor.u32 v5, v7;
	[sflag:s3] =	ssyncadd.s32 $0xFFFF8000  }
0x121: {  	v11 =	vor.u32 v6, v10;
	[tilespmem:$0x280] =	vst v5  }
0x122: {  	[tilespmem:$0x290] =	vst v11  }
0x123: {  	vm12 =	vge.s32 v24, v4;
	vm13 =	vlt.s32 v24, v3;
	[tilespmem:s25], [sflag:$0x3] =	stream.indirect.gather [hbm4b:s2+s19], $0x400, s24, s19, $0xb8;
	[tilespmem:$0x18300] =	vst v63  }
0x124: {  	vm14 =	vge.s32 v25, v4;
	vm15 =	vlt.s32 v25, v3;
	vm0 =	vmand vm13, vm12;
	_ =	swait.ge [sflag:s26], $0x8000  }
0x125: {  	vm4 =	vmand vm15, vm14;
	v8 =	vnsel vm0, $0x0, v2;
	[sflag:s26] =	ssyncset.done $0x0  }
0x126: {  	v9 =	vnsel vm4, $0x0, v2;
	v5 =	vadd.s32 v24, v8;
	s0 =	rddreg [dreg:$0x12];
	[sflag:s26] =	ssyncadd.s32 $0xFFFF8000  }
0x127: {  	v6 =	vadd.s32 v25, v9;
	v10 =	vshll.u32 v5, $0x1;
	[hbm4b:s0+s1] =	stream.linear.scatter [tilespmem:s21], [sflag:$0x4], $0x8000, $0x38;
	[tilespmem:$0x18300] =	vst v63  }
0x128: {  	v8 =	vshll.u32 v6, $0x1;
	v7 =	vand.u32 $0xFFFFFFE0, v10;
	_ =	swait.ge [sflag:s28], $0x8000  }
0x129: {  	v5 =	vand.u32 $0xF, v5;
	v8 =	vand.u32 $0xFFFFFFE0, v8;
	v7 =	vadd.s32 v60, v7;
	[sflag:s28] =	ssyncset.done $0x0  }
0x12a: {  	v6 =	vand.u32 $0xF, v6;
	v11 =	vadd.s32 v1, v8;
	v5 =	vor.u32 v5, v7;
	[sflag:s28] =	ssyncadd.s32 $0xFFFF8000  }
0x12b: {  	v9 =	vor.u32 v6, v11;
	[tilespmem:$0x180] =	vst v5  }
0x12c: {  	[tilespmem:$0x190] =	vst v9  }
0x12d: {  	vm5 =	vge.s32 v26, v4;
	vm6 =	vlt.s32 v26, v3;
	[tilespmem:s21], [sflag:$0x1] =	stream.indirect.gather [hbm4b:s2+s19], $0x400, s20, s19, $0xb8;
	[tilespmem:$0x18300] =	vst v63  }
0x12e: {  	vm7 =	vge.s32 v27, v4;
	vm8 =	vlt.s32 v27, v3;
	vm0 =	vmand vm6, vm5;
	_ =	swait.ge [sflag:s29], $0x8000  }
0x12f: {  	vm9 =	vmand vm8, vm7;
	v10 =	vnsel vm0, $0x0, v2;
	[sflag:s29] =	ssyncset.done $0x0  }
0x130: {  	v11 =	vnsel vm9, $0x0, v2;
	v5 =	vadd.s32 v26, v10;
	s0 =	rddreg [dreg:$0x13];
	[sflag:s29] =	ssyncadd.s32 $0xFFFF8000  }
0x131: {  	v6 =	vadd.s32 v27, v11;
	v9 =	vshll.u32 v5, $0x1;
	[hbm4b:s0+s1] =	stream.linear.scatter [tilespmem:s23], [sflag:$0x5], $0x8000, $0x38;
	[tilespmem:$0x18300] =	vst v63  }
0x132: {  	v8 =	vshll.u32 v6, $0x1;
	v7 =	vand.u32 $0xFFFFFFE0, v9;
	_ =	swait.ge [sflag:s30], $0x8000  }
0x133: {  	v8 =	vand.u32 $0xFFFFFFE0, v8;
	v5 =	vand.u32 $0xF, v5;
	v7 =	vadd.s32 v60, v7;
	[sflag:s30] =	ssyncset.done $0x0  }
0x134: {  	v6 =	vand.u32 $0xF, v6;
	v10 =	vadd.s32 v1, v8;
	v5 =	vor.u32 v5, v7;
	[sflag:s30] =	ssyncadd.s32 $0xFFFF8000  }
0x135: {  	v11 =	vor.u32 v6, v10;
	[tilespmem:$0x200] =	vst v5  }
0x136: {  	[tilespmem:$0x210] =	vst v11  }
0x137: {  	vm10 =	vge.s32 v28, v4;
	vm11 =	vlt.s32 v28, v3;
	[tilespmem:s23], [sflag:$0x2] =	stream.indirect.gather [hbm4b:s2+s19], $0x400, s22, s19, $0xb8;
	[tilespmem:$0x18300] =	vst v63  }
0x138: {  	vm12 =	vge.s32 v29, v4;
	vm13 =	vlt.s32 v29, v3;
	vm0 =	vmand vm11, vm10;
	_ =	swait.ge [sflag:s31], $0x8000  }
0x139: {  	vm14 =	vmand vm13, vm12;
	v8 =	vnsel vm0, $0x0, v2;
	[sflag:s31] =	ssyncset.done $0x0  }
0x13a: {  	v9 =	vnsel vm14, $0x0, v2;
	v5 =	vadd.s32 v28, v8;
	s0 =	rddreg [dreg:$0x14];
	[sflag:s31] =	ssyncadd.s32 $0xFFFF8000  }
0x13b: {  	v6 =	vadd.s32 v29, v9;
	v10 =	vshll.u32 v5, $0x1;
	[hbm4b:s0+s1] =	stream.linear.scatter [tilespmem:s25], [sflag:$0x6], $0x8000, $0x38;
	[tilespmem:$0x18300] =	vst v63  }
0x13c: {  	v8 =	vshll.u32 v6, $0x1;
	v7 =	vand.u32 $0xFFFFFFE0, v10;
	_ =	swait.ge [sflag:s3], $0x8000  }
0x13d: {  	v5 =	vand.u32 $0xF, v5;
	v8 =	vand.u32 $0xFFFFFFE0, v8;
	v7 =	vadd.s32 v60, v7;
	[sflag:s3] =	ssyncset.done $0x0  }
0x13e: {  	v6 =	vand.u32 $0xF, v6;
	v11 =	vadd.s32 v1, v8;
	v5 =	vor.u32 v5, v7;
	[sflag:s3] =	ssyncadd.s32 $0xFFFF8000  }
0x13f: {  	v9 =	vor.u32 v6, v11;
	[tilespmem:$0x280] =	vst v5  }
0x140: {  	[tilespmem:$0x290] =	vst v9  }
0x141: {  	vm15 =	vge.s32 v30, v4;
	vm4 =	vlt.s32 v30, v3;
	[tilespmem:s25], [sflag:$0x3] =	stream.indirect.gather [hbm4b:s2+s19], $0x400, s24, s19, $0xb8;
	[tilespmem:$0x18300] =	vst v63  }
0x142: {  	vm5 =	vge.s32 v31, v4;
	vm6 =	vlt.s32 v31, v3;
	vm0 =	vmand vm4, vm15;
	_ =	swait.ge [sflag:s26], $0x8000  }
0x143: {  	vm7 =	vmand vm6, vm5;
	v10 =	vnsel vm0, $0x0, v2;
	[sflag:s26] =	ssyncset.done $0x0  }
0x144: {  	v11 =	vnsel vm7, $0x0, v2;
	v5 =	vadd.s32 v30, v10;
	s0 =	rddreg [dreg:$0x15];
	[sflag:s26] =	ssyncadd.s32 $0xFFFF8000  }
0x145: {  	v6 =	vadd.s32 v31, v11;
	v9 =	vshll.u32 v5, $0x1;
	[hbm4b:s0+s1] =	stream.linear.scatter [tilespmem:s21], [sflag:$0x4], $0x8000, $0x38;
	[tilespmem:$0x18300] =	vst v63  }
0x146: {  	v8 =	vshll.u32 v6, $0x1;
	v7 =	vand.u32 $0xFFFFFFE0, v9;
	_ =	swait.ge [sflag:s28], $0x8000  }
0x147: {  	v8 =	vand.u32 $0xFFFFFFE0, v8;
	v5 =	vand.u32 $0xF, v5;
	v7 =	vadd.s32 v60, v7;
	[sflag:s28] =	ssyncset.done $0x0  }
0x148: {  	v6 =	vand.u32 $0xF, v6;
	v10 =	vadd.s32 v1, v8;
	v5 =	vor.u32 v5, v7;
	[sflag:s28] =	ssyncadd.s32 $0xFFFF8000  }
0x149: {  	v11 =	vor.u32 v6, v10;
	[tilespmem:$0x180] =	vst v5  }
0x14a: {  	[tilespmem:$0x190] =	vst v11  }
0x14b: {  	vm8 =	vge.s32 v32, v4;
	vm9 =	vlt.s32 v32, v3;
	[tilespmem:s21], [sflag:$0x1] =	stream.indirect.gather [hbm4b:s2+s19], $0x400, s20, s19, $0xb8;
	[tilespmem:$0x18300] =	vst v63  }
0x14c: {  	vm10 =	vge.s32 v33, v4;
	vm11 =	vlt.s32 v33, v3;
	vm0 =	vmand vm9, vm8;
	_ =	swait.ge [sflag:s29], $0x8000  }
0x14d: {  	vm12 =	vmand vm11, vm10;
	v8 =	vnsel vm0, $0x0, v2;
	[sflag:s29] =	ssyncset.done $0x0  }
0x14e: {  	v9 =	vnsel vm12, $0x0, v2;
	v5 =	vadd.s32 v32, v8;
	s0 =	rddreg [dreg:$0x16];
	[sflag:s29] =	ssyncadd.s32 $0xFFFF8000  }
0x14f: {  	v6 =	vadd.s32 v33, v9;
	v10 =	vshll.u32 v5, $0x1;
	[hbm4b:s0+s1] =	stream.linear.scatter [tilespmem:s23], [sflag:$0x5], $0x8000, $0x38;
	[tilespmem:$0x18300] =	vst v63  }
0x150: {  	v8 =	vshll.u32 v6, $0x1;
	v7 =	vand.u32 $0xFFFFFFE0, v10;
	_ =	swait.ge [sflag:s30], $0x8000  }
0x151: {  	v5 =	vand.u32 $0xF, v5;
	v8 =	vand.u32 $0xFFFFFFE0, v8;
	v7 =	vadd.s32 v60, v7;
	[sflag:s30] =	ssyncset.done $0x0  }
0x152: {  	v6 =	vand.u32 $0xF, v6;
	v11 =	vadd.s32 v1, v8;
	v5 =	vor.u32 v5, v7;
	[sflag:s30] =	ssyncadd.s32 $0xFFFF8000  }
0x153: {  	v9 =	vor.u32 v6, v11;
	[tilespmem:$0x200] =	vst v5  }
0x154: {  	[tilespmem:$0x210] =	vst v9  }
0x155: {  	vm13 =	vge.s32 v34, v4;
	vm14 =	vlt.s32 v34, v3;
	[tilespmem:s23], [sflag:$0x2] =	stream.indirect.gather [hbm4b:s2+s19], $0x400, s22, s19, $0xb8;
	[tilespmem:$0x18300] =	vst v63  }
0x156: {  	vm15 =	vge.s32 v35, v4;
	vm4 =	vlt.s32 v35, v3;
	vm0 =	vmand vm14, vm13;
	_ =	swait.ge [sflag:s31], $0x8000  }
0x157: {  	vm5 =	vmand vm4, vm15;
	v10 =	vnsel vm0, $0x0, v2;
	[sflag:s31] =	ssyncset.done $0x0  }
0x158: {  	v11 =	vnsel vm5, $0x0, v2;
	v5 =	vadd.s32 v34, v10;
	s0 =	rddreg [dreg:$0x17];
	[sflag:s31] =	ssyncadd.s32 $0xFFFF8000  }
0x159: {  	v6 =	vadd.s32 v35, v11;
	v9 =	vshll.u32 v5, $0x1;
	[hbm4b:s0+s1] =	stream.linear.scatter [tilespmem:s25], [sflag:$0x6], $0x8000, $0x38;
	[tilespmem:$0x18300] =	vst v63  }
0x15a: {  	v8 =	vshll.u32 v6, $0x1;
	v7 =	vand.u32 $0xFFFFFFE0, v9;
	_ =	swait.ge [sflag:s3], $0x8000  }
0x15b: {  	v8 =	vand.u32 $0xFFFFFFE0, v8;
	v5 =	vand.u32 $0xF, v5;
	v7 =	vadd.s32 v60, v7;
	[sflag:s3] =	ssyncset.done $0x0  }
0x15c: {  	v6 =	vand.u32 $0xF, v6;
	v10 =	vadd.s32 v1, v8;
	v5 =	vor.u32 v5, v7;
	[sflag:s3] =	ssyncadd.s32 $0xFFFF8000  }
0x15d: {  	v11 =	vor.u32 v6, v10;
	[tilespmem:$0x280] =	vst v5  }
0x15e: {  	[tilespmem:$0x290] =	vst v11  }
0x15f: {  	vm6 =	vge.s32 v36, v4;
	vm7 =	vlt.s32 v36, v3;
	[tilespmem:s25], [sflag:$0x3] =	stream.indirect.gather [hbm4b:s2+s19], $0x400, s24, s19, $0xb8;
	[tilespmem:$0x18300] =	vst v63  }
0x160: {  	vm8 =	vge.s32 v37, v4;
	vm9 =	vlt.s32 v37, v3;
	vm0 =	vmand vm7, vm6;
	_ =	swait.ge [sflag:s26], $0x8000  }
0x161: {  	vm10 =	vmand vm9, vm8;
	v8 =	vnsel vm0, $0x0, v2;
	[sflag:s26] =	ssyncset.done $0x0  }
0x162: {  	v9 =	vnsel vm10, $0x0, v2;
	v5 =	vadd.s32 v36, v8;
	s0 =	rddreg [dreg:$0x18];
	[sflag:s26] =	ssyncadd.s32 $0xFFFF8000  }
0x163: {  	v6 =	vadd.s32 v37, v9;
	v10 =	vshll.u32 v5, $0x1;
	[hbm4b:s0+s1] =	stream.linear.scatter [tilespmem:s21], [sflag:$0x4], $0x8000, $0x38;
	[tilespmem:$0x18300] =	vst v63  }
0x164: {  	v8 =	vshll.u32 v6, $0x1;
	v7 =	vand.u32 $0xFFFFFFE0, v10;
	_ =	swait.ge [sflag:s28], $0x8000  }
0x165: {  	v5 =	vand.u32 $0xF, v5;
	v8 =	vand.u32 $0xFFFFFFE0, v8;
	v7 =	vadd.s32 v60, v7;
	[sflag:s28] =	ssyncset.done $0x0  }
0x166: {  	v6 =	vand.u32 $0xF, v6;
	v11 =	vadd.s32 v1, v8;
	v5 =	vor.u32 v5, v7;
	[sflag:s28] =	ssyncadd.s32 $0xFFFF8000  }
0x167: {  	v9 =	vor.u32 v6, v11;
	[tilespmem:$0x180] =	vst v5  }
0x168: {  	[tilespmem:$0x190] =	vst v9  }
0x169: {  	vm11 =	vge.s32 v38, v4;
	vm12 =	vlt.s32 v38, v3;
	[tilespmem:s21], [sflag:$0x1] =	stream.indirect.gather [hbm4b:s2+s19], $0x400, s20, s19, $0xb8;
	[tilespmem:$0x18300] =	vst v63  }
0x16a: {  	vm13 =	vge.s32 v39, v4;
	vm14 =	vlt.s32 v39, v3;
	vm0 =	vmand vm12, vm11;
	_ =	swait.ge [sflag:s29], $0x8000  }
0x16b: {  	vm15 =	vmand vm14, vm13;
	v10 =	vnsel vm0, $0x0, v2;
	[sflag:s29] =	ssyncset.done $0x0  }
0x16c: {  	v11 =	vnsel vm15, $0x0, v2;
	v5 =	vadd.s32 v38, v10;
	s0 =	rddreg [dreg:$0x19];
	[sflag:s29] =	ssyncadd.s32 $0xFFFF8000  }
0x16d: {  	v6 =	vadd.s32 v39, v11;
	v9 =	vshll.u32 v5, $0x1;
	[hbm4b:s0+s1] =	stream.linear.scatter [tilespmem:s23], [sflag:$0x5], $0x8000, $0x38;
	[tilespmem:$0x18300] =	vst v63  }
0x16e: {  	v8 =	vshll.u32 v6, $0x1;
	v7 =	vand.u32 $0xFFFFFFE0, v9;
	_ =	swait.ge [sflag:s30], $0x8000  }
0x16f: {  	v8 =	vand.u32 $0xFFFFFFE0, v8;
	v5 =	vand.u32 $0xF, v5;
	v7 =	vadd.s32 v60, v7;
	[sflag:s30] =	ssyncset.done $0x0  }
0x170: {  	v6 =	vand.u32 $0xF, v6;
	v10 =	vadd.s32 v1, v8;
	v5 =	vor.u32 v5, v7;
	[sflag:s30] =	ssyncadd.s32 $0xFFFF8000  }
0x171: {  	v11 =	vor.u32 v6, v10;
	[tilespmem:$0x200] =	vst v5  }
0x172: {  	[tilespmem:$0x210] =	vst v11  }
0x173: {  	vm4 =	vge.s32 v40, v4;
	vm5 =	vlt.s32 v40, v3;
	[tilespmem:s23], [sflag:$0x2] =	stream.indirect.gather [hbm4b:s2+s19], $0x400, s22, s19, $0xb8;
	[tilespmem:$0x18300] =	vst v63  }
0x174: {  	vm6 =	vge.s32 v41, v4;
	vm7 =	vlt.s32 v41, v3;
	vm0 =	vmand vm5, vm4;
	_ =	swait.ge [sflag:s31], $0x8000  }
0x175: {  	vm8 =	vmand vm7, vm6;
	v8 =	vnsel vm0, $0x0, v2;
	[sflag:s31] =	ssyncset.done $0x0  }
0x176: {  	v9 =	vnsel vm8, $0x0, v2;
	v5 =	vadd.s32 v40, v8;
	s0 =	rddreg [dreg:$0x1a];
	[sflag:s31] =	ssyncadd.s32 $0xFFFF8000  }
0x177: {  	v6 =	vadd.s32 v41, v9;
	v10 =	vshll.u32 v5, $0x1;
	[hbm4b:s0+s1] =	stream.linear.scatter [tilespmem:s25], [sflag:$0x6], $0x8000, $0x38;
	[tilespmem:$0x18300] =	vst v63  }
0x178: {  	v8 =	vshll.u32 v6, $0x1;
	v7 =	vand.u32 $0xFFFFFFE0, v10;
	_ =	swait.ge [sflag:s3], $0x8000  }
0x179: {  	v5 =	vand.u32 $0xF, v5;
	v8 =	vand.u32 $0xFFFFFFE0, v8;
	v7 =	vadd.s32 v60, v7;
	[sflag:s3] =	ssyncset.done $0x0  }
0x17a: {  	v6 =	vand.u32 $0xF, v6;
	v11 =	vadd.s32 v1, v8;
	v5 =	vor.u32 v5, v7;
	[sflag:s3] =	ssyncadd.s32 $0xFFFF8000  }
0x17b: {  	v9 =	vor.u32 v6, v11;
	[tilespmem:$0x280] =	vst v5  }
0x17c: {  	[tilespmem:$0x290] =	vst v9  }
0x17d: {  	vm9 =	vge.s32 v42, v4;
	vm10 =	vlt.s32 v42, v3;
	[tilespmem:s25], [sflag:$0x3] =	stream.indirect.gather [hbm4b:s2+s19], $0x400, s24, s19, $0xb8;
	[tilespmem:$0x18300] =	vst v63  }
0x17e: {  	vm11 =	vge.s32 v43, v4;
	vm12 =	vlt.s32 v43, v3;
	vm0 =	vmand vm10, vm9;
	_ =	swait.ge [sflag:s26], $0x8000  }
0x17f: {  	vm13 =	vmand vm12, vm11;
	v10 =	vnsel vm0, $0x0, v2;
	[sflag:s26] =	ssyncset.done $0x0  }
0x180: {  	v11 =	vnsel vm13, $0x0, v2;
	v5 =	vadd.s32 v42, v10;
	s0 =	rddreg [dreg:$0x1b];
	[sflag:s26] =	ssyncadd.s32 $0xFFFF8000  }
0x181: {  	v6 =	vadd.s32 v43, v11;
	v9 =	vshll.u32 v5, $0x1;
	[hbm4b:s0+s1] =	stream.linear.scatter [tilespmem:s21], [sflag:$0x4], $0x8000, $0x38;
	[tilespmem:$0x18300] =	vst v63  }
0x182: {  	v8 =	vshll.u32 v6, $0x1;
	v7 =	vand.u32 $0xFFFFFFE0, v9;
	_ =	swait.ge [sflag:s28], $0x8000  }
0x183: {  	v8 =	vand.u32 $0xFFFFFFE0, v8;
	v5 =	vand.u32 $0xF, v5;
	v7 =	vadd.s32 v60, v7;
	[sflag:s28] =	ssyncset.done $0x0  }
0x184: {  	v6 =	vand.u32 $0xF, v6;
	v10 =	vadd.s32 v1, v8;
	v5 =	vor.u32 v5, v7;
	[sflag:s28] =	ssyncadd.s32 $0xFFFF8000  }
0x185: {  	v11 =	vor.u32 v6, v10;
	[tilespmem:$0x180] =	vst v5  }
0x186: {  	[tilespmem:$0x190] =	vst v11  }
0x187: {  	vm14 =	vge.s32 v44, v4;
	vm15 =	vlt.s32 v44, v3;
	[tilespmem:s21], [sflag:$0x1] =	stream.indirect.gather [hbm4b:s2+s19], $0x400, s20, s19, $0xb8;
	[tilespmem:$0x18300] =	vst v63  }
0x188: {  	vm4 =	vge.s32 v45, v4;
	vm5 =	vlt.s32 v45, v3;
	vm0 =	vmand vm15, vm14;
	_ =	swait.ge [sflag:s29], $0x8000  }
0x189: {  	vm6 =	vmand vm5, vm4;
	v8 =	vnsel vm0, $0x0, v2;
	[sflag:s29] =	ssyncset.done $0x0  }
0x18a: {  	v9 =	vnsel vm6, $0x0, v2;
	v5 =	vadd.s32 v44, v8;
	s0 =	rddreg [dreg:$0x1c];
	[sflag:s29] =	ssyncadd.s32 $0xFFFF8000  }
0x18b: {  	v6 =	vadd.s32 v45, v9;
	v10 =	vshll.u32 v5, $0x1;
	[hbm4b:s0+s1] =	stream.linear.scatter [tilespmem:s23], [sflag:$0x5], $0x8000, $0x38;
	[tilespmem:$0x18300] =	vst v63  }
0x18c: {  	v8 =	vshll.u32 v6, $0x1;
	v7 =	vand.u32 $0xFFFFFFE0, v10;
	_ =	swait.ge [sflag:s30], $0x8000  }
0x18d: {  	v5 =	vand.u32 $0xF, v5;
	v8 =	vand.u32 $0xFFFFFFE0, v8;
	v7 =	vadd.s32 v60, v7;
	[sflag:s30] =	ssyncset.done $0x0  }
0x18e: {  	v6 =	vand.u32 $0xF, v6;
	v11 =	vadd.s32 v1, v8;
	v5 =	vor.u32 v5, v7;
	[sflag:s30] =	ssyncadd.s32 $0xFFFF8000  }
0x18f: {  	v9 =	vor.u32 v6, v11;
	[tilespmem:$0x200] =	vst v5  }
0x190: {  	[tilespmem:$0x210] =	vst v9  }
0x191: {  	vm7 =	vge.s32 v46, v4;
	vm8 =	vlt.s32 v46, v3;
	[tilespmem:s23], [sflag:$0x2] =	stream.indirect.gather [hbm4b:s2+s19], $0x400, s22, s19, $0xb8;
	[tilespmem:$0x18300] =	vst v63  }
0x192: {  	vm9 =	vge.s32 v47, v4;
	vm10 =	vlt.s32 v47, v3;
	vm0 =	vmand vm8, vm7;
	_ =	swait.ge [sflag:s31], $0x8000  }
0x193: {  	vm11 =	vmand vm10, vm9;
	v10 =	vnsel vm0, $0x0, v2;
	[sflag:s31] =	ssyncset.done $0x0  }
0x194: {  	v11 =	vnsel vm11, $0x0, v2;
	v5 =	vadd.s32 v46, v10;
	s0 =	rddreg [dreg:$0x1d];
	[sflag:s31] =	ssyncadd.s32 $0xFFFF8000  }
0x195: {  	v6 =	vadd.s32 v47, v11;
	v9 =	vshll.u32 v5, $0x1;
	[hbm4b:s0+s1] =	stream.linear.scatter [tilespmem:s25], [sflag:$0x6], $0x8000, $0x38;
	[tilespmem:$0x18300] =	vst v63  }
0x196: {  	v8 =	vshll.u32 v6, $0x1;
	v7 =	vand.u32 $0xFFFFFFE0, v9;
	_ =	swait.ge [sflag:s3], $0x8000  }
0x197: {  	v8 =	vand.u32 $0xFFFFFFE0, v8;
	v5 =	vand.u32 $0xF, v5;
	v7 =	vadd.s32 v60, v7;
	[sflag:s3] =	ssyncset.done $0x0  }
0x198: {  	v6 =	vand.u32 $0xF, v6;
	v10 =	vadd.s32 v1, v8;
	v5 =	vor.u32 v5, v7;
	[sflag:s3] =	ssyncadd.s32 $0xFFFF8000  }
0x199: {  	v11 =	vor.u32 v6, v10;
	[tilespmem:$0x280] =	vst v5  }
0x19a: {  	[tilespmem:$0x290] =	vst v11  }
0x19b: {  	vm12 =	vge.s32 v48, v4;
	vm13 =	vlt.s32 v48, v3;
	[tilespmem:s25], [sflag:$0x3] =	stream.indirect.gather [hbm4b:s2+s19], $0x400, s24, s19, $0xb8;
	[tilespmem:$0x18300] =	vst v63  }
0x19c: {  	vm14 =	vge.s32 v49, v4;
	vm15 =	vlt.s32 v49, v3;
	vm0 =	vmand vm13, vm12;
	_ =	swait.ge [sflag:s26], $0x8000  }
0x19d: {  	vm4 =	vmand vm15, vm14;
	v8 =	vnsel vm0, $0x0, v2;
	[sflag:s26] =	ssyncset.done $0x0  }
0x19e: {  	v9 =	vnsel vm4, $0x0, v2;
	v5 =	vadd.s32 v48, v8;
	[sflag:s26] =	ssyncadd.s32 $0xFFFF8000  }
0x19f: {  	v6 =	vadd.s32 v49, v9;
	v10 =	vshll.u32 v5, $0x1;
	[hbm4b:s4+s1] =	stream.linear.scatter [tilespmem:s21], [sflag:$0x4], $0x8000, $0x38;
	[tilespmem:$0x18300] =	vst v63  }
0x1a0: {  	v8 =	vshll.u32 v6, $0x1;
	v7 =	vand.u32 $0xFFFFFFE0, v10;
	_ =	swait.ge [sflag:s28], $0x8000  }
0x1a1: {  	v5 =	vand.u32 $0xF, v5;
	v8 =	vand.u32 $0xFFFFFFE0, v8;
	v7 =	vadd.s32 v60, v7;
	[sflag:s28] =	ssyncset.done $0x0  }
0x1a2: {  	v6 =	vand.u32 $0xF, v6;
	v11 =	vadd.s32 v1, v8;
	v5 =	vor.u32 v5, v7;
	[sflag:s28] =	ssyncadd.s32 $0xFFFF8000  }
0x1a3: {  	v9 =	vor.u32 v6, v11;
	[tilespmem:$0x180] =	vst v5  }
0x1a4: {  	[tilespmem:$0x190] =	vst v9  }
0x1a5: {  	vm5 =	vge.s32 v50, v4;
	vm6 =	vlt.s32 v50, v3;
	[tilespmem:s21], [sflag:$0x1] =	stream.indirect.gather [hbm4b:s2+s19], $0x400, s20, s19, $0xb8;
	[tilespmem:$0x18300] =	vst v63  }
0x1a6: {  	vm7 =	vge.s32 v51, v4;
	vm8 =	vlt.s32 v51, v3;
	vm0 =	vmand vm6, vm5;
	_ =	swait.ge [sflag:s29], $0x8000  }
0x1a7: {  	vm9 =	vmand vm8, vm7;
	v10 =	vnsel vm0, $0x0, v2;
	[sflag:s29] =	ssyncset.done $0x0  }
0x1a8: {  	v11 =	vnsel vm9, $0x0, v2;
	v5 =	vadd.s32 v50, v10;
	[sflag:s29] =	ssyncadd.s32 $0xFFFF8000  }
0x1a9: {  	v6 =	vadd.s32 v51, v11;
	v9 =	vshll.u32 v5, $0x1;
	[hbm4b:s5+s1] =	stream.linear.scatter [tilespmem:s23], [sflag:$0x5], $0x8000, $0x38;
	[tilespmem:$0x18300] =	vst v63  }
0x1aa: {  	v8 =	vshll.u32 v6, $0x1;
	v7 =	vand.u32 $0xFFFFFFE0, v9;
	_ =	swait.ge [sflag:s30], $0x8000  }
0x1ab: {  	v8 =	vand.u32 $0xFFFFFFE0, v8;
	v5 =	vand.u32 $0xF, v5;
	v7 =	vadd.s32 v60, v7;
	[sflag:s30] =	ssyncset.done $0x0  }
0x1ac: {  	v6 =	vand.u32 $0xF, v6;
	v10 =	vadd.s32 v1, v8;
	v5 =	vor.u32 v5, v7;
	[sflag:s30] =	ssyncadd.s32 $0xFFFF8000  }
0x1ad: {  	v11 =	vor.u32 v6, v10;
	[tilespmem:$0x200] =	vst v5  }
0x1ae: {  	[tilespmem:$0x210] =	vst v11  }
0x1af: {  	vm10 =	vge.s32 v52, v4;
	vm11 =	vlt.s32 v52, v3;
	[tilespmem:s23], [sflag:$0x2] =	stream.indirect.gather [hbm4b:s2+s19], $0x400, s22, s19, $0xb8;
	[tilespmem:$0x18300] =	vst v63  }
0x1b0: {  	vm12 =	vge.s32 v53, v4;
	vm13 =	vlt.s32 v53, v3;
	vm0 =	vmand vm11, vm10;
	_ =	swait.ge [sflag:s31], $0x8000  }
0x1b1: {  	vm14 =	vmand vm13, vm12;
	v8 =	vnsel vm0, $0x0, v2;
	[sflag:s31] =	ssyncset.done $0x0  }
0x1b2: {  	v9 =	vnsel vm14, $0x0, v2;
	v5 =	vadd.s32 v52, v8;
	[sflag:s31] =	ssyncadd.s32 $0xFFFF8000  }
0x1b3: {  	v6 =	vadd.s32 v53, v9;
	v10 =	vshll.u32 v5, $0x1;
	[hbm4b:s6+s1] =	stream.linear.scatter [tilespmem:s25], [sflag:$0x6], $0x8000, $0x38;
	[tilespmem:$0x18300] =	vst v63  }
0x1b4: {  	v8 =	vshll.u32 v6, $0x1;
	v7 =	vand.u32 $0xFFFFFFE0, v10;
	_ =	swait.ge [sflag:s3], $0x8000  }
0x1b5: {  	v5 =	vand.u32 $0xF, v5;
	v8 =	vand.u32 $0xFFFFFFE0, v8;
	v7 =	vadd.s32 v60, v7;
	[sflag:s3] =	ssyncset.done $0x0  }
0x1b6: {  	v6 =	vand.u32 $0xF, v6;
	v11 =	vadd.s32 v1, v8;
	v5 =	vor.u32 v5, v7;
	[sflag:s3] =	ssyncadd.s32 $0xFFFF8000  }
0x1b7: {  	v9 =	vor.u32 v6, v11;
	[tilespmem:$0x280] =	vst v5  }
0x1b8: {  	[tilespmem:$0x290] =	vst v9  }
0x1b9: {  	vm15 =	vge.s32 v54, v4;
	vm4 =	vlt.s32 v54, v3;
	[tilespmem:s25], [sflag:$0x3] =	stream.indirect.gather [hbm4b:s2+s19], $0x400, s24, s19, $0xb8;
	[tilespmem:$0x18300] =	vst v63  }
0x1ba: {  	vm5 =	vge.s32 v55, v4;
	vm6 =	vlt.s32 v55, v3;
	vm0 =	vmand vm4, vm15;
	_ =	swait.ge [sflag:s26], $0x8000  }
0x1bb: {  	vm7 =	vmand vm6, vm5;
	v10 =	vnsel vm0, $0x0, v2;
	[sflag:s26] =	ssyncset.done $0x0  }
0x1bc: {  	v11 =	vnsel vm7, $0x0, v2;
	v5 =	vadd.s32 v54, v10;
	[sflag:s26] =	ssyncadd.s32 $0xFFFF8000  }
0x1bd: {  	v6 =	vadd.s32 v55, v11;
	v9 =	vshll.u32 v5, $0x1;
	[hbm4b:s7+s1] =	stream.linear.scatter [tilespmem:s21], [sflag:$0x4], $0x8000, $0x38;
	[tilespmem:$0x18300] =	vst v63  }
0x1be: {  	v8 =	vshll.u32 v6, $0x1;
	v7 =	vand.u32 $0xFFFFFFE0, v9;
	_ =	swait.ge [sflag:s28], $0x8000  }
0x1bf: {  	v8 =	vand.u32 $0xFFFFFFE0, v8;
	v5 =	vand.u32 $0xF, v5;
	v7 =	vadd.s32 v60, v7;
	[sflag:s28] =	ssyncset.done $0x0  }
0x1c0: {  	v6 =	vand.u32 $0xF, v6;
	v10 =	vadd.s32 v1, v8;
	v5 =	vor.u32 v5, v7;
	[sflag:s28] =	ssyncadd.s32 $0xFFFF8000  }
0x1c1: {  	v11 =	vor.u32 v6, v10;
	[tilespmem:$0x180] =	vst v5  }
0x1c2: {  	[tilespmem:$0x190] =	vst v11  }
0x1c3: {  	vm8 =	vge.s32 v56, v4;
	vm9 =	vlt.s32 v56, v3;
	[tilespmem:s21], [sflag:$0x1] =	stream.indirect.gather [hbm4b:s2+s19], $0x400, s20, s19, $0xb8;
	[tilespmem:$0x18300] =	vst v63  }
0x1c4: {  	vm10 =	vge.s32 v57, v4;
	vm11 =	vlt.s32 v57, v3;
	vm0 =	vmand vm9, vm8;
	_ =	swait.ge [sflag:s29], $0x8000  }
0x1c5: {  	vm12 =	vmand vm11, vm10;
	v8 =	vnsel vm0, $0x0, v2;
	[sflag:s29] =	ssyncset.done $0x0  }
0x1c6: {  	v9 =	vnsel vm12, $0x0, v2;
	v5 =	vadd.s32 v56, v8;
	[sflag:s29] =	ssyncadd.s32 $0xFFFF8000  }
0x1c7: {  	v6 =	vadd.s32 v57, v9;
	v10 =	vshll.u32 v5, $0x1;
	[hbm4b:s8+s1] =	stream.linear.scatter [tilespmem:s23], [sflag:$0x5], $0x8000, $0x38;
	[tilespmem:$0x18300] =	vst v63  }
0x1c8: {  	v8 =	vshll.u32 v6, $0x1;
	v7 =	vand.u32 $0xFFFFFFE0, v10;
	_ =	swait.ge [sflag:s30], $0x8000  }
0x1c9: {  	v5 =	vand.u32 $0xF, v5;
	v8 =	vand.u32 $0xFFFFFFE0, v8;
	v7 =	vadd.s32 v60, v7;
	[sflag:s30] =	ssyncset.done $0x0  }
0x1ca: {  	v6 =	vand.u32 $0xF, v6;
	v11 =	vadd.s32 v1, v8;
	v5 =	vor.u32 v5, v7;
	[sflag:s30] =	ssyncadd.s32 $0xFFFF8000  }
0x1cb: {  	v9 =	vor.u32 v6, v11;
	[tilespmem:$0x200] =	vst v5  }
0x1cc: {  	[tilespmem:$0x210] =	vst v9  }
0x1cd: {  	vm13 =	vge.s32 v58, v4;
	vm14 =	vlt.s32 v58, v3;
	[tilespmem:s23], [sflag:$0x2] =	stream.indirect.gather [hbm4b:s2+s19], $0x400, s22, s19, $0xb8;
	[tilespmem:$0x18300] =	vst v63  }
0x1ce: {  	vm15 =	vge.s32 v59, v4;
	vm4 =	vlt.s32 v59, v3;
	vm0 =	vmand vm14, vm13;
	_ =	swait.ge [sflag:s31], $0x8000  }
0x1cf: {  	vm5 =	vmand vm4, vm15;
	v10 =	vnsel vm0, $0x0, v2;
	[sflag:s31] =	ssyncset.done $0x0  }
0x1d0: {  	v11 =	vnsel vm5, $0x0, v2;
	v5 =	vadd.s32 v58, v10;
	[sflag:s31] =	ssyncadd.s32 $0xFFFF8000  }
0x1d1: {  	v6 =	vadd.s32 v59, v11;
	v9 =	vshll.u32 v5, $0x1;
	[hbm4b:s9+s1] =	stream.linear.scatter [tilespmem:s25], [sflag:$0x6], $0x8000, $0x38;
	[tilespmem:$0x18300] =	vst v63  }
0x1d2: {  	v8 =	vshll.u32 v6, $0x1;
	v7 =	vand.u32 $0xFFFFFFE0, v9;
	_ =	swait.ge [sflag:s3], $0x8000  }
0x1d3: {  	v8 =	vand.u32 $0xFFFFFFE0, v8;
	v5 =	vand.u32 $0xF, v5;
	v7 =	vadd.s32 v60, v7;
	[sflag:s3] =	ssyncset.done $0x0  }
0x1d4: {  	v6 =	vand.u32 $0xF, v6;
	v10 =	vadd.s32 v1, v8;
	v5 =	vor.u32 v5, v7;
	[sflag:s3] =	ssyncadd.s32 $0xFFFF8000  }
0x1d5: {  	v11 =	vor.u32 v6, v10;
	[tilespmem:$0x280] =	vst v5  }
0x1d6: {  	[tilespmem:$0x290] =	vst v11  }
0x1d7: {  	vm6 =	vge.s32 v61, v4;
	vm7 =	vlt.s32 v61, v3;
	[tilespmem:s25], [sflag:$0x3] =	stream.indirect.gather [hbm4b:s2+s19], $0x400, s24, s19, $0xb8;
	[tilespmem:$0x18300] =	vst v63  }
0x1d8: {  	vm8 =	vge.s32 v62, v4;
	vm9 =	vlt.s32 v62, v3;
	vm0 =	vmand vm7, vm6;
	_ =	swait.ge [sflag:s26], $0x8000  }
0x1d9: {  	vm10 =	vmand vm9, vm8;
	v8 =	vnsel vm0, $0x0, v2;
	[sflag:s26] =	ssyncset.done $0x0  }
0x1da: {  	v9 =	vnsel vm10, $0x0, v2;
	v5 =	vadd.s32 v61, v8;
	[sflag:s26] =	ssyncadd.s32 $0xFFFF8000  }
0x1db: {  	v6 =	vadd.s32 v62, v9;
	v10 =	vshll.u32 v5, $0x1;
	[hbm4b:s10+s1] =	stream.linear.scatter [tilespmem:s21], [sflag:$0x4], $0x8000, $0x38;
	[tilespmem:$0x18300] =	vst v63  }
0x1dc: {  	v8 =	vshll.u32 v6, $0x1;
	v7 =	vand.u32 $0xFFFFFFE0, v10;
	_ =	swait.ge [sflag:s28], $0x8000  }
0x1dd: {  	v5 =	vand.u32 $0xF, v5;
	v8 =	vand.u32 $0xFFFFFFE0, v8;
	v7 =	vadd.s32 v60, v7;
	[sflag:s28] =	ssyncset.done $0x0  }
0x1de: {  	v6 =	vand.u32 $0xF, v6;
	v11 =	vadd.s32 v1, v8;
	v5 =	vor.u32 v5, v7;
	[sflag:s28] =	ssyncadd.s32 $0xFFFF8000  }
0x1df: {  	v8 =	vor.u32 v6, v11;
	[tilespmem:$0x180] =	vst v5  }
0x1e0: {  	[tilespmem:$0x190] =	vst v8  }
0x1e1: {  	vm11 =	vge.s32 v63, v4;
	vm12 =	vlt.s32 v63, v3;
	[tilespmem:s21], [sflag:$0x1] =	stream.indirect.gather [hbm4b:s2+s19], $0x400, s20, s19, $0xb8;
	[tilespmem:$0x18300] =	vst v63  }
0x1e2: {  	vm13 =	vge.s32 v0, v4;
	vm14 =	vlt.s32 v0, v3;
	vm0 =	vmand vm12, vm11;
	_ =	swait.ge [sflag:s29], $0x8000  }
0x1e3: {  	vm15 =	vmand vm14, vm13;
	v3 =	vnsel vm0, $0x0, v2;
	[sflag:s29] =	ssyncset.done $0x0  }
0x1e4: {  	v3 =	vadd.s32 v63, v3;
	v2 =	vnsel vm15, $0x0, v2;
	[sflag:s29] =	ssyncadd.s32 $0xFFFF8000  }
0x1e5: {  	v9 =	vshll.u32 v3, $0x1;
	v2 =	vadd.s32 v0, v2;
	[hbm4b:s11+s1] =	stream.linear.scatter [tilespmem:s23], [sflag:$0x5], $0x8000, $0x38;
	[tilespmem:$0x18300] =	vst v63  }
0x1e6: {  	v4 =	vand.u32 $0xFFFFFFE0, v9;
	v10 =	vshll.u32 v2, $0x1;
	_ =	swait.ge [sflag:s30], $0x8000  }
0x1e7: {  	v3 =	vand.u32 $0xF, v3;
	v4 =	vadd.s32 v60, v4;
	v5 =	vand.u32 $0xFFFFFFE0, v10;
	[sflag:s30] =	ssyncset.done $0x0  }
0x1e8: {  	v3 =	vor.u32 v3, v4;
	v2 =	vand.u32 $0xF, v2;
	v11 =	vadd.s32 v1, v5;
	[sflag:s30] =	ssyncadd.s32 $0xFFFF8000  }
0x1e9: {  	v2 =	vor.u32 v2, v11;
	[tilespmem:$0x200] =	vst v3  }
0x1ea: {  	[tilespmem:$0x210] =	vst v2  }
0x1eb: {  	[tilespmem:s23], [sflag:$0x2] =	stream.indirect.gather [hbm4b:s2+s19], $0x400, s22, s19, $0xb8;
	[tilespmem:$0x18300] =	vst v63  }
0x1ec: {  	_ =	swait.ge [sflag:s31], $0x8000  }
0x1ed: {  	[sflag:s31] =	ssyncset.done $0x0  }
0x1ee: {  	[sflag:s31] =	ssyncadd.s32 $0xFFFF8000  }
0x1ef: {  	[hbm4b:s12+s1] =	stream.linear.scatter [tilespmem:s25], [sflag:$0x6], $0x8000, $0x38;
	[tilespmem:$0x18300] =	vst v63  }
0x1f0: {  	_ =	swait.ge [sflag:s26], $0x8000  }
0x1f1: {  	[sflag:s26] =	ssyncset.done $0x0  }
0x1f2: {  	[sflag:s26] =	ssyncadd.s32 $0xFFFF8000  }
0x1f3: {  	[hbm4b:s13+s1] =	stream.linear.scatter [tilespmem:s21], [sflag:$0x4], $0x8000, $0x38;
	[tilespmem:$0x18300] =	vst v63  }
0x1f4: {  	_ =	swait.ge [sflag:s29], $0x8000  }
0x1f5: {  	[sflag:s29] =	ssyncset.done $0x0  }
0x1f6: {  	[sflag:s29] =	ssyncadd.s32 $0xFFFF8000  }
0x1f7: {  	[hbm4b:s14+s1] =	stream.linear.scatter [tilespmem:s23], [sflag:$0x5], $0x8000, $0x38;
	[tilespmem:$0x18300] =	vst v63  }
0x1f8: {  	_ =	swait.ge [sflag:s28], $0x8000  }
0x1f9: {  	[sflag:s28] =	ssyncset.done $0x0  }
0x1fa: {  	[sflag:s28] =	ssyncadd.s32 $0xFFFF8000  }
0x1fb: {  	p0 =	sne.s32 s15, $0x1;
	_ =	swait.ge [sflag:s30], $0x8000  }
.Ltmp0:
0x1fc: {  	[sflag:s30] =	ssyncset.done $0x0;
	(pc) =	sbr.rel @p0 .LBB2_1-.Ltmp0, $4  }
0x1fd: {  	[sflag:s30] =	ssyncadd.s32 $0xFFFF8000  }
0x1fe: {  	_ =	swait.ge [sflag:s3], $0x8000  }
0x1ff: {  	[sflag:s3] =	ssyncset.done $0x0  }
0x200: {  	s15 =	sadd.s32 $0xFFFFFFFF, s15;
	[sflag:s3] =	ssyncadd.s32 $0xFFFF8000  }
0x201: {  	_ =	sfence.sel $0x180000  }
0x202: {  	[bflag:$0x0] =	sbarrier.arrive $0xFFFF  }
0x203: {  	_ =	strace $0x90000047  }
0x204: {  	s0 =	stileid.u32;
	[bflag:$0x2] =	sbarrier.arrive $0xFFFF  }
0x205: {  	p0 =	sne.s32 s0, $0x0;
	s0 =	rddreg [dreg:$0x5]  }
0x206: {  	s0 =	sadd.s32 @!p0 $0x100000, s0  }
0x207: {  	[sflag:s0] =	ssyncadd.tile.s32 @!p0 $0x1;
	_ =	shalt  }
.Lfunc_end2:
_tile_overlayer_lowered:
.L_overlay_start_2:
0x208: {  	(tag) =	ssettag $0x2  }
0x209: {  	s0 =	rddreg [dreg:$0x0];
	s2 =	stileid.u32  }
0x20a: {  	s1 =	rddreg [dreg:$0x1];
	p0 =	sne.s32 s2, $0x0  }
0x20b: {  	s3 =	rddreg [dreg:$0x2];
	[bflag:$0x3] =	sbarrier.arrive $0xFFFF;
	s2 =	simm.s32 @!p0 $0x1C07  }
0x20c: {  	[timem:s3], [sflag:s2] =	dma.local @!p0 [hbm:s0], s1  }
0x20d: {  	s0 =	simm.s32 @!p0 $0x7  }
0x20e: {  	_ =	swait.ge @!p0 [sflag:s0], s1  }
0x20f: {  	s1 =	ssub.s32 @!p0 $0x0, s1;
	[sflag:s0] =	ssyncset.done @!p0 $0x0  }
0x210: {  	[sflag:s0] =	ssyncadd.s32 @!p0 s1  }
0x211: {  	[bflag:$0x3] =	sbarrier.arrive $0xFFFF  }
0x212: {  	_ =	shalt  }

</sc_bundles>
